<compile_context>
chip_gen: v7x
topology: tpu7x:2x2x1
jax: 0.10.2.dev20260603
libtpu: 0.0.44.dev20260713+nightly
codegen_flags: <defaults>
</compile_context>

<pallas_src>
import functools

import jax
import jax.numpy as jnp
from jax import lax
from jax.experimental import pallas as pl
from jax.experimental.pallas import tpu as pltpu
from jax.experimental.pallas import tpu_sc as plsc

_CHUNK = 64
_W = 128
_L = 16
_R = 4


def _sc_body(x_hbm, m_hbm, o_hbm, *bufs):
    xbufs, mbufs, obufs = bufs[0:_R], bufs[_R:2 * _R], bufs[2 * _R:3 * _R]
    sxs = bufs[3 * _R:4 * _R]
    sms = bufs[4 * _R:5 * _R]
    sos = bufs[5 * _R:6 * _R]

    b_, n, d = x_hbm.shape
    ncores = 2
    nsub = 16
    nw = ncores * nsub
    nslabs = d // _W
    ntasks_per_w = (b_ * nslabs) // nw
    nchunks = n // _CHUNK
    nflat = ntasks_per_w * nchunks
    wid = lax.axis_index("s") * ncores + lax.axis_index("c")

    def chunk_slice(ref, ci):
        t = ci // nchunks
        local = ci % nchunks
        g = wid + nw * t
        b = g // nslabs
        col = (g % nslabs) * _W
        return ref.at[b, pl.ds(local * _CHUNK, _CHUNK), pl.ds(col, _W)]

    def make_step(r):
        def step(i2, accs):
            out = accs
            for u in range(2):
                i = i2 * 2 + u
                nxt = []
                for s in range(_W // _L):
                    a = out[s] + (xbufs[r][i, s * _L:(s + 1) * _L]
                                  * mbufs[r][i, s * _L:(s + 1) * _L])
                    obufs[r][i, s * _L:(s + 1) * _L] = a
                    nxt.append(a)
                out = tuple(nxt)
            return out
        return step

    for r in range(_R - 1):
        pltpu.async_copy(chunk_slice(x_hbm, r), xbufs[r], sxs[r])
        pltpu.async_copy(chunk_slice(m_hbm, r), mbufs[r], sms[r])

    def group_body(k, accs):
        for r in range(_R):
            ci = _R * k + r
            pre = ci + _R - 1
            rp = (r + _R - 1) % _R

            @pl.when(pre < nflat)
            def _():
                pltpu.async_copy(chunk_slice(x_hbm, pre), xbufs[rp], sxs[rp])
                pltpu.async_copy(chunk_slice(m_hbm, pre), mbufs[rp], sms[rp])

            pltpu.make_async_copy(
                chunk_slice(x_hbm, 0), xbufs[r], sxs[r]).wait()
            pltpu.make_async_copy(
                chunk_slice(m_hbm, 0), mbufs[r], sms[r]).wait()

            @pl.when(ci >= _R)
            def _():
                pltpu.make_async_copy(
                    obufs[r], chunk_slice(o_hbm, 0), sos[r]).wait()

            fresh = (ci % nchunks) == 0
            accs = tuple(
                jnp.where(fresh, jnp.zeros((_L,), jnp.float32), a)
                for a in accs)
            accs = lax.fori_loop(0, _CHUNK // 2, make_step(r), accs)
            pltpu.async_copy(obufs[r], chunk_slice(o_hbm, ci), sos[r])
        return accs

    accs = tuple(jnp.zeros((_L,), jnp.float32) for _ in range(_W // _L))
    lax.fori_loop(0, nflat // _R, group_body, accs)

    for r in range(_R):
        pltpu.make_async_copy(obufs[r], chunk_slice(o_hbm, 0), sos[r]).wait()


def kernel(x, mask):
    b, n, d = x.shape
    mesh = plsc.VectorSubcoreMesh(core_axis_name="c", subcore_axis_name="s")
    buf = pltpu.VMEM((_CHUNK, _W), jnp.float32)
    sc_call = functools.partial(
        pl.kernel,
        mesh=mesh,
        out_type=jax.ShapeDtypeStruct((b, n, d), jnp.float32),
        scratch_types=(
            [buf] * (3 * _R) + [pltpu.SemaphoreType.DMA] * (3 * _R)
        ),
    )(_sc_body)
    return sc_call(x, mask)

# --- scband reference (transcript-rebuilt; emitter-appended) ---
"""Pipeline reference for scband-model-new-5909874999877 (READ-ONLY COPY).

The authoritative reference and input builder live on the scoring server;
editing this copy changes nothing except your own understanding.
"""

import jax, jax.numpy as jnp
import numpy as np

def setup_inputs(seed: int = 0) -> dict:
    key = jax.random.key(seed)
    k1, k2 = jax.random.split(key)
    x = jax.random.normal(k1, (4, 4096, 2048), dtype=jnp.float32)
    mask = jax.random.uniform(k2, (4, 4096, 2048), dtype=jnp.float32)
    return {"x": x, "mask": mask}

def reference(x, mask):
    # Masked cumulative sum along dim=1 (faithful to masked_cumsum_triton):
    # out[..., j, ...] = sum_{i<=j} x[..., i, ...] * mask[..., i, ...]
    return jnp.cumsum(x * mask, axis=1)

if __name__ == "__main__":
    import jax
    _d = setup_inputs()
    print(jax.jit(kernel)(*tuple(_d.values())))

</pallas_src>

<mosaic_0001>
#map = affine_map<(d0, d1) -> (0, 0, 0)>
module attributes {stable_mosaic.version = 14 : i64} {
  func.func @_sc_body(%arg0: i32, %arg1: i32, %arg2: memref<4x4096x2048xf32, #tpu.memory_space<hbm>>, %arg3: memref<4x4096x2048xf32, #tpu.memory_space<hbm>>, %arg4: memref<4x4096x2048xf32, #tpu.memory_space<hbm>>, %arg5: memref<64x128xf32, #tpu.memory_space<vmem>>, %arg6: memref<64x128xf32, #tpu.memory_space<vmem>>, %arg7: memref<64x128xf32, #tpu.memory_space<vmem>>, %arg8: memref<64x128xf32, #tpu.memory_space<vmem>>, %arg9: memref<64x128xf32, #tpu.memory_space<vmem>>, %arg10: memref<64x128xf32, #tpu.memory_space<vmem>>, %arg11: memref<64x128xf32, #tpu.memory_space<vmem>>, %arg12: memref<64x128xf32, #tpu.memory_space<vmem>>, %arg13: memref<64x128xf32, #tpu.memory_space<vmem>>, %arg14: memref<64x128xf32, #tpu.memory_space<vmem>>, %arg15: memref<64x128xf32, #tpu.memory_space<vmem>>, %arg16: memref<64x128xf32, #tpu.memory_space<vmem>>, %arg17: memref<!tpu.dma_semaphore, #tpu.memory_space<semaphore_mem>>, %arg18: memref<!tpu.dma_semaphore, #tpu.memory_space<semaphore_mem>>, %arg19: memref<!tpu.dma_semaphore, #tpu.memory_space<semaphore_mem>>, %arg20: memref<!tpu.dma_semaphore, #tpu.memory_space<semaphore_mem>>, %arg21: memref<!tpu.dma_semaphore, #tpu.memory_space<semaphore_mem>>, %arg22: memref<!tpu.dma_semaphore, #tpu.memory_space<semaphore_mem>>, %arg23: memref<!tpu.dma_semaphore, #tpu.memory_space<semaphore_mem>>, %arg24: memref<!tpu.dma_semaphore, #tpu.memory_space<semaphore_mem>>, %arg25: memref<!tpu.dma_semaphore, #tpu.memory_space<semaphore_mem>>, %arg26: memref<!tpu.dma_semaphore, #tpu.memory_space<semaphore_mem>>, %arg27: memref<!tpu.dma_semaphore, #tpu.memory_space<semaphore_mem>>, %arg28: memref<!tpu.dma_semaphore, #tpu.memory_space<semaphore_mem>>) attributes {dimension_semantics = [#tpu.dimension_semantics<core_parallel>, #tpu.dimension_semantics<subcore_parallel>], iteration_bounds = array<i64: 2, 16>, scalar_prefetch = 0 : i64, scratch_operands = 24 : i64, tpu.core_type = #tpu.core_type<sc_vector_subcore>, window_params = [{transform_indices = #map}, {transform_indices = #map}, {transform_indices = #map}]} {
    %mul3A = arith.constant 2 : i32
    %mul3A_0 = arith.muli %arg1, %mul3A : i32
    %add3A = arith.addi %mul3A_0, %arg0 : i32
    %add3A_1 = arith.constant 0 : i32
    %add3A_2 = arith.addi %add3A, %add3A_1 : i32
    %jit3A = arith.constant 16 : i32
    %div3A = arith.divsi %add3A_2, %jit3A : i32
    %sign3A = arith.constant 0 : i32
    %sign3A_3 = arith.cmpi sgt, %add3A_2, %sign3A : i32
    %sign3A_4 = arith.extui %sign3A_3 : i1 to i32
    %sign3A_5 = arith.constant 0 : i32
    %sign3A_6 = arith.cmpi slt, %add3A_2, %sign3A_5 : i32
    %sign3A_7 = arith.extui %sign3A_6 : i1 to i32
    %sign3A_8 = arith.subi %sign3A_4, %sign3A_7 : i32
    %sign3A_9 = arith.constant 0 : i32
    %sign3A_10 = arith.cmpi sgt, %jit3A, %sign3A_9 : i32
    %sign3A_11 = arith.extui %sign3A_10 : i1 to i32
    %sign3A_12 = arith.constant 0 : i32
    %sign3A_13 = arith.cmpi slt, %jit3A, %sign3A_12 : i32
    %sign3A_14 = arith.extui %sign3A_13 : i1 to i32
    %sign3A_15 = arith.subi %sign3A_11, %sign3A_14 : i32
    %ne3A = arith.cmpi ne, %sign3A_8, %sign3A_15 : i32
    %rem3A = arith.remsi %add3A_2, %jit3A : i32
    %ne3A_16 = arith.constant 0 : i32
    %ne3A_17 = arith.cmpi ne, %rem3A, %ne3A_16 : i32
    %and3A = arith.andi %ne3A, %ne3A_17 : i1
    %sub3A = arith.constant 1 : i32
    %sub3A_18 = arith.subi %div3A, %sub3A : i32
    %select_n3A = arith.select %and3A, %sub3A_18, %div3A : i32
    %jit3A_19 = arith.constant 16 : i32
    %eq3A = arith.constant 0 : i32
    %eq3A_20 = arith.cmpi eq, %jit3A_19, %eq3A : i32
    %jit3A_21 = arith.constant 1 : i32
    %select_n3A_22 = arith.select %eq3A_20, %jit3A_21, %jit3A_19 : i32
    %rem3A_23 = arith.remsi %add3A_2, %select_n3A_22 : i32
    %ne3A_24 = arith.constant 0 : i32
    %ne3A_25 = arith.cmpi ne, %rem3A_23, %ne3A_24 : i32
    %lt3A = arith.constant 0 : i32
    %lt3A_26 = arith.cmpi slt, %rem3A_23, %lt3A : i32
    %lt3A_27 = arith.constant 0 : i32
    %lt3A_28 = arith.cmpi slt, %select_n3A_22, %lt3A_27 : i32
    %ne3A_29 = arith.xori %lt3A_26, %lt3A_28 : i1
    %and3A_30 = arith.andi %ne3A_29, %ne3A_25 : i1
    %add3A_31 = arith.addi %rem3A_23, %select_n3A_22 : i32
    %select_n3A_32 = arith.select %and3A_30, %add3A_31, %rem3A_23 : i32
    %mul3A_33 = arith.constant 128 : i32
    %mul3A_34 = arith.muli %select_n3A_32, %mul3A_33 : i32
    %dma_start3A = arith.constant 0 : i32
    %dma_start3A_35 = tpu.memref_slice %arg2[%select_n3A, %dma_start3A, %mul3A_34] : memref<4x4096x2048xf32, #tpu.memory_space<hbm>> -> memref<1x64x128xf32, #tpu.memory_space<hbm>>
    %dma_start3A_36 = tpu.memref_squeeze %dma_start3A_35 : memref<1x64x128xf32, #tpu.memory_space<hbm>> -> memref<64x128xf32, #tpu.memory_space<hbm>>
    %dma_start3A_37 = arith.constant 0 : i32
    %dma_start3A_38 = tpu.memref_slice %arg2[%select_n3A, %dma_start3A_37, %mul3A_34] : memref<4x4096x2048xf32, #tpu.memory_space<hbm>> -> memref<1x64x128xf32, #tpu.memory_space<hbm>>
    %dma_start3A_39 = tpu.memref_squeeze %dma_start3A_38 : memref<1x64x128xf32, #tpu.memory_space<hbm>> -> memref<64x128xf32, #tpu.memory_space<hbm>>
    tpu.enqueue_dma source(%dma_start3A_39 : memref<64x128xf32, #tpu.memory_space<hbm>>) target(%arg5 : memref<64x128xf32, #tpu.memory_space<vmem>>) target_semaphore(%arg17 : memref<!tpu.dma_semaphore, #tpu.memory_space<semaphore_mem>>)
    %add3A_40 = arith.constant 0 : i32
    %add3A_41 = arith.addi %add3A, %add3A_40 : i32
    %jit3A_42 = arith.constant 16 : i32
    %div3A_43 = arith.divsi %add3A_41, %jit3A_42 : i32
    %sign3A_44 = arith.constant 0 : i32
    %sign3A_45 = arith.cmpi sgt, %add3A_41, %sign3A_44 : i32
    %sign3A_46 = arith.extui %sign3A_45 : i1 to i32
    %sign3A_47 = arith.constant 0 : i32
    %sign3A_48 = arith.cmpi slt, %add3A_41, %sign3A_47 : i32
    %sign3A_49 = arith.extui %sign3A_48 : i1 to i32
    %sign3A_50 = arith.subi %sign3A_46, %sign3A_49 : i32
    %sign3A_51 = arith.constant 0 : i32
    %sign3A_52 = arith.cmpi sgt, %jit3A_42, %sign3A_51 : i32
    %sign3A_53 = arith.extui %sign3A_52 : i1 to i32
    %sign3A_54 = arith.constant 0 : i32
    %sign3A_55 = arith.cmpi slt, %jit3A_42, %sign3A_54 : i32
    %sign3A_56 = arith.extui %sign3A_55 : i1 to i32
    %sign3A_57 = arith.subi %sign3A_53, %sign3A_56 : i32
    %ne3A_58 = arith.cmpi ne, %sign3A_50, %sign3A_57 : i32
    %rem3A_59 = arith.remsi %add3A_41, %jit3A_42 : i32
    %ne3A_60 = arith.constant 0 : i32
    %ne3A_61 = arith.cmpi ne, %rem3A_59, %ne3A_60 : i32
    %and3A_62 = arith.andi %ne3A_58, %ne3A_61 : i1
    %sub3A_63 = arith.constant 1 : i32
    %sub3A_64 = arith.subi %div3A_43, %sub3A_63 : i32
    %select_n3A_65 = arith.select %and3A_62, %sub3A_64, %div3A_43 : i32
    %jit3A_66 = arith.constant 16 : i32
    %eq3A_67 = arith.constant 0 : i32
    %eq3A_68 = arith.cmpi eq, %jit3A_66, %eq3A_67 : i32
    %jit3A_69 = arith.constant 1 : i32
    %select_n3A_70 = arith.select %eq3A_68, %jit3A_69, %jit3A_66 : i32
    %rem3A_71 = arith.remsi %add3A_41, %select_n3A_70 : i32
    %ne3A_72 = arith.constant 0 : i32
    %ne3A_73 = arith.cmpi ne, %rem3A_71, %ne3A_72 : i32
    %lt3A_74 = arith.constant 0 : i32
    %lt3A_75 = arith.cmpi slt, %rem3A_71, %lt3A_74 : i32
    %lt3A_76 = arith.constant 0 : i32
    %lt3A_77 = arith.cmpi slt, %select_n3A_70, %lt3A_76 : i32
    %ne3A_78 = arith.xori %lt3A_75, %lt3A_77 : i1
    %and3A_79 = arith.andi %ne3A_78, %ne3A_73 : i1
    %add3A_80 = arith.addi %rem3A_71, %select_n3A_70 : i32
    %select_n3A_81 = arith.select %and3A_79, %add3A_80, %rem3A_71 : i32
    %mul3A_82 = arith.constant 128 : i32
    %mul3A_83 = arith.muli %select_n3A_81, %mul3A_82 : i32
    %dma_start3A_84 = arith.constant 0 : i32
    %dma_start3A_85 = tpu.memref_slice %arg3[%select_n3A_65, %dma_start3A_84, %mul3A_83] : memref<4x4096x2048xf32, #tpu.memory_space<hbm>> -> memref<1x64x128xf32, #tpu.memory_space<hbm>>
    %dma_start3A_86 = tpu.memref_squeeze %dma_start3A_85 : memref<1x64x128xf32, #tpu.memory_space<hbm>> -> memref<64x128xf32, #tpu.memory_space<hbm>>
    %dma_start3A_87 = arith.constant 0 : i32
    %dma_start3A_88 = tpu.memref_slice %arg3[%select_n3A_65, %dma_start3A_87, %mul3A_83] : memref<4x4096x2048xf32, #tpu.memory_space<hbm>> -> memref<1x64x128xf32, #tpu.memory_space<hbm>>
    %dma_start3A_89 = tpu.memref_squeeze %dma_start3A_88 : memref<1x64x128xf32, #tpu.memory_space<hbm>> -> memref<64x128xf32, #tpu.memory_space<hbm>>
    tpu.enqueue_dma source(%dma_start3A_89 : memref<64x128xf32, #tpu.memory_space<hbm>>) target(%arg9 : memref<64x128xf32, #tpu.memory_space<vmem>>) target_semaphore(%arg21 : memref<!tpu.dma_semaphore, #tpu.memory_space<semaphore_mem>>)
    %add3A_90 = arith.constant 0 : i32
    %add3A_91 = arith.addi %add3A, %add3A_90 : i32
    %jit3A_92 = arith.constant 16 : i32
    %div3A_93 = arith.divsi %add3A_91, %jit3A_92 : i32
    %sign3A_94 = arith.constant 0 : i32
    %sign3A_95 = arith.cmpi sgt, %add3A_91, %sign3A_94 : i32
    %sign3A_96 = arith.extui %sign3A_95 : i1 to i32
    %sign3A_97 = arith.constant 0 : i32
    %sign3A_98 = arith.cmpi slt, %add3A_91, %sign3A_97 : i32
    %sign3A_99 = arith.extui %sign3A_98 : i1 to i32
    %sign3A_100 = arith.subi %sign3A_96, %sign3A_99 : i32
    %sign3A_101 = arith.constant 0 : i32
    %sign3A_102 = arith.cmpi sgt, %jit3A_92, %sign3A_101 : i32
    %sign3A_103 = arith.extui %sign3A_102 : i1 to i32
    %sign3A_104 = arith.constant 0 : i32
    %sign3A_105 = arith.cmpi slt, %jit3A_92, %sign3A_104 : i32
    %sign3A_106 = arith.extui %sign3A_105 : i1 to i32
    %sign3A_107 = arith.subi %sign3A_103, %sign3A_106 : i32
    %ne3A_108 = arith.cmpi ne, %sign3A_100, %sign3A_107 : i32
    %rem3A_109 = arith.remsi %add3A_91, %jit3A_92 : i32
    %ne3A_110 = arith.constant 0 : i32
    %ne3A_111 = arith.cmpi ne, %rem3A_109, %ne3A_110 : i32
    %and3A_112 = arith.andi %ne3A_108, %ne3A_111 : i1
    %sub3A_113 = arith.constant 1 : i32
    %sub3A_114 = arith.subi %div3A_93, %sub3A_113 : i32
    %select_n3A_115 = arith.select %and3A_112, %sub3A_114, %div3A_93 : i32
    %jit3A_116 = arith.constant 16 : i32
    %eq3A_117 = arith.constant 0 : i32
    %eq3A_118 = arith.cmpi eq, %jit3A_116, %eq3A_117 : i32
    %jit3A_119 = arith.constant 1 : i32
    %select_n3A_120 = arith.select %eq3A_118, %jit3A_119, %jit3A_116 : i32
    %rem3A_121 = arith.remsi %add3A_91, %select_n3A_120 : i32
    %ne3A_122 = arith.constant 0 : i32
    %ne3A_123 = arith.cmpi ne, %rem3A_121, %ne3A_122 : i32
    %lt3A_124 = arith.constant 0 : i32
    %lt3A_125 = arith.cmpi slt, %rem3A_121, %lt3A_124 : i32
    %lt3A_126 = arith.constant 0 : i32
    %lt3A_127 = arith.cmpi slt, %select_n3A_120, %lt3A_126 : i32
    %ne3A_128 = arith.xori %lt3A_125, %lt3A_127 : i1
    %and3A_129 = arith.andi %ne3A_128, %ne3A_123 : i1
    %add3A_130 = arith.addi %rem3A_121, %select_n3A_120 : i32
    %select_n3A_131 = arith.select %and3A_129, %add3A_130, %rem3A_121 : i32
    %mul3A_132 = arith.constant 128 : i32
    %mul3A_133 = arith.muli %select_n3A_131, %mul3A_132 : i32
    %dma_start3A_134 = arith.constant 64 : i32
    %dma_start3A_135 = tpu.memref_slice %arg2[%select_n3A_115, %dma_start3A_134, %mul3A_133] : memref<4x4096x2048xf32, #tpu.memory_space<hbm>> -> memref<1x64x128xf32, #tpu.memory_space<hbm>>
    %dma_start3A_136 = tpu.memref_squeeze %dma_start3A_135 : memref<1x64x128xf32, #tpu.memory_space<hbm>> -> memref<64x128xf32, #tpu.memory_space<hbm>>
    %dma_start3A_137 = arith.constant 64 : i32
    %dma_start3A_138 = tpu.memref_slice %arg2[%select_n3A_115, %dma_start3A_137, %mul3A_133] : memref<4x4096x2048xf32, #tpu.memory_space<hbm>> -> memref<1x64x128xf32, #tpu.memory_space<hbm>>
    %dma_start3A_139 = tpu.memref_squeeze %dma_start3A_138 : memref<1x64x128xf32, #tpu.memory_space<hbm>> -> memref<64x128xf32, #tpu.memory_space<hbm>>
    tpu.enqueue_dma source(%dma_start3A_139 : memref<64x128xf32, #tpu.memory_space<hbm>>) target(%arg6 : memref<64x128xf32, #tpu.memory_space<vmem>>) target_semaphore(%arg18 : memref<!tpu.dma_semaphore, #tpu.memory_space<semaphore_mem>>)
    %add3A_140 = arith.constant 0 : i32
    %add3A_141 = arith.addi %add3A, %add3A_140 : i32
    %jit3A_142 = arith.constant 16 : i32
    %div3A_143 = arith.divsi %add3A_141, %jit3A_142 : i32
    %sign3A_144 = arith.constant 0 : i32
    %sign3A_145 = arith.cmpi sgt, %add3A_141, %sign3A_144 : i32
    %sign3A_146 = arith.extui %sign3A_145 : i1 to i32
    %sign3A_147 = arith.constant 0 : i32
    %sign3A_148 = arith.cmpi slt, %add3A_141, %sign3A_147 : i32
    %sign3A_149 = arith.extui %sign3A_148 : i1 to i32
    %sign3A_150 = arith.subi %sign3A_146, %sign3A_149 : i32
    %sign3A_151 = arith.constant 0 : i32
    %sign3A_152 = arith.cmpi sgt, %jit3A_142, %sign3A_151 : i32
    %sign3A_153 = arith.extui %sign3A_152 : i1 to i32
    %sign3A_154 = arith.constant 0 : i32
    %sign3A_155 = arith.cmpi slt, %jit3A_142, %sign3A_154 : i32
    %sign3A_156 = arith.extui %sign3A_155 : i1 to i32
    %sign3A_157 = arith.subi %sign3A_153, %sign3A_156 : i32
    %ne3A_158 = arith.cmpi ne, %sign3A_150, %sign3A_157 : i32
    %rem3A_159 = arith.remsi %add3A_141, %jit3A_142 : i32
    %ne3A_160 = arith.constant 0 : i32
    %ne3A_161 = arith.cmpi ne, %rem3A_159, %ne3A_160 : i32
    %and3A_162 = arith.andi %ne3A_158, %ne3A_161 : i1
    %sub3A_163 = arith.constant 1 : i32
    %sub3A_164 = arith.subi %div3A_143, %sub3A_163 : i32
    %select_n3A_165 = arith.select %and3A_162, %sub3A_164, %div3A_143 : i32
    %jit3A_166 = arith.constant 16 : i32
    %eq3A_167 = arith.constant 0 : i32
    %eq3A_168 = arith.cmpi eq, %jit3A_166, %eq3A_167 : i32
    %jit3A_169 = arith.constant 1 : i32
    %select_n3A_170 = arith.select %eq3A_168, %jit3A_169, %jit3A_166 : i32
    %rem3A_171 = arith.remsi %add3A_141, %select_n3A_170 : i32
    %ne3A_172 = arith.constant 0 : i32
    %ne3A_173 = arith.cmpi ne, %rem3A_171, %ne3A_172 : i32
    %lt3A_174 = arith.constant 0 : i32
    %lt3A_175 = arith.cmpi slt, %rem3A_171, %lt3A_174 : i32
    %lt3A_176 = arith.constant 0 : i32
    %lt3A_177 = arith.cmpi slt, %select_n3A_170, %lt3A_176 : i32
    %ne3A_178 = arith.xori %lt3A_175, %lt3A_177 : i1
    %and3A_179 = arith.andi %ne3A_178, %ne3A_173 : i1
    %add3A_180 = arith.addi %rem3A_171, %select_n3A_170 : i32
    %select_n3A_181 = arith.select %and3A_179, %add3A_180, %rem3A_171 : i32
    %mul3A_182 = arith.constant 128 : i32
    %mul3A_183 = arith.muli %select_n3A_181, %mul3A_182 : i32
    %dma_start3A_184 = arith.constant 64 : i32
    %dma_start3A_185 = tpu.memref_slice %arg3[%select_n3A_165, %dma_start3A_184, %mul3A_183] : memref<4x4096x2048xf32, #tpu.memory_space<hbm>> -> memref<1x64x128xf32, #tpu.memory_space<hbm>>
    %dma_start3A_186 = tpu.memref_squeeze %dma_start3A_185 : memref<1x64x128xf32, #tpu.memory_space<hbm>> -> memref<64x128xf32, #tpu.memory_space<hbm>>
    %dma_start3A_187 = arith.constant 64 : i32
    %dma_start3A_188 = tpu.memref_slice %arg3[%select_n3A_165, %dma_start3A_187, %mul3A_183] : memref<4x4096x2048xf32, #tpu.memory_space<hbm>> -> memref<1x64x128xf32, #tpu.memory_space<hbm>>
    %dma_start3A_189 = tpu.memref_squeeze %dma_start3A_188 : memref<1x64x128xf32, #tpu.memory_space<hbm>> -> memref<64x128xf32, #tpu.memory_space<hbm>>
    tpu.enqueue_dma source(%dma_start3A_189 : memref<64x128xf32, #tpu.memory_space<hbm>>) target(%arg10 : memref<64x128xf32, #tpu.memory_space<vmem>>) target_semaphore(%arg22 : memref<!tpu.dma_semaphore, #tpu.memory_space<semaphore_mem>>)
    %add3A_190 = arith.constant 0 : i32
    %add3A_191 = arith.addi %add3A, %add3A_190 : i32
    %jit3A_192 = arith.constant 16 : i32
    %div3A_193 = arith.divsi %add3A_191, %jit3A_192 : i32
    %sign3A_194 = arith.constant 0 : i32
    %sign3A_195 = arith.cmpi sgt, %add3A_191, %sign3A_194 : i32
    %sign3A_196 = arith.extui %sign3A_195 : i1 to i32
    %sign3A_197 = arith.constant 0 : i32
    %sign3A_198 = arith.cmpi slt, %add3A_191, %sign3A_197 : i32
    %sign3A_199 = arith.extui %sign3A_198 : i1 to i32
    %sign3A_200 = arith.subi %sign3A_196, %sign3A_199 : i32
    %sign3A_201 = arith.constant 0 : i32
    %sign3A_202 = arith.cmpi sgt, %jit3A_192, %sign3A_201 : i32
    %sign3A_203 = arith.extui %sign3A_202 : i1 to i32
    %sign3A_204 = arith.constant 0 : i32
    %sign3A_205 = arith.cmpi slt, %jit3A_192, %sign3A_204 : i32
    %sign3A_206 = arith.extui %sign3A_205 : i1 to i32
    %sign3A_207 = arith.subi %sign3A_203, %sign3A_206 : i32
    %ne3A_208 = arith.cmpi ne, %sign3A_200, %sign3A_207 : i32
    %rem3A_209 = arith.remsi %add3A_191, %jit3A_192 : i32
    %ne3A_210 = arith.constant 0 : i32
    %ne3A_211 = arith.cmpi ne, %rem3A_209, %ne3A_210 : i32
    %and3A_212 = arith.andi %ne3A_208, %ne3A_211 : i1
    %sub3A_213 = arith.constant 1 : i32
    %sub3A_214 = arith.subi %div3A_193, %sub3A_213 : i32
    %select_n3A_215 = arith.select %and3A_212, %sub3A_214, %div3A_193 : i32
    %jit3A_216 = arith.constant 16 : i32
    %eq3A_217 = arith.constant 0 : i32
    %eq3A_218 = arith.cmpi eq, %jit3A_216, %eq3A_217 : i32
    %jit3A_219 = arith.constant 1 : i32
    %select_n3A_220 = arith.select %eq3A_218, %jit3A_219, %jit3A_216 : i32
    %rem3A_221 = arith.remsi %add3A_191, %select_n3A_220 : i32
    %ne3A_222 = arith.constant 0 : i32
    %ne3A_223 = arith.cmpi ne, %rem3A_221, %ne3A_222 : i32
    %lt3A_224 = arith.constant 0 : i32
    %lt3A_225 = arith.cmpi slt, %rem3A_221, %lt3A_224 : i32
    %lt3A_226 = arith.constant 0 : i32
    %lt3A_227 = arith.cmpi slt, %select_n3A_220, %lt3A_226 : i32
    %ne3A_228 = arith.xori %lt3A_225, %lt3A_227 : i1
    %and3A_229 = arith.andi %ne3A_228, %ne3A_223 : i1
    %add3A_230 = arith.addi %rem3A_221, %select_n3A_220 : i32
    %select_n3A_231 = arith.select %and3A_229, %add3A_230, %rem3A_221 : i32
    %mul3A_232 = arith.constant 128 : i32
    %mul3A_233 = arith.muli %select_n3A_231, %mul3A_232 : i32
    %dma_start3A_234 = arith.constant 128 : i32
    %dma_start3A_235 = tpu.memref_slice %arg2[%select_n3A_215, %dma_start3A_234, %mul3A_233] : memref<4x4096x2048xf32, #tpu.memory_space<hbm>> -> memref<1x64x128xf32, #tpu.memory_space<hbm>>
    %dma_start3A_236 = tpu.memref_squeeze %dma_start3A_235 : memref<1x64x128xf32, #tpu.memory_space<hbm>> -> memref<64x128xf32, #tpu.memory_space<hbm>>
    %dma_start3A_237 = arith.constant 128 : i32
    %dma_start3A_238 = tpu.memref_slice %arg2[%select_n3A_215, %dma_start3A_237, %mul3A_233] : memref<4x4096x2048xf32, #tpu.memory_space<hbm>> -> memref<1x64x128xf32, #tpu.memory_space<hbm>>
    %dma_start3A_239 = tpu.memref_squeeze %dma_start3A_238 : memref<1x64x128xf32, #tpu.memory_space<hbm>> -> memref<64x128xf32, #tpu.memory_space<hbm>>
    tpu.enqueue_dma source(%dma_start3A_239 : memref<64x128xf32, #tpu.memory_space<hbm>>) target(%arg7 : memref<64x128xf32, #tpu.memory_space<vmem>>) target_semaphore(%arg19 : memref<!tpu.dma_semaphore, #tpu.memory_space<semaphore_mem>>)
    %add3A_240 = arith.constant 0 : i32
    %add3A_241 = arith.addi %add3A, %add3A_240 : i32
    %jit3A_242 = arith.constant 16 : i32
    %div3A_243 = arith.divsi %add3A_241, %jit3A_242 : i32
    %sign3A_244 = arith.constant 0 : i32
    %sign3A_245 = arith.cmpi sgt, %add3A_241, %sign3A_244 : i32
    %sign3A_246 = arith.extui %sign3A_245 : i1 to i32
    %sign3A_247 = arith.constant 0 : i32
    %sign3A_248 = arith.cmpi slt, %add3A_241, %sign3A_247 : i32
    %sign3A_249 = arith.extui %sign3A_248 : i1 to i32
    %sign3A_250 = arith.subi %sign3A_246, %sign3A_249 : i32
    %sign3A_251 = arith.constant 0 : i32
    %sign3A_252 = arith.cmpi sgt, %jit3A_242, %sign3A_251 : i32
    %sign3A_253 = arith.extui %sign3A_252 : i1 to i32
    %sign3A_254 = arith.constant 0 : i32
    %sign3A_255 = arith.cmpi slt, %jit3A_242, %sign3A_254 : i32
    %sign3A_256 = arith.extui %sign3A_255 : i1 to i32
    %sign3A_257 = arith.subi %sign3A_253, %sign3A_256 : i32
    %ne3A_258 = arith.cmpi ne, %sign3A_250, %sign3A_257 : i32
    %rem3A_259 = arith.remsi %add3A_241, %jit3A_242 : i32
    %ne3A_260 = arith.constant 0 : i32
    %ne3A_261 = arith.cmpi ne, %rem3A_259, %ne3A_260 : i32
    %and3A_262 = arith.andi %ne3A_258, %ne3A_261 : i1
    %sub3A_263 = arith.constant 1 : i32
    %sub3A_264 = arith.subi %div3A_243, %sub3A_263 : i32
    %select_n3A_265 = arith.select %and3A_262, %sub3A_264, %div3A_243 : i32
    %jit3A_266 = arith.constant 16 : i32
    %eq3A_267 = arith.constant 0 : i32
    %eq3A_268 = arith.cmpi eq, %jit3A_266, %eq3A_267 : i32
    %jit3A_269 = arith.constant 1 : i32
    %select_n3A_270 = arith.select %eq3A_268, %jit3A_269, %jit3A_266 : i32
    %rem3A_271 = arith.remsi %add3A_241, %select_n3A_270 : i32
    %ne3A_272 = arith.constant 0 : i32
    %ne3A_273 = arith.cmpi ne, %rem3A_271, %ne3A_272 : i32
    %lt3A_274 = arith.constant 0 : i32
    %lt3A_275 = arith.cmpi slt, %rem3A_271, %lt3A_274 : i32
    %lt3A_276 = arith.constant 0 : i32
    %lt3A_277 = arith.cmpi slt, %select_n3A_270, %lt3A_276 : i32
    %ne3A_278 = arith.xori %lt3A_275, %lt3A_277 : i1
    %and3A_279 = arith.andi %ne3A_278, %ne3A_273 : i1
    %add3A_280 = arith.addi %rem3A_271, %select_n3A_270 : i32
    %select_n3A_281 = arith.select %and3A_279, %add3A_280, %rem3A_271 : i32
    %mul3A_282 = arith.constant 128 : i32
    %mul3A_283 = arith.muli %select_n3A_281, %mul3A_282 : i32
    %dma_start3A_284 = arith.constant 128 : i32
    %dma_start3A_285 = tpu.memref_slice %arg3[%select_n3A_265, %dma_start3A_284, %mul3A_283] : memref<4x4096x2048xf32, #tpu.memory_space<hbm>> -> memref<1x64x128xf32, #tpu.memory_space<hbm>>
    %dma_start3A_286 = tpu.memref_squeeze %dma_start3A_285 : memref<1x64x128xf32, #tpu.memory_space<hbm>> -> memref<64x128xf32, #tpu.memory_space<hbm>>
    %dma_start3A_287 = arith.constant 128 : i32
    %dma_start3A_288 = tpu.memref_slice %arg3[%select_n3A_265, %dma_start3A_287, %mul3A_283] : memref<4x4096x2048xf32, #tpu.memory_space<hbm>> -> memref<1x64x128xf32, #tpu.memory_space<hbm>>
    %dma_start3A_289 = tpu.memref_squeeze %dma_start3A_288 : memref<1x64x128xf32, #tpu.memory_space<hbm>> -> memref<64x128xf32, #tpu.memory_space<hbm>>
    tpu.enqueue_dma source(%dma_start3A_289 : memref<64x128xf32, #tpu.memory_space<hbm>>) target(%arg11 : memref<64x128xf32, #tpu.memory_space<vmem>>) target_semaphore(%arg23 : memref<!tpu.dma_semaphore, #tpu.memory_space<semaphore_mem>>)
    %broadcast_in_dim3A = arith.constant 0.000000e+00 : f32
    %broadcast_in_dim3A_290 = vector.broadcast %broadcast_in_dim3A : f32 to vector<16xf32>
    %broadcast_in_dim3A_291 = arith.constant 0.000000e+00 : f32
    %broadcast_in_dim3A_292 = vector.broadcast %broadcast_in_dim3A_291 : f32 to vector<16xf32>
    %broadcast_in_dim3A_293 = arith.constant 0.000000e+00 : f32
    %broadcast_in_dim3A_294 = vector.broadcast %broadcast_in_dim3A_293 : f32 to vector<16xf32>
    %broadcast_in_dim3A_295 = arith.constant 0.000000e+00 : f32
    %broadcast_in_dim3A_296 = vector.broadcast %broadcast_in_dim3A_295 : f32 to vector<16xf32>
    %broadcast_in_dim3A_297 = arith.constant 0.000000e+00 : f32
    %broadcast_in_dim3A_298 = vector.broadcast %broadcast_in_dim3A_297 : f32 to vector<16xf32>
    %broadcast_in_dim3A_299 = arith.constant 0.000000e+00 : f32
    %broadcast_in_dim3A_300 = vector.broadcast %broadcast_in_dim3A_299 : f32 to vector<16xf32>
    %broadcast_in_dim3A_301 = arith.constant 0.000000e+00 : f32
    %broadcast_in_dim3A_302 = vector.broadcast %broadcast_in_dim3A_301 : f32 to vector<16xf32>
    %broadcast_in_dim3A_303 = arith.constant 0.000000e+00 : f32
    %broadcast_in_dim3A_304 = vector.broadcast %broadcast_in_dim3A_303 : f32 to vector<16xf32>
    %scan3A = arith.constant 0 : i32
    %scan3A_305 = arith.constant 32 : i32
    %scan3A_306 = arith.addi %scan3A, %scan3A_305 : i32
    %scan3A_307 = arith.constant 1 : i32
    %scan3A_308:8 = scf.for %scan3A_509 = %scan3A to %scan3A_306 step %scan3A_307 iter_args(%scan3A_510 = %broadcast_in_dim3A_290, %scan3A_511 = %broadcast_in_dim3A_292, %scan3A_512 = %broadcast_in_dim3A_294, %scan3A_513 = %broadcast_in_dim3A_296, %scan3A_514 = %broadcast_in_dim3A_298, %scan3A_515 = %broadcast_in_dim3A_300, %scan3A_516 = %broadcast_in_dim3A_302, %scan3A_517 = %broadcast_in_dim3A_304) -> (vector<16xf32>, vector<16xf32>, vector<16xf32>, vector<16xf32>, vector<16xf32>, vector<16xf32>, vector<16xf32>, vector<16xf32>)  : i32 {
      %mul3A_518 = arith.constant 4 : i32
      %mul3A_519 = arith.muli %mul3A_518, %scan3A_509 : i32
      %add3A_520 = arith.constant 0 : i32
      %add3A_521 = arith.addi %mul3A_519, %add3A_520 : i32
      %add3A_522 = arith.constant 4 : i32
      %add3A_523 = arith.addi %add3A_521, %add3A_522 : i32
      %sub3A_524 = arith.constant 1 : i32
      %sub3A_525 = arith.subi %add3A_523, %sub3A_524 : i32
      %lt3A_526 = arith.constant 128 : i32
      %lt3A_527 = arith.cmpi slt, %sub3A_525, %lt3A_526 : i32
      %convert_element_type3A = arith.extui %lt3A_527 : i1 to i32
      %cond3A = arith.constant 0 : i32
      %cond3A_528 = arith.cmpi ne, %convert_element_type3A, %cond3A : i32
      scf.if %cond3A_528 {
        %jit3A_1543 = arith.constant 64 : i32
        %div3A_1544 = arith.divsi %sub3A_525, %jit3A_1543 : i32
        %sign3A_1545 = arith.constant 0 : i32
        %sign3A_1546 = arith.cmpi sgt, %sub3A_525, %sign3A_1545 : i32
        %sign3A_1547 = arith.extui %sign3A_1546 : i1 to i32
        %sign3A_1548 = arith.constant 0 : i32
        %sign3A_1549 = arith.cmpi slt, %sub3A_525, %sign3A_1548 : i32
        %sign3A_1550 = arith.extui %sign3A_1549 : i1 to i32
        %sign3A_1551 = arith.subi %sign3A_1547, %sign3A_1550 : i32
        %sign3A_1552 = arith.constant 0 : i32
        %sign3A_1553 = arith.cmpi sgt, %jit3A_1543, %sign3A_1552 : i32
        %sign3A_1554 = arith.extui %sign3A_1553 : i1 to i32
        %sign3A_1555 = arith.constant 0 : i32
        %sign3A_1556 = arith.cmpi slt, %jit3A_1543, %sign3A_1555 : i32
        %sign3A_1557 = arith.extui %sign3A_1556 : i1 to i32
        %sign3A_1558 = arith.subi %sign3A_1554, %sign3A_1557 : i32
        %ne3A_1559 = arith.cmpi ne, %sign3A_1551, %sign3A_1558 : i32
        %rem3A_1560 = arith.remsi %sub3A_525, %jit3A_1543 : i32
        %ne3A_1561 = arith.constant 0 : i32
        %ne3A_1562 = arith.cmpi ne, %rem3A_1560, %ne3A_1561 : i32
        %and3A_1563 = arith.andi %ne3A_1559, %ne3A_1562 : i1
        %sub3A_1564 = arith.constant 1 : i32
        %sub3A_1565 = arith.subi %div3A_1544, %sub3A_1564 : i32
        %select_n3A_1566 = arith.select %and3A_1563, %sub3A_1565, %div3A_1544 : i32
        %jit3A_1567 = arith.constant 64 : i32
        %eq3A_1568 = arith.constant 0 : i32
        %eq3A_1569 = arith.cmpi eq, %jit3A_1567, %eq3A_1568 : i32
        %jit3A_1570 = arith.constant 1 : i32
        %select_n3A_1571 = arith.select %eq3A_1569, %jit3A_1570, %jit3A_1567 : i32
        %rem3A_1572 = arith.remsi %sub3A_525, %select_n3A_1571 : i32
        %ne3A_1573 = arith.constant 0 : i32
        %ne3A_1574 = arith.cmpi ne, %rem3A_1572, %ne3A_1573 : i32
        %lt3A_1575 = arith.constant 0 : i32
        %lt3A_1576 = arith.cmpi slt, %rem3A_1572, %lt3A_1575 : i32
        %lt3A_1577 = arith.constant 0 : i32
        %lt3A_1578 = arith.cmpi slt, %select_n3A_1571, %lt3A_1577 : i32
        %ne3A_1579 = arith.xori %lt3A_1576, %lt3A_1578 : i1
        %and3A_1580 = arith.andi %ne3A_1579, %ne3A_1574 : i1
        %add3A_1581 = arith.addi %rem3A_1572, %select_n3A_1571 : i32
        %select_n3A_1582 = arith.select %and3A_1580, %add3A_1581, %rem3A_1572 : i32
        %mul3A_1583 = arith.constant 32 : i32
        %mul3A_1584 = arith.muli %mul3A_1583, %select_n3A_1566 : i32
        %add3A_1585 = arith.addi %add3A, %mul3A_1584 : i32
        %jit3A_1586 = arith.constant 16 : i32
        %div3A_1587 = arith.divsi %add3A_1585, %jit3A_1586 : i32
        %sign3A_1588 = arith.constant 0 : i32
        %sign3A_1589 = arith.cmpi sgt, %add3A_1585, %sign3A_1588 : i32
        %sign3A_1590 = arith.extui %sign3A_1589 : i1 to i32
        %sign3A_1591 = arith.constant 0 : i32
        %sign3A_1592 = arith.cmpi slt, %add3A_1585, %sign3A_1591 : i32
        %sign3A_1593 = arith.extui %sign3A_1592 : i1 to i32
        %sign3A_1594 = arith.subi %sign3A_1590, %sign3A_1593 : i32
        %sign3A_1595 = arith.constant 0 : i32
        %sign3A_1596 = arith.cmpi sgt, %jit3A_1586, %sign3A_1595 : i32
        %sign3A_1597 = arith.extui %sign3A_1596 : i1 to i32
        %sign3A_1598 = arith.constant 0 : i32
        %sign3A_1599 = arith.cmpi slt, %jit3A_1586, %sign3A_1598 : i32
        %sign3A_1600 = arith.extui %sign3A_1599 : i1 to i32
        %sign3A_1601 = arith.subi %sign3A_1597, %sign3A_1600 : i32
        %ne3A_1602 = arith.cmpi ne, %sign3A_1594, %sign3A_1601 : i32
        %rem3A_1603 = arith.remsi %add3A_1585, %jit3A_1586 : i32
        %ne3A_1604 = arith.constant 0 : i32
        %ne3A_1605 = arith.cmpi ne, %rem3A_1603, %ne3A_1604 : i32
        %and3A_1606 = arith.andi %ne3A_1602, %ne3A_1605 : i1
        %sub3A_1607 = arith.constant 1 : i32
        %sub3A_1608 = arith.subi %div3A_1587, %sub3A_1607 : i32
        %select_n3A_1609 = arith.select %and3A_1606, %sub3A_1608, %div3A_1587 : i32
        %jit3A_1610 = arith.constant 16 : i32
        %eq3A_1611 = arith.constant 0 : i32
        %eq3A_1612 = arith.cmpi eq, %jit3A_1610, %eq3A_1611 : i32
        %jit3A_1613 = arith.constant 1 : i32
        %select_n3A_1614 = arith.select %eq3A_1612, %jit3A_1613, %jit3A_1610 : i32
        %rem3A_1615 = arith.remsi %add3A_1585, %select_n3A_1614 : i32
        %ne3A_1616 = arith.constant 0 : i32
        %ne3A_1617 = arith.cmpi ne, %rem3A_1615, %ne3A_1616 : i32
        %lt3A_1618 = arith.constant 0 : i32
        %lt3A_1619 = arith.cmpi slt, %rem3A_1615, %lt3A_1618 : i32
        %lt3A_1620 = arith.constant 0 : i32
        %lt3A_1621 = arith.cmpi slt, %select_n3A_1614, %lt3A_1620 : i32
        %ne3A_1622 = arith.xori %lt3A_1619, %lt3A_1621 : i1
        %and3A_1623 = arith.andi %ne3A_1622, %ne3A_1617 : i1
        %add3A_1624 = arith.addi %rem3A_1615, %select_n3A_1614 : i32
        %select_n3A_1625 = arith.select %and3A_1623, %add3A_1624, %rem3A_1615 : i32
        %mul3A_1626 = arith.constant 128 : i32
        %mul3A_1627 = arith.muli %select_n3A_1625, %mul3A_1626 : i32
        %mul3A_1628 = arith.constant 64 : i32
        %mul3A_1629 = arith.muli %select_n3A_1582, %mul3A_1628 : i32
        %dma_start3A_1630 = tpu.memref_slice %arg2[%select_n3A_1609, %mul3A_1629, %mul3A_1627] : memref<4x4096x2048xf32, #tpu.memory_space<hbm>> -> memref<1x64x128xf32, #tpu.memory_space<hbm>>
        %dma_start3A_1631 = tpu.memref_squeeze %dma_start3A_1630 : memref<1x64x128xf32, #tpu.memory_space<hbm>> -> memref<64x128xf32, #tpu.memory_space<hbm>>
        %dma_start3A_1632 = tpu.memref_slice %arg2[%select_n3A_1609, %mul3A_1629, %mul3A_1627] : memref<4x4096x2048xf32, #tpu.memory_space<hbm>> -> memref<1x64x128xf32, #tpu.memory_space<hbm>>
        %dma_start3A_1633 = tpu.memref_squeeze %dma_start3A_1632 : memref<1x64x128xf32, #tpu.memory_space<hbm>> -> memref<64x128xf32, #tpu.memory_space<hbm>>
        tpu.enqueue_dma source(%dma_start3A_1633 : memref<64x128xf32, #tpu.memory_space<hbm>>) target(%arg8 : memref<64x128xf32, #tpu.memory_space<vmem>>) target_semaphore(%arg20 : memref<!tpu.dma_semaphore, #tpu.memory_space<semaphore_mem>>)
        %jit3A_1634 = arith.constant 64 : i32
        %div3A_1635 = arith.divsi %sub3A_525, %jit3A_1634 : i32
        %sign3A_1636 = arith.constant 0 : i32
        %sign3A_1637 = arith.cmpi sgt, %sub3A_525, %sign3A_1636 : i32
        %sign3A_1638 = arith.extui %sign3A_1637 : i1 to i32
        %sign3A_1639 = arith.constant 0 : i32
        %sign3A_1640 = arith.cmpi slt, %sub3A_525, %sign3A_1639 : i32
        %sign3A_1641 = arith.extui %sign3A_1640 : i1 to i32
        %sign3A_1642 = arith.subi %sign3A_1638, %sign3A_1641 : i32
        %sign3A_1643 = arith.constant 0 : i32
        %sign3A_1644 = arith.cmpi sgt, %jit3A_1634, %sign3A_1643 : i32
        %sign3A_1645 = arith.extui %sign3A_1644 : i1 to i32
        %sign3A_1646 = arith.constant 0 : i32
        %sign3A_1647 = arith.cmpi slt, %jit3A_1634, %sign3A_1646 : i32
        %sign3A_1648 = arith.extui %sign3A_1647 : i1 to i32
        %sign3A_1649 = arith.subi %sign3A_1645, %sign3A_1648 : i32
        %ne3A_1650 = arith.cmpi ne, %sign3A_1642, %sign3A_1649 : i32
        %rem3A_1651 = arith.remsi %sub3A_525, %jit3A_1634 : i32
        %ne3A_1652 = arith.constant 0 : i32
        %ne3A_1653 = arith.cmpi ne, %rem3A_1651, %ne3A_1652 : i32
        %and3A_1654 = arith.andi %ne3A_1650, %ne3A_1653 : i1
        %sub3A_1655 = arith.constant 1 : i32
        %sub3A_1656 = arith.subi %div3A_1635, %sub3A_1655 : i32
        %select_n3A_1657 = arith.select %and3A_1654, %sub3A_1656, %div3A_1635 : i32
        %jit3A_1658 = arith.constant 64 : i32
        %eq3A_1659 = arith.constant 0 : i32
        %eq3A_1660 = arith.cmpi eq, %jit3A_1658, %eq3A_1659 : i32
        %jit3A_1661 = arith.constant 1 : i32
        %select_n3A_1662 = arith.select %eq3A_1660, %jit3A_1661, %jit3A_1658 : i32
        %rem3A_1663 = arith.remsi %sub3A_525, %select_n3A_1662 : i32
        %ne3A_1664 = arith.constant 0 : i32
        %ne3A_1665 = arith.cmpi ne, %rem3A_1663, %ne3A_1664 : i32
        %lt3A_1666 = arith.constant 0 : i32
        %lt3A_1667 = arith.cmpi slt, %rem3A_1663, %lt3A_1666 : i32
        %lt3A_1668 = arith.constant 0 : i32
        %lt3A_1669 = arith.cmpi slt, %select_n3A_1662, %lt3A_1668 : i32
        %ne3A_1670 = arith.xori %lt3A_1667, %lt3A_1669 : i1
        %and3A_1671 = arith.andi %ne3A_1670, %ne3A_1665 : i1
        %add3A_1672 = arith.addi %rem3A_1663, %select_n3A_1662 : i32
        %select_n3A_1673 = arith.select %and3A_1671, %add3A_1672, %rem3A_1663 : i32
        %mul3A_1674 = arith.constant 32 : i32
        %mul3A_1675 = arith.muli %mul3A_1674, %select_n3A_1657 : i32
        %add3A_1676 = arith.addi %add3A, %mul3A_1675 : i32
        %jit3A_1677 = arith.constant 16 : i32
        %div3A_1678 = arith.divsi %add3A_1676, %jit3A_1677 : i32
        %sign3A_1679 = arith.constant 0 : i32
        %sign3A_1680 = arith.cmpi sgt, %add3A_1676, %sign3A_1679 : i32
        %sign3A_1681 = arith.extui %sign3A_1680 : i1 to i32
        %sign3A_1682 = arith.constant 0 : i32
        %sign3A_1683 = arith.cmpi slt, %add3A_1676, %sign3A_1682 : i32
        %sign3A_1684 = arith.extui %sign3A_1683 : i1 to i32
        %sign3A_1685 = arith.subi %sign3A_1681, %sign3A_1684 : i32
        %sign3A_1686 = arith.constant 0 : i32
        %sign3A_1687 = arith.cmpi sgt, %jit3A_1677, %sign3A_1686 : i32
        %sign3A_1688 = arith.extui %sign3A_1687 : i1 to i32
        %sign3A_1689 = arith.constant 0 : i32
        %sign3A_1690 = arith.cmpi slt, %jit3A_1677, %sign3A_1689 : i32
        %sign3A_1691 = arith.extui %sign3A_1690 : i1 to i32
        %sign3A_1692 = arith.subi %sign3A_1688, %sign3A_1691 : i32
        %ne3A_1693 = arith.cmpi ne, %sign3A_1685, %sign3A_1692 : i32
        %rem3A_1694 = arith.remsi %add3A_1676, %jit3A_1677 : i32
        %ne3A_1695 = arith.constant 0 : i32
        %ne3A_1696 = arith.cmpi ne, %rem3A_1694, %ne3A_1695 : i32
        %and3A_1697 = arith.andi %ne3A_1693, %ne3A_1696 : i1
        %sub3A_1698 = arith.constant 1 : i32
        %sub3A_1699 = arith.subi %div3A_1678, %sub3A_1698 : i32
        %select_n3A_1700 = arith.select %and3A_1697, %sub3A_1699, %div3A_1678 : i32
        %jit3A_1701 = arith.constant 16 : i32
        %eq3A_1702 = arith.constant 0 : i32
        %eq3A_1703 = arith.cmpi eq, %jit3A_1701, %eq3A_1702 : i32
        %jit3A_1704 = arith.constant 1 : i32
        %select_n3A_1705 = arith.select %eq3A_1703, %jit3A_1704, %jit3A_1701 : i32
        %rem3A_1706 = arith.remsi %add3A_1676, %select_n3A_1705 : i32
        %ne3A_1707 = arith.constant 0 : i32
        %ne3A_1708 = arith.cmpi ne, %rem3A_1706, %ne3A_1707 : i32
        %lt3A_1709 = arith.constant 0 : i32
        %lt3A_1710 = arith.cmpi slt, %rem3A_1706, %lt3A_1709 : i32
        %lt3A_1711 = arith.constant 0 : i32
        %lt3A_1712 = arith.cmpi slt, %select_n3A_1705, %lt3A_1711 : i32
        %ne3A_1713 = arith.xori %lt3A_1710, %lt3A_1712 : i1
        %and3A_1714 = arith.andi %ne3A_1713, %ne3A_1708 : i1
        %add3A_1715 = arith.addi %rem3A_1706, %select_n3A_1705 : i32
        %select_n3A_1716 = arith.select %and3A_1714, %add3A_1715, %rem3A_1706 : i32
        %mul3A_1717 = arith.constant 128 : i32
        %mul3A_1718 = arith.muli %select_n3A_1716, %mul3A_1717 : i32
        %mul3A_1719 = arith.constant 64 : i32
        %mul3A_1720 = arith.muli %select_n3A_1673, %mul3A_1719 : i32
        %dma_start3A_1721 = tpu.memref_slice %arg3[%select_n3A_1700, %mul3A_1720, %mul3A_1718] : memref<4x4096x2048xf32, #tpu.memory_space<hbm>> -> memref<1x64x128xf32, #tpu.memory_space<hbm>>
        %dma_start3A_1722 = tpu.memref_squeeze %dma_start3A_1721 : memref<1x64x128xf32, #tpu.memory_space<hbm>> -> memref<64x128xf32, #tpu.memory_space<hbm>>
        %dma_start3A_1723 = tpu.memref_slice %arg3[%select_n3A_1700, %mul3A_1720, %mul3A_1718] : memref<4x4096x2048xf32, #tpu.memory_space<hbm>> -> memref<1x64x128xf32, #tpu.memory_space<hbm>>
        %dma_start3A_1724 = tpu.memref_squeeze %dma_start3A_1723 : memref<1x64x128xf32, #tpu.memory_space<hbm>> -> memref<64x128xf32, #tpu.memory_space<hbm>>
        tpu.enqueue_dma source(%dma_start3A_1724 : memref<64x128xf32, #tpu.memory_space<hbm>>) target(%arg12 : memref<64x128xf32, #tpu.memory_space<vmem>>) target_semaphore(%arg24 : memref<!tpu.dma_semaphore, #tpu.memory_space<semaphore_mem>>)
      } else {
      }
      %add3A_529 = arith.constant 0 : i32
      %add3A_530 = arith.addi %add3A, %add3A_529 : i32
      %jit3A_531 = arith.constant 16 : i32
      %div3A_532 = arith.divsi %add3A_530, %jit3A_531 : i32
      %sign3A_533 = arith.constant 0 : i32
      %sign3A_534 = arith.cmpi sgt, %add3A_530, %sign3A_533 : i32
      %sign3A_535 = arith.extui %sign3A_534 : i1 to i32
      %sign3A_536 = arith.constant 0 : i32
      %sign3A_537 = arith.cmpi slt, %add3A_530, %sign3A_536 : i32
      %sign3A_538 = arith.extui %sign3A_537 : i1 to i32
      %sign3A_539 = arith.subi %sign3A_535, %sign3A_538 : i32
      %sign3A_540 = arith.constant 0 : i32
      %sign3A_541 = arith.cmpi sgt, %jit3A_531, %sign3A_540 : i32
      %sign3A_542 = arith.extui %sign3A_541 : i1 to i32
      %sign3A_543 = arith.constant 0 : i32
      %sign3A_544 = arith.cmpi slt, %jit3A_531, %sign3A_543 : i32
      %sign3A_545 = arith.extui %sign3A_544 : i1 to i32
      %sign3A_546 = arith.subi %sign3A_542, %sign3A_545 : i32
      %ne3A_547 = arith.cmpi ne, %sign3A_539, %sign3A_546 : i32
      %rem3A_548 = arith.remsi %add3A_530, %jit3A_531 : i32
      %ne3A_549 = arith.constant 0 : i32
      %ne3A_550 = arith.cmpi ne, %rem3A_548, %ne3A_549 : i32
      %and3A_551 = arith.andi %ne3A_547, %ne3A_550 : i1
      %sub3A_552 = arith.constant 1 : i32
      %sub3A_553 = arith.subi %div3A_532, %sub3A_552 : i32
      %select_n3A_554 = arith.select %and3A_551, %sub3A_553, %div3A_532 : i32
      %jit3A_555 = arith.constant 16 : i32
      %eq3A_556 = arith.constant 0 : i32
      %eq3A_557 = arith.cmpi eq, %jit3A_555, %eq3A_556 : i32
      %jit3A_558 = arith.constant 1 : i32
      %select_n3A_559 = arith.select %eq3A_557, %jit3A_558, %jit3A_555 : i32
      %rem3A_560 = arith.remsi %add3A_530, %select_n3A_559 : i32
      %ne3A_561 = arith.constant 0 : i32
      %ne3A_562 = arith.cmpi ne, %rem3A_560, %ne3A_561 : i32
      %lt3A_563 = arith.constant 0 : i32
      %lt3A_564 = arith.cmpi slt, %rem3A_560, %lt3A_563 : i32
      %lt3A_565 = arith.constant 0 : i32
      %lt3A_566 = arith.cmpi slt, %select_n3A_559, %lt3A_565 : i32
      %ne3A_567 = arith.xori %lt3A_564, %lt3A_566 : i1
      %and3A_568 = arith.andi %ne3A_567, %ne3A_562 : i1
      %add3A_569 = arith.addi %rem3A_560, %select_n3A_559 : i32
      %select_n3A_570 = arith.select %and3A_568, %add3A_569, %rem3A_560 : i32
      %mul3A_571 = arith.constant 128 : i32
      %mul3A_572 = arith.muli %select_n3A_570, %mul3A_571 : i32
      %dma_wait3A_573 = arith.constant 0 : i32
      %dma_wait3A_574 = tpu.memref_slice %arg2[%select_n3A_554, %dma_wait3A_573, %mul3A_572] : memref<4x4096x2048xf32, #tpu.memory_space<hbm>> -> memref<1x64x128xf32, #tpu.memory_space<hbm>>
      %dma_wait3A_575 = tpu.memref_squeeze %dma_wait3A_574 : memref<1x64x128xf32, #tpu.memory_space<hbm>> -> memref<64x128xf32, #tpu.memory_space<hbm>>
      %dma_wait3A_576 = arith.constant 0 : i32
      %dma_wait3A_577 = tpu.memref_slice %arg2[%select_n3A_554, %dma_wait3A_576, %mul3A_572] : memref<4x4096x2048xf32, #tpu.memory_space<hbm>> -> memref<1x64x128xf32, #tpu.memory_space<hbm>>
      %dma_wait3A_578 = tpu.memref_squeeze %dma_wait3A_577 : memref<1x64x128xf32, #tpu.memory_space<hbm>> -> memref<64x128xf32, #tpu.memory_space<hbm>>
      tpu.wait_dma2 semaphore(%arg17 : memref<!tpu.dma_semaphore, #tpu.memory_space<semaphore_mem>>) src(%dma_wait3A_578 : memref<64x128xf32, #tpu.memory_space<hbm>>) dst(%arg5 : memref<64x128xf32, #tpu.memory_space<vmem>>)
      %add3A_579 = arith.constant 0 : i32
      %add3A_580 = arith.addi %add3A, %add3A_579 : i32
      %jit3A_581 = arith.constant 16 : i32
      %div3A_582 = arith.divsi %add3A_580, %jit3A_581 : i32
      %sign3A_583 = arith.constant 0 : i32
      %sign3A_584 = arith.cmpi sgt, %add3A_580, %sign3A_583 : i32
      %sign3A_585 = arith.extui %sign3A_584 : i1 to i32
      %sign3A_586 = arith.constant 0 : i32
      %sign3A_587 = arith.cmpi slt, %add3A_580, %sign3A_586 : i32
      %sign3A_588 = arith.extui %sign3A_587 : i1 to i32
      %sign3A_589 = arith.subi %sign3A_585, %sign3A_588 : i32
      %sign3A_590 = arith.constant 0 : i32
      %sign3A_591 = arith.cmpi sgt, %jit3A_581, %sign3A_590 : i32
      %sign3A_592 = arith.extui %sign3A_591 : i1 to i32
      %sign3A_593 = arith.constant 0 : i32
      %sign3A_594 = arith.cmpi slt, %jit3A_581, %sign3A_593 : i32
      %sign3A_595 = arith.extui %sign3A_594 : i1 to i32
      %sign3A_596 = arith.subi %sign3A_592, %sign3A_595 : i32
      %ne3A_597 = arith.cmpi ne, %sign3A_589, %sign3A_596 : i32
      %rem3A_598 = arith.remsi %add3A_580, %jit3A_581 : i32
      %ne3A_599 = arith.constant 0 : i32
      %ne3A_600 = arith.cmpi ne, %rem3A_598, %ne3A_599 : i32
      %and3A_601 = arith.andi %ne3A_597, %ne3A_600 : i1
      %sub3A_602 = arith.constant 1 : i32
      %sub3A_603 = arith.subi %div3A_582, %sub3A_602 : i32
      %select_n3A_604 = arith.select %and3A_601, %sub3A_603, %div3A_582 : i32
      %jit3A_605 = arith.constant 16 : i32
      %eq3A_606 = arith.constant 0 : i32
      %eq3A_607 = arith.cmpi eq, %jit3A_605, %eq3A_606 : i32
      %jit3A_608 = arith.constant 1 : i32
      %select_n3A_609 = arith.select %eq3A_607, %jit3A_608, %jit3A_605 : i32
      %rem3A_610 = arith.remsi %add3A_580, %select_n3A_609 : i32
      %ne3A_611 = arith.constant 0 : i32
      %ne3A_612 = arith.cmpi ne, %rem3A_610, %ne3A_611 : i32
      %lt3A_613 = arith.constant 0 : i32
      %lt3A_614 = arith.cmpi slt, %rem3A_610, %lt3A_613 : i32
      %lt3A_615 = arith.constant 0 : i32
      %lt3A_616 = arith.cmpi slt, %select_n3A_609, %lt3A_615 : i32
      %ne3A_617 = arith.xori %lt3A_614, %lt3A_616 : i1
      %and3A_618 = arith.andi %ne3A_617, %ne3A_612 : i1
      %add3A_619 = arith.addi %rem3A_610, %select_n3A_609 : i32
      %select_n3A_620 = arith.select %and3A_618, %add3A_619, %rem3A_610 : i32
      %mul3A_621 = arith.constant 128 : i32
      %mul3A_622 = arith.muli %select_n3A_620, %mul3A_621 : i32
      %dma_wait3A_623 = arith.constant 0 : i32
      %dma_wait3A_624 = tpu.memref_slice %arg3[%select_n3A_604, %dma_wait3A_623, %mul3A_622] : memref<4x4096x2048xf32, #tpu.memory_space<hbm>> -> memref<1x64x128xf32, #tpu.memory_space<hbm>>
      %dma_wait3A_625 = tpu.memref_squeeze %dma_wait3A_624 : memref<1x64x128xf32, #tpu.memory_space<hbm>> -> memref<64x128xf32, #tpu.memory_space<hbm>>
      %dma_wait3A_626 = arith.constant 0 : i32
      %dma_wait3A_627 = tpu.memref_slice %arg3[%select_n3A_604, %dma_wait3A_626, %mul3A_622] : memref<4x4096x2048xf32, #tpu.memory_space<hbm>> -> memref<1x64x128xf32, #tpu.memory_space<hbm>>
      %dma_wait3A_628 = tpu.memref_squeeze %dma_wait3A_627 : memref<1x64x128xf32, #tpu.memory_space<hbm>> -> memref<64x128xf32, #tpu.memory_space<hbm>>
      tpu.wait_dma2 semaphore(%arg21 : memref<!tpu.dma_semaphore, #tpu.memory_space<semaphore_mem>>) src(%dma_wait3A_628 : memref<64x128xf32, #tpu.memory_space<hbm>>) dst(%arg9 : memref<64x128xf32, #tpu.memory_space<vmem>>)
      %ge3A = arith.constant 4 : i32
      %ge3A_629 = arith.cmpi sge, %add3A_521, %ge3A : i32
      %convert_element_type3A_630 = arith.extui %ge3A_629 : i1 to i32
      %cond3A_631 = arith.constant 0 : i32
      %cond3A_632 = arith.cmpi ne, %convert_element_type3A_630, %cond3A_631 : i32
      scf.if %cond3A_632 {
        %add3A_1543 = arith.constant 0 : i32
        %add3A_1544 = arith.addi %add3A, %add3A_1543 : i32
        %jit3A_1545 = arith.constant 16 : i32
        %div3A_1546 = arith.divsi %add3A_1544, %jit3A_1545 : i32
        %sign3A_1547 = arith.constant 0 : i32
        %sign3A_1548 = arith.cmpi sgt, %add3A_1544, %sign3A_1547 : i32
        %sign3A_1549 = arith.extui %sign3A_1548 : i1 to i32
        %sign3A_1550 = arith.constant 0 : i32
        %sign3A_1551 = arith.cmpi slt, %add3A_1544, %sign3A_1550 : i32
        %sign3A_1552 = arith.extui %sign3A_1551 : i1 to i32
        %sign3A_1553 = arith.subi %sign3A_1549, %sign3A_1552 : i32
        %sign3A_1554 = arith.constant 0 : i32
        %sign3A_1555 = arith.cmpi sgt, %jit3A_1545, %sign3A_1554 : i32
        %sign3A_1556 = arith.extui %sign3A_1555 : i1 to i32
        %sign3A_1557 = arith.constant 0 : i32
        %sign3A_1558 = arith.cmpi slt, %jit3A_1545, %sign3A_1557 : i32
        %sign3A_1559 = arith.extui %sign3A_1558 : i1 to i32
        %sign3A_1560 = arith.subi %sign3A_1556, %sign3A_1559 : i32
        %ne3A_1561 = arith.cmpi ne, %sign3A_1553, %sign3A_1560 : i32
        %rem3A_1562 = arith.remsi %add3A_1544, %jit3A_1545 : i32
        %ne3A_1563 = arith.constant 0 : i32
        %ne3A_1564 = arith.cmpi ne, %rem3A_1562, %ne3A_1563 : i32
        %and3A_1565 = arith.andi %ne3A_1561, %ne3A_1564 : i1
        %sub3A_1566 = arith.constant 1 : i32
        %sub3A_1567 = arith.subi %div3A_1546, %sub3A_1566 : i32
        %select_n3A_1568 = arith.select %and3A_1565, %sub3A_1567, %div3A_1546 : i32
        %jit3A_1569 = arith.constant 16 : i32
        %eq3A_1570 = arith.constant 0 : i32
        %eq3A_1571 = arith.cmpi eq, %jit3A_1569, %eq3A_1570 : i32
        %jit3A_1572 = arith.constant 1 : i32
        %select_n3A_1573 = arith.select %eq3A_1571, %jit3A_1572, %jit3A_1569 : i32
        %rem3A_1574 = arith.remsi %add3A_1544, %select_n3A_1573 : i32
        %ne3A_1575 = arith.constant 0 : i32
        %ne3A_1576 = arith.cmpi ne, %rem3A_1574, %ne3A_1575 : i32
        %lt3A_1577 = arith.constant 0 : i32
        %lt3A_1578 = arith.cmpi slt, %rem3A_1574, %lt3A_1577 : i32
        %lt3A_1579 = arith.constant 0 : i32
        %lt3A_1580 = arith.cmpi slt, %select_n3A_1573, %lt3A_1579 : i32
        %ne3A_1581 = arith.xori %lt3A_1578, %lt3A_1580 : i1
        %and3A_1582 = arith.andi %ne3A_1581, %ne3A_1576 : i1
        %add3A_1583 = arith.addi %rem3A_1574, %select_n3A_1573 : i32
        %select_n3A_1584 = arith.select %and3A_1582, %add3A_1583, %rem3A_1574 : i32
        %mul3A_1585 = arith.constant 128 : i32
        %mul3A_1586 = arith.muli %select_n3A_1584, %mul3A_1585 : i32
        %dma_wait3A_1587 = arith.constant 0 : i32
        %dma_wait3A_1588 = tpu.memref_slice %arg4[%select_n3A_1568, %dma_wait3A_1587, %mul3A_1586] : memref<4x4096x2048xf32, #tpu.memory_space<hbm>> -> memref<1x64x128xf32, #tpu.memory_space<hbm>>
        %dma_wait3A_1589 = tpu.memref_squeeze %dma_wait3A_1588 : memref<1x64x128xf32, #tpu.memory_space<hbm>> -> memref<64x128xf32, #tpu.memory_space<hbm>>
        %dma_wait3A_1590 = arith.constant 0 : i32
        %dma_wait3A_1591 = tpu.memref_slice %arg4[%select_n3A_1568, %dma_wait3A_1590, %mul3A_1586] : memref<4x4096x2048xf32, #tpu.memory_space<hbm>> -> memref<1x64x128xf32, #tpu.memory_space<hbm>>
        %dma_wait3A_1592 = tpu.memref_squeeze %dma_wait3A_1591 : memref<1x64x128xf32, #tpu.memory_space<hbm>> -> memref<64x128xf32, #tpu.memory_space<hbm>>
        tpu.wait_dma2 semaphore(%arg25 : memref<!tpu.dma_semaphore, #tpu.memory_space<semaphore_mem>>) src(%arg13 : memref<64x128xf32, #tpu.memory_space<vmem>>) dst(%dma_wait3A_1592 : memref<64x128xf32, #tpu.memory_space<hbm>>)
      } else {
      }
      %jit3A_633 = arith.constant 64 : i32
      %eq3A_634 = arith.constant 0 : i32
      %eq3A_635 = arith.cmpi eq, %jit3A_633, %eq3A_634 : i32
      %jit3A_636 = arith.constant 1 : i32
      %select_n3A_637 = arith.select %eq3A_635, %jit3A_636, %jit3A_633 : i32
      %rem3A_638 = arith.remsi %add3A_521, %select_n3A_637 : i32
      %ne3A_639 = arith.constant 0 : i32
      %ne3A_640 = arith.cmpi ne, %rem3A_638, %ne3A_639 : i32
      %lt3A_641 = arith.constant 0 : i32
      %lt3A_642 = arith.cmpi slt, %rem3A_638, %lt3A_641 : i32
      %lt3A_643 = arith.constant 0 : i32
      %lt3A_644 = arith.cmpi slt, %select_n3A_637, %lt3A_643 : i32
      %ne3A_645 = arith.xori %lt3A_642, %lt3A_644 : i1
      %and3A_646 = arith.andi %ne3A_645, %ne3A_640 : i1
      %add3A_647 = arith.addi %rem3A_638, %select_n3A_637 : i32
      %select_n3A_648 = arith.select %and3A_646, %add3A_647, %rem3A_638 : i32
      %eq3A_649 = arith.constant 0 : i32
      %eq3A_650 = arith.cmpi eq, %select_n3A_648, %eq3A_649 : i32
      %broadcast_in_dim3A_651 = arith.constant 0.000000e+00 : f32
      %broadcast_in_dim3A_652 = vector.broadcast %broadcast_in_dim3A_651 : f32 to vector<16xf32>
      %select_n3A_653 = arith.select %eq3A_650, %broadcast_in_dim3A_652, %scan3A_510 : vector<16xf32>
      %broadcast_in_dim3A_654 = arith.constant 0.000000e+00 : f32
      %broadcast_in_dim3A_655 = vector.broadcast %broadcast_in_dim3A_654 : f32 to vector<16xf32>
      %select_n3A_656 = arith.select %eq3A_650, %broadcast_in_dim3A_655, %scan3A_511 : vector<16xf32>
      %broadcast_in_dim3A_657 = arith.constant 0.000000e+00 : f32
      %broadcast_in_dim3A_658 = vector.broadcast %broadcast_in_dim3A_657 : f32 to vector<16xf32>
      %select_n3A_659 = arith.select %eq3A_650, %broadcast_in_dim3A_658, %scan3A_512 : vector<16xf32>
      %broadcast_in_dim3A_660 = arith.constant 0.000000e+00 : f32
      %broadcast_in_dim3A_661 = vector.broadcast %broadcast_in_dim3A_660 : f32 to vector<16xf32>
      %select_n3A_662 = arith.select %eq3A_650, %broadcast_in_dim3A_661, %scan3A_513 : vector<16xf32>
      %broadcast_in_dim3A_663 = arith.constant 0.000000e+00 : f32
      %broadcast_in_dim3A_664 = vector.broadcast %broadcast_in_dim3A_663 : f32 to vector<16xf32>
      %select_n3A_665 = arith.select %eq3A_650, %broadcast_in_dim3A_664, %scan3A_514 : vector<16xf32>
      %broadcast_in_dim3A_666 = arith.constant 0.000000e+00 : f32
      %broadcast_in_dim3A_667 = vector.broadcast %broadcast_in_dim3A_666 : f32 to vector<16xf32>
      %select_n3A_668 = arith.select %eq3A_650, %broadcast_in_dim3A_667, %scan3A_515 : vector<16xf32>
      %broadcast_in_dim3A_669 = arith.constant 0.000000e+00 : f32
      %broadcast_in_dim3A_670 = vector.broadcast %broadcast_in_dim3A_669 : f32 to vector<16xf32>
      %select_n3A_671 = arith.select %eq3A_650, %broadcast_in_dim3A_670, %scan3A_516 : vector<16xf32>
      %broadcast_in_dim3A_672 = arith.constant 0.000000e+00 : f32
      %broadcast_in_dim3A_673 = vector.broadcast %broadcast_in_dim3A_672 : f32 to vector<16xf32>
      %select_n3A_674 = arith.select %eq3A_650, %broadcast_in_dim3A_673, %scan3A_517 : vector<16xf32>
      %scan3A_675 = arith.constant 0 : i32
      %scan3A_676 = arith.constant 32 : i32
      %scan3A_677 = arith.addi %scan3A_675, %scan3A_676 : i32
      %scan3A_678 = arith.constant 1 : i32
      %scan3A_679:8 = scf.for %scan3A_1543 = %scan3A_675 to %scan3A_677 step %scan3A_678 iter_args(%scan3A_1544 = %select_n3A_653, %scan3A_1545 = %select_n3A_656, %scan3A_1546 = %select_n3A_659, %scan3A_1547 = %select_n3A_662, %scan3A_1548 = %select_n3A_665, %scan3A_1549 = %select_n3A_668, %scan3A_1550 = %select_n3A_671, %scan3A_1551 = %select_n3A_674) -> (vector<16xf32>, vector<16xf32>, vector<16xf32>, vector<16xf32>, vector<16xf32>, vector<16xf32>, vector<16xf32>, vector<16xf32>)  : i32 {
        %mul3A_1552 = arith.constant 2 : i32
        %mul3A_1553 = arith.muli %scan3A_1543, %mul3A_1552 : i32
        %add3A_1554 = arith.constant 0 : i32
        %add3A_1555 = arith.addi %mul3A_1553, %add3A_1554 : i32
        %get3A = arith.index_cast %add3A_1555 : i32 to index
        %get3A_1556 = arith.constant 0 : index
        %get3A_1557 = tpu.vector_load %arg5[%get3A, %get3A_1556] {strides = array<i32>} : memref<64x128xf32, #tpu.memory_space<vmem>>, vector<1x16xf32>,
        %get3A_1558 = vector.shape_cast %get3A_1557 : vector<1x16xf32> to vector<16xf32>
        %get3A_1559 = arith.index_cast %add3A_1555 : i32 to index
        %get3A_1560 = arith.constant 0 : index
        %get3A_1561 = tpu.vector_load %arg9[%get3A_1559, %get3A_1560] {strides = array<i32>} : memref<64x128xf32, #tpu.memory_space<vmem>>, vector<1x16xf32>,
        %get3A_1562 = vector.shape_cast %get3A_1561 : vector<1x16xf32> to vector<16xf32>
        %mul3A_1563 = arith.mulf %get3A_1558, %get3A_1562 : vector<16xf32>
        %add3A_1564 = arith.addf %scan3A_1544, %mul3A_1563 : vector<16xf32>
        %swap3A = arith.index_cast %add3A_1555 : i32 to index
        %swap3A_1565 = arith.constant 0 : index
        %swap3A_1566 = tpu.vector_load %arg13[%swap3A, %swap3A_1565] {strides = array<i32>} : memref<64x128xf32, #tpu.memory_space<vmem>>, vector<1x16xf32>,
        %swap3A_1567 = vector.shape_cast %swap3A_1566 : vector<1x16xf32> to vector<16xf32>
        %swap3A_1568 = vector.shape_cast %add3A_1564 : vector<16xf32> to vector<1x16xf32>
        tpu.vector_store %arg13[%swap3A, %swap3A_1565], %swap3A_1568 {strides = array<i32>} : memref<64x128xf32, #tpu.memory_space<vmem>>, vector<1x16xf32>,
        %get3A_1569 = arith.index_cast %add3A_1555 : i32 to index
        %get3A_1570 = arith.constant 16 : index
        %get3A_1571 = tpu.vector_load %arg5[%get3A_1569, %get3A_1570] {strides = array<i32>} : memref<64x128xf32, #tpu.memory_space<vmem>>, vector<1x16xf32>,
        %get3A_1572 = vector.shape_cast %get3A_1571 : vector<1x16xf32> to vector<16xf32>
        %get3A_1573 = arith.index_cast %add3A_1555 : i32 to index
        %get3A_1574 = arith.constant 16 : index
        %get3A_1575 = tpu.vector_load %arg9[%get3A_1573, %get3A_1574] {strides = array<i32>} : memref<64x128xf32, #tpu.memory_space<vmem>>, vector<1x16xf32>,
        %get3A_1576 = vector.shape_cast %get3A_1575 : vector<1x16xf32> to vector<16xf32>
        %mul3A_1577 = arith.mulf %get3A_1572, %get3A_1576 : vector<16xf32>
        %add3A_1578 = arith.addf %scan3A_1545, %mul3A_1577 : vector<16xf32>
        %swap3A_1579 = arith.index_cast %add3A_1555 : i32 to index
        %swap3A_1580 = arith.constant 16 : index
        %swap3A_1581 = tpu.vector_load %arg13[%swap3A_1579, %swap3A_1580] {strides = array<i32>} : memref<64x128xf32, #tpu.memory_space<vmem>>, vector<1x16xf32>,
        %swap3A_1582 = vector.shape_cast %swap3A_1581 : vector<1x16xf32> to vector<16xf32>
        %swap3A_1583 = vector.shape_cast %add3A_1578 : vector<16xf32> to vector<1x16xf32>
        tpu.vector_store %arg13[%swap3A_1579, %swap3A_1580], %swap3A_1583 {strides = array<i32>} : memref<64x128xf32, #tpu.memory_space<vmem>>, vector<1x16xf32>,
        %get3A_1584 = arith.index_cast %add3A_1555 : i32 to index
        %get3A_1585 = arith.constant 32 : index
        %get3A_1586 = tpu.vector_load %arg5[%get3A_1584, %get3A_1585] {strides = array<i32>} : memref<64x128xf32, #tpu.memory_space<vmem>>, vector<1x16xf32>,
        %get3A_1587 = vector.shape_cast %get3A_1586 : vector<1x16xf32> to vector<16xf32>
        %get3A_1588 = arith.index_cast %add3A_1555 : i32 to index
        %get3A_1589 = arith.constant 32 : index
        %get3A_1590 = tpu.vector_load %arg9[%get3A_1588, %get3A_1589] {strides = array<i32>} : memref<64x128xf32, #tpu.memory_space<vmem>>, vector<1x16xf32>,
        %get3A_1591 = vector.shape_cast %get3A_1590 : vector<1x16xf32> to vector<16xf32>
        %mul3A_1592 = arith.mulf %get3A_1587, %get3A_1591 : vector<16xf32>
        %add3A_1593 = arith.addf %scan3A_1546, %mul3A_1592 : vector<16xf32>
        %swap3A_1594 = arith.index_cast %add3A_1555 : i32 to index
        %swap3A_1595 = arith.constant 32 : index
        %swap3A_1596 = tpu.vector_load %arg13[%swap3A_1594, %swap3A_1595] {strides = array<i32>} : memref<64x128xf32, #tpu.memory_space<vmem>>, vector<1x16xf32>,
        %swap3A_1597 = vector.shape_cast %swap3A_1596 : vector<1x16xf32> to vector<16xf32>
        %swap3A_1598 = vector.shape_cast %add3A_1593 : vector<16xf32> to vector<1x16xf32>
        tpu.vector_store %arg13[%swap3A_1594, %swap3A_1595], %swap3A_1598 {strides = array<i32>} : memref<64x128xf32, #tpu.memory_space<vmem>>, vector<1x16xf32>,
        %get3A_1599 = arith.index_cast %add3A_1555 : i32 to index
        %get3A_1600 = arith.constant 48 : index
        %get3A_1601 = tpu.vector_load %arg5[%get3A_1599, %get3A_1600] {strides = array<i32>} : memref<64x128xf32, #tpu.memory_space<vmem>>, vector<1x16xf32>,
        %get3A_1602 = vector.shape_cast %get3A_1601 : vector<1x16xf32> to vector<16xf32>
        %get3A_1603 = arith.index_cast %add3A_1555 : i32 to index
        %get3A_1604 = arith.constant 48 : index
        %get3A_1605 = tpu.vector_load %arg9[%get3A_1603, %get3A_1604] {strides = array<i32>} : memref<64x128xf32, #tpu.memory_space<vmem>>, vector<1x16xf32>,
        %get3A_1606 = vector.shape_cast %get3A_1605 : vector<1x16xf32> to vector<16xf32>
        %mul3A_1607 = arith.mulf %get3A_1602, %get3A_1606 : vector<16xf32>
        %add3A_1608 = arith.addf %scan3A_1547, %mul3A_1607 : vector<16xf32>
        %swap3A_1609 = arith.index_cast %add3A_1555 : i32 to index
        %swap3A_1610 = arith.constant 48 : index
        %swap3A_1611 = tpu.vector_load %arg13[%swap3A_1609, %swap3A_1610] {strides = array<i32>} : memref<64x128xf32, #tpu.memory_space<vmem>>, vector<1x16xf32>,
        %swap3A_1612 = vector.shape_cast %swap3A_1611 : vector<1x16xf32> to vector<16xf32>
        %swap3A_1613 = vector.shape_cast %add3A_1608 : vector<16xf32> to vector<1x16xf32>
        tpu.vector_store %arg13[%swap3A_1609, %swap3A_1610], %swap3A_1613 {strides = array<i32>} : memref<64x128xf32, #tpu.memory_space<vmem>>, vector<1x16xf32>,
        %get3A_1614 = arith.index_cast %add3A_1555 : i32 to index
        %get3A_1615 = arith.constant 64 : index
        %get3A_1616 = tpu.vector_load %arg5[%get3A_1614, %get3A_1615] {strides = array<i32>} : memref<64x128xf32, #tpu.memory_space<vmem>>, vector<1x16xf32>,
        %get3A_1617 = vector.shape_cast %get3A_1616 : vector<1x16xf32> to vector<16xf32>
        %get3A_1618 = arith.index_cast %add3A_1555 : i32 to index
        %get3A_1619 = arith.constant 64 : index
        %get3A_1620 = tpu.vector_load %arg9[%get3A_1618, %get3A_1619] {strides = array<i32>} : memref<64x128xf32, #tpu.memory_space<vmem>>, vector<1x16xf32>,
        %get3A_1621 = vector.shape_cast %get3A_1620 : vector<1x16xf32> to vector<16xf32>
        %mul3A_1622 = arith.mulf %get3A_1617, %get3A_1621 : vector<16xf32>
        %add3A_1623 = arith.addf %scan3A_1548, %mul3A_1622 : vector<16xf32>
        %swap3A_1624 = arith.index_cast %add3A_1555 : i32 to index
        %swap3A_1625 = arith.constant 64 : index
        %swap3A_1626 = tpu.vector_load %arg13[%swap3A_1624, %swap3A_1625] {strides = array<i32>} : memref<64x128xf32, #tpu.memory_space<vmem>>, vector<1x16xf32>,
        %swap3A_1627 = vector.shape_cast %swap3A_1626 : vector<1x16xf32> to vector<16xf32>
        %swap3A_1628 = vector.shape_cast %add3A_1623 : vector<16xf32> to vector<1x16xf32>
        tpu.vector_store %arg13[%swap3A_1624, %swap3A_1625], %swap3A_1628 {strides = array<i32>} : memref<64x128xf32, #tpu.memory_space<vmem>>, vector<1x16xf32>,
        %get3A_1629 = arith.index_cast %add3A_1555 : i32 to index
        %get3A_1630 = arith.constant 80 : index
        %get3A_1631 = tpu.vector_load %arg5[%get3A_1629, %get3A_1630] {strides = array<i32>} : memref<64x128xf32, #tpu.memory_space<vmem>>, vector<1x16xf32>,
        %get3A_1632 = vector.shape_cast %get3A_1631 : vector<1x16xf32> to vector<16xf32>
        %get3A_1633 = arith.index_cast %add3A_1555 : i32 to index
        %get3A_1634 = arith.constant 80 : index
        %get3A_1635 = tpu.vector_load %arg9[%get3A_1633, %get3A_1634] {strides = array<i32>} : memref<64x128xf32, #tpu.memory_space<vmem>>, vector<1x16xf32>,
        %get3A_1636 = vector.shape_cast %get3A_1635 : vector<1x16xf32> to vector<16xf32>
        %mul3A_1637 = arith.mulf %get3A_1632, %get3A_1636 : vector<16xf32>
        %add3A_1638 = arith.addf %scan3A_1549, %mul3A_1637 : vector<16xf32>
        %swap3A_1639 = arith.index_cast %add3A_1555 : i32 to index
        %swap3A_1640 = arith.constant 80 : index
        %swap3A_1641 = tpu.vector_load %arg13[%swap3A_1639, %swap3A_1640] {strides = array<i32>} : memref<64x128xf32, #tpu.memory_space<vmem>>, vector<1x16xf32>,
        %swap3A_1642 = vector.shape_cast %swap3A_1641 : vector<1x16xf32> to vector<16xf32>
        %swap3A_1643 = vector.shape_cast %add3A_1638 : vector<16xf32> to vector<1x16xf32>
        tpu.vector_store %arg13[%swap3A_1639, %swap3A_1640], %swap3A_1643 {strides = array<i32>} : memref<64x128xf32, #tpu.memory_space<vmem>>, vector<1x16xf32>,
        %get3A_1644 = arith.index_cast %add3A_1555 : i32 to index
        %get3A_1645 = arith.constant 96 : index
        %get3A_1646 = tpu.vector_load %arg5[%get3A_1644, %get3A_1645] {strides = array<i32>} : memref<64x128xf32, #tpu.memory_space<vmem>>, vector<1x16xf32>,
        %get3A_1647 = vector.shape_cast %get3A_1646 : vector<1x16xf32> to vector<16xf32>
        %get3A_1648 = arith.index_cast %add3A_1555 : i32 to index
        %get3A_1649 = arith.constant 96 : index
        %get3A_1650 = tpu.vector_load %arg9[%get3A_1648, %get3A_1649] {strides = array<i32>} : memref<64x128xf32, #tpu.memory_space<vmem>>, vector<1x16xf32>,
        %get3A_1651 = vector.shape_cast %get3A_1650 : vector<1x16xf32> to vector<16xf32>
        %mul3A_1652 = arith.mulf %get3A_1647, %get3A_1651 : vector<16xf32>
        %add3A_1653 = arith.addf %scan3A_1550, %mul3A_1652 : vector<16xf32>
        %swap3A_1654 = arith.index_cast %add3A_1555 : i32 to index
        %swap3A_1655 = arith.constant 96 : index
        %swap3A_1656 = tpu.vector_load %arg13[%swap3A_1654, %swap3A_1655] {strides = array<i32>} : memref<64x128xf32, #tpu.memory_space<vmem>>, vector<1x16xf32>,
        %swap3A_1657 = vector.shape_cast %swap3A_1656 : vector<1x16xf32> to vector<16xf32>
        %swap3A_1658 = vector.shape_cast %add3A_1653 : vector<16xf32> to vector<1x16xf32>
        tpu.vector_store %arg13[%swap3A_1654, %swap3A_1655], %swap3A_1658 {strides = array<i32>} : memref<64x128xf32, #tpu.memory_space<vmem>>, vector<1x16xf32>,
        %get3A_1659 = arith.index_cast %add3A_1555 : i32 to index
        %get3A_1660 = arith.constant 112 : index
        %get3A_1661 = tpu.vector_load %arg5[%get3A_1659, %get3A_1660] {strides = array<i32>} : memref<64x128xf32, #tpu.memory_space<vmem>>, vector<1x16xf32>,
        %get3A_1662 = vector.shape_cast %get3A_1661 : vector<1x16xf32> to vector<16xf32>
        %get3A_1663 = arith.index_cast %add3A_1555 : i32 to index
        %get3A_1664 = arith.constant 112 : index
        %get3A_1665 = tpu.vector_load %arg9[%get3A_1663, %get3A_1664] {strides = array<i32>} : memref<64x128xf32, #tpu.memory_space<vmem>>, vector<1x16xf32>,
        %get3A_1666 = vector.shape_cast %get3A_1665 : vector<1x16xf32> to vector<16xf32>
        %mul3A_1667 = arith.mulf %get3A_1662, %get3A_1666 : vector<16xf32>
        %add3A_1668 = arith.addf %scan3A_1551, %mul3A_1667 : vector<16xf32>
        %swap3A_1669 = arith.index_cast %add3A_1555 : i32 to index
        %swap3A_1670 = arith.constant 112 : index
        %swap3A_1671 = tpu.vector_load %arg13[%swap3A_1669, %swap3A_1670] {strides = array<i32>} : memref<64x128xf32, #tpu.memory_space<vmem>>, vector<1x16xf32>,
        %swap3A_1672 = vector.shape_cast %swap3A_1671 : vector<1x16xf32> to vector<16xf32>
        %swap3A_1673 = vector.shape_cast %add3A_1668 : vector<16xf32> to vector<1x16xf32>
        tpu.vector_store %arg13[%swap3A_1669, %swap3A_1670], %swap3A_1673 {strides = array<i32>} : memref<64x128xf32, #tpu.memory_space<vmem>>, vector<1x16xf32>,
        %mul3A_1674 = arith.constant 2 : i32
        %mul3A_1675 = arith.muli %scan3A_1543, %mul3A_1674 : i32
        %add3A_1676 = arith.constant 1 : i32
        %add3A_1677 = arith.addi %mul3A_1675, %add3A_1676 : i32
        %get3A_1678 = arith.index_cast %add3A_1677 : i32 to index
        %get3A_1679 = arith.constant 0 : index
        %get3A_1680 = tpu.vector_load %arg5[%get3A_1678, %get3A_1679] {strides = array<i32>} : memref<64x128xf32, #tpu.memory_space<vmem>>, vector<1x16xf32>,
        %get3A_1681 = vector.shape_cast %get3A_1680 : vector<1x16xf32> to vector<16xf32>
        %get3A_1682 = arith.index_cast %add3A_1677 : i32 to index
        %get3A_1683 = arith.constant 0 : index
        %get3A_1684 = tpu.vector_load %arg9[%get3A_1682, %get3A_1683] {strides = array<i32>} : memref<64x128xf32, #tpu.memory_space<vmem>>, vector<1x16xf32>,
        %get3A_1685 = vector.shape_cast %get3A_1684 : vector<1x16xf32> to vector<16xf32>
        %mul3A_1686 = arith.mulf %get3A_1681, %get3A_1685 : vector<16xf32>
        %add3A_1687 = arith.addf %add3A_1564, %mul3A_1686 : vector<16xf32>
        %swap3A_1688 = arith.index_cast %add3A_1677 : i32 to index
        %swap3A_1689 = arith.constant 0 : index
        %swap3A_1690 = tpu.vector_load %arg13[%swap3A_1688, %swap3A_1689] {strides = array<i32>} : memref<64x128xf32, #tpu.memory_space<vmem>>, vector<1x16xf32>,
        %swap3A_1691 = vector.shape_cast %swap3A_1690 : vector<1x16xf32> to vector<16xf32>
        %swap3A_1692 = vector.shape_cast %add3A_1687 : vector<16xf32> to vector<1x16xf32>
        tpu.vector_store %arg13[%swap3A_1688, %swap3A_1689], %swap3A_1692 {strides = array<i32>} : memref<64x128xf32, #tpu.memory_space<vmem>>, vector<1x16xf32>,
        %get3A_1693 = arith.index_cast %add3A_1677 : i32 to index
        %get3A_1694 = arith.constant 16 : index
        %get3A_1695 = tpu.vector_load %arg5[%get3A_1693, %get3A_1694] {strides = array<i32>} : memref<64x128xf32, #tpu.memory_space<vmem>>, vector<1x16xf32>,
        %get3A_1696 = vector.shape_cast %get3A_1695 : vector<1x16xf32> to vector<16xf32>
        %get3A_1697 = arith.index_cast %add3A_1677 : i32 to index
        %get3A_1698 = arith.constant 16 : index
        %get3A_1699 = tpu.vector_load %arg9[%get3A_1697, %get3A_1698] {strides = array<i32>} : memref<64x128xf32, #tpu.memory_space<vmem>>, vector<1x16xf32>,
        %get3A_1700 = vector.shape_cast %get3A_1699 : vector<1x16xf32> to vector<16xf32>
        %mul3A_1701 = arith.mulf %get3A_1696, %get3A_1700 : vector<16xf32>
        %add3A_1702 = arith.addf %add3A_1578, %mul3A_1701 : vector<16xf32>
        %swap3A_1703 = arith.index_cast %add3A_1677 : i32 to index
        %swap3A_1704 = arith.constant 16 : index
        %swap3A_1705 = tpu.vector_load %arg13[%swap3A_1703, %swap3A_1704] {strides = array<i32>} : memref<64x128xf32, #tpu.memory_space<vmem>>, vector<1x16xf32>,
        %swap3A_1706 = vector.shape_cast %swap3A_1705 : vector<1x16xf32> to vector<16xf32>
        %swap3A_1707 = vector.shape_cast %add3A_1702 : vector<16xf32> to vector<1x16xf32>
        tpu.vector_store %arg13[%swap3A_1703, %swap3A_1704], %swap3A_1707 {strides = array<i32>} : memref<64x128xf32, #tpu.memory_space<vmem>>, vector<1x16xf32>,
        %get3A_1708 = arith.index_cast %add3A_1677 : i32 to index
        %get3A_1709 = arith.constant 32 : index
        %get3A_1710 = tpu.vector_load %arg5[%get3A_1708, %get3A_1709] {strides = array<i32>} : memref<64x128xf32, #tpu.memory_space<vmem>>, vector<1x16xf32>,
        %get3A_1711 = vector.shape_cast %get3A_1710 : vector<1x16xf32> to vector<16xf32>
        %get3A_1712 = arith.index_cast %add3A_1677 : i32 to index
        %get3A_1713 = arith.constant 32 : index
        %get3A_1714 = tpu.vector_load %arg9[%get3A_1712, %get3A_1713] {strides = array<i32>} : memref<64x128xf32, #tpu.memory_space<vmem>>, vector<1x16xf32>,
        %get3A_1715 = vector.shape_cast %get3A_1714 : vector<1x16xf32> to vector<16xf32>
        %mul3A_1716 = arith.mulf %get3A_1711, %get3A_1715 : vector<16xf32>
        %add3A_1717 = arith.addf %add3A_1593, %mul3A_1716 : vector<16xf32>
        %swap3A_1718 = arith.index_cast %add3A_1677 : i32 to index
        %swap3A_1719 = arith.constant 32 : index
        %swap3A_1720 = tpu.vector_load %arg13[%swap3A_1718, %swap3A_1719] {strides = array<i32>} : memref<64x128xf32, #tpu.memory_space<vmem>>, vector<1x16xf32>,
        %swap3A_1721 = vector.shape_cast %swap3A_1720 : vector<1x16xf32> to vector<16xf32>
        %swap3A_1722 = vector.shape_cast %add3A_1717 : vector<16xf32> to vector<1x16xf32>
        tpu.vector_store %arg13[%swap3A_1718, %swap3A_1719], %swap3A_1722 {strides = array<i32>} : memref<64x128xf32, #tpu.memory_space<vmem>>, vector<1x16xf32>,
        %get3A_1723 = arith.index_cast %add3A_1677 : i32 to index
        %get3A_1724 = arith.constant 48 : index
        %get3A_1725 = tpu.vector_load %arg5[%get3A_1723, %get3A_1724] {strides = array<i32>} : memref<64x128xf32, #tpu.memory_space<vmem>>, vector<1x16xf32>,
        %get3A_1726 = vector.shape_cast %get3A_1725 : vector<1x16xf32> to vector<16xf32>
        %get3A_1727 = arith.index_cast %add3A_1677 : i32 to index
        %get3A_1728 = arith.constant 48 : index
        %get3A_1729 = tpu.vector_load %arg9[%get3A_1727, %get3A_1728] {strides = array<i32>} : memref<64x128xf32, #tpu.memory_space<vmem>>, vector<1x16xf32>,
        %get3A_1730 = vector.shape_cast %get3A_1729 : vector<1x16xf32> to vector<16xf32>
        %mul3A_1731 = arith.mulf %get3A_1726, %get3A_1730 : vector<16xf32>
        %add3A_1732 = arith.addf %add3A_1608, %mul3A_1731 : vector<16xf32>
        %swap3A_1733 = arith.index_cast %add3A_1677 : i32 to index
        %swap3A_1734 = arith.constant 48 : index
        %swap3A_1735 = tpu.vector_load %arg13[%swap3A_1733, %swap3A_1734] {strides = array<i32>} : memref<64x128xf32, #tpu.memory_space<vmem>>, vector<1x16xf32>,
        %swap3A_1736 = vector.shape_cast %swap3A_1735 : vector<1x16xf32> to vector<16xf32>
        %swap3A_1737 = vector.shape_cast %add3A_1732 : vector<16xf32> to vector<1x16xf32>
        tpu.vector_store %arg13[%swap3A_1733, %swap3A_1734], %swap3A_1737 {strides = array<i32>} : memref<64x128xf32, #tpu.memory_space<vmem>>, vector<1x16xf32>,
        %get3A_1738 = arith.index_cast %add3A_1677 : i32 to index
        %get3A_1739 = arith.constant 64 : index
        %get3A_1740 = tpu.vector_load %arg5[%get3A_1738, %get3A_1739] {strides = array<i32>} : memref<64x128xf32, #tpu.memory_space<vmem>>, vector<1x16xf32>,
        %get3A_1741 = vector.shape_cast %get3A_1740 : vector<1x16xf32> to vector<16xf32>
        %get3A_1742 = arith.index_cast %add3A_1677 : i32 to index
        %get3A_1743 = arith.constant 64 : index
        %get3A_1744 = tpu.vector_load %arg9[%get3A_1742, %get3A_1743] {strides = array<i32>} : memref<64x128xf32, #tpu.memory_space<vmem>>, vector<1x16xf32>,
        %get3A_1745 = vector.shape_cast %get3A_1744 : vector<1x16xf32> to vector<16xf32>
        %mul3A_1746 = arith.mulf %get3A_1741, %get3A_1745 : vector<16xf32>
        %add3A_1747 = arith.addf %add3A_1623, %mul3A_1746 : vector<16xf32>
        %swap3A_1748 = arith.index_cast %add3A_1677 : i32 to index
        %swap3A_1749 = arith.constant 64 : index
        %swap3A_1750 = tpu.vector_load %arg13[%swap3A_1748, %swap3A_1749] {strides = array<i32>} : memref<64x128xf32, #tpu.memory_space<vmem>>, vector<1x16xf32>,
        %swap3A_1751 = vector.shape_cast %swap3A_1750 : vector<1x16xf32> to vector<16xf32>
        %swap3A_1752 = vector.shape_cast %add3A_1747 : vector<16xf32> to vector<1x16xf32>
        tpu.vector_store %arg13[%swap3A_1748, %swap3A_1749], %swap3A_1752 {strides = array<i32>} : memref<64x128xf32, #tpu.memory_space<vmem>>, vector<1x16xf32>,
        %get3A_1753 = arith.index_cast %add3A_1677 : i32 to index
        %get3A_1754 = arith.constant 80 : index
        %get3A_1755 = tpu.vector_load %arg5[%get3A_1753, %get3A_1754] {strides = array<i32>} : memref<64x128xf32, #tpu.memory_space<vmem>>, vector<1x16xf32>,
        %get3A_1756 = vector.shape_cast %get3A_1755 : vector<1x16xf32> to vector<16xf32>
        %get3A_1757 = arith.index_cast %add3A_1677 : i32 to index
        %get3A_1758 = arith.constant 80 : index
        %get3A_1759 = tpu.vector_load %arg9[%get3A_1757, %get3A_1758] {strides = array<i32>} : memref<64x128xf32, #tpu.memory_space<vmem>>, vector<1x16xf32>,
        %get3A_1760 = vector.shape_cast %get3A_1759 : vector<1x16xf32> to vector<16xf32>
        %mul3A_1761 = arith.mulf %get3A_1756, %get3A_1760 : vector<16xf32>
        %add3A_1762 = arith.addf %add3A_1638, %mul3A_1761 : vector<16xf32>
        %swap3A_1763 = arith.index_cast %add3A_1677 : i32 to index
        %swap3A_1764 = arith.constant 80 : index
        %swap3A_1765 = tpu.vector_load %arg13[%swap3A_1763, %swap3A_1764] {strides = array<i32>} : memref<64x128xf32, #tpu.memory_space<vmem>>, vector<1x16xf32>,
        %swap3A_1766 = vector.shape_cast %swap3A_1765 : vector<1x16xf32> to vector<16xf32>
        %swap3A_1767 = vector.shape_cast %add3A_1762 : vector<16xf32> to vector<1x16xf32>
        tpu.vector_store %arg13[%swap3A_1763, %swap3A_1764], %swap3A_1767 {strides = array<i32>} : memref<64x128xf32, #tpu.memory_space<vmem>>, vector<1x16xf32>,
        %get3A_1768 = arith.index_cast %add3A_1677 : i32 to index
        %get3A_1769 = arith.constant 96 : index
        %get3A_1770 = tpu.vector_load %arg5[%get3A_1768, %get3A_1769] {strides = array<i32>} : memref<64x128xf32, #tpu.memory_space<vmem>>, vector<1x16xf32>,
        %get3A_1771 = vector.shape_cast %get3A_1770 : vector<1x16xf32> to vector<16xf32>
        %get3A_1772 = arith.index_cast %add3A_1677 : i32 to index
        %get3A_1773 = arith.constant 96 : index
        %get3A_1774 = tpu.vector_load %arg9[%get3A_1772, %get3A_1773] {strides = array<i32>} : memref<64x128xf32, #tpu.memory_space<vmem>>, vector<1x16xf32>,
        %get3A_1775 = vector.shape_cast %get3A_1774 : vector<1x16xf32> to vector<16xf32>
        %mul3A_1776 = arith.mulf %get3A_1771, %get3A_1775 : vector<16xf32>
        %add3A_1777 = arith.addf %add3A_1653, %mul3A_1776 : vector<16xf32>
        %swap3A_1778 = arith.index_cast %add3A_1677 : i32 to index
        %swap3A_1779 = arith.constant 96 : index
        %swap3A_1780 = tpu.vector_load %arg13[%swap3A_1778, %swap3A_1779] {strides = array<i32>} : memref<64x128xf32, #tpu.memory_space<vmem>>, vector<1x16xf32>,
        %swap3A_1781 = vector.shape_cast %swap3A_1780 : vector<1x16xf32> to vector<16xf32>
        %swap3A_1782 = vector.shape_cast %add3A_1777 : vector<16xf32> to vector<1x16xf32>
        tpu.vector_store %arg13[%swap3A_1778, %swap3A_1779], %swap3A_1782 {strides = array<i32>} : memref<64x128xf32, #tpu.memory_space<vmem>>, vector<1x16xf32>,
        %get3A_1783 = arith.index_cast %add3A_1677 : i32 to index
        %get3A_1784 = arith.constant 112 : index
        %get3A_1785 = tpu.vector_load %arg5[%get3A_1783, %get3A_1784] {strides = array<i32>} : memref<64x128xf32, #tpu.memory_space<vmem>>, vector<1x16xf32>,
        %get3A_1786 = vector.shape_cast %get3A_1785 : vector<1x16xf32> to vector<16xf32>
        %get3A_1787 = arith.index_cast %add3A_1677 : i32 to index
        %get3A_1788 = arith.constant 112 : index
        %get3A_1789 = tpu.vector_load %arg9[%get3A_1787, %get3A_1788] {strides = array<i32>} : memref<64x128xf32, #tpu.memory_space<vmem>>, vector<1x16xf32>,
        %get3A_1790 = vector.shape_cast %get3A_1789 : vector<1x16xf32> to vector<16xf32>
        %mul3A_1791 = arith.mulf %get3A_1786, %get3A_1790 : vector<16xf32>
        %add3A_1792 = arith.addf %add3A_1668, %mul3A_1791 : vector<16xf32>
        %swap3A_1793 = arith.index_cast %add3A_1677 : i32 to index
        %swap3A_1794 = arith.constant 112 : index
        %swap3A_1795 = tpu.vector_load %arg13[%swap3A_1793, %swap3A_1794] {strides = array<i32>} : memref<64x128xf32, #tpu.memory_space<vmem>>, vector<1x16xf32>,
        %swap3A_1796 = vector.shape_cast %swap3A_1795 : vector<1x16xf32> to vector<16xf32>
        %swap3A_1797 = vector.shape_cast %add3A_1792 : vector<16xf32> to vector<1x16xf32>
        tpu.vector_store %arg13[%swap3A_1793, %swap3A_1794], %swap3A_1797 {strides = array<i32>} : memref<64x128xf32, #tpu.memory_space<vmem>>, vector<1x16xf32>,
        scf.yield %add3A_1687, %add3A_1702, %add3A_1717, %add3A_1732, %add3A_1747, %add3A_1762, %add3A_1777, %add3A_1792 : vector<16xf32>, vector<16xf32>, vector<16xf32>, vector<16xf32>, vector<16xf32>, vector<16xf32>, vector<16xf32>, vector<16xf32>
      }
      %scan3A_680 = arith.constant 32 : i32
      %jit3A_681 = arith.constant 64 : i32
      %div3A_682 = arith.divsi %add3A_521, %jit3A_681 : i32
      %sign3A_683 = arith.constant 0 : i32
      %sign3A_684 = arith.cmpi sgt, %add3A_521, %sign3A_683 : i32
      %sign3A_685 = arith.extui %sign3A_684 : i1 to i32
      %sign3A_686 = arith.constant 0 : i32
      %sign3A_687 = arith.cmpi slt, %add3A_521, %sign3A_686 : i32
      %sign3A_688 = arith.extui %sign3A_687 : i1 to i32
      %sign3A_689 = arith.subi %sign3A_685, %sign3A_688 : i32
      %sign3A_690 = arith.constant 0 : i32
      %sign3A_691 = arith.cmpi sgt, %jit3A_681, %sign3A_690 : i32
      %sign3A_692 = arith.extui %sign3A_691 : i1 to i32
      %sign3A_693 = arith.constant 0 : i32
      %sign3A_694 = arith.cmpi slt, %jit3A_681, %sign3A_693 : i32
      %sign3A_695 = arith.extui %sign3A_694 : i1 to i32
      %sign3A_696 = arith.subi %sign3A_692, %sign3A_695 : i32
      %ne3A_697 = arith.cmpi ne, %sign3A_689, %sign3A_696 : i32
      %rem3A_698 = arith.remsi %add3A_521, %jit3A_681 : i32
      %ne3A_699 = arith.constant 0 : i32
      %ne3A_700 = arith.cmpi ne, %rem3A_698, %ne3A_699 : i32
      %and3A_701 = arith.andi %ne3A_697, %ne3A_700 : i1
      %sub3A_702 = arith.constant 1 : i32
      %sub3A_703 = arith.subi %div3A_682, %sub3A_702 : i32
      %select_n3A_704 = arith.select %and3A_701, %sub3A_703, %div3A_682 : i32
      %jit3A_705 = arith.constant 64 : i32
      %eq3A_706 = arith.constant 0 : i32
      %eq3A_707 = arith.cmpi eq, %jit3A_705, %eq3A_706 : i32
      %jit3A_708 = arith.constant 1 : i32
      %select_n3A_709 = arith.select %eq3A_707, %jit3A_708, %jit3A_705 : i32
      %rem3A_710 = arith.remsi %add3A_521, %select_n3A_709 : i32
      %ne3A_711 = arith.constant 0 : i32
      %ne3A_712 = arith.cmpi ne, %rem3A_710, %ne3A_711 : i32
      %lt3A_713 = arith.constant 0 : i32
      %lt3A_714 = arith.cmpi slt, %rem3A_710, %lt3A_713 : i32
      %lt3A_715 = arith.constant 0 : i32
      %lt3A_716 = arith.cmpi slt, %select_n3A_709, %lt3A_715 : i32
      %ne3A_717 = arith.xori %lt3A_714, %lt3A_716 : i1
      %and3A_718 = arith.andi %ne3A_717, %ne3A_712 : i1
      %add3A_719 = arith.addi %rem3A_710, %select_n3A_709 : i32
      %select_n3A_720 = arith.select %and3A_718, %add3A_719, %rem3A_710 : i32
      %mul3A_721 = arith.constant 32 : i32
      %mul3A_722 = arith.muli %mul3A_721, %select_n3A_704 : i32
      %add3A_723 = arith.addi %add3A, %mul3A_722 : i32
      %jit3A_724 = arith.constant 16 : i32
      %div3A_725 = arith.divsi %add3A_723, %jit3A_724 : i32
      %sign3A_726 = arith.constant 0 : i32
      %sign3A_727 = arith.cmpi sgt, %add3A_723, %sign3A_726 : i32
      %sign3A_728 = arith.extui %sign3A_727 : i1 to i32
      %sign3A_729 = arith.constant 0 : i32
      %sign3A_730 = arith.cmpi slt, %add3A_723, %sign3A_729 : i32
      %sign3A_731 = arith.extui %sign3A_730 : i1 to i32
      %sign3A_732 = arith.subi %sign3A_728, %sign3A_731 : i32
      %sign3A_733 = arith.constant 0 : i32
      %sign3A_734 = arith.cmpi sgt, %jit3A_724, %sign3A_733 : i32
      %sign3A_735 = arith.extui %sign3A_734 : i1 to i32
      %sign3A_736 = arith.constant 0 : i32
      %sign3A_737 = arith.cmpi slt, %jit3A_724, %sign3A_736 : i32
      %sign3A_738 = arith.extui %sign3A_737 : i1 to i32
      %sign3A_739 = arith.subi %sign3A_735, %sign3A_738 : i32
      %ne3A_740 = arith.cmpi ne, %sign3A_732, %sign3A_739 : i32
      %rem3A_741 = arith.remsi %add3A_723, %jit3A_724 : i32
      %ne3A_742 = arith.constant 0 : i32
      %ne3A_743 = arith.cmpi ne, %rem3A_741, %ne3A_742 : i32
      %and3A_744 = arith.andi %ne3A_740, %ne3A_743 : i1
      %sub3A_745 = arith.constant 1 : i32
      %sub3A_746 = arith.subi %div3A_725, %sub3A_745 : i32
      %select_n3A_747 = arith.select %and3A_744, %sub3A_746, %div3A_725 : i32
      %jit3A_748 = arith.constant 16 : i32
      %eq3A_749 = arith.constant 0 : i32
      %eq3A_750 = arith.cmpi eq, %jit3A_748, %eq3A_749 : i32
      %jit3A_751 = arith.constant 1 : i32
      %select_n3A_752 = arith.select %eq3A_750, %jit3A_751, %jit3A_748 : i32
      %rem3A_753 = arith.remsi %add3A_723, %select_n3A_752 : i32
      %ne3A_754 = arith.constant 0 : i32
      %ne3A_755 = arith.cmpi ne, %rem3A_753, %ne3A_754 : i32
      %lt3A_756 = arith.constant 0 : i32
      %lt3A_757 = arith.cmpi slt, %rem3A_753, %lt3A_756 : i32
      %lt3A_758 = arith.constant 0 : i32
      %lt3A_759 = arith.cmpi slt, %select_n3A_752, %lt3A_758 : i32
      %ne3A_760 = arith.xori %lt3A_757, %lt3A_759 : i1
      %and3A_761 = arith.andi %ne3A_760, %ne3A_755 : i1
      %add3A_762 = arith.addi %rem3A_753, %select_n3A_752 : i32
      %select_n3A_763 = arith.select %and3A_761, %add3A_762, %rem3A_753 : i32
      %mul3A_764 = arith.constant 128 : i32
      %mul3A_765 = arith.muli %select_n3A_763, %mul3A_764 : i32
      %mul3A_766 = arith.constant 64 : i32
      %mul3A_767 = arith.muli %select_n3A_720, %mul3A_766 : i32
      %dma_start3A_768 = tpu.memref_slice %arg4[%select_n3A_747, %mul3A_767, %mul3A_765] : memref<4x4096x2048xf32, #tpu.memory_space<hbm>> -> memref<1x64x128xf32, #tpu.memory_space<hbm>>
      %dma_start3A_769 = tpu.memref_squeeze %dma_start3A_768 : memref<1x64x128xf32, #tpu.memory_space<hbm>> -> memref<64x128xf32, #tpu.memory_space<hbm>>
      %dma_start3A_770 = tpu.memref_slice %arg4[%select_n3A_747, %mul3A_767, %mul3A_765] : memref<4x4096x2048xf32, #tpu.memory_space<hbm>> -> memref<1x64x128xf32, #tpu.memory_space<hbm>>
      %dma_start3A_771 = tpu.memref_squeeze %dma_start3A_770 : memref<1x64x128xf32, #tpu.memory_space<hbm>> -> memref<64x128xf32, #tpu.memory_space<hbm>>
      tpu.enqueue_dma source(%arg13 : memref<64x128xf32, #tpu.memory_space<vmem>>) target(%dma_start3A_771 : memref<64x128xf32, #tpu.memory_space<hbm>>) target_semaphore(%arg25 : memref<!tpu.dma_semaphore, #tpu.memory_space<semaphore_mem>>)
      %mul3A_772 = arith.constant 4 : i32
      %mul3A_773 = arith.muli %mul3A_772, %scan3A_509 : i32
      %add3A_774 = arith.constant 1 : i32
      %add3A_775 = arith.addi %mul3A_773, %add3A_774 : i32
      %add3A_776 = arith.constant 4 : i32
      %add3A_777 = arith.addi %add3A_775, %add3A_776 : i32
      %sub3A_778 = arith.constant 1 : i32
      %sub3A_779 = arith.subi %add3A_777, %sub3A_778 : i32
      %lt3A_780 = arith.constant 128 : i32
      %lt3A_781 = arith.cmpi slt, %sub3A_779, %lt3A_780 : i32
      %convert_element_type3A_782 = arith.extui %lt3A_781 : i1 to i32
      %cond3A_783 = arith.constant 0 : i32
      %cond3A_784 = arith.cmpi ne, %convert_element_type3A_782, %cond3A_783 : i32
      scf.if %cond3A_784 {
        %jit3A_1543 = arith.constant 64 : i32
        %div3A_1544 = arith.divsi %sub3A_779, %jit3A_1543 : i32
        %sign3A_1545 = arith.constant 0 : i32
        %sign3A_1546 = arith.cmpi sgt, %sub3A_779, %sign3A_1545 : i32
        %sign3A_1547 = arith.extui %sign3A_1546 : i1 to i32
        %sign3A_1548 = arith.constant 0 : i32
        %sign3A_1549 = arith.cmpi slt, %sub3A_779, %sign3A_1548 : i32
        %sign3A_1550 = arith.extui %sign3A_1549 : i1 to i32
        %sign3A_1551 = arith.subi %sign3A_1547, %sign3A_1550 : i32
        %sign3A_1552 = arith.constant 0 : i32
        %sign3A_1553 = arith.cmpi sgt, %jit3A_1543, %sign3A_1552 : i32
        %sign3A_1554 = arith.extui %sign3A_1553 : i1 to i32
        %sign3A_1555 = arith.constant 0 : i32
        %sign3A_1556 = arith.cmpi slt, %jit3A_1543, %sign3A_1555 : i32
        %sign3A_1557 = arith.extui %sign3A_1556 : i1 to i32
        %sign3A_1558 = arith.subi %sign3A_1554, %sign3A_1557 : i32
        %ne3A_1559 = arith.cmpi ne, %sign3A_1551, %sign3A_1558 : i32
        %rem3A_1560 = arith.remsi %sub3A_779, %jit3A_1543 : i32
        %ne3A_1561 = arith.constant 0 : i32
        %ne3A_1562 = arith.cmpi ne, %rem3A_1560, %ne3A_1561 : i32
        %and3A_1563 = arith.andi %ne3A_1559, %ne3A_1562 : i1
        %sub3A_1564 = arith.constant 1 : i32
        %sub3A_1565 = arith.subi %div3A_1544, %sub3A_1564 : i32
        %select_n3A_1566 = arith.select %and3A_1563, %sub3A_1565, %div3A_1544 : i32
        %jit3A_1567 = arith.constant 64 : i32
        %eq3A_1568 = arith.constant 0 : i32
        %eq3A_1569 = arith.cmpi eq, %jit3A_1567, %eq3A_1568 : i32
        %jit3A_1570 = arith.constant 1 : i32
        %select_n3A_1571 = arith.select %eq3A_1569, %jit3A_1570, %jit3A_1567 : i32
        %rem3A_1572 = arith.remsi %sub3A_779, %select_n3A_1571 : i32
        %ne3A_1573 = arith.constant 0 : i32
        %ne3A_1574 = arith.cmpi ne, %rem3A_1572, %ne3A_1573 : i32
        %lt3A_1575 = arith.constant 0 : i32
        %lt3A_1576 = arith.cmpi slt, %rem3A_1572, %lt3A_1575 : i32
        %lt3A_1577 = arith.constant 0 : i32
        %lt3A_1578 = arith.cmpi slt, %select_n3A_1571, %lt3A_1577 : i32
        %ne3A_1579 = arith.xori %lt3A_1576, %lt3A_1578 : i1
        %and3A_1580 = arith.andi %ne3A_1579, %ne3A_1574 : i1
        %add3A_1581 = arith.addi %rem3A_1572, %select_n3A_1571 : i32
        %select_n3A_1582 = arith.select %and3A_1580, %add3A_1581, %rem3A_1572 : i32
        %mul3A_1583 = arith.constant 32 : i32
        %mul3A_1584 = arith.muli %mul3A_1583, %select_n3A_1566 : i32
        %add3A_1585 = arith.addi %add3A, %mul3A_1584 : i32
        %jit3A_1586 = arith.constant 16 : i32
        %div3A_1587 = arith.divsi %add3A_1585, %jit3A_1586 : i32
        %sign3A_1588 = arith.constant 0 : i32
        %sign3A_1589 = arith.cmpi sgt, %add3A_1585, %sign3A_1588 : i32
        %sign3A_1590 = arith.extui %sign3A_1589 : i1 to i32
        %sign3A_1591 = arith.constant 0 : i32
        %sign3A_1592 = arith.cmpi slt, %add3A_1585, %sign3A_1591 : i32
        %sign3A_1593 = arith.extui %sign3A_1592 : i1 to i32
        %sign3A_1594 = arith.subi %sign3A_1590, %sign3A_1593 : i32
        %sign3A_1595 = arith.constant 0 : i32
        %sign3A_1596 = arith.cmpi sgt, %jit3A_1586, %sign3A_1595 : i32
        %sign3A_1597 = arith.extui %sign3A_1596 : i1 to i32
        %sign3A_1598 = arith.constant 0 : i32
        %sign3A_1599 = arith.cmpi slt, %jit3A_1586, %sign3A_1598 : i32
        %sign3A_1600 = arith.extui %sign3A_1599 : i1 to i32
        %sign3A_1601 = arith.subi %sign3A_1597, %sign3A_1600 : i32
        %ne3A_1602 = arith.cmpi ne, %sign3A_1594, %sign3A_1601 : i32
        %rem3A_1603 = arith.remsi %add3A_1585, %jit3A_1586 : i32
        %ne3A_1604 = arith.constant 0 : i32
        %ne3A_1605 = arith.cmpi ne, %rem3A_1603, %ne3A_1604 : i32
        %and3A_1606 = arith.andi %ne3A_1602, %ne3A_1605 : i1
        %sub3A_1607 = arith.constant 1 : i32
        %sub3A_1608 = arith.subi %div3A_1587, %sub3A_1607 : i32
        %select_n3A_1609 = arith.select %and3A_1606, %sub3A_1608, %div3A_1587 : i32
        %jit3A_1610 = arith.constant 16 : i32
        %eq3A_1611 = arith.constant 0 : i32
        %eq3A_1612 = arith.cmpi eq, %jit3A_1610, %eq3A_1611 : i32
        %jit3A_1613 = arith.constant 1 : i32
        %select_n3A_1614 = arith.select %eq3A_1612, %jit3A_1613, %jit3A_1610 : i32
        %rem3A_1615 = arith.remsi %add3A_1585, %select_n3A_1614 : i32
        %ne3A_1616 = arith.constant 0 : i32
        %ne3A_1617 = arith.cmpi ne, %rem3A_1615, %ne3A_1616 : i32
        %lt3A_1618 = arith.constant 0 : i32
        %lt3A_1619 = arith.cmpi slt, %rem3A_1615, %lt3A_1618 : i32
        %lt3A_1620 = arith.constant 0 : i32
        %lt3A_1621 = arith.cmpi slt, %select_n3A_1614, %lt3A_1620 : i32
        %ne3A_1622 = arith.xori %lt3A_1619, %lt3A_1621 : i1
        %and3A_1623 = arith.andi %ne3A_1622, %ne3A_1617 : i1
        %add3A_1624 = arith.addi %rem3A_1615, %select_n3A_1614 : i32
        %select_n3A_1625 = arith.select %and3A_1623, %add3A_1624, %rem3A_1615 : i32
        %mul3A_1626 = arith.constant 128 : i32
        %mul3A_1627 = arith.muli %select_n3A_1625, %mul3A_1626 : i32
        %mul3A_1628 = arith.constant 64 : i32
        %mul3A_1629 = arith.muli %select_n3A_1582, %mul3A_1628 : i32
        %dma_start3A_1630 = tpu.memref_slice %arg2[%select_n3A_1609, %mul3A_1629, %mul3A_1627] : memref<4x4096x2048xf32, #tpu.memory_space<hbm>> -> memref<1x64x128xf32, #tpu.memory_space<hbm>>
        %dma_start3A_1631 = tpu.memref_squeeze %dma_start3A_1630 : memref<1x64x128xf32, #tpu.memory_space<hbm>> -> memref<64x128xf32, #tpu.memory_space<hbm>>
        %dma_start3A_1632 = tpu.memref_slice %arg2[%select_n3A_1609, %mul3A_1629, %mul3A_1627] : memref<4x4096x2048xf32, #tpu.memory_space<hbm>> -> memref<1x64x128xf32, #tpu.memory_space<hbm>>
        %dma_start3A_1633 = tpu.memref_squeeze %dma_start3A_1632 : memref<1x64x128xf32, #tpu.memory_space<hbm>> -> memref<64x128xf32, #tpu.memory_space<hbm>>
        tpu.enqueue_dma source(%dma_start3A_1633 : memref<64x128xf32, #tpu.memory_space<hbm>>) target(%arg5 : memref<64x128xf32, #tpu.memory_space<vmem>>) target_semaphore(%arg17 : memref<!tpu.dma_semaphore, #tpu.memory_space<semaphore_mem>>)
        %jit3A_1634 = arith.constant 64 : i32
        %div3A_1635 = arith.divsi %sub3A_779, %jit3A_1634 : i32
        %sign3A_1636 = arith.constant 0 : i32
        %sign3A_1637 = arith.cmpi sgt, %sub3A_779, %sign3A_1636 : i32
        %sign3A_1638 = arith.extui %sign3A_1637 : i1 to i32
        %sign3A_1639 = arith.constant 0 : i32
        %sign3A_1640 = arith.cmpi slt, %sub3A_779, %sign3A_1639 : i32
        %sign3A_1641 = arith.extui %sign3A_1640 : i1 to i32
        %sign3A_1642 = arith.subi %sign3A_1638, %sign3A_1641 : i32
        %sign3A_1643 = arith.constant 0 : i32
        %sign3A_1644 = arith.cmpi sgt, %jit3A_1634, %sign3A_1643 : i32
        %sign3A_1645 = arith.extui %sign3A_1644 : i1 to i32
        %sign3A_1646 = arith.constant 0 : i32
        %sign3A_1647 = arith.cmpi slt, %jit3A_1634, %sign3A_1646 : i32
        %sign3A_1648 = arith.extui %sign3A_1647 : i1 to i32
        %sign3A_1649 = arith.subi %sign3A_1645, %sign3A_1648 : i32
        %ne3A_1650 = arith.cmpi ne, %sign3A_1642, %sign3A_1649 : i32
        %rem3A_1651 = arith.remsi %sub3A_779, %jit3A_1634 : i32
        %ne3A_1652 = arith.constant 0 : i32
        %ne3A_1653 = arith.cmpi ne, %rem3A_1651, %ne3A_1652 : i32
        %and3A_1654 = arith.andi %ne3A_1650, %ne3A_1653 : i1
        %sub3A_1655 = arith.constant 1 : i32
        %sub3A_1656 = arith.subi %div3A_1635, %sub3A_1655 : i32
        %select_n3A_1657 = arith.select %and3A_1654, %sub3A_1656, %div3A_1635 : i32
        %jit3A_1658 = arith.constant 64 : i32
        %eq3A_1659 = arith.constant 0 : i32
        %eq3A_1660 = arith.cmpi eq, %jit3A_1658, %eq3A_1659 : i32
        %jit3A_1661 = arith.constant 1 : i32
        %select_n3A_1662 = arith.select %eq3A_1660, %jit3A_1661, %jit3A_1658 : i32
        %rem3A_1663 = arith.remsi %sub3A_779, %select_n3A_1662 : i32
        %ne3A_1664 = arith.constant 0 : i32
        %ne3A_1665 = arith.cmpi ne, %rem3A_1663, %ne3A_1664 : i32
        %lt3A_1666 = arith.constant 0 : i32
        %lt3A_1667 = arith.cmpi slt, %rem3A_1663, %lt3A_1666 : i32
        %lt3A_1668 = arith.constant 0 : i32
        %lt3A_1669 = arith.cmpi slt, %select_n3A_1662, %lt3A_1668 : i32
        %ne3A_1670 = arith.xori %lt3A_1667, %lt3A_1669 : i1
        %and3A_1671 = arith.andi %ne3A_1670, %ne3A_1665 : i1
        %add3A_1672 = arith.addi %rem3A_1663, %select_n3A_1662 : i32
        %select_n3A_1673 = arith.select %and3A_1671, %add3A_1672, %rem3A_1663 : i32
        %mul3A_1674 = arith.constant 32 : i32
        %mul3A_1675 = arith.muli %mul3A_1674, %select_n3A_1657 : i32
        %add3A_1676 = arith.addi %add3A, %mul3A_1675 : i32
        %jit3A_1677 = arith.constant 16 : i32
        %div3A_1678 = arith.divsi %add3A_1676, %jit3A_1677 : i32
        %sign3A_1679 = arith.constant 0 : i32
        %sign3A_1680 = arith.cmpi sgt, %add3A_1676, %sign3A_1679 : i32
        %sign3A_1681 = arith.extui %sign3A_1680 : i1 to i32
        %sign3A_1682 = arith.constant 0 : i32
        %sign3A_1683 = arith.cmpi slt, %add3A_1676, %sign3A_1682 : i32
        %sign3A_1684 = arith.extui %sign3A_1683 : i1 to i32
        %sign3A_1685 = arith.subi %sign3A_1681, %sign3A_1684 : i32
        %sign3A_1686 = arith.constant 0 : i32
        %sign3A_1687 = arith.cmpi sgt, %jit3A_1677, %sign3A_1686 : i32
        %sign3A_1688 = arith.extui %sign3A_1687 : i1 to i32
        %sign3A_1689 = arith.constant 0 : i32
        %sign3A_1690 = arith.cmpi slt, %jit3A_1677, %sign3A_1689 : i32
        %sign3A_1691 = arith.extui %sign3A_1690 : i1 to i32
        %sign3A_1692 = arith.subi %sign3A_1688, %sign3A_1691 : i32
        %ne3A_1693 = arith.cmpi ne, %sign3A_1685, %sign3A_1692 : i32
        %rem3A_1694 = arith.remsi %add3A_1676, %jit3A_1677 : i32
        %ne3A_1695 = arith.constant 0 : i32
        %ne3A_1696 = arith.cmpi ne, %rem3A_1694, %ne3A_1695 : i32
        %and3A_1697 = arith.andi %ne3A_1693, %ne3A_1696 : i1
        %sub3A_1698 = arith.constant 1 : i32
        %sub3A_1699 = arith.subi %div3A_1678, %sub3A_1698 : i32
        %select_n3A_1700 = arith.select %and3A_1697, %sub3A_1699, %div3A_1678 : i32
        %jit3A_1701 = arith.constant 16 : i32
        %eq3A_1702 = arith.constant 0 : i32
        %eq3A_1703 = arith.cmpi eq, %jit3A_1701, %eq3A_1702 : i32
        %jit3A_1704 = arith.constant 1 : i32
        %select_n3A_1705 = arith.select %eq3A_1703, %jit3A_1704, %jit3A_1701 : i32
        %rem3A_1706 = arith.remsi %add3A_1676, %select_n3A_1705 : i32
        %ne3A_1707 = arith.constant 0 : i32
        %ne3A_1708 = arith.cmpi ne, %rem3A_1706, %ne3A_1707 : i32
        %lt3A_1709 = arith.constant 0 : i32
        %lt3A_1710 = arith.cmpi slt, %rem3A_1706, %lt3A_1709 : i32
        %lt3A_1711 = arith.constant 0 : i32
        %lt3A_1712 = arith.cmpi slt, %select_n3A_1705, %lt3A_1711 : i32
        %ne3A_1713 = arith.xori %lt3A_1710, %lt3A_1712 : i1
        %and3A_1714 = arith.andi %ne3A_1713, %ne3A_1708 : i1
        %add3A_1715 = arith.addi %rem3A_1706, %select_n3A_1705 : i32
        %select_n3A_1716 = arith.select %and3A_1714, %add3A_1715, %rem3A_1706 : i32
        %mul3A_1717 = arith.constant 128 : i32
        %mul3A_1718 = arith.muli %select_n3A_1716, %mul3A_1717 : i32
        %mul3A_1719 = arith.constant 64 : i32
        %mul3A_1720 = arith.muli %select_n3A_1673, %mul3A_1719 : i32
        %dma_start3A_1721 = tpu.memref_slice %arg3[%select_n3A_1700, %mul3A_1720, %mul3A_1718] : memref<4x4096x2048xf32, #tpu.memory_space<hbm>> -> memref<1x64x128xf32, #tpu.memory_space<hbm>>
        %dma_start3A_1722 = tpu.memref_squeeze %dma_start3A_1721 : memref<1x64x128xf32, #tpu.memory_space<hbm>> -> memref<64x128xf32, #tpu.memory_space<hbm>>
        %dma_start3A_1723 = tpu.memref_slice %arg3[%select_n3A_1700, %mul3A_1720, %mul3A_1718] : memref<4x4096x2048xf32, #tpu.memory_space<hbm>> -> memref<1x64x128xf32, #tpu.memory_space<hbm>>
        %dma_start3A_1724 = tpu.memref_squeeze %dma_start3A_1723 : memref<1x64x128xf32, #tpu.memory_space<hbm>> -> memref<64x128xf32, #tpu.memory_space<hbm>>
        tpu.enqueue_dma source(%dma_start3A_1724 : memref<64x128xf32, #tpu.memory_space<hbm>>) target(%arg9 : memref<64x128xf32, #tpu.memory_space<vmem>>) target_semaphore(%arg21 : memref<!tpu.dma_semaphore, #tpu.memory_space<semaphore_mem>>)
      } else {
      }
      %add3A_785 = arith.constant 0 : i32
      %add3A_786 = arith.addi %add3A, %add3A_785 : i32
      %jit3A_787 = arith.constant 16 : i32
      %div3A_788 = arith.divsi %add3A_786, %jit3A_787 : i32
      %sign3A_789 = arith.constant 0 : i32
      %sign3A_790 = arith.cmpi sgt, %add3A_786, %sign3A_789 : i32
      %sign3A_791 = arith.extui %sign3A_790 : i1 to i32
      %sign3A_792 = arith.constant 0 : i32
      %sign3A_793 = arith.cmpi slt, %add3A_786, %sign3A_792 : i32
      %sign3A_794 = arith.extui %sign3A_793 : i1 to i32
      %sign3A_795 = arith.subi %sign3A_791, %sign3A_794 : i32
      %sign3A_796 = arith.constant 0 : i32
      %sign3A_797 = arith.cmpi sgt, %jit3A_787, %sign3A_796 : i32
      %sign3A_798 = arith.extui %sign3A_797 : i1 to i32
      %sign3A_799 = arith.constant 0 : i32
      %sign3A_800 = arith.cmpi slt, %jit3A_787, %sign3A_799 : i32
      %sign3A_801 = arith.extui %sign3A_800 : i1 to i32
      %sign3A_802 = arith.subi %sign3A_798, %sign3A_801 : i32
      %ne3A_803 = arith.cmpi ne, %sign3A_795, %sign3A_802 : i32
      %rem3A_804 = arith.remsi %add3A_786, %jit3A_787 : i32
      %ne3A_805 = arith.constant 0 : i32
      %ne3A_806 = arith.cmpi ne, %rem3A_804, %ne3A_805 : i32
      %and3A_807 = arith.andi %ne3A_803, %ne3A_806 : i1
      %sub3A_808 = arith.constant 1 : i32
      %sub3A_809 = arith.subi %div3A_788, %sub3A_808 : i32
      %select_n3A_810 = arith.select %and3A_807, %sub3A_809, %div3A_788 : i32
      %jit3A_811 = arith.constant 16 : i32
      %eq3A_812 = arith.constant 0 : i32
      %eq3A_813 = arith.cmpi eq, %jit3A_811, %eq3A_812 : i32
      %jit3A_814 = arith.constant 1 : i32
      %select_n3A_815 = arith.select %eq3A_813, %jit3A_814, %jit3A_811 : i32
      %rem3A_816 = arith.remsi %add3A_786, %select_n3A_815 : i32
      %ne3A_817 = arith.constant 0 : i32
      %ne3A_818 = arith.cmpi ne, %rem3A_816, %ne3A_817 : i32
      %lt3A_819 = arith.constant 0 : i32
      %lt3A_820 = arith.cmpi slt, %rem3A_816, %lt3A_819 : i32
      %lt3A_821 = arith.constant 0 : i32
      %lt3A_822 = arith.cmpi slt, %select_n3A_815, %lt3A_821 : i32
      %ne3A_823 = arith.xori %lt3A_820, %lt3A_822 : i1
      %and3A_824 = arith.andi %ne3A_823, %ne3A_818 : i1
      %add3A_825 = arith.addi %rem3A_816, %select_n3A_815 : i32
      %select_n3A_826 = arith.select %and3A_824, %add3A_825, %rem3A_816 : i32
      %mul3A_827 = arith.constant 128 : i32
      %mul3A_828 = arith.muli %select_n3A_826, %mul3A_827 : i32
      %dma_wait3A_829 = arith.constant 0 : i32
      %dma_wait3A_830 = tpu.memref_slice %arg2[%select_n3A_810, %dma_wait3A_829, %mul3A_828] : memref<4x4096x2048xf32, #tpu.memory_space<hbm>> -> memref<1x64x128xf32, #tpu.memory_space<hbm>>
      %dma_wait3A_831 = tpu.memref_squeeze %dma_wait3A_830 : memref<1x64x128xf32, #tpu.memory_space<hbm>> -> memref<64x128xf32, #tpu.memory_space<hbm>>
      %dma_wait3A_832 = arith.constant 0 : i32
      %dma_wait3A_833 = tpu.memref_slice %arg2[%select_n3A_810, %dma_wait3A_832, %mul3A_828] : memref<4x4096x2048xf32, #tpu.memory_space<hbm>> -> memref<1x64x128xf32, #tpu.memory_space<hbm>>
      %dma_wait3A_834 = tpu.memref_squeeze %dma_wait3A_833 : memref<1x64x128xf32, #tpu.memory_space<hbm>> -> memref<64x128xf32, #tpu.memory_space<hbm>>
      tpu.wait_dma2 semaphore(%arg18 : memref<!tpu.dma_semaphore, #tpu.memory_space<semaphore_mem>>) src(%dma_wait3A_834 : memref<64x128xf32, #tpu.memory_space<hbm>>) dst(%arg6 : memref<64x128xf32, #tpu.memory_space<vmem>>)
      %add3A_835 = arith.constant 0 : i32
      %add3A_836 = arith.addi %add3A, %add3A_835 : i32
      %jit3A_837 = arith.constant 16 : i32
      %div3A_838 = arith.divsi %add3A_836, %jit3A_837 : i32
      %sign3A_839 = arith.constant 0 : i32
      %sign3A_840 = arith.cmpi sgt, %add3A_836, %sign3A_839 : i32
      %sign3A_841 = arith.extui %sign3A_840 : i1 to i32
      %sign3A_842 = arith.constant 0 : i32
      %sign3A_843 = arith.cmpi slt, %add3A_836, %sign3A_842 : i32
      %sign3A_844 = arith.extui %sign3A_843 : i1 to i32
      %sign3A_845 = arith.subi %sign3A_841, %sign3A_844 : i32
      %sign3A_846 = arith.constant 0 : i32
      %sign3A_847 = arith.cmpi sgt, %jit3A_837, %sign3A_846 : i32
      %sign3A_848 = arith.extui %sign3A_847 : i1 to i32
      %sign3A_849 = arith.constant 0 : i32
      %sign3A_850 = arith.cmpi slt, %jit3A_837, %sign3A_849 : i32
      %sign3A_851 = arith.extui %sign3A_850 : i1 to i32
      %sign3A_852 = arith.subi %sign3A_848, %sign3A_851 : i32
      %ne3A_853 = arith.cmpi ne, %sign3A_845, %sign3A_852 : i32
      %rem3A_854 = arith.remsi %add3A_836, %jit3A_837 : i32
      %ne3A_855 = arith.constant 0 : i32
      %ne3A_856 = arith.cmpi ne, %rem3A_854, %ne3A_855 : i32
      %and3A_857 = arith.andi %ne3A_853, %ne3A_856 : i1
      %sub3A_858 = arith.constant 1 : i32
      %sub3A_859 = arith.subi %div3A_838, %sub3A_858 : i32
      %select_n3A_860 = arith.select %and3A_857, %sub3A_859, %div3A_838 : i32
      %jit3A_861 = arith.constant 16 : i32
      %eq3A_862 = arith.constant 0 : i32
      %eq3A_863 = arith.cmpi eq, %jit3A_861, %eq3A_862 : i32
      %jit3A_864 = arith.constant 1 : i32
      %select_n3A_865 = arith.select %eq3A_863, %jit3A_864, %jit3A_861 : i32
      %rem3A_866 = arith.remsi %add3A_836, %select_n3A_865 : i32
      %ne3A_867 = arith.constant 0 : i32
      %ne3A_868 = arith.cmpi ne, %rem3A_866, %ne3A_867 : i32
      %lt3A_869 = arith.constant 0 : i32
      %lt3A_870 = arith.cmpi slt, %rem3A_866, %lt3A_869 : i32
      %lt3A_871 = arith.constant 0 : i32
      %lt3A_872 = arith.cmpi slt, %select_n3A_865, %lt3A_871 : i32
      %ne3A_873 = arith.xori %lt3A_870, %lt3A_872 : i1
      %and3A_874 = arith.andi %ne3A_873, %ne3A_868 : i1
      %add3A_875 = arith.addi %rem3A_866, %select_n3A_865 : i32
      %select_n3A_876 = arith.select %and3A_874, %add3A_875, %rem3A_866 : i32
      %mul3A_877 = arith.constant 128 : i32
      %mul3A_878 = arith.muli %select_n3A_876, %mul3A_877 : i32
      %dma_wait3A_879 = arith.constant 0 : i32
      %dma_wait3A_880 = tpu.memref_slice %arg3[%select_n3A_860, %dma_wait3A_879, %mul3A_878] : memref<4x4096x2048xf32, #tpu.memory_space<hbm>> -> memref<1x64x128xf32, #tpu.memory_space<hbm>>
      %dma_wait3A_881 = tpu.memref_squeeze %dma_wait3A_880 : memref<1x64x128xf32, #tpu.memory_space<hbm>> -> memref<64x128xf32, #tpu.memory_space<hbm>>
      %dma_wait3A_882 = arith.constant 0 : i32
      %dma_wait3A_883 = tpu.memref_slice %arg3[%select_n3A_860, %dma_wait3A_882, %mul3A_878] : memref<4x4096x2048xf32, #tpu.memory_space<hbm>> -> memref<1x64x128xf32, #tpu.memory_space<hbm>>
      %dma_wait3A_884 = tpu.memref_squeeze %dma_wait3A_883 : memref<1x64x128xf32, #tpu.memory_space<hbm>> -> memref<64x128xf32, #tpu.memory_space<hbm>>
      tpu.wait_dma2 semaphore(%arg22 : memref<!tpu.dma_semaphore, #tpu.memory_space<semaphore_mem>>) src(%dma_wait3A_884 : memref<64x128xf32, #tpu.memory_space<hbm>>) dst(%arg10 : memref<64x128xf32, #tpu.memory_space<vmem>>)
      %ge3A_885 = arith.constant 4 : i32
      %ge3A_886 = arith.cmpi sge, %add3A_775, %ge3A_885 : i32
      %convert_element_type3A_887 = arith.extui %ge3A_886 : i1 to i32
      %cond3A_888 = arith.constant 0 : i32
      %cond3A_889 = arith.cmpi ne, %convert_element_type3A_887, %cond3A_888 : i32
      scf.if %cond3A_889 {
        %add3A_1543 = arith.constant 0 : i32
        %add3A_1544 = arith.addi %add3A, %add3A_1543 : i32
        %jit3A_1545 = arith.constant 16 : i32
        %div3A_1546 = arith.divsi %add3A_1544, %jit3A_1545 : i32
        %sign3A_1547 = arith.constant 0 : i32
        %sign3A_1548 = arith.cmpi sgt, %add3A_1544, %sign3A_1547 : i32
        %sign3A_1549 = arith.extui %sign3A_1548 : i1 to i32
        %sign3A_1550 = arith.constant 0 : i32
        %sign3A_1551 = arith.cmpi slt, %add3A_1544, %sign3A_1550 : i32
        %sign3A_1552 = arith.extui %sign3A_1551 : i1 to i32
        %sign3A_1553 = arith.subi %sign3A_1549, %sign3A_1552 : i32
        %sign3A_1554 = arith.constant 0 : i32
        %sign3A_1555 = arith.cmpi sgt, %jit3A_1545, %sign3A_1554 : i32
        %sign3A_1556 = arith.extui %sign3A_1555 : i1 to i32
        %sign3A_1557 = arith.constant 0 : i32
        %sign3A_1558 = arith.cmpi slt, %jit3A_1545, %sign3A_1557 : i32
        %sign3A_1559 = arith.extui %sign3A_1558 : i1 to i32
        %sign3A_1560 = arith.subi %sign3A_1556, %sign3A_1559 : i32
        %ne3A_1561 = arith.cmpi ne, %sign3A_1553, %sign3A_1560 : i32
        %rem3A_1562 = arith.remsi %add3A_1544, %jit3A_1545 : i32
        %ne3A_1563 = arith.constant 0 : i32
        %ne3A_1564 = arith.cmpi ne, %rem3A_1562, %ne3A_1563 : i32
        %and3A_1565 = arith.andi %ne3A_1561, %ne3A_1564 : i1
        %sub3A_1566 = arith.constant 1 : i32
        %sub3A_1567 = arith.subi %div3A_1546, %sub3A_1566 : i32
        %select_n3A_1568 = arith.select %and3A_1565, %sub3A_1567, %div3A_1546 : i32
        %jit3A_1569 = arith.constant 16 : i32
        %eq3A_1570 = arith.constant 0 : i32
        %eq3A_1571 = arith.cmpi eq, %jit3A_1569, %eq3A_1570 : i32
        %jit3A_1572 = arith.constant 1 : i32
        %select_n3A_1573 = arith.select %eq3A_1571, %jit3A_1572, %jit3A_1569 : i32
        %rem3A_1574 = arith.remsi %add3A_1544, %select_n3A_1573 : i32
        %ne3A_1575 = arith.constant 0 : i32
        %ne3A_1576 = arith.cmpi ne, %rem3A_1574, %ne3A_1575 : i32
        %lt3A_1577 = arith.constant 0 : i32
        %lt3A_1578 = arith.cmpi slt, %rem3A_1574, %lt3A_1577 : i32
        %lt3A_1579 = arith.constant 0 : i32
        %lt3A_1580 = arith.cmpi slt, %select_n3A_1573, %lt3A_1579 : i32
        %ne3A_1581 = arith.xori %lt3A_1578, %lt3A_1580 : i1
        %and3A_1582 = arith.andi %ne3A_1581, %ne3A_1576 : i1
        %add3A_1583 = arith.addi %rem3A_1574, %select_n3A_1573 : i32
        %select_n3A_1584 = arith.select %and3A_1582, %add3A_1583, %rem3A_1574 : i32
        %mul3A_1585 = arith.constant 128 : i32
        %mul3A_1586 = arith.muli %select_n3A_1584, %mul3A_1585 : i32
        %dma_wait3A_1587 = arith.constant 0 : i32
        %dma_wait3A_1588 = tpu.memref_slice %arg4[%select_n3A_1568, %dma_wait3A_1587, %mul3A_1586] : memref<4x4096x2048xf32, #tpu.memory_space<hbm>> -> memref<1x64x128xf32, #tpu.memory_space<hbm>>
        %dma_wait3A_1589 = tpu.memref_squeeze %dma_wait3A_1588 : memref<1x64x128xf32, #tpu.memory_space<hbm>> -> memref<64x128xf32, #tpu.memory_space<hbm>>
        %dma_wait3A_1590 = arith.constant 0 : i32
        %dma_wait3A_1591 = tpu.memref_slice %arg4[%select_n3A_1568, %dma_wait3A_1590, %mul3A_1586] : memref<4x4096x2048xf32, #tpu.memory_space<hbm>> -> memref<1x64x128xf32, #tpu.memory_space<hbm>>
        %dma_wait3A_1592 = tpu.memref_squeeze %dma_wait3A_1591 : memref<1x64x128xf32, #tpu.memory_space<hbm>> -> memref<64x128xf32, #tpu.memory_space<hbm>>
        tpu.wait_dma2 semaphore(%arg26 : memref<!tpu.dma_semaphore, #tpu.memory_space<semaphore_mem>>) src(%arg14 : memref<64x128xf32, #tpu.memory_space<vmem>>) dst(%dma_wait3A_1592 : memref<64x128xf32, #tpu.memory_space<hbm>>)
      } else {
      }
      %jit3A_890 = arith.constant 64 : i32
      %eq3A_891 = arith.constant 0 : i32
      %eq3A_892 = arith.cmpi eq, %jit3A_890, %eq3A_891 : i32
      %jit3A_893 = arith.constant 1 : i32
      %select_n3A_894 = arith.select %eq3A_892, %jit3A_893, %jit3A_890 : i32
      %rem3A_895 = arith.remsi %add3A_775, %select_n3A_894 : i32
      %ne3A_896 = arith.constant 0 : i32
      %ne3A_897 = arith.cmpi ne, %rem3A_895, %ne3A_896 : i32
      %lt3A_898 = arith.constant 0 : i32
      %lt3A_899 = arith.cmpi slt, %rem3A_895, %lt3A_898 : i32
      %lt3A_900 = arith.constant 0 : i32
      %lt3A_901 = arith.cmpi slt, %select_n3A_894, %lt3A_900 : i32
      %ne3A_902 = arith.xori %lt3A_899, %lt3A_901 : i1
      %and3A_903 = arith.andi %ne3A_902, %ne3A_897 : i1
      %add3A_904 = arith.addi %rem3A_895, %select_n3A_894 : i32
      %select_n3A_905 = arith.select %and3A_903, %add3A_904, %rem3A_895 : i32
      %eq3A_906 = arith.constant 0 : i32
      %eq3A_907 = arith.cmpi eq, %select_n3A_905, %eq3A_906 : i32
      %broadcast_in_dim3A_908 = arith.constant 0.000000e+00 : f32
      %broadcast_in_dim3A_909 = vector.broadcast %broadcast_in_dim3A_908 : f32 to vector<16xf32>
      %select_n3A_910 = arith.select %eq3A_907, %broadcast_in_dim3A_909, %scan3A_679#0 : vector<16xf32>
      %broadcast_in_dim3A_911 = arith.constant 0.000000e+00 : f32
      %broadcast_in_dim3A_912 = vector.broadcast %broadcast_in_dim3A_911 : f32 to vector<16xf32>
      %select_n3A_913 = arith.select %eq3A_907, %broadcast_in_dim3A_912, %scan3A_679#1 : vector<16xf32>
      %broadcast_in_dim3A_914 = arith.constant 0.000000e+00 : f32
      %broadcast_in_dim3A_915 = vector.broadcast %broadcast_in_dim3A_914 : f32 to vector<16xf32>
      %select_n3A_916 = arith.select %eq3A_907, %broadcast_in_dim3A_915, %scan3A_679#2 : vector<16xf32>
      %broadcast_in_dim3A_917 = arith.constant 0.000000e+00 : f32
      %broadcast_in_dim3A_918 = vector.broadcast %broadcast_in_dim3A_917 : f32 to vector<16xf32>
      %select_n3A_919 = arith.select %eq3A_907, %broadcast_in_dim3A_918, %scan3A_679#3 : vector<16xf32>
      %broadcast_in_dim3A_920 = arith.constant 0.000000e+00 : f32
      %broadcast_in_dim3A_921 = vector.broadcast %broadcast_in_dim3A_920 : f32 to vector<16xf32>
      %select_n3A_922 = arith.select %eq3A_907, %broadcast_in_dim3A_921, %scan3A_679#4 : vector<16xf32>
      %broadcast_in_dim3A_923 = arith.constant 0.000000e+00 : f32
      %broadcast_in_dim3A_924 = vector.broadcast %broadcast_in_dim3A_923 : f32 to vector<16xf32>
      %select_n3A_925 = arith.select %eq3A_907, %broadcast_in_dim3A_924, %scan3A_679#5 : vector<16xf32>
      %broadcast_in_dim3A_926 = arith.constant 0.000000e+00 : f32
      %broadcast_in_dim3A_927 = vector.broadcast %broadcast_in_dim3A_926 : f32 to vector<16xf32>
      %select_n3A_928 = arith.select %eq3A_907, %broadcast_in_dim3A_927, %scan3A_679#6 : vector<16xf32>
      %broadcast_in_dim3A_929 = arith.constant 0.000000e+00 : f32
      %broadcast_in_dim3A_930 = vector.broadcast %broadcast_in_dim3A_929 : f32 to vector<16xf32>
      %select_n3A_931 = arith.select %eq3A_907, %broadcast_in_dim3A_930, %scan3A_679#7 : vector<16xf32>
      %scan3A_932 = arith.constant 0 : i32
      %scan3A_933 = arith.constant 32 : i32
      %scan3A_934 = arith.addi %scan3A_932, %scan3A_933 : i32
      %scan3A_935 = arith.constant 1 : i32
      %scan3A_936:8 = scf.for %scan3A_1543 = %scan3A_932 to %scan3A_934 step %scan3A_935 iter_args(%scan3A_1544 = %select_n3A_910, %scan3A_1545 = %select_n3A_913, %scan3A_1546 = %select_n3A_916, %scan3A_1547 = %select_n3A_919, %scan3A_1548 = %select_n3A_922, %scan3A_1549 = %select_n3A_925, %scan3A_1550 = %select_n3A_928, %scan3A_1551 = %select_n3A_931) -> (vector<16xf32>, vector<16xf32>, vector<16xf32>, vector<16xf32>, vector<16xf32>, vector<16xf32>, vector<16xf32>, vector<16xf32>)  : i32 {
        %mul3A_1552 = arith.constant 2 : i32
        %mul3A_1553 = arith.muli %scan3A_1543, %mul3A_1552 : i32
        %add3A_1554 = arith.constant 0 : i32
        %add3A_1555 = arith.addi %mul3A_1553, %add3A_1554 : i32
        %get3A = arith.index_cast %add3A_1555 : i32 to index
        %get3A_1556 = arith.constant 0 : index
        %get3A_1557 = tpu.vector_load %arg6[%get3A, %get3A_1556] {strides = array<i32>} : memref<64x128xf32, #tpu.memory_space<vmem>>, vector<1x16xf32>,
        %get3A_1558 = vector.shape_cast %get3A_1557 : vector<1x16xf32> to vector<16xf32>
        %get3A_1559 = arith.index_cast %add3A_1555 : i32 to index
        %get3A_1560 = arith.constant 0 : index
        %get3A_1561 = tpu.vector_load %arg10[%get3A_1559, %get3A_1560] {strides = array<i32>} : memref<64x128xf32, #tpu.memory_space<vmem>>, vector<1x16xf32>,
        %get3A_1562 = vector.shape_cast %get3A_1561 : vector<1x16xf32> to vector<16xf32>
        %mul3A_1563 = arith.mulf %get3A_1558, %get3A_1562 : vector<16xf32>
        %add3A_1564 = arith.addf %scan3A_1544, %mul3A_1563 : vector<16xf32>
        %swap3A = arith.index_cast %add3A_1555 : i32 to index
        %swap3A_1565 = arith.constant 0 : index
        %swap3A_1566 = tpu.vector_load %arg14[%swap3A, %swap3A_1565] {strides = array<i32>} : memref<64x128xf32, #tpu.memory_space<vmem>>, vector<1x16xf32>,
        %swap3A_1567 = vector.shape_cast %swap3A_1566 : vector<1x16xf32> to vector<16xf32>
        %swap3A_1568 = vector.shape_cast %add3A_1564 : vector<16xf32> to vector<1x16xf32>
        tpu.vector_store %arg14[%swap3A, %swap3A_1565], %swap3A_1568 {strides = array<i32>} : memref<64x128xf32, #tpu.memory_space<vmem>>, vector<1x16xf32>,
        %get3A_1569 = arith.index_cast %add3A_1555 : i32 to index
        %get3A_1570 = arith.constant 16 : index
        %get3A_1571 = tpu.vector_load %arg6[%get3A_1569, %get3A_1570] {strides = array<i32>} : memref<64x128xf32, #tpu.memory_space<vmem>>, vector<1x16xf32>,
        %get3A_1572 = vector.shape_cast %get3A_1571 : vector<1x16xf32> to vector<16xf32>
        %get3A_1573 = arith.index_cast %add3A_1555 : i32 to index
        %get3A_1574 = arith.constant 16 : index
        %get3A_1575 = tpu.vector_load %arg10[%get3A_1573, %get3A_1574] {strides = array<i32>} : memref<64x128xf32, #tpu.memory_space<vmem>>, vector<1x16xf32>,
        %get3A_1576 = vector.shape_cast %get3A_1575 : vector<1x16xf32> to vector<16xf32>
        %mul3A_1577 = arith.mulf %get3A_1572, %get3A_1576 : vector<16xf32>
        %add3A_1578 = arith.addf %scan3A_1545, %mul3A_1577 : vector<16xf32>
        %swap3A_1579 = arith.index_cast %add3A_1555 : i32 to index
        %swap3A_1580 = arith.constant 16 : index
        %swap3A_1581 = tpu.vector_load %arg14[%swap3A_1579, %swap3A_1580] {strides = array<i32>} : memref<64x128xf32, #tpu.memory_space<vmem>>, vector<1x16xf32>,
        %swap3A_1582 = vector.shape_cast %swap3A_1581 : vector<1x16xf32> to vector<16xf32>
        %swap3A_1583 = vector.shape_cast %add3A_1578 : vector<16xf32> to vector<1x16xf32>
        tpu.vector_store %arg14[%swap3A_1579, %swap3A_1580], %swap3A_1583 {strides = array<i32>} : memref<64x128xf32, #tpu.memory_space<vmem>>, vector<1x16xf32>,
        %get3A_1584 = arith.index_cast %add3A_1555 : i32 to index
        %get3A_1585 = arith.constant 32 : index
        %get3A_1586 = tpu.vector_load %arg6[%get3A_1584, %get3A_1585] {strides = array<i32>} : memref<64x128xf32, #tpu.memory_space<vmem>>, vector<1x16xf32>,
        %get3A_1587 = vector.shape_cast %get3A_1586 : vector<1x16xf32> to vector<16xf32>
        %get3A_1588 = arith.index_cast %add3A_1555 : i32 to index
        %get3A_1589 = arith.constant 32 : index
        %get3A_1590 = tpu.vector_load %arg10[%get3A_1588, %get3A_1589] {strides = array<i32>} : memref<64x128xf32, #tpu.memory_space<vmem>>, vector<1x16xf32>,
        %get3A_1591 = vector.shape_cast %get3A_1590 : vector<1x16xf32> to vector<16xf32>
        %mul3A_1592 = arith.mulf %get3A_1587, %get3A_1591 : vector<16xf32>
        %add3A_1593 = arith.addf %scan3A_1546, %mul3A_1592 : vector<16xf32>
        %swap3A_1594 = arith.index_cast %add3A_1555 : i32 to index
        %swap3A_1595 = arith.constant 32 : index
        %swap3A_1596 = tpu.vector_load %arg14[%swap3A_1594, %swap3A_1595] {strides = array<i32>} : memref<64x128xf32, #tpu.memory_space<vmem>>, vector<1x16xf32>,
        %swap3A_1597 = vector.shape_cast %swap3A_1596 : vector<1x16xf32> to vector<16xf32>
        %swap3A_1598 = vector.shape_cast %add3A_1593 : vector<16xf32> to vector<1x16xf32>
        tpu.vector_store %arg14[%swap3A_1594, %swap3A_1595], %swap3A_1598 {strides = array<i32>} : memref<64x128xf32, #tpu.memory_space<vmem>>, vector<1x16xf32>,
        %get3A_1599 = arith.index_cast %add3A_1555 : i32 to index
        %get3A_1600 = arith.constant 48 : index
        %get3A_1601 = tpu.vector_load %arg6[%get3A_1599, %get3A_1600] {strides = array<i32>} : memref<64x128xf32, #tpu.memory_space<vmem>>, vector<1x16xf32>,
        %get3A_1602 = vector.shape_cast %get3A_1601 : vector<1x16xf32> to vector<16xf32>
        %get3A_1603 = arith.index_cast %add3A_1555 : i32 to index
        %get3A_1604 = arith.constant 48 : index
        %get3A_1605 = tpu.vector_load %arg10[%get3A_1603, %get3A_1604] {strides = array<i32>} : memref<64x128xf32, #tpu.memory_space<vmem>>, vector<1x16xf32>,
        %get3A_1606 = vector.shape_cast %get3A_1605 : vector<1x16xf32> to vector<16xf32>
        %mul3A_1607 = arith.mulf %get3A_1602, %get3A_1606 : vector<16xf32>
        %add3A_1608 = arith.addf %scan3A_1547, %mul3A_1607 : vector<16xf32>
        %swap3A_1609 = arith.index_cast %add3A_1555 : i32 to index
        %swap3A_1610 = arith.constant 48 : index
        %swap3A_1611 = tpu.vector_load %arg14[%swap3A_1609, %swap3A_1610] {strides = array<i32>} : memref<64x128xf32, #tpu.memory_space<vmem>>, vector<1x16xf32>,
        %swap3A_1612 = vector.shape_cast %swap3A_1611 : vector<1x16xf32> to vector<16xf32>
        %swap3A_1613 = vector.shape_cast %add3A_1608 : vector<16xf32> to vector<1x16xf32>
        tpu.vector_store %arg14[%swap3A_1609, %swap3A_1610], %swap3A_1613 {strides = array<i32>} : memref<64x128xf32, #tpu.memory_space<vmem>>, vector<1x16xf32>,
        %get3A_1614 = arith.index_cast %add3A_1555 : i32 to index
        %get3A_1615 = arith.constant 64 : index
        %get3A_1616 = tpu.vector_load %arg6[%get3A_1614, %get3A_1615] {strides = array<i32>} : memref<64x128xf32, #tpu.memory_space<vmem>>, vector<1x16xf32>,
        %get3A_1617 = vector.shape_cast %get3A_1616 : vector<1x16xf32> to vector<16xf32>
        %get3A_1618 = arith.index_cast %add3A_1555 : i32 to index
        %get3A_1619 = arith.constant 64 : index
        %get3A_1620 = tpu.vector_load %arg10[%get3A_1618, %get3A_1619] {strides = array<i32>} : memref<64x128xf32, #tpu.memory_space<vmem>>, vector<1x16xf32>,
        %get3A_1621 = vector.shape_cast %get3A_1620 : vector<1x16xf32> to vector<16xf32>
        %mul3A_1622 = arith.mulf %get3A_1617, %get3A_1621 : vector<16xf32>
        %add3A_1623 = arith.addf %scan3A_1548, %mul3A_1622 : vector<16xf32>
        %swap3A_1624 = arith.index_cast %add3A_1555 : i32 to index
        %swap3A_1625 = arith.constant 64 : index
        %swap3A_1626 = tpu.vector_load %arg14[%swap3A_1624, %swap3A_1625] {strides = array<i32>} : memref<64x128xf32, #tpu.memory_space<vmem>>, vector<1x16xf32>,
        %swap3A_1627 = vector.shape_cast %swap3A_1626 : vector<1x16xf32> to vector<16xf32>
        %swap3A_1628 = vector.shape_cast %add3A_1623 : vector<16xf32> to vector<1x16xf32>
        tpu.vector_store %arg14[%swap3A_1624, %swap3A_1625], %swap3A_1628 {strides = array<i32>} : memref<64x128xf32, #tpu.memory_space<vmem>>, vector<1x16xf32>,
        %get3A_1629 = arith.index_cast %add3A_1555 : i32 to index
        %get3A_1630 = arith.constant 80 : index
        %get3A_1631 = tpu.vector_load %arg6[%get3A_1629, %get3A_1630] {strides = array<i32>} : memref<64x128xf32, #tpu.memory_space<vmem>>, vector<1x16xf32>,
        %get3A_1632 = vector.shape_cast %get3A_1631 : vector<1x16xf32> to vector<16xf32>
        %get3A_1633 = arith.index_cast %add3A_1555 : i32 to index
        %get3A_1634 = arith.constant 80 : index
        %get3A_1635 = tpu.vector_load %arg10[%get3A_1633, %get3A_1634] {strides = array<i32>} : memref<64x128xf32, #tpu.memory_space<vmem>>, vector<1x16xf32>,
        %get3A_1636 = vector.shape_cast %get3A_1635 : vector<1x16xf32> to vector<16xf32>
        %mul3A_1637 = arith.mulf %get3A_1632, %get3A_1636 : vector<16xf32>
        %add3A_1638 = arith.addf %scan3A_1549, %mul3A_1637 : vector<16xf32>
        %swap3A_1639 = arith.index_cast %add3A_1555 : i32 to index
        %swap3A_1640 = arith.constant 80 : index
        %swap3A_1641 = tpu.vector_load %arg14[%swap3A_1639, %swap3A_1640] {strides = array<i32>} : memref<64x128xf32, #tpu.memory_space<vmem>>, vector<1x16xf32>,
        %swap3A_1642 = vector.shape_cast %swap3A_1641 : vector<1x16xf32> to vector<16xf32>
        %swap3A_1643 = vector.shape_cast %add3A_1638 : vector<16xf32> to vector<1x16xf32>
        tpu.vector_store %arg14[%swap3A_1639, %swap3A_1640], %swap3A_1643 {strides = array<i32>} : memref<64x128xf32, #tpu.memory_space<vmem>>, vector<1x16xf32>,
        %get3A_1644 = arith.index_cast %add3A_1555 : i32 to index
        %get3A_1645 = arith.constant 96 : index
        %get3A_1646 = tpu.vector_load %arg6[%get3A_1644, %get3A_1645] {strides = array<i32>} : memref<64x128xf32, #tpu.memory_space<vmem>>, vector<1x16xf32>,
        %get3A_1647 = vector.shape_cast %get3A_1646 : vector<1x16xf32> to vector<16xf32>
        %get3A_1648 = arith.index_cast %add3A_1555 : i32 to index
        %get3A_1649 = arith.constant 96 : index
        %get3A_1650 = tpu.vector_load %arg10[%get3A_1648, %get3A_1649] {strides = array<i32>} : memref<64x128xf32, #tpu.memory_space<vmem>>, vector<1x16xf32>,
        %get3A_1651 = vector.shape_cast %get3A_1650 : vector<1x16xf32> to vector<16xf32>
        %mul3A_1652 = arith.mulf %get3A_1647, %get3A_1651 : vector<16xf32>
        %add3A_1653 = arith.addf %scan3A_1550, %mul3A_1652 : vector<16xf32>
        %swap3A_1654 = arith.index_cast %add3A_1555 : i32 to index
        %swap3A_1655 = arith.constant 96 : index
        %swap3A_1656 = tpu.vector_load %arg14[%swap3A_1654, %swap3A_1655] {strides = array<i32>} : memref<64x128xf32, #tpu.memory_space<vmem>>, vector<1x16xf32>,
        %swap3A_1657 = vector.shape_cast %swap3A_1656 : vector<1x16xf32> to vector<16xf32>
        %swap3A_1658 = vector.shape_cast %add3A_1653 : vector<16xf32> to vector<1x16xf32>
        tpu.vector_store %arg14[%swap3A_1654, %swap3A_1655], %swap3A_1658 {strides = array<i32>} : memref<64x128xf32, #tpu.memory_space<vmem>>, vector<1x16xf32>,
        %get3A_1659 = arith.index_cast %add3A_1555 : i32 to index
        %get3A_1660 = arith.constant 112 : index
        %get3A_1661 = tpu.vector_load %arg6[%get3A_1659, %get3A_1660] {strides = array<i32>} : memref<64x128xf32, #tpu.memory_space<vmem>>, vector<1x16xf32>,
        %get3A_1662 = vector.shape_cast %get3A_1661 : vector<1x16xf32> to vector<16xf32>
        %get3A_1663 = arith.index_cast %add3A_1555 : i32 to index
        %get3A_1664 = arith.constant 112 : index
        %get3A_1665 = tpu.vector_load %arg10[%get3A_1663, %get3A_1664] {strides = array<i32>} : memref<64x128xf32, #tpu.memory_space<vmem>>, vector<1x16xf32>,
        %get3A_1666 = vector.shape_cast %get3A_1665 : vector<1x16xf32> to vector<16xf32>
        %mul3A_1667 = arith.mulf %get3A_1662, %get3A_1666 : vector<16xf32>
        %add3A_1668 = arith.addf %scan3A_1551, %mul3A_1667 : vector<16xf32>
        %swap3A_1669 = arith.index_cast %add3A_1555 : i32 to index
        %swap3A_1670 = arith.constant 112 : index
        %swap3A_1671 = tpu.vector_load %arg14[%swap3A_1669, %swap3A_1670] {strides = array<i32>} : memref<64x128xf32, #tpu.memory_space<vmem>>, vector<1x16xf32>,
        %swap3A_1672 = vector.shape_cast %swap3A_1671 : vector<1x16xf32> to vector<16xf32>
        %swap3A_1673 = vector.shape_cast %add3A_1668 : vector<16xf32> to vector<1x16xf32>
        tpu.vector_store %arg14[%swap3A_1669, %swap3A_1670], %swap3A_1673 {strides = array<i32>} : memref<64x128xf32, #tpu.memory_space<vmem>>, vector<1x16xf32>,
        %mul3A_1674 = arith.constant 2 : i32
        %mul3A_1675 = arith.muli %scan3A_1543, %mul3A_1674 : i32
        %add3A_1676 = arith.constant 1 : i32
        %add3A_1677 = arith.addi %mul3A_1675, %add3A_1676 : i32
        %get3A_1678 = arith.index_cast %add3A_1677 : i32 to index
        %get3A_1679 = arith.constant 0 : index
        %get3A_1680 = tpu.vector_load %arg6[%get3A_1678, %get3A_1679] {strides = array<i32>} : memref<64x128xf32, #tpu.memory_space<vmem>>, vector<1x16xf32>,
        %get3A_1681 = vector.shape_cast %get3A_1680 : vector<1x16xf32> to vector<16xf32>
        %get3A_1682 = arith.index_cast %add3A_1677 : i32 to index
        %get3A_1683 = arith.constant 0 : index
        %get3A_1684 = tpu.vector_load %arg10[%get3A_1682, %get3A_1683] {strides = array<i32>} : memref<64x128xf32, #tpu.memory_space<vmem>>, vector<1x16xf32>,
        %get3A_1685 = vector.shape_cast %get3A_1684 : vector<1x16xf32> to vector<16xf32>
        %mul3A_1686 = arith.mulf %get3A_1681, %get3A_1685 : vector<16xf32>
        %add3A_1687 = arith.addf %add3A_1564, %mul3A_1686 : vector<16xf32>
        %swap3A_1688 = arith.index_cast %add3A_1677 : i32 to index
        %swap3A_1689 = arith.constant 0 : index
        %swap3A_1690 = tpu.vector_load %arg14[%swap3A_1688, %swap3A_1689] {strides = array<i32>} : memref<64x128xf32, #tpu.memory_space<vmem>>, vector<1x16xf32>,
        %swap3A_1691 = vector.shape_cast %swap3A_1690 : vector<1x16xf32> to vector<16xf32>
        %swap3A_1692 = vector.shape_cast %add3A_1687 : vector<16xf32> to vector<1x16xf32>
        tpu.vector_store %arg14[%swap3A_1688, %swap3A_1689], %swap3A_1692 {strides = array<i32>} : memref<64x128xf32, #tpu.memory_space<vmem>>, vector<1x16xf32>,
        %get3A_1693 = arith.index_cast %add3A_1677 : i32 to index
        %get3A_1694 = arith.constant 16 : index
        %get3A_1695 = tpu.vector_load %arg6[%get3A_1693, %get3A_1694] {strides = array<i32>} : memref<64x128xf32, #tpu.memory_space<vmem>>, vector<1x16xf32>,
        %get3A_1696 = vector.shape_cast %get3A_1695 : vector<1x16xf32> to vector<16xf32>
        %get3A_1697 = arith.index_cast %add3A_1677 : i32 to index
        %get3A_1698 = arith.constant 16 : index
        %get3A_1699 = tpu.vector_load %arg10[%get3A_1697, %get3A_1698] {strides = array<i32>} : memref<64x128xf32, #tpu.memory_space<vmem>>, vector<1x16xf32>,
        %get3A_1700 = vector.shape_cast %get3A_1699 : vector<1x16xf32> to vector<16xf32>
        %mul3A_1701 = arith.mulf %get3A_1696, %get3A_1700 : vector<16xf32>
        %add3A_1702 = arith.addf %add3A_1578, %mul3A_1701 : vector<16xf32>
        %swap3A_1703 = arith.index_cast %add3A_1677 : i32 to index
        %swap3A_1704 = arith.constant 16 : index
        %swap3A_1705 = tpu.vector_load %arg14[%swap3A_1703, %swap3A_1704] {strides = array<i32>} : memref<64x128xf32, #tpu.memory_space<vmem>>, vector<1x16xf32>,
        %swap3A_1706 = vector.shape_cast %swap3A_1705 : vector<1x16xf32> to vector<16xf32>
        %swap3A_1707 = vector.shape_cast %add3A_1702 : vector<16xf32> to vector<1x16xf32>
        tpu.vector_store %arg14[%swap3A_1703, %swap3A_1704], %swap3A_1707 {strides = array<i32>} : memref<64x128xf32, #tpu.memory_space<vmem>>, vector<1x16xf32>,
        %get3A_1708 = arith.index_cast %add3A_1677 : i32 to index
        %get3A_1709 = arith.constant 32 : index
        %get3A_1710 = tpu.vector_load %arg6[%get3A_1708, %get3A_1709] {strides = array<i32>} : memref<64x128xf32, #tpu.memory_space<vmem>>, vector<1x16xf32>,
        %get3A_1711 = vector.shape_cast %get3A_1710 : vector<1x16xf32> to vector<16xf32>
        %get3A_1712 = arith.index_cast %add3A_1677 : i32 to index
        %get3A_1713 = arith.constant 32 : index
        %get3A_1714 = tpu.vector_load %arg10[%get3A_1712, %get3A_1713] {strides = array<i32>} : memref<64x128xf32, #tpu.memory_space<vmem>>, vector<1x16xf32>,
        %get3A_1715 = vector.shape_cast %get3A_1714 : vector<1x16xf32> to vector<16xf32>
        %mul3A_1716 = arith.mulf %get3A_1711, %get3A_1715 : vector<16xf32>
        %add3A_1717 = arith.addf %add3A_1593, %mul3A_1716 : vector<16xf32>
        %swap3A_1718 = arith.index_cast %add3A_1677 : i32 to index
        %swap3A_1719 = arith.constant 32 : index
        %swap3A_1720 = tpu.vector_load %arg14[%swap3A_1718, %swap3A_1719] {strides = array<i32>} : memref<64x128xf32, #tpu.memory_space<vmem>>, vector<1x16xf32>,
        %swap3A_1721 = vector.shape_cast %swap3A_1720 : vector<1x16xf32> to vector<16xf32>
        %swap3A_1722 = vector.shape_cast %add3A_1717 : vector<16xf32> to vector<1x16xf32>
        tpu.vector_store %arg14[%swap3A_1718, %swap3A_1719], %swap3A_1722 {strides = array<i32>} : memref<64x128xf32, #tpu.memory_space<vmem>>, vector<1x16xf32>,
        %get3A_1723 = arith.index_cast %add3A_1677 : i32 to index
        %get3A_1724 = arith.constant 48 : index
        %get3A_1725 = tpu.vector_load %arg6[%get3A_1723, %get3A_1724] {strides = array<i32>} : memref<64x128xf32, #tpu.memory_space<vmem>>, vector<1x16xf32>,
        %get3A_1726 = vector.shape_cast %get3A_1725 : vector<1x16xf32> to vector<16xf32>
        %get3A_1727 = arith.index_cast %add3A_1677 : i32 to index
        %get3A_1728 = arith.constant 48 : index
        %get3A_1729 = tpu.vector_load %arg10[%get3A_1727, %get3A_1728] {strides = array<i32>} : memref<64x128xf32, #tpu.memory_space<vmem>>, vector<1x16xf32>,
        %get3A_1730 = vector.shape_cast %get3A_1729 : vector<1x16xf32> to vector<16xf32>
        %mul3A_1731 = arith.mulf %get3A_1726, %get3A_1730 : vector<16xf32>
        %add3A_1732 = arith.addf %add3A_1608, %mul3A_1731 : vector<16xf32>
        %swap3A_1733 = arith.index_cast %add3A_1677 : i32 to index
        %swap3A_1734 = arith.constant 48 : index
        %swap3A_1735 = tpu.vector_load %arg14[%swap3A_1733, %swap3A_1734] {strides = array<i32>} : memref<64x128xf32, #tpu.memory_space<vmem>>, vector<1x16xf32>,
        %swap3A_1736 = vector.shape_cast %swap3A_1735 : vector<1x16xf32> to vector<16xf32>
        %swap3A_1737 = vector.shape_cast %add3A_1732 : vector<16xf32> to vector<1x16xf32>
        tpu.vector_store %arg14[%swap3A_1733, %swap3A_1734], %swap3A_1737 {strides = array<i32>} : memref<64x128xf32, #tpu.memory_space<vmem>>, vector<1x16xf32>,
        %get3A_1738 = arith.index_cast %add3A_1677 : i32 to index
        %get3A_1739 = arith.constant 64 : index
        %get3A_1740 = tpu.vector_load %arg6[%get3A_1738, %get3A_1739] {strides = array<i32>} : memref<64x128xf32, #tpu.memory_space<vmem>>, vector<1x16xf32>,
        %get3A_1741 = vector.shape_cast %get3A_1740 : vector<1x16xf32> to vector<16xf32>
        %get3A_1742 = arith.index_cast %add3A_1677 : i32 to index
        %get3A_1743 = arith.constant 64 : index
        %get3A_1744 = tpu.vector_load %arg10[%get3A_1742, %get3A_1743] {strides = array<i32>} : memref<64x128xf32, #tpu.memory_space<vmem>>, vector<1x16xf32>,
        %get3A_1745 = vector.shape_cast %get3A_1744 : vector<1x16xf32> to vector<16xf32>
        %mul3A_1746 = arith.mulf %get3A_1741, %get3A_1745 : vector<16xf32>
        %add3A_1747 = arith.addf %add3A_1623, %mul3A_1746 : vector<16xf32>
        %swap3A_1748 = arith.index_cast %add3A_1677 : i32 to index
        %swap3A_1749 = arith.constant 64 : index
        %swap3A_1750 = tpu.vector_load %arg14[%swap3A_1748, %swap3A_1749] {strides = array<i32>} : memref<64x128xf32, #tpu.memory_space<vmem>>, vector<1x16xf32>,
        %swap3A_1751 = vector.shape_cast %swap3A_1750 : vector<1x16xf32> to vector<16xf32>
        %swap3A_1752 = vector.shape_cast %add3A_1747 : vector<16xf32> to vector<1x16xf32>
        tpu.vector_store %arg14[%swap3A_1748, %swap3A_1749], %swap3A_1752 {strides = array<i32>} : memref<64x128xf32, #tpu.memory_space<vmem>>, vector<1x16xf32>,
        %get3A_1753 = arith.index_cast %add3A_1677 : i32 to index
        %get3A_1754 = arith.constant 80 : index
        %get3A_1755 = tpu.vector_load %arg6[%get3A_1753, %get3A_1754] {strides = array<i32>} : memref<64x128xf32, #tpu.memory_space<vmem>>, vector<1x16xf32>,
        %get3A_1756 = vector.shape_cast %get3A_1755 : vector<1x16xf32> to vector<16xf32>
        %get3A_1757 = arith.index_cast %add3A_1677 : i32 to index
        %get3A_1758 = arith.constant 80 : index
        %get3A_1759 = tpu.vector_load %arg10[%get3A_1757, %get3A_1758] {strides = array<i32>} : memref<64x128xf32, #tpu.memory_space<vmem>>, vector<1x16xf32>,
        %get3A_1760 = vector.shape_cast %get3A_1759 : vector<1x16xf32> to vector<16xf32>
        %mul3A_1761 = arith.mulf %get3A_1756, %get3A_1760 : vector<16xf32>
        %add3A_1762 = arith.addf %add3A_1638, %mul3A_1761 : vector<16xf32>
        %swap3A_1763 = arith.index_cast %add3A_1677 : i32 to index
        %swap3A_1764 = arith.constant 80 : index
        %swap3A_1765 = tpu.vector_load %arg14[%swap3A_1763, %swap3A_1764] {strides = array<i32>} : memref<64x128xf32, #tpu.memory_space<vmem>>, vector<1x16xf32>,
        %swap3A_1766 = vector.shape_cast %swap3A_1765 : vector<1x16xf32> to vector<16xf32>
        %swap3A_1767 = vector.shape_cast %add3A_1762 : vector<16xf32> to vector<1x16xf32>
        tpu.vector_store %arg14[%swap3A_1763, %swap3A_1764], %swap3A_1767 {strides = array<i32>} : memref<64x128xf32, #tpu.memory_space<vmem>>, vector<1x16xf32>,
        %get3A_1768 = arith.index_cast %add3A_1677 : i32 to index
        %get3A_1769 = arith.constant 96 : index
        %get3A_1770 = tpu.vector_load %arg6[%get3A_1768, %get3A_1769] {strides = array<i32>} : memref<64x128xf32, #tpu.memory_space<vmem>>, vector<1x16xf32>,
        %get3A_1771 = vector.shape_cast %get3A_1770 : vector<1x16xf32> to vector<16xf32>
        %get3A_1772 = arith.index_cast %add3A_1677 : i32 to index
        %get3A_1773 = arith.constant 96 : index
        %get3A_1774 = tpu.vector_load %arg10[%get3A_1772, %get3A_1773] {strides = array<i32>} : memref<64x128xf32, #tpu.memory_space<vmem>>, vector<1x16xf32>,
        %get3A_1775 = vector.shape_cast %get3A_1774 : vector<1x16xf32> to vector<16xf32>
        %mul3A_1776 = arith.mulf %get3A_1771, %get3A_1775 : vector<16xf32>
        %add3A_1777 = arith.addf %add3A_1653, %mul3A_1776 : vector<16xf32>
        %swap3A_1778 = arith.index_cast %add3A_1677 : i32 to index
        %swap3A_1779 = arith.constant 96 : index
        %swap3A_1780 = tpu.vector_load %arg14[%swap3A_1778, %swap3A_1779] {strides = array<i32>} : memref<64x128xf32, #tpu.memory_space<vmem>>, vector<1x16xf32>,
        %swap3A_1781 = vector.shape_cast %swap3A_1780 : vector<1x16xf32> to vector<16xf32>
        %swap3A_1782 = vector.shape_cast %add3A_1777 : vector<16xf32> to vector<1x16xf32>
        tpu.vector_store %arg14[%swap3A_1778, %swap3A_1779], %swap3A_1782 {strides = array<i32>} : memref<64x128xf32, #tpu.memory_space<vmem>>, vector<1x16xf32>,
        %get3A_1783 = arith.index_cast %add3A_1677 : i32 to index
        %get3A_1784 = arith.constant 112 : index
        %get3A_1785 = tpu.vector_load %arg6[%get3A_1783, %get3A_1784] {strides = array<i32>} : memref<64x128xf32, #tpu.memory_space<vmem>>, vector<1x16xf32>,
        %get3A_1786 = vector.shape_cast %get3A_1785 : vector<1x16xf32> to vector<16xf32>
        %get3A_1787 = arith.index_cast %add3A_1677 : i32 to index
        %get3A_1788 = arith.constant 112 : index
        %get3A_1789 = tpu.vector_load %arg10[%get3A_1787, %get3A_1788] {strides = array<i32>} : memref<64x128xf32, #tpu.memory_space<vmem>>, vector<1x16xf32>,
        %get3A_1790 = vector.shape_cast %get3A_1789 : vector<1x16xf32> to vector<16xf32>
        %mul3A_1791 = arith.mulf %get3A_1786, %get3A_1790 : vector<16xf32>
        %add3A_1792 = arith.addf %add3A_1668, %mul3A_1791 : vector<16xf32>
        %swap3A_1793 = arith.index_cast %add3A_1677 : i32 to index
        %swap3A_1794 = arith.constant 112 : index
        %swap3A_1795 = tpu.vector_load %arg14[%swap3A_1793, %swap3A_1794] {strides = array<i32>} : memref<64x128xf32, #tpu.memory_space<vmem>>, vector<1x16xf32>,
        %swap3A_1796 = vector.shape_cast %swap3A_1795 : vector<1x16xf32> to vector<16xf32>
        %swap3A_1797 = vector.shape_cast %add3A_1792 : vector<16xf32> to vector<1x16xf32>
        tpu.vector_store %arg14[%swap3A_1793, %swap3A_1794], %swap3A_1797 {strides = array<i32>} : memref<64x128xf32, #tpu.memory_space<vmem>>, vector<1x16xf32>,
        scf.yield %add3A_1687, %add3A_1702, %add3A_1717, %add3A_1732, %add3A_1747, %add3A_1762, %add3A_1777, %add3A_1792 : vector<16xf32>, vector<16xf32>, vector<16xf32>, vector<16xf32>, vector<16xf32>, vector<16xf32>, vector<16xf32>, vector<16xf32>
      }
      %scan3A_937 = arith.constant 32 : i32
      %jit3A_938 = arith.constant 64 : i32
      %div3A_939 = arith.divsi %add3A_775, %jit3A_938 : i32
      %sign3A_940 = arith.constant 0 : i32
      %sign3A_941 = arith.cmpi sgt, %add3A_775, %sign3A_940 : i32
      %sign3A_942 = arith.extui %sign3A_941 : i1 to i32
      %sign3A_943 = arith.constant 0 : i32
      %sign3A_944 = arith.cmpi slt, %add3A_775, %sign3A_943 : i32
      %sign3A_945 = arith.extui %sign3A_944 : i1 to i32
      %sign3A_946 = arith.subi %sign3A_942, %sign3A_945 : i32
      %sign3A_947 = arith.constant 0 : i32
      %sign3A_948 = arith.cmpi sgt, %jit3A_938, %sign3A_947 : i32
      %sign3A_949 = arith.extui %sign3A_948 : i1 to i32
      %sign3A_950 = arith.constant 0 : i32
      %sign3A_951 = arith.cmpi slt, %jit3A_938, %sign3A_950 : i32
      %sign3A_952 = arith.extui %sign3A_951 : i1 to i32
      %sign3A_953 = arith.subi %sign3A_949, %sign3A_952 : i32
      %ne3A_954 = arith.cmpi ne, %sign3A_946, %sign3A_953 : i32
      %rem3A_955 = arith.remsi %add3A_775, %jit3A_938 : i32
      %ne3A_956 = arith.constant 0 : i32
      %ne3A_957 = arith.cmpi ne, %rem3A_955, %ne3A_956 : i32
      %and3A_958 = arith.andi %ne3A_954, %ne3A_957 : i1
      %sub3A_959 = arith.constant 1 : i32
      %sub3A_960 = arith.subi %div3A_939, %sub3A_959 : i32
      %select_n3A_961 = arith.select %and3A_958, %sub3A_960, %div3A_939 : i32
      %jit3A_962 = arith.constant 64 : i32
      %eq3A_963 = arith.constant 0 : i32
      %eq3A_964 = arith.cmpi eq, %jit3A_962, %eq3A_963 : i32
      %jit3A_965 = arith.constant 1 : i32
      %select_n3A_966 = arith.select %eq3A_964, %jit3A_965, %jit3A_962 : i32
      %rem3A_967 = arith.remsi %add3A_775, %select_n3A_966 : i32
      %ne3A_968 = arith.constant 0 : i32
      %ne3A_969 = arith.cmpi ne, %rem3A_967, %ne3A_968 : i32
      %lt3A_970 = arith.constant 0 : i32
      %lt3A_971 = arith.cmpi slt, %rem3A_967, %lt3A_970 : i32
      %lt3A_972 = arith.constant 0 : i32
      %lt3A_973 = arith.cmpi slt, %select_n3A_966, %lt3A_972 : i32
      %ne3A_974 = arith.xori %lt3A_971, %lt3A_973 : i1
      %and3A_975 = arith.andi %ne3A_974, %ne3A_969 : i1
      %add3A_976 = arith.addi %rem3A_967, %select_n3A_966 : i32
      %select_n3A_977 = arith.select %and3A_975, %add3A_976, %rem3A_967 : i32
      %mul3A_978 = arith.constant 32 : i32
      %mul3A_979 = arith.muli %mul3A_978, %select_n3A_961 : i32
      %add3A_980 = arith.addi %add3A, %mul3A_979 : i32
      %jit3A_981 = arith.constant 16 : i32
      %div3A_982 = arith.divsi %add3A_980, %jit3A_981 : i32
      %sign3A_983 = arith.constant 0 : i32
      %sign3A_984 = arith.cmpi sgt, %add3A_980, %sign3A_983 : i32
      %sign3A_985 = arith.extui %sign3A_984 : i1 to i32
      %sign3A_986 = arith.constant 0 : i32
      %sign3A_987 = arith.cmpi slt, %add3A_980, %sign3A_986 : i32
      %sign3A_988 = arith.extui %sign3A_987 : i1 to i32
      %sign3A_989 = arith.subi %sign3A_985, %sign3A_988 : i32
      %sign3A_990 = arith.constant 0 : i32
      %sign3A_991 = arith.cmpi sgt, %jit3A_981, %sign3A_990 : i32
      %sign3A_992 = arith.extui %sign3A_991 : i1 to i32
      %sign3A_993 = arith.constant 0 : i32
      %sign3A_994 = arith.cmpi slt, %jit3A_981, %sign3A_993 : i32
      %sign3A_995 = arith.extui %sign3A_994 : i1 to i32
      %sign3A_996 = arith.subi %sign3A_992, %sign3A_995 : i32
      %ne3A_997 = arith.cmpi ne, %sign3A_989, %sign3A_996 : i32
      %rem3A_998 = arith.remsi %add3A_980, %jit3A_981 : i32
      %ne3A_999 = arith.constant 0 : i32
      %ne3A_1000 = arith.cmpi ne, %rem3A_998, %ne3A_999 : i32
      %and3A_1001 = arith.andi %ne3A_997, %ne3A_1000 : i1
      %sub3A_1002 = arith.constant 1 : i32
      %sub3A_1003 = arith.subi %div3A_982, %sub3A_1002 : i32
      %select_n3A_1004 = arith.select %and3A_1001, %sub3A_1003, %div3A_982 : i32
      %jit3A_1005 = arith.constant 16 : i32
      %eq3A_1006 = arith.constant 0 : i32
      %eq3A_1007 = arith.cmpi eq, %jit3A_1005, %eq3A_1006 : i32
      %jit3A_1008 = arith.constant 1 : i32
      %select_n3A_1009 = arith.select %eq3A_1007, %jit3A_1008, %jit3A_1005 : i32
      %rem3A_1010 = arith.remsi %add3A_980, %select_n3A_1009 : i32
      %ne3A_1011 = arith.constant 0 : i32
      %ne3A_1012 = arith.cmpi ne, %rem3A_1010, %ne3A_1011 : i32
      %lt3A_1013 = arith.constant 0 : i32
      %lt3A_1014 = arith.cmpi slt, %rem3A_1010, %lt3A_1013 : i32
      %lt3A_1015 = arith.constant 0 : i32
      %lt3A_1016 = arith.cmpi slt, %select_n3A_1009, %lt3A_1015 : i32
      %ne3A_1017 = arith.xori %lt3A_1014, %lt3A_1016 : i1
      %and3A_1018 = arith.andi %ne3A_1017, %ne3A_1012 : i1
      %add3A_1019 = arith.addi %rem3A_1010, %select_n3A_1009 : i32
      %select_n3A_1020 = arith.select %and3A_1018, %add3A_1019, %rem3A_1010 : i32
      %mul3A_1021 = arith.constant 128 : i32
      %mul3A_1022 = arith.muli %select_n3A_1020, %mul3A_1021 : i32
      %mul3A_1023 = arith.constant 64 : i32
      %mul3A_1024 = arith.muli %select_n3A_977, %mul3A_1023 : i32
      %dma_start3A_1025 = tpu.memref_slice %arg4[%select_n3A_1004, %mul3A_1024, %mul3A_1022] : memref<4x4096x2048xf32, #tpu.memory_space<hbm>> -> memref<1x64x128xf32, #tpu.memory_space<hbm>>
      %dma_start3A_1026 = tpu.memref_squeeze %dma_start3A_1025 : memref<1x64x128xf32, #tpu.memory_space<hbm>> -> memref<64x128xf32, #tpu.memory_space<hbm>>
      %dma_start3A_1027 = tpu.memref_slice %arg4[%select_n3A_1004, %mul3A_1024, %mul3A_1022] : memref<4x4096x2048xf32, #tpu.memory_space<hbm>> -> memref<1x64x128xf32, #tpu.memory_space<hbm>>
      %dma_start3A_1028 = tpu.memref_squeeze %dma_start3A_1027 : memref<1x64x128xf32, #tpu.memory_space<hbm>> -> memref<64x128xf32, #tpu.memory_space<hbm>>
      tpu.enqueue_dma source(%arg14 : memref<64x128xf32, #tpu.memory_space<vmem>>) target(%dma_start3A_1028 : memref<64x128xf32, #tpu.memory_space<hbm>>) target_semaphore(%arg26 : memref<!tpu.dma_semaphore, #tpu.memory_space<semaphore_mem>>)
      %mul3A_1029 = arith.constant 4 : i32
      %mul3A_1030 = arith.muli %mul3A_1029, %scan3A_509 : i32
      %add3A_1031 = arith.constant 2 : i32
      %add3A_1032 = arith.addi %mul3A_1030, %add3A_1031 : i32
      %add3A_1033 = arith.constant 4 : i32
      %add3A_1034 = arith.addi %add3A_1032, %add3A_1033 : i32
      %sub3A_1035 = arith.constant 1 : i32
      %sub3A_1036 = arith.subi %add3A_1034, %sub3A_1035 : i32
      %lt3A_1037 = arith.constant 128 : i32
      %lt3A_1038 = arith.cmpi slt, %sub3A_1036, %lt3A_1037 : i32
      %convert_element_type3A_1039 = arith.extui %lt3A_1038 : i1 to i32
      %cond3A_1040 = arith.constant 0 : i32
      %cond3A_1041 = arith.cmpi ne, %convert_element_type3A_1039, %cond3A_1040 : i32
      scf.if %cond3A_1041 {
        %jit3A_1543 = arith.constant 64 : i32
        %div3A_1544 = arith.divsi %sub3A_1036, %jit3A_1543 : i32
        %sign3A_1545 = arith.constant 0 : i32
        %sign3A_1546 = arith.cmpi sgt, %sub3A_1036, %sign3A_1545 : i32
        %sign3A_1547 = arith.extui %sign3A_1546 : i1 to i32
        %sign3A_1548 = arith.constant 0 : i32
        %sign3A_1549 = arith.cmpi slt, %sub3A_1036, %sign3A_1548 : i32
        %sign3A_1550 = arith.extui %sign3A_1549 : i1 to i32
        %sign3A_1551 = arith.subi %sign3A_1547, %sign3A_1550 : i32
        %sign3A_1552 = arith.constant 0 : i32
        %sign3A_1553 = arith.cmpi sgt, %jit3A_1543, %sign3A_1552 : i32
        %sign3A_1554 = arith.extui %sign3A_1553 : i1 to i32
        %sign3A_1555 = arith.constant 0 : i32
        %sign3A_1556 = arith.cmpi slt, %jit3A_1543, %sign3A_1555 : i32
        %sign3A_1557 = arith.extui %sign3A_1556 : i1 to i32
        %sign3A_1558 = arith.subi %sign3A_1554, %sign3A_1557 : i32
        %ne3A_1559 = arith.cmpi ne, %sign3A_1551, %sign3A_1558 : i32
        %rem3A_1560 = arith.remsi %sub3A_1036, %jit3A_1543 : i32
        %ne3A_1561 = arith.constant 0 : i32
        %ne3A_1562 = arith.cmpi ne, %rem3A_1560, %ne3A_1561 : i32
        %and3A_1563 = arith.andi %ne3A_1559, %ne3A_1562 : i1
        %sub3A_1564 = arith.constant 1 : i32
        %sub3A_1565 = arith.subi %div3A_1544, %sub3A_1564 : i32
        %select_n3A_1566 = arith.select %and3A_1563, %sub3A_1565, %div3A_1544 : i32
        %jit3A_1567 = arith.constant 64 : i32
        %eq3A_1568 = arith.constant 0 : i32
        %eq3A_1569 = arith.cmpi eq, %jit3A_1567, %eq3A_1568 : i32
        %jit3A_1570 = arith.constant 1 : i32
        %select_n3A_1571 = arith.select %eq3A_1569, %jit3A_1570, %jit3A_1567 : i32
        %rem3A_1572 = arith.remsi %sub3A_1036, %select_n3A_1571 : i32
        %ne3A_1573 = arith.constant 0 : i32
        %ne3A_1574 = arith.cmpi ne, %rem3A_1572, %ne3A_1573 : i32
        %lt3A_1575 = arith.constant 0 : i32
        %lt3A_1576 = arith.cmpi slt, %rem3A_1572, %lt3A_1575 : i32
        %lt3A_1577 = arith.constant 0 : i32
        %lt3A_1578 = arith.cmpi slt, %select_n3A_1571, %lt3A_1577 : i32
        %ne3A_1579 = arith.xori %lt3A_1576, %lt3A_1578 : i1
        %and3A_1580 = arith.andi %ne3A_1579, %ne3A_1574 : i1
        %add3A_1581 = arith.addi %rem3A_1572, %select_n3A_1571 : i32
        %select_n3A_1582 = arith.select %and3A_1580, %add3A_1581, %rem3A_1572 : i32
        %mul3A_1583 = arith.constant 32 : i32
        %mul3A_1584 = arith.muli %mul3A_1583, %select_n3A_1566 : i32
        %add3A_1585 = arith.addi %add3A, %mul3A_1584 : i32
        %jit3A_1586 = arith.constant 16 : i32
        %div3A_1587 = arith.divsi %add3A_1585, %jit3A_1586 : i32
        %sign3A_1588 = arith.constant 0 : i32
        %sign3A_1589 = arith.cmpi sgt, %add3A_1585, %sign3A_1588 : i32
        %sign3A_1590 = arith.extui %sign3A_1589 : i1 to i32
        %sign3A_1591 = arith.constant 0 : i32
        %sign3A_1592 = arith.cmpi slt, %add3A_1585, %sign3A_1591 : i32
        %sign3A_1593 = arith.extui %sign3A_1592 : i1 to i32
        %sign3A_1594 = arith.subi %sign3A_1590, %sign3A_1593 : i32
        %sign3A_1595 = arith.constant 0 : i32
        %sign3A_1596 = arith.cmpi sgt, %jit3A_1586, %sign3A_1595 : i32
        %sign3A_1597 = arith.extui %sign3A_1596 : i1 to i32
        %sign3A_1598 = arith.constant 0 : i32
        %sign3A_1599 = arith.cmpi slt, %jit3A_1586, %sign3A_1598 : i32
        %sign3A_1600 = arith.extui %sign3A_1599 : i1 to i32
        %sign3A_1601 = arith.subi %sign3A_1597, %sign3A_1600 : i32
        %ne3A_1602 = arith.cmpi ne, %sign3A_1594, %sign3A_1601 : i32
        %rem3A_1603 = arith.remsi %add3A_1585, %jit3A_1586 : i32
        %ne3A_1604 = arith.constant 0 : i32
        %ne3A_1605 = arith.cmpi ne, %rem3A_1603, %ne3A_1604 : i32
        %and3A_1606 = arith.andi %ne3A_1602, %ne3A_1605 : i1
        %sub3A_1607 = arith.constant 1 : i32
        %sub3A_1608 = arith.subi %div3A_1587, %sub3A_1607 : i32
        %select_n3A_1609 = arith.select %and3A_1606, %sub3A_1608, %div3A_1587 : i32
        %jit3A_1610 = arith.constant 16 : i32
        %eq3A_1611 = arith.constant 0 : i32
        %eq3A_1612 = arith.cmpi eq, %jit3A_1610, %eq3A_1611 : i32
        %jit3A_1613 = arith.constant 1 : i32
        %select_n3A_1614 = arith.select %eq3A_1612, %jit3A_1613, %jit3A_1610 : i32
        %rem3A_1615 = arith.remsi %add3A_1585, %select_n3A_1614 : i32
        %ne3A_1616 = arith.constant 0 : i32
        %ne3A_1617 = arith.cmpi ne, %rem3A_1615, %ne3A_1616 : i32
        %lt3A_1618 = arith.constant 0 : i32
        %lt3A_1619 = arith.cmpi slt, %rem3A_1615, %lt3A_1618 : i32
        %lt3A_1620 = arith.constant 0 : i32
        %lt3A_1621 = arith.cmpi slt, %select_n3A_1614, %lt3A_1620 : i32
        %ne3A_1622 = arith.xori %lt3A_1619, %lt3A_1621 : i1
        %and3A_1623 = arith.andi %ne3A_1622, %ne3A_1617 : i1
        %add3A_1624 = arith.addi %rem3A_1615, %select_n3A_1614 : i32
        %select_n3A_1625 = arith.select %and3A_1623, %add3A_1624, %rem3A_1615 : i32
        %mul3A_1626 = arith.constant 128 : i32
        %mul3A_1627 = arith.muli %select_n3A_1625, %mul3A_1626 : i32
        %mul3A_1628 = arith.constant 64 : i32
        %mul3A_1629 = arith.muli %select_n3A_1582, %mul3A_1628 : i32
        %dma_start3A_1630 = tpu.memref_slice %arg2[%select_n3A_1609, %mul3A_1629, %mul3A_1627] : memref<4x4096x2048xf32, #tpu.memory_space<hbm>> -> memref<1x64x128xf32, #tpu.memory_space<hbm>>
        %dma_start3A_1631 = tpu.memref_squeeze %dma_start3A_1630 : memref<1x64x128xf32, #tpu.memory_space<hbm>> -> memref<64x128xf32, #tpu.memory_space<hbm>>
        %dma_start3A_1632 = tpu.memref_slice %arg2[%select_n3A_1609, %mul3A_1629, %mul3A_1627] : memref<4x4096x2048xf32, #tpu.memory_space<hbm>> -> memref<1x64x128xf32, #tpu.memory_space<hbm>>
        %dma_start3A_1633 = tpu.memref_squeeze %dma_start3A_1632 : memref<1x64x128xf32, #tpu.memory_space<hbm>> -> memref<64x128xf32, #tpu.memory_space<hbm>>
        tpu.enqueue_dma source(%dma_start3A_1633 : memref<64x128xf32, #tpu.memory_space<hbm>>) target(%arg6 : memref<64x128xf32, #tpu.memory_space<vmem>>) target_semaphore(%arg18 : memref<!tpu.dma_semaphore, #tpu.memory_space<semaphore_mem>>)
        %jit3A_1634 = arith.constant 64 : i32
        %div3A_1635 = arith.divsi %sub3A_1036, %jit3A_1634 : i32
        %sign3A_1636 = arith.constant 0 : i32
        %sign3A_1637 = arith.cmpi sgt, %sub3A_1036, %sign3A_1636 : i32
        %sign3A_1638 = arith.extui %sign3A_1637 : i1 to i32
        %sign3A_1639 = arith.constant 0 : i32
        %sign3A_1640 = arith.cmpi slt, %sub3A_1036, %sign3A_1639 : i32
        %sign3A_1641 = arith.extui %sign3A_1640 : i1 to i32
        %sign3A_1642 = arith.subi %sign3A_1638, %sign3A_1641 : i32
        %sign3A_1643 = arith.constant 0 : i32
        %sign3A_1644 = arith.cmpi sgt, %jit3A_1634, %sign3A_1643 : i32
        %sign3A_1645 = arith.extui %sign3A_1644 : i1 to i32
        %sign3A_1646 = arith.constant 0 : i32
        %sign3A_1647 = arith.cmpi slt, %jit3A_1634, %sign3A_1646 : i32
        %sign3A_1648 = arith.extui %sign3A_1647 : i1 to i32
        %sign3A_1649 = arith.subi %sign3A_1645, %sign3A_1648 : i32
        %ne3A_1650 = arith.cmpi ne, %sign3A_1642, %sign3A_1649 : i32
        %rem3A_1651 = arith.remsi %sub3A_1036, %jit3A_1634 : i32
        %ne3A_1652 = arith.constant 0 : i32
        %ne3A_1653 = arith.cmpi ne, %rem3A_1651, %ne3A_1652 : i32
        %and3A_1654 = arith.andi %ne3A_1650, %ne3A_1653 : i1
        %sub3A_1655 = arith.constant 1 : i32
        %sub3A_1656 = arith.subi %div3A_1635, %sub3A_1655 : i32
        %select_n3A_1657 = arith.select %and3A_1654, %sub3A_1656, %div3A_1635 : i32
        %jit3A_1658 = arith.constant 64 : i32
        %eq3A_1659 = arith.constant 0 : i32
        %eq3A_1660 = arith.cmpi eq, %jit3A_1658, %eq3A_1659 : i32
        %jit3A_1661 = arith.constant 1 : i32
        %select_n3A_1662 = arith.select %eq3A_1660, %jit3A_1661, %jit3A_1658 : i32
        %rem3A_1663 = arith.remsi %sub3A_1036, %select_n3A_1662 : i32
        %ne3A_1664 = arith.constant 0 : i32
        %ne3A_1665 = arith.cmpi ne, %rem3A_1663, %ne3A_1664 : i32
        %lt3A_1666 = arith.constant 0 : i32
        %lt3A_1667 = arith.cmpi slt, %rem3A_1663, %lt3A_1666 : i32
        %lt3A_1668 = arith.constant 0 : i32
        %lt3A_1669 = arith.cmpi slt, %select_n3A_1662, %lt3A_1668 : i32
        %ne3A_1670 = arith.xori %lt3A_1667, %lt3A_1669 : i1
        %and3A_1671 = arith.andi %ne3A_1670, %ne3A_1665 : i1
        %add3A_1672 = arith.addi %rem3A_1663, %select_n3A_1662 : i32
        %select_n3A_1673 = arith.select %and3A_1671, %add3A_1672, %rem3A_1663 : i32
        %mul3A_1674 = arith.constant 32 : i32
        %mul3A_1675 = arith.muli %mul3A_1674, %select_n3A_1657 : i32
        %add3A_1676 = arith.addi %add3A, %mul3A_1675 : i32
        %jit3A_1677 = arith.constant 16 : i32
        %div3A_1678 = arith.divsi %add3A_1676, %jit3A_1677 : i32
        %sign3A_1679 = arith.constant 0 : i32
        %sign3A_1680 = arith.cmpi sgt, %add3A_1676, %sign3A_1679 : i32
        %sign3A_1681 = arith.extui %sign3A_1680 : i1 to i32
        %sign3A_1682 = arith.constant 0 : i32
        %sign3A_1683 = arith.cmpi slt, %add3A_1676, %sign3A_1682 : i32
        %sign3A_1684 = arith.extui %sign3A_1683 : i1 to i32
        %sign3A_1685 = arith.subi %sign3A_1681, %sign3A_1684 : i32
        %sign3A_1686 = arith.constant 0 : i32
        %sign3A_1687 = arith.cmpi sgt, %jit3A_1677, %sign3A_1686 : i32
        %sign3A_1688 = arith.extui %sign3A_1687 : i1 to i32
        %sign3A_1689 = arith.constant 0 : i32
        %sign3A_1690 = arith.cmpi slt, %jit3A_1677, %sign3A_1689 : i32
        %sign3A_1691 = arith.extui %sign3A_1690 : i1 to i32
        %sign3A_1692 = arith.subi %sign3A_1688, %sign3A_1691 : i32
        %ne3A_1693 = arith.cmpi ne, %sign3A_1685, %sign3A_1692 : i32
        %rem3A_1694 = arith.remsi %add3A_1676, %jit3A_1677 : i32
        %ne3A_1695 = arith.constant 0 : i32
        %ne3A_1696 = arith.cmpi ne, %rem3A_1694, %ne3A_1695 : i32
        %and3A_1697 = arith.andi %ne3A_1693, %ne3A_1696 : i1
        %sub3A_1698 = arith.constant 1 : i32
        %sub3A_1699 = arith.subi %div3A_1678, %sub3A_1698 : i32
        %select_n3A_1700 = arith.select %and3A_1697, %sub3A_1699, %div3A_1678 : i32
        %jit3A_1701 = arith.constant 16 : i32
        %eq3A_1702 = arith.constant 0 : i32
        %eq3A_1703 = arith.cmpi eq, %jit3A_1701, %eq3A_1702 : i32
        %jit3A_1704 = arith.constant 1 : i32
        %select_n3A_1705 = arith.select %eq3A_1703, %jit3A_1704, %jit3A_1701 : i32
        %rem3A_1706 = arith.remsi %add3A_1676, %select_n3A_1705 : i32
        %ne3A_1707 = arith.constant 0 : i32
        %ne3A_1708 = arith.cmpi ne, %rem3A_1706, %ne3A_1707 : i32
        %lt3A_1709 = arith.constant 0 : i32
        %lt3A_1710 = arith.cmpi slt, %rem3A_1706, %lt3A_1709 : i32
        %lt3A_1711 = arith.constant 0 : i32
        %lt3A_1712 = arith.cmpi slt, %select_n3A_1705, %lt3A_1711 : i32
        %ne3A_1713 = arith.xori %lt3A_1710, %lt3A_1712 : i1
        %and3A_1714 = arith.andi %ne3A_1713, %ne3A_1708 : i1
        %add3A_1715 = arith.addi %rem3A_1706, %select_n3A_1705 : i32
        %select_n3A_1716 = arith.select %and3A_1714, %add3A_1715, %rem3A_1706 : i32
        %mul3A_1717 = arith.constant 128 : i32
        %mul3A_1718 = arith.muli %select_n3A_1716, %mul3A_1717 : i32
        %mul3A_1719 = arith.constant 64 : i32
        %mul3A_1720 = arith.muli %select_n3A_1673, %mul3A_1719 : i32
        %dma_start3A_1721 = tpu.memref_slice %arg3[%select_n3A_1700, %mul3A_1720, %mul3A_1718] : memref<4x4096x2048xf32, #tpu.memory_space<hbm>> -> memref<1x64x128xf32, #tpu.memory_space<hbm>>
        %dma_start3A_1722 = tpu.memref_squeeze %dma_start3A_1721 : memref<1x64x128xf32, #tpu.memory_space<hbm>> -> memref<64x128xf32, #tpu.memory_space<hbm>>
        %dma_start3A_1723 = tpu.memref_slice %arg3[%select_n3A_1700, %mul3A_1720, %mul3A_1718] : memref<4x4096x2048xf32, #tpu.memory_space<hbm>> -> memref<1x64x128xf32, #tpu.memory_space<hbm>>
        %dma_start3A_1724 = tpu.memref_squeeze %dma_start3A_1723 : memref<1x64x128xf32, #tpu.memory_space<hbm>> -> memref<64x128xf32, #tpu.memory_space<hbm>>
        tpu.enqueue_dma source(%dma_start3A_1724 : memref<64x128xf32, #tpu.memory_space<hbm>>) target(%arg10 : memref<64x128xf32, #tpu.memory_space<vmem>>) target_semaphore(%arg22 : memref<!tpu.dma_semaphore, #tpu.memory_space<semaphore_mem>>)
      } else {
      }
      %add3A_1042 = arith.constant 0 : i32
      %add3A_1043 = arith.addi %add3A, %add3A_1042 : i32
      %jit3A_1044 = arith.constant 16 : i32
      %div3A_1045 = arith.divsi %add3A_1043, %jit3A_1044 : i32
      %sign3A_1046 = arith.constant 0 : i32
      %sign3A_1047 = arith.cmpi sgt, %add3A_1043, %sign3A_1046 : i32
      %sign3A_1048 = arith.extui %sign3A_1047 : i1 to i32
      %sign3A_1049 = arith.constant 0 : i32
      %sign3A_1050 = arith.cmpi slt, %add3A_1043, %sign3A_1049 : i32
      %sign3A_1051 = arith.extui %sign3A_1050 : i1 to i32
      %sign3A_1052 = arith.subi %sign3A_1048, %sign3A_1051 : i32
      %sign3A_1053 = arith.constant 0 : i32
      %sign3A_1054 = arith.cmpi sgt, %jit3A_1044, %sign3A_1053 : i32
      %sign3A_1055 = arith.extui %sign3A_1054 : i1 to i32
      %sign3A_1056 = arith.constant 0 : i32
      %sign3A_1057 = arith.cmpi slt, %jit3A_1044, %sign3A_1056 : i32
      %sign3A_1058 = arith.extui %sign3A_1057 : i1 to i32
      %sign3A_1059 = arith.subi %sign3A_1055, %sign3A_1058 : i32
      %ne3A_1060 = arith.cmpi ne, %sign3A_1052, %sign3A_1059 : i32
      %rem3A_1061 = arith.remsi %add3A_1043, %jit3A_1044 : i32
      %ne3A_1062 = arith.constant 0 : i32
      %ne3A_1063 = arith.cmpi ne, %rem3A_1061, %ne3A_1062 : i32
      %and3A_1064 = arith.andi %ne3A_1060, %ne3A_1063 : i1
      %sub3A_1065 = arith.constant 1 : i32
      %sub3A_1066 = arith.subi %div3A_1045, %sub3A_1065 : i32
      %select_n3A_1067 = arith.select %and3A_1064, %sub3A_1066, %div3A_1045 : i32
      %jit3A_1068 = arith.constant 16 : i32
      %eq3A_1069 = arith.constant 0 : i32
      %eq3A_1070 = arith.cmpi eq, %jit3A_1068, %eq3A_1069 : i32
      %jit3A_1071 = arith.constant 1 : i32
      %select_n3A_1072 = arith.select %eq3A_1070, %jit3A_1071, %jit3A_1068 : i32
      %rem3A_1073 = arith.remsi %add3A_1043, %select_n3A_1072 : i32
      %ne3A_1074 = arith.constant 0 : i32
      %ne3A_1075 = arith.cmpi ne, %rem3A_1073, %ne3A_1074 : i32
      %lt3A_1076 = arith.constant 0 : i32
      %lt3A_1077 = arith.cmpi slt, %rem3A_1073, %lt3A_1076 : i32
      %lt3A_1078 = arith.constant 0 : i32
      %lt3A_1079 = arith.cmpi slt, %select_n3A_1072, %lt3A_1078 : i32
      %ne3A_1080 = arith.xori %lt3A_1077, %lt3A_1079 : i1
      %and3A_1081 = arith.andi %ne3A_1080, %ne3A_1075 : i1
      %add3A_1082 = arith.addi %rem3A_1073, %select_n3A_1072 : i32
      %select_n3A_1083 = arith.select %and3A_1081, %add3A_1082, %rem3A_1073 : i32
      %mul3A_1084 = arith.constant 128 : i32
      %mul3A_1085 = arith.muli %select_n3A_1083, %mul3A_1084 : i32
      %dma_wait3A_1086 = arith.constant 0 : i32
      %dma_wait3A_1087 = tpu.memref_slice %arg2[%select_n3A_1067, %dma_wait3A_1086, %mul3A_1085] : memref<4x4096x2048xf32, #tpu.memory_space<hbm>> -> memref<1x64x128xf32, #tpu.memory_space<hbm>>
      %dma_wait3A_1088 = tpu.memref_squeeze %dma_wait3A_1087 : memref<1x64x128xf32, #tpu.memory_space<hbm>> -> memref<64x128xf32, #tpu.memory_space<hbm>>
      %dma_wait3A_1089 = arith.constant 0 : i32
      %dma_wait3A_1090 = tpu.memref_slice %arg2[%select_n3A_1067, %dma_wait3A_1089, %mul3A_1085] : memref<4x4096x2048xf32, #tpu.memory_space<hbm>> -> memref<1x64x128xf32, #tpu.memory_space<hbm>>
      %dma_wait3A_1091 = tpu.memref_squeeze %dma_wait3A_1090 : memref<1x64x128xf32, #tpu.memory_space<hbm>> -> memref<64x128xf32, #tpu.memory_space<hbm>>
      tpu.wait_dma2 semaphore(%arg19 : memref<!tpu.dma_semaphore, #tpu.memory_space<semaphore_mem>>) src(%dma_wait3A_1091 : memref<64x128xf32, #tpu.memory_space<hbm>>) dst(%arg7 : memref<64x128xf32, #tpu.memory_space<vmem>>)
      %add3A_1092 = arith.constant 0 : i32
      %add3A_1093 = arith.addi %add3A, %add3A_1092 : i32
      %jit3A_1094 = arith.constant 16 : i32
      %div3A_1095 = arith.divsi %add3A_1093, %jit3A_1094 : i32
      %sign3A_1096 = arith.constant 0 : i32
      %sign3A_1097 = arith.cmpi sgt, %add3A_1093, %sign3A_1096 : i32
      %sign3A_1098 = arith.extui %sign3A_1097 : i1 to i32
      %sign3A_1099 = arith.constant 0 : i32
      %sign3A_1100 = arith.cmpi slt, %add3A_1093, %sign3A_1099 : i32
      %sign3A_1101 = arith.extui %sign3A_1100 : i1 to i32
      %sign3A_1102 = arith.subi %sign3A_1098, %sign3A_1101 : i32
      %sign3A_1103 = arith.constant 0 : i32
      %sign3A_1104 = arith.cmpi sgt, %jit3A_1094, %sign3A_1103 : i32
      %sign3A_1105 = arith.extui %sign3A_1104 : i1 to i32
      %sign3A_1106 = arith.constant 0 : i32
      %sign3A_1107 = arith.cmpi slt, %jit3A_1094, %sign3A_1106 : i32
      %sign3A_1108 = arith.extui %sign3A_1107 : i1 to i32
      %sign3A_1109 = arith.subi %sign3A_1105, %sign3A_1108 : i32
      %ne3A_1110 = arith.cmpi ne, %sign3A_1102, %sign3A_1109 : i32
      %rem3A_1111 = arith.remsi %add3A_1093, %jit3A_1094 : i32
      %ne3A_1112 = arith.constant 0 : i32
      %ne3A_1113 = arith.cmpi ne, %rem3A_1111, %ne3A_1112 : i32
      %and3A_1114 = arith.andi %ne3A_1110, %ne3A_1113 : i1
      %sub3A_1115 = arith.constant 1 : i32
      %sub3A_1116 = arith.subi %div3A_1095, %sub3A_1115 : i32
      %select_n3A_1117 = arith.select %and3A_1114, %sub3A_1116, %div3A_1095 : i32
      %jit3A_1118 = arith.constant 16 : i32
      %eq3A_1119 = arith.constant 0 : i32
      %eq3A_1120 = arith.cmpi eq, %jit3A_1118, %eq3A_1119 : i32
      %jit3A_1121 = arith.constant 1 : i32
      %select_n3A_1122 = arith.select %eq3A_1120, %jit3A_1121, %jit3A_1118 : i32
      %rem3A_1123 = arith.remsi %add3A_1093, %select_n3A_1122 : i32
      %ne3A_1124 = arith.constant 0 : i32
      %ne3A_1125 = arith.cmpi ne, %rem3A_1123, %ne3A_1124 : i32
      %lt3A_1126 = arith.constant 0 : i32
      %lt3A_1127 = arith.cmpi slt, %rem3A_1123, %lt3A_1126 : i32
      %lt3A_1128 = arith.constant 0 : i32
      %lt3A_1129 = arith.cmpi slt, %select_n3A_1122, %lt3A_1128 : i32
      %ne3A_1130 = arith.xori %lt3A_1127, %lt3A_1129 : i1
      %and3A_1131 = arith.andi %ne3A_1130, %ne3A_1125 : i1
      %add3A_1132 = arith.addi %rem3A_1123, %select_n3A_1122 : i32
      %select_n3A_1133 = arith.select %and3A_1131, %add3A_1132, %rem3A_1123 : i32
      %mul3A_1134 = arith.constant 128 : i32
      %mul3A_1135 = arith.muli %select_n3A_1133, %mul3A_1134 : i32
      %dma_wait3A_1136 = arith.constant 0 : i32
      %dma_wait3A_1137 = tpu.memref_slice %arg3[%select_n3A_1117, %dma_wait3A_1136, %mul3A_1135] : memref<4x4096x2048xf32, #tpu.memory_space<hbm>> -> memref<1x64x128xf32, #tpu.memory_space<hbm>>
      %dma_wait3A_1138 = tpu.memref_squeeze %dma_wait3A_1137 : memref<1x64x128xf32, #tpu.memory_space<hbm>> -> memref<64x128xf32, #tpu.memory_space<hbm>>
      %dma_wait3A_1139 = arith.constant 0 : i32
      %dma_wait3A_1140 = tpu.memref_slice %arg3[%select_n3A_1117, %dma_wait3A_1139, %mul3A_1135] : memref<4x4096x2048xf32, #tpu.memory_space<hbm>> -> memref<1x64x128xf32, #tpu.memory_space<hbm>>
      %dma_wait3A_1141 = tpu.memref_squeeze %dma_wait3A_1140 : memref<1x64x128xf32, #tpu.memory_space<hbm>> -> memref<64x128xf32, #tpu.memory_space<hbm>>
      tpu.wait_dma2 semaphore(%arg23 : memref<!tpu.dma_semaphore, #tpu.memory_space<semaphore_mem>>) src(%dma_wait3A_1141 : memref<64x128xf32, #tpu.memory_space<hbm>>) dst(%arg11 : memref<64x128xf32, #tpu.memory_space<vmem>>)
      %ge3A_1142 = arith.constant 4 : i32
      %ge3A_1143 = arith.cmpi sge, %add3A_1032, %ge3A_1142 : i32
      %convert_element_type3A_1144 = arith.extui %ge3A_1143 : i1 to i32
      %cond3A_1145 = arith.constant 0 : i32
      %cond3A_1146 = arith.cmpi ne, %convert_element_type3A_1144, %cond3A_1145 : i32
      scf.if %cond3A_1146 {
        %add3A_1543 = arith.constant 0 : i32
        %add3A_1544 = arith.addi %add3A, %add3A_1543 : i32
        %jit3A_1545 = arith.constant 16 : i32
        %div3A_1546 = arith.divsi %add3A_1544, %jit3A_1545 : i32
        %sign3A_1547 = arith.constant 0 : i32
        %sign3A_1548 = arith.cmpi sgt, %add3A_1544, %sign3A_1547 : i32
        %sign3A_1549 = arith.extui %sign3A_1548 : i1 to i32
        %sign3A_1550 = arith.constant 0 : i32
        %sign3A_1551 = arith.cmpi slt, %add3A_1544, %sign3A_1550 : i32
        %sign3A_1552 = arith.extui %sign3A_1551 : i1 to i32
        %sign3A_1553 = arith.subi %sign3A_1549, %sign3A_1552 : i32
        %sign3A_1554 = arith.constant 0 : i32
        %sign3A_1555 = arith.cmpi sgt, %jit3A_1545, %sign3A_1554 : i32
        %sign3A_1556 = arith.extui %sign3A_1555 : i1 to i32
        %sign3A_1557 = arith.constant 0 : i32
        %sign3A_1558 = arith.cmpi slt, %jit3A_1545, %sign3A_1557 : i32
        %sign3A_1559 = arith.extui %sign3A_1558 : i1 to i32
        %sign3A_1560 = arith.subi %sign3A_1556, %sign3A_1559 : i32
        %ne3A_1561 = arith.cmpi ne, %sign3A_1553, %sign3A_1560 : i32
        %rem3A_1562 = arith.remsi %add3A_1544, %jit3A_1545 : i32
        %ne3A_1563 = arith.constant 0 : i32
        %ne3A_1564 = arith.cmpi ne, %rem3A_1562, %ne3A_1563 : i32
        %and3A_1565 = arith.andi %ne3A_1561, %ne3A_1564 : i1
        %sub3A_1566 = arith.constant 1 : i32
        %sub3A_1567 = arith.subi %div3A_1546, %sub3A_1566 : i32
        %select_n3A_1568 = arith.select %and3A_1565, %sub3A_1567, %div3A_1546 : i32
        %jit3A_1569 = arith.constant 16 : i32
        %eq3A_1570 = arith.constant 0 : i32
        %eq3A_1571 = arith.cmpi eq, %jit3A_1569, %eq3A_1570 : i32
        %jit3A_1572 = arith.constant 1 : i32
        %select_n3A_1573 = arith.select %eq3A_1571, %jit3A_1572, %jit3A_1569 : i32
        %rem3A_1574 = arith.remsi %add3A_1544, %select_n3A_1573 : i32
        %ne3A_1575 = arith.constant 0 : i32
        %ne3A_1576 = arith.cmpi ne, %rem3A_1574, %ne3A_1575 : i32
        %lt3A_1577 = arith.constant 0 : i32
        %lt3A_1578 = arith.cmpi slt, %rem3A_1574, %lt3A_1577 : i32
        %lt3A_1579 = arith.constant 0 : i32
        %lt3A_1580 = arith.cmpi slt, %select_n3A_1573, %lt3A_1579 : i32
        %ne3A_1581 = arith.xori %lt3A_1578, %lt3A_1580 : i1
        %and3A_1582 = arith.andi %ne3A_1581, %ne3A_1576 : i1
        %add3A_1583 = arith.addi %rem3A_1574, %select_n3A_1573 : i32
        %select_n3A_1584 = arith.select %and3A_1582, %add3A_1583, %rem3A_1574 : i32
        %mul3A_1585 = arith.constant 128 : i32
        %mul3A_1586 = arith.muli %select_n3A_1584, %mul3A_1585 : i32
        %dma_wait3A_1587 = arith.constant 0 : i32
        %dma_wait3A_1588 = tpu.memref_slice %arg4[%select_n3A_1568, %dma_wait3A_1587, %mul3A_1586] : memref<4x4096x2048xf32, #tpu.memory_space<hbm>> -> memref<1x64x128xf32, #tpu.memory_space<hbm>>
        %dma_wait3A_1589 = tpu.memref_squeeze %dma_wait3A_1588 : memref<1x64x128xf32, #tpu.memory_space<hbm>> -> memref<64x128xf32, #tpu.memory_space<hbm>>
        %dma_wait3A_1590 = arith.constant 0 : i32
        %dma_wait3A_1591 = tpu.memref_slice %arg4[%select_n3A_1568, %dma_wait3A_1590, %mul3A_1586] : memref<4x4096x2048xf32, #tpu.memory_space<hbm>> -> memref<1x64x128xf32, #tpu.memory_space<hbm>>
        %dma_wait3A_1592 = tpu.memref_squeeze %dma_wait3A_1591 : memref<1x64x128xf32, #tpu.memory_space<hbm>> -> memref<64x128xf32, #tpu.memory_space<hbm>>
        tpu.wait_dma2 semaphore(%arg27 : memref<!tpu.dma_semaphore, #tpu.memory_space<semaphore_mem>>) src(%arg15 : memref<64x128xf32, #tpu.memory_space<vmem>>) dst(%dma_wait3A_1592 : memref<64x128xf32, #tpu.memory_space<hbm>>)
      } else {
      }
      %jit3A_1147 = arith.constant 64 : i32
      %eq3A_1148 = arith.constant 0 : i32
      %eq3A_1149 = arith.cmpi eq, %jit3A_1147, %eq3A_1148 : i32
      %jit3A_1150 = arith.constant 1 : i32
      %select_n3A_1151 = arith.select %eq3A_1149, %jit3A_1150, %jit3A_1147 : i32
      %rem3A_1152 = arith.remsi %add3A_1032, %select_n3A_1151 : i32
      %ne3A_1153 = arith.constant 0 : i32
      %ne3A_1154 = arith.cmpi ne, %rem3A_1152, %ne3A_1153 : i32
      %lt3A_1155 = arith.constant 0 : i32
      %lt3A_1156 = arith.cmpi slt, %rem3A_1152, %lt3A_1155 : i32
      %lt3A_1157 = arith.constant 0 : i32
      %lt3A_1158 = arith.cmpi slt, %select_n3A_1151, %lt3A_1157 : i32
      %ne3A_1159 = arith.xori %lt3A_1156, %lt3A_1158 : i1
      %and3A_1160 = arith.andi %ne3A_1159, %ne3A_1154 : i1
      %add3A_1161 = arith.addi %rem3A_1152, %select_n3A_1151 : i32
      %select_n3A_1162 = arith.select %and3A_1160, %add3A_1161, %rem3A_1152 : i32
      %eq3A_1163 = arith.constant 0 : i32
      %eq3A_1164 = arith.cmpi eq, %select_n3A_1162, %eq3A_1163 : i32
      %broadcast_in_dim3A_1165 = arith.constant 0.000000e+00 : f32
      %broadcast_in_dim3A_1166 = vector.broadcast %broadcast_in_dim3A_1165 : f32 to vector<16xf32>
      %select_n3A_1167 = arith.select %eq3A_1164, %broadcast_in_dim3A_1166, %scan3A_936#0 : vector<16xf32>
      %broadcast_in_dim3A_1168 = arith.constant 0.000000e+00 : f32
      %broadcast_in_dim3A_1169 = vector.broadcast %broadcast_in_dim3A_1168 : f32 to vector<16xf32>
      %select_n3A_1170 = arith.select %eq3A_1164, %broadcast_in_dim3A_1169, %scan3A_936#1 : vector<16xf32>
      %broadcast_in_dim3A_1171 = arith.constant 0.000000e+00 : f32
      %broadcast_in_dim3A_1172 = vector.broadcast %broadcast_in_dim3A_1171 : f32 to vector<16xf32>
      %select_n3A_1173 = arith.select %eq3A_1164, %broadcast_in_dim3A_1172, %scan3A_936#2 : vector<16xf32>
      %broadcast_in_dim3A_1174 = arith.constant 0.000000e+00 : f32
      %broadcast_in_dim3A_1175 = vector.broadcast %broadcast_in_dim3A_1174 : f32 to vector<16xf32>
      %select_n3A_1176 = arith.select %eq3A_1164, %broadcast_in_dim3A_1175, %scan3A_936#3 : vector<16xf32>
      %broadcast_in_dim3A_1177 = arith.constant 0.000000e+00 : f32
      %broadcast_in_dim3A_1178 = vector.broadcast %broadcast_in_dim3A_1177 : f32 to vector<16xf32>
      %select_n3A_1179 = arith.select %eq3A_1164, %broadcast_in_dim3A_1178, %scan3A_936#4 : vector<16xf32>
      %broadcast_in_dim3A_1180 = arith.constant 0.000000e+00 : f32
      %broadcast_in_dim3A_1181 = vector.broadcast %broadcast_in_dim3A_1180 : f32 to vector<16xf32>
      %select_n3A_1182 = arith.select %eq3A_1164, %broadcast_in_dim3A_1181, %scan3A_936#5 : vector<16xf32>
      %broadcast_in_dim3A_1183 = arith.constant 0.000000e+00 : f32
      %broadcast_in_dim3A_1184 = vector.broadcast %broadcast_in_dim3A_1183 : f32 to vector<16xf32>
      %select_n3A_1185 = arith.select %eq3A_1164, %broadcast_in_dim3A_1184, %scan3A_936#6 : vector<16xf32>
      %broadcast_in_dim3A_1186 = arith.constant 0.000000e+00 : f32
      %broadcast_in_dim3A_1187 = vector.broadcast %broadcast_in_dim3A_1186 : f32 to vector<16xf32>
      %select_n3A_1188 = arith.select %eq3A_1164, %broadcast_in_dim3A_1187, %scan3A_936#7 : vector<16xf32>
      %scan3A_1189 = arith.constant 0 : i32
      %scan3A_1190 = arith.constant 32 : i32
      %scan3A_1191 = arith.addi %scan3A_1189, %scan3A_1190 : i32
      %scan3A_1192 = arith.constant 1 : i32
      %scan3A_1193:8 = scf.for %scan3A_1543 = %scan3A_1189 to %scan3A_1191 step %scan3A_1192 iter_args(%scan3A_1544 = %select_n3A_1167, %scan3A_1545 = %select_n3A_1170, %scan3A_1546 = %select_n3A_1173, %scan3A_1547 = %select_n3A_1176, %scan3A_1548 = %select_n3A_1179, %scan3A_1549 = %select_n3A_1182, %scan3A_1550 = %select_n3A_1185, %scan3A_1551 = %select_n3A_1188) -> (vector<16xf32>, vector<16xf32>, vector<16xf32>, vector<16xf32>, vector<16xf32>, vector<16xf32>, vector<16xf32>, vector<16xf32>)  : i32 {
        %mul3A_1552 = arith.constant 2 : i32
        %mul3A_1553 = arith.muli %scan3A_1543, %mul3A_1552 : i32
        %add3A_1554 = arith.constant 0 : i32
        %add3A_1555 = arith.addi %mul3A_1553, %add3A_1554 : i32
        %get3A = arith.index_cast %add3A_1555 : i32 to index
        %get3A_1556 = arith.constant 0 : index
        %get3A_1557 = tpu.vector_load %arg7[%get3A, %get3A_1556] {strides = array<i32>} : memref<64x128xf32, #tpu.memory_space<vmem>>, vector<1x16xf32>,
        %get3A_1558 = vector.shape_cast %get3A_1557 : vector<1x16xf32> to vector<16xf32>
        %get3A_1559 = arith.index_cast %add3A_1555 : i32 to index
        %get3A_1560 = arith.constant 0 : index
        %get3A_1561 = tpu.vector_load %arg11[%get3A_1559, %get3A_1560] {strides = array<i32>} : memref<64x128xf32, #tpu.memory_space<vmem>>, vector<1x16xf32>,
        %get3A_1562 = vector.shape_cast %get3A_1561 : vector<1x16xf32> to vector<16xf32>
        %mul3A_1563 = arith.mulf %get3A_1558, %get3A_1562 : vector<16xf32>
        %add3A_1564 = arith.addf %scan3A_1544, %mul3A_1563 : vector<16xf32>
        %swap3A = arith.index_cast %add3A_1555 : i32 to index
        %swap3A_1565 = arith.constant 0 : index
        %swap3A_1566 = tpu.vector_load %arg15[%swap3A, %swap3A_1565] {strides = array<i32>} : memref<64x128xf32, #tpu.memory_space<vmem>>, vector<1x16xf32>,
        %swap3A_1567 = vector.shape_cast %swap3A_1566 : vector<1x16xf32> to vector<16xf32>
        %swap3A_1568 = vector.shape_cast %add3A_1564 : vector<16xf32> to vector<1x16xf32>
        tpu.vector_store %arg15[%swap3A, %swap3A_1565], %swap3A_1568 {strides = array<i32>} : memref<64x128xf32, #tpu.memory_space<vmem>>, vector<1x16xf32>,
        %get3A_1569 = arith.index_cast %add3A_1555 : i32 to index
        %get3A_1570 = arith.constant 16 : index
        %get3A_1571 = tpu.vector_load %arg7[%get3A_1569, %get3A_1570] {strides = array<i32>} : memref<64x128xf32, #tpu.memory_space<vmem>>, vector<1x16xf32>,
        %get3A_1572 = vector.shape_cast %get3A_1571 : vector<1x16xf32> to vector<16xf32>
        %get3A_1573 = arith.index_cast %add3A_1555 : i32 to index
        %get3A_1574 = arith.constant 16 : index
        %get3A_1575 = tpu.vector_load %arg11[%get3A_1573, %get3A_1574] {strides = array<i32>} : memref<64x128xf32, #tpu.memory_space<vmem>>, vector<1x16xf32>,
        %get3A_1576 = vector.shape_cast %get3A_1575 : vector<1x16xf32> to vector<16xf32>
        %mul3A_1577 = arith.mulf %get3A_1572, %get3A_1576 : vector<16xf32>
        %add3A_1578 = arith.addf %scan3A_1545, %mul3A_1577 : vector<16xf32>
        %swap3A_1579 = arith.index_cast %add3A_1555 : i32 to index
        %swap3A_1580 = arith.constant 16 : index
        %swap3A_1581 = tpu.vector_load %arg15[%swap3A_1579, %swap3A_1580] {strides = array<i32>} : memref<64x128xf32, #tpu.memory_space<vmem>>, vector<1x16xf32>,
        %swap3A_1582 = vector.shape_cast %swap3A_1581 : vector<1x16xf32> to vector<16xf32>
        %swap3A_1583 = vector.shape_cast %add3A_1578 : vector<16xf32> to vector<1x16xf32>
        tpu.vector_store %arg15[%swap3A_1579, %swap3A_1580], %swap3A_1583 {strides = array<i32>} : memref<64x128xf32, #tpu.memory_space<vmem>>, vector<1x16xf32>,
        %get3A_1584 = arith.index_cast %add3A_1555 : i32 to index
        %get3A_1585 = arith.constant 32 : index
        %get3A_1586 = tpu.vector_load %arg7[%get3A_1584, %get3A_1585] {strides = array<i32>} : memref<64x128xf32, #tpu.memory_space<vmem>>, vector<1x16xf32>,
        %get3A_1587 = vector.shape_cast %get3A_1586 : vector<1x16xf32> to vector<16xf32>
        %get3A_1588 = arith.index_cast %add3A_1555 : i32 to index
        %get3A_1589 = arith.constant 32 : index
        %get3A_1590 = tpu.vector_load %arg11[%get3A_1588, %get3A_1589] {strides = array<i32>} : memref<64x128xf32, #tpu.memory_space<vmem>>, vector<1x16xf32>,
        %get3A_1591 = vector.shape_cast %get3A_1590 : vector<1x16xf32> to vector<16xf32>
        %mul3A_1592 = arith.mulf %get3A_1587, %get3A_1591 : vector<16xf32>
        %add3A_1593 = arith.addf %scan3A_1546, %mul3A_1592 : vector<16xf32>
        %swap3A_1594 = arith.index_cast %add3A_1555 : i32 to index
        %swap3A_1595 = arith.constant 32 : index
        %swap3A_1596 = tpu.vector_load %arg15[%swap3A_1594, %swap3A_1595] {strides = array<i32>} : memref<64x128xf32, #tpu.memory_space<vmem>>, vector<1x16xf32>,
        %swap3A_1597 = vector.shape_cast %swap3A_1596 : vector<1x16xf32> to vector<16xf32>
        %swap3A_1598 = vector.shape_cast %add3A_1593 : vector<16xf32> to vector<1x16xf32>
        tpu.vector_store %arg15[%swap3A_1594, %swap3A_1595], %swap3A_1598 {strides = array<i32>} : memref<64x128xf32, #tpu.memory_space<vmem>>, vector<1x16xf32>,
        %get3A_1599 = arith.index_cast %add3A_1555 : i32 to index
        %get3A_1600 = arith.constant 48 : index
        %get3A_1601 = tpu.vector_load %arg7[%get3A_1599, %get3A_1600] {strides = array<i32>} : memref<64x128xf32, #tpu.memory_space<vmem>>, vector<1x16xf32>,
        %get3A_1602 = vector.shape_cast %get3A_1601 : vector<1x16xf32> to vector<16xf32>
        %get3A_1603 = arith.index_cast %add3A_1555 : i32 to index
        %get3A_1604 = arith.constant 48 : index
        %get3A_1605 = tpu.vector_load %arg11[%get3A_1603, %get3A_1604] {strides = array<i32>} : memref<64x128xf32, #tpu.memory_space<vmem>>, vector<1x16xf32>,
        %get3A_1606 = vector.shape_cast %get3A_1605 : vector<1x16xf32> to vector<16xf32>
        %mul3A_1607 = arith.mulf %get3A_1602, %get3A_1606 : vector<16xf32>
        %add3A_1608 = arith.addf %scan3A_1547, %mul3A_1607 : vector<16xf32>
        %swap3A_1609 = arith.index_cast %add3A_1555 : i32 to index
        %swap3A_1610 = arith.constant 48 : index
        %swap3A_1611 = tpu.vector_load %arg15[%swap3A_1609, %swap3A_1610] {strides = array<i32>} : memref<64x128xf32, #tpu.memory_space<vmem>>, vector<1x16xf32>,
        %swap3A_1612 = vector.shape_cast %swap3A_1611 : vector<1x16xf32> to vector<16xf32>
        %swap3A_1613 = vector.shape_cast %add3A_1608 : vector<16xf32> to vector<1x16xf32>
        tpu.vector_store %arg15[%swap3A_1609, %swap3A_1610], %swap3A_1613 {strides = array<i32>} : memref<64x128xf32, #tpu.memory_space<vmem>>, vector<1x16xf32>,
        %get3A_1614 = arith.index_cast %add3A_1555 : i32 to index
        %get3A_1615 = arith.constant 64 : index
        %get3A_1616 = tpu.vector_load %arg7[%get3A_1614, %get3A_1615] {strides = array<i32>} : memref<64x128xf32, #tpu.memory_space<vmem>>, vector<1x16xf32>,
        %get3A_1617 = vector.shape_cast %get3A_1616 : vector<1x16xf32> to vector<16xf32>
        %get3A_1618 = arith.index_cast %add3A_1555 : i32 to index
        %get3A_1619 = arith.constant 64 : index
        %get3A_1620 = tpu.vector_load %arg11[%get3A_1618, %get3A_1619] {strides = array<i32>} : memref<64x128xf32, #tpu.memory_space<vmem>>, vector<1x16xf32>,
        %get3A_1621 = vector.shape_cast %get3A_1620 : vector<1x16xf32> to vector<16xf32>
        %mul3A_1622 = arith.mulf %get3A_1617, %get3A_1621 : vector<16xf32>
        %add3A_1623 = arith.addf %scan3A_1548, %mul3A_1622 : vector<16xf32>
        %swap3A_1624 = arith.index_cast %add3A_1555 : i32 to index
        %swap3A_1625 = arith.constant 64 : index
        %swap3A_1626 = tpu.vector_load %arg15[%swap3A_1624, %swap3A_1625] {strides = array<i32>} : memref<64x128xf32, #tpu.memory_space<vmem>>, vector<1x16xf32>,
        %swap3A_1627 = vector.shape_cast %swap3A_1626 : vector<1x16xf32> to vector<16xf32>
        %swap3A_1628 = vector.shape_cast %add3A_1623 : vector<16xf32> to vector<1x16xf32>
        tpu.vector_store %arg15[%swap3A_1624, %swap3A_1625], %swap3A_1628 {strides = array<i32>} : memref<64x128xf32, #tpu.memory_space<vmem>>, vector<1x16xf32>,
        %get3A_1629 = arith.index_cast %add3A_1555 : i32 to index
        %get3A_1630 = arith.constant 80 : index
        %get3A_1631 = tpu.vector_load %arg7[%get3A_1629, %get3A_1630] {strides = array<i32>} : memref<64x128xf32, #tpu.memory_space<vmem>>, vector<1x16xf32>,
        %get3A_1632 = vector.shape_cast %get3A_1631 : vector<1x16xf32> to vector<16xf32>
        %get3A_1633 = arith.index_cast %add3A_1555 : i32 to index
        %get3A_1634 = arith.constant 80 : index
        %get3A_1635 = tpu.vector_load %arg11[%get3A_1633, %get3A_1634] {strides = array<i32>} : memref<64x128xf32, #tpu.memory_space<vmem>>, vector<1x16xf32>,
        %get3A_1636 = vector.shape_cast %get3A_1635 : vector<1x16xf32> to vector<16xf32>
        %mul3A_1637 = arith.mulf %get3A_1632, %get3A_1636 : vector<16xf32>
        %add3A_1638 = arith.addf %scan3A_1549, %mul3A_1637 : vector<16xf32>
        %swap3A_1639 = arith.index_cast %add3A_1555 : i32 to index
        %swap3A_1640 = arith.constant 80 : index
        %swap3A_1641 = tpu.vector_load %arg15[%swap3A_1639, %swap3A_1640] {strides = array<i32>} : memref<64x128xf32, #tpu.memory_space<vmem>>, vector<1x16xf32>,
        %swap3A_1642 = vector.shape_cast %swap3A_1641 : vector<1x16xf32> to vector<16xf32>
        %swap3A_1643 = vector.shape_cast %add3A_1638 : vector<16xf32> to vector<1x16xf32>
        tpu.vector_store %arg15[%swap3A_1639, %swap3A_1640], %swap3A_1643 {strides = array<i32>} : memref<64x128xf32, #tpu.memory_space<vmem>>, vector<1x16xf32>,
        %get3A_1644 = arith.index_cast %add3A_1555 : i32 to index
        %get3A_1645 = arith.constant 96 : index
        %get3A_1646 = tpu.vector_load %arg7[%get3A_1644, %get3A_1645] {strides = array<i32>} : memref<64x128xf32, #tpu.memory_space<vmem>>, vector<1x16xf32>,
        %get3A_1647 = vector.shape_cast %get3A_1646 : vector<1x16xf32> to vector<16xf32>
        %get3A_1648 = arith.index_cast %add3A_1555 : i32 to index
        %get3A_1649 = arith.constant 96 : index
        %get3A_1650 = tpu.vector_load %arg11[%get3A_1648, %get3A_1649] {strides = array<i32>} : memref<64x128xf32, #tpu.memory_space<vmem>>, vector<1x16xf32>,
        %get3A_1651 = vector.shape_cast %get3A_1650 : vector<1x16xf32> to vector<16xf32>
        %mul3A_1652 = arith.mulf %get3A_1647, %get3A_1651 : vector<16xf32>
        %add3A_1653 = arith.addf %scan3A_1550, %mul3A_1652 : vector<16xf32>
        %swap3A_1654 = arith.index_cast %add3A_1555 : i32 to index
        %swap3A_1655 = arith.constant 96 : index
        %swap3A_1656 = tpu.vector_load %arg15[%swap3A_1654, %swap3A_1655] {strides = array<i32>} : memref<64x128xf32, #tpu.memory_space<vmem>>, vector<1x16xf32>,
        %swap3A_1657 = vector.shape_cast %swap3A_1656 : vector<1x16xf32> to vector<16xf32>
        %swap3A_1658 = vector.shape_cast %add3A_1653 : vector<16xf32> to vector<1x16xf32>
        tpu.vector_store %arg15[%swap3A_1654, %swap3A_1655], %swap3A_1658 {strides = array<i32>} : memref<64x128xf32, #tpu.memory_space<vmem>>, vector<1x16xf32>,
        %get3A_1659 = arith.index_cast %add3A_1555 : i32 to index
        %get3A_1660 = arith.constant 112 : index
        %get3A_1661 = tpu.vector_load %arg7[%get3A_1659, %get3A_1660] {strides = array<i32>} : memref<64x128xf32, #tpu.memory_space<vmem>>, vector<1x16xf32>,
        %get3A_1662 = vector.shape_cast %get3A_1661 : vector<1x16xf32> to vector<16xf32>
        %get3A_1663 = arith.index_cast %add3A_1555 : i32 to index
        %get3A_1664 = arith.constant 112 : index
        %get3A_1665 = tpu.vector_load %arg11[%get3A_1663, %get3A_1664] {strides = array<i32>} : memref<64x128xf32, #tpu.memory_space<vmem>>, vector<1x16xf32>,
        %get3A_1666 = vector.shape_cast %get3A_1665 : vector<1x16xf32> to vector<16xf32>
        %mul3A_1667 = arith.mulf %get3A_1662, %get3A_1666 : vector<16xf32>
        %add3A_1668 = arith.addf %scan3A_1551, %mul3A_1667 : vector<16xf32>
        %swap3A_1669 = arith.index_cast %add3A_1555 : i32 to index
        %swap3A_1670 = arith.constant 112 : index
        %swap3A_1671 = tpu.vector_load %arg15[%swap3A_1669, %swap3A_1670] {strides = array<i32>} : memref<64x128xf32, #tpu.memory_space<vmem>>, vector<1x16xf32>,
        %swap3A_1672 = vector.shape_cast %swap3A_1671 : vector<1x16xf32> to vector<16xf32>
        %swap3A_1673 = vector.shape_cast %add3A_1668 : vector<16xf32> to vector<1x16xf32>
        tpu.vector_store %arg15[%swap3A_1669, %swap3A_1670], %swap3A_1673 {strides = array<i32>} : memref<64x128xf32, #tpu.memory_space<vmem>>, vector<1x16xf32>,
        %mul3A_1674 = arith.constant 2 : i32
        %mul3A_1675 = arith.muli %scan3A_1543, %mul3A_1674 : i32
        %add3A_1676 = arith.constant 1 : i32
        %add3A_1677 = arith.addi %mul3A_1675, %add3A_1676 : i32
        %get3A_1678 = arith.index_cast %add3A_1677 : i32 to index
        %get3A_1679 = arith.constant 0 : index
        %get3A_1680 = tpu.vector_load %arg7[%get3A_1678, %get3A_1679] {strides = array<i32>} : memref<64x128xf32, #tpu.memory_space<vmem>>, vector<1x16xf32>,
        %get3A_1681 = vector.shape_cast %get3A_1680 : vector<1x16xf32> to vector<16xf32>
        %get3A_1682 = arith.index_cast %add3A_1677 : i32 to index
        %get3A_1683 = arith.constant 0 : index
        %get3A_1684 = tpu.vector_load %arg11[%get3A_1682, %get3A_1683] {strides = array<i32>} : memref<64x128xf32, #tpu.memory_space<vmem>>, vector<1x16xf32>,
        %get3A_1685 = vector.shape_cast %get3A_1684 : vector<1x16xf32> to vector<16xf32>
        %mul3A_1686 = arith.mulf %get3A_1681, %get3A_1685 : vector<16xf32>
        %add3A_1687 = arith.addf %add3A_1564, %mul3A_1686 : vector<16xf32>
        %swap3A_1688 = arith.index_cast %add3A_1677 : i32 to index
        %swap3A_1689 = arith.constant 0 : index
        %swap3A_1690 = tpu.vector_load %arg15[%swap3A_1688, %swap3A_1689] {strides = array<i32>} : memref<64x128xf32, #tpu.memory_space<vmem>>, vector<1x16xf32>,
        %swap3A_1691 = vector.shape_cast %swap3A_1690 : vector<1x16xf32> to vector<16xf32>
        %swap3A_1692 = vector.shape_cast %add3A_1687 : vector<16xf32> to vector<1x16xf32>
        tpu.vector_store %arg15[%swap3A_1688, %swap3A_1689], %swap3A_1692 {strides = array<i32>} : memref<64x128xf32, #tpu.memory_space<vmem>>, vector<1x16xf32>,
        %get3A_1693 = arith.index_cast %add3A_1677 : i32 to index
        %get3A_1694 = arith.constant 16 : index
        %get3A_1695 = tpu.vector_load %arg7[%get3A_1693, %get3A_1694] {strides = array<i32>} : memref<64x128xf32, #tpu.memory_space<vmem>>, vector<1x16xf32>,
        %get3A_1696 = vector.shape_cast %get3A_1695 : vector<1x16xf32> to vector<16xf32>
        %get3A_1697 = arith.index_cast %add3A_1677 : i32 to index
        %get3A_1698 = arith.constant 16 : index
        %get3A_1699 = tpu.vector_load %arg11[%get3A_1697, %get3A_1698] {strides = array<i32>} : memref<64x128xf32, #tpu.memory_space<vmem>>, vector<1x16xf32>,
        %get3A_1700 = vector.shape_cast %get3A_1699 : vector<1x16xf32> to vector<16xf32>
        %mul3A_1701 = arith.mulf %get3A_1696, %get3A_1700 : vector<16xf32>
        %add3A_1702 = arith.addf %add3A_1578, %mul3A_1701 : vector<16xf32>
        %swap3A_1703 = arith.index_cast %add3A_1677 : i32 to index
        %swap3A_1704 = arith.constant 16 : index
        %swap3A_1705 = tpu.vector_load %arg15[%swap3A_1703, %swap3A_1704] {strides = array<i32>} : memref<64x128xf32, #tpu.memory_space<vmem>>, vector<1x16xf32>,
        %swap3A_1706 = vector.shape_cast %swap3A_1705 : vector<1x16xf32> to vector<16xf32>
        %swap3A_1707 = vector.shape_cast %add3A_1702 : vector<16xf32> to vector<1x16xf32>
        tpu.vector_store %arg15[%swap3A_1703, %swap3A_1704], %swap3A_1707 {strides = array<i32>} : memref<64x128xf32, #tpu.memory_space<vmem>>, vector<1x16xf32>,
        %get3A_1708 = arith.index_cast %add3A_1677 : i32 to index
        %get3A_1709 = arith.constant 32 : index
        %get3A_1710 = tpu.vector_load %arg7[%get3A_1708, %get3A_1709] {strides = array<i32>} : memref<64x128xf32, #tpu.memory_space<vmem>>, vector<1x16xf32>,
        %get3A_1711 = vector.shape_cast %get3A_1710 : vector<1x16xf32> to vector<16xf32>
        %get3A_1712 = arith.index_cast %add3A_1677 : i32 to index
        %get3A_1713 = arith.constant 32 : index
        %get3A_1714 = tpu.vector_load %arg11[%get3A_1712, %get3A_1713] {strides = array<i32>} : memref<64x128xf32, #tpu.memory_space<vmem>>, vector<1x16xf32>,
        %get3A_1715 = vector.shape_cast %get3A_1714 : vector<1x16xf32> to vector<16xf32>
        %mul3A_1716 = arith.mulf %get3A_1711, %get3A_1715 : vector<16xf32>
        %add3A_1717 = arith.addf %add3A_1593, %mul3A_1716 : vector<16xf32>
        %swap3A_1718 = arith.index_cast %add3A_1677 : i32 to index
        %swap3A_1719 = arith.constant 32 : index
        %swap3A_1720 = tpu.vector_load %arg15[%swap3A_1718, %swap3A_1719] {strides = array<i32>} : memref<64x128xf32, #tpu.memory_space<vmem>>, vector<1x16xf32>,
        %swap3A_1721 = vector.shape_cast %swap3A_1720 : vector<1x16xf32> to vector<16xf32>
        %swap3A_1722 = vector.shape_cast %add3A_1717 : vector<16xf32> to vector<1x16xf32>
        tpu.vector_store %arg15[%swap3A_1718, %swap3A_1719], %swap3A_1722 {strides = array<i32>} : memref<64x128xf32, #tpu.memory_space<vmem>>, vector<1x16xf32>,
        %get3A_1723 = arith.index_cast %add3A_1677 : i32 to index
        %get3A_1724 = arith.constant 48 : index
        %get3A_1725 = tpu.vector_load %arg7[%get3A_1723, %get3A_1724] {strides = array<i32>} : memref<64x128xf32, #tpu.memory_space<vmem>>, vector<1x16xf32>,
        %get3A_1726 = vector.shape_cast %get3A_1725 : vector<1x16xf32> to vector<16xf32>
        %get3A_1727 = arith.index_cast %add3A_1677 : i32 to index
        %get3A_1728 = arith.constant 48 : index
        %get3A_1729 = tpu.vector_load %arg11[%get3A_1727, %get3A_1728] {strides = array<i32>} : memref<64x128xf32, #tpu.memory_space<vmem>>, vector<1x16xf32>,
        %get3A_1730 = vector.shape_cast %get3A_1729 : vector<1x16xf32> to vector<16xf32>
        %mul3A_1731 = arith.mulf %get3A_1726, %get3A_1730 : vector<16xf32>
        %add3A_1732 = arith.addf %add3A_1608, %mul3A_1731 : vector<16xf32>
        %swap3A_1733 = arith.index_cast %add3A_1677 : i32 to index
        %swap3A_1734 = arith.constant 48 : index
        %swap3A_1735 = tpu.vector_load %arg15[%swap3A_1733, %swap3A_1734] {strides = array<i32>} : memref<64x128xf32, #tpu.memory_space<vmem>>, vector<1x16xf32>,
        %swap3A_1736 = vector.shape_cast %swap3A_1735 : vector<1x16xf32> to vector<16xf32>
        %swap3A_1737 = vector.shape_cast %add3A_1732 : vector<16xf32> to vector<1x16xf32>
        tpu.vector_store %arg15[%swap3A_1733, %swap3A_1734], %swap3A_1737 {strides = array<i32>} : memref<64x128xf32, #tpu.memory_space<vmem>>, vector<1x16xf32>,
        %get3A_1738 = arith.index_cast %add3A_1677 : i32 to index
        %get3A_1739 = arith.constant 64 : index
        %get3A_1740 = tpu.vector_load %arg7[%get3A_1738, %get3A_1739] {strides = array<i32>} : memref<64x128xf32, #tpu.memory_space<vmem>>, vector<1x16xf32>,
        %get3A_1741 = vector.shape_cast %get3A_1740 : vector<1x16xf32> to vector<16xf32>
        %get3A_1742 = arith.index_cast %add3A_1677 : i32 to index
        %get3A_1743 = arith.constant 64 : index
        %get3A_1744 = tpu.vector_load %arg11[%get3A_1742, %get3A_1743] {strides = array<i32>} : memref<64x128xf32, #tpu.memory_space<vmem>>, vector<1x16xf32>,
        %get3A_1745 = vector.shape_cast %get3A_1744 : vector<1x16xf32> to vector<16xf32>
        %mul3A_1746 = arith.mulf %get3A_1741, %get3A_1745 : vector<16xf32>
        %add3A_1747 = arith.addf %add3A_1623, %mul3A_1746 : vector<16xf32>
        %swap3A_1748 = arith.index_cast %add3A_1677 : i32 to index
        %swap3A_1749 = arith.constant 64 : index
        %swap3A_1750 = tpu.vector_load %arg15[%swap3A_1748, %swap3A_1749] {strides = array<i32>} : memref<64x128xf32, #tpu.memory_space<vmem>>, vector<1x16xf32>,
        %swap3A_1751 = vector.shape_cast %swap3A_1750 : vector<1x16xf32> to vector<16xf32>
        %swap3A_1752 = vector.shape_cast %add3A_1747 : vector<16xf32> to vector<1x16xf32>
        tpu.vector_store %arg15[%swap3A_1748, %swap3A_1749], %swap3A_1752 {strides = array<i32>} : memref<64x128xf32, #tpu.memory_space<vmem>>, vector<1x16xf32>,
        %get3A_1753 = arith.index_cast %add3A_1677 : i32 to index
        %get3A_1754 = arith.constant 80 : index
        %get3A_1755 = tpu.vector_load %arg7[%get3A_1753, %get3A_1754] {strides = array<i32>} : memref<64x128xf32, #tpu.memory_space<vmem>>, vector<1x16xf32>,
        %get3A_1756 = vector.shape_cast %get3A_1755 : vector<1x16xf32> to vector<16xf32>
        %get3A_1757 = arith.index_cast %add3A_1677 : i32 to index
        %get3A_1758 = arith.constant 80 : index
        %get3A_1759 = tpu.vector_load %arg11[%get3A_1757, %get3A_1758] {strides = array<i32>} : memref<64x128xf32, #tpu.memory_space<vmem>>, vector<1x16xf32>,
        %get3A_1760 = vector.shape_cast %get3A_1759 : vector<1x16xf32> to vector<16xf32>
        %mul3A_1761 = arith.mulf %get3A_1756, %get3A_1760 : vector<16xf32>
        %add3A_1762 = arith.addf %add3A_1638, %mul3A_1761 : vector<16xf32>
        %swap3A_1763 = arith.index_cast %add3A_1677 : i32 to index
        %swap3A_1764 = arith.constant 80 : index
        %swap3A_1765 = tpu.vector_load %arg15[%swap3A_1763, %swap3A_1764] {strides = array<i32>} : memref<64x128xf32, #tpu.memory_space<vmem>>, vector<1x16xf32>,
        %swap3A_1766 = vector.shape_cast %swap3A_1765 : vector<1x16xf32> to vector<16xf32>
        %swap3A_1767 = vector.shape_cast %add3A_1762 : vector<16xf32> to vector<1x16xf32>
        tpu.vector_store %arg15[%swap3A_1763, %swap3A_1764], %swap3A_1767 {strides = array<i32>} : memref<64x128xf32, #tpu.memory_space<vmem>>, vector<1x16xf32>,
        %get3A_1768 = arith.index_cast %add3A_1677 : i32 to index
        %get3A_1769 = arith.constant 96 : index
        %get3A_1770 = tpu.vector_load %arg7[%get3A_1768, %get3A_1769] {strides = array<i32>} : memref<64x128xf32, #tpu.memory_space<vmem>>, vector<1x16xf32>,
        %get3A_1771 = vector.shape_cast %get3A_1770 : vector<1x16xf32> to vector<16xf32>
        %get3A_1772 = arith.index_cast %add3A_1677 : i32 to index
        %get3A_1773 = arith.constant 96 : index
        %get3A_1774 = tpu.vector_load %arg11[%get3A_1772, %get3A_1773] {strides = array<i32>} : memref<64x128xf32, #tpu.memory_space<vmem>>, vector<1x16xf32>,
        %get3A_1775 = vector.shape_cast %get3A_1774 : vector<1x16xf32> to vector<16xf32>
        %mul3A_1776 = arith.mulf %get3A_1771, %get3A_1775 : vector<16xf32>
        %add3A_1777 = arith.addf %add3A_1653, %mul3A_1776 : vector<16xf32>
        %swap3A_1778 = arith.index_cast %add3A_1677 : i32 to index
        %swap3A_1779 = arith.constant 96 : index
        %swap3A_1780 = tpu.vector_load %arg15[%swap3A_1778, %swap3A_1779] {strides = array<i32>} : memref<64x128xf32, #tpu.memory_space<vmem>>, vector<1x16xf32>,
        %swap3A_1781 = vector.shape_cast %swap3A_1780 : vector<1x16xf32> to vector<16xf32>
        %swap3A_1782 = vector.shape_cast %add3A_1777 : vector<16xf32> to vector<1x16xf32>
        tpu.vector_store %arg15[%swap3A_1778, %swap3A_1779], %swap3A_1782 {strides = array<i32>} : memref<64x128xf32, #tpu.memory_space<vmem>>, vector<1x16xf32>,
        %get3A_1783 = arith.index_cast %add3A_1677 : i32 to index
        %get3A_1784 = arith.constant 112 : index
        %get3A_1785 = tpu.vector_load %arg7[%get3A_1783, %get3A_1784] {strides = array<i32>} : memref<64x128xf32, #tpu.memory_space<vmem>>, vector<1x16xf32>,
        %get3A_1786 = vector.shape_cast %get3A_1785 : vector<1x16xf32> to vector<16xf32>
        %get3A_1787 = arith.index_cast %add3A_1677 : i32 to index
        %get3A_1788 = arith.constant 112 : index
        %get3A_1789 = tpu.vector_load %arg11[%get3A_1787, %get3A_1788] {strides = array<i32>} : memref<64x128xf32, #tpu.memory_space<vmem>>, vector<1x16xf32>,
        %get3A_1790 = vector.shape_cast %get3A_1789 : vector<1x16xf32> to vector<16xf32>
        %mul3A_1791 = arith.mulf %get3A_1786, %get3A_1790 : vector<16xf32>
        %add3A_1792 = arith.addf %add3A_1668, %mul3A_1791 : vector<16xf32>
        %swap3A_1793 = arith.index_cast %add3A_1677 : i32 to index
        %swap3A_1794 = arith.constant 112 : index
        %swap3A_1795 = tpu.vector_load %arg15[%swap3A_1793, %swap3A_1794] {strides = array<i32>} : memref<64x128xf32, #tpu.memory_space<vmem>>, vector<1x16xf32>,
        %swap3A_1796 = vector.shape_cast %swap3A_1795 : vector<1x16xf32> to vector<16xf32>
        %swap3A_1797 = vector.shape_cast %add3A_1792 : vector<16xf32> to vector<1x16xf32>
        tpu.vector_store %arg15[%swap3A_1793, %swap3A_1794], %swap3A_1797 {strides = array<i32>} : memref<64x128xf32, #tpu.memory_space<vmem>>, vector<1x16xf32>,
        scf.yield %add3A_1687, %add3A_1702, %add3A_1717, %add3A_1732, %add3A_1747, %add3A_1762, %add3A_1777, %add3A_1792 : vector<16xf32>, vector<16xf32>, vector<16xf32>, vector<16xf32>, vector<16xf32>, vector<16xf32>, vector<16xf32>, vector<16xf32>
      }
      %scan3A_1194 = arith.constant 32 : i32
      %jit3A_1195 = arith.constant 64 : i32
      %div3A_1196 = arith.divsi %add3A_1032, %jit3A_1195 : i32
      %sign3A_1197 = arith.constant 0 : i32
      %sign3A_1198 = arith.cmpi sgt, %add3A_1032, %sign3A_1197 : i32
      %sign3A_1199 = arith.extui %sign3A_1198 : i1 to i32
      %sign3A_1200 = arith.constant 0 : i32
      %sign3A_1201 = arith.cmpi slt, %add3A_1032, %sign3A_1200 : i32
      %sign3A_1202 = arith.extui %sign3A_1201 : i1 to i32
      %sign3A_1203 = arith.subi %sign3A_1199, %sign3A_1202 : i32
      %sign3A_1204 = arith.constant 0 : i32
      %sign3A_1205 = arith.cmpi sgt, %jit3A_1195, %sign3A_1204 : i32
      %sign3A_1206 = arith.extui %sign3A_1205 : i1 to i32
      %sign3A_1207 = arith.constant 0 : i32
      %sign3A_1208 = arith.cmpi slt, %jit3A_1195, %sign3A_1207 : i32
      %sign3A_1209 = arith.extui %sign3A_1208 : i1 to i32
      %sign3A_1210 = arith.subi %sign3A_1206, %sign3A_1209 : i32
      %ne3A_1211 = arith.cmpi ne, %sign3A_1203, %sign3A_1210 : i32
      %rem3A_1212 = arith.remsi %add3A_1032, %jit3A_1195 : i32
      %ne3A_1213 = arith.constant 0 : i32
      %ne3A_1214 = arith.cmpi ne, %rem3A_1212, %ne3A_1213 : i32
      %and3A_1215 = arith.andi %ne3A_1211, %ne3A_1214 : i1
      %sub3A_1216 = arith.constant 1 : i32
      %sub3A_1217 = arith.subi %div3A_1196, %sub3A_1216 : i32
      %select_n3A_1218 = arith.select %and3A_1215, %sub3A_1217, %div3A_1196 : i32
      %jit3A_1219 = arith.constant 64 : i32
      %eq3A_1220 = arith.constant 0 : i32
      %eq3A_1221 = arith.cmpi eq, %jit3A_1219, %eq3A_1220 : i32
      %jit3A_1222 = arith.constant 1 : i32
      %select_n3A_1223 = arith.select %eq3A_1221, %jit3A_1222, %jit3A_1219 : i32
      %rem3A_1224 = arith.remsi %add3A_1032, %select_n3A_1223 : i32
      %ne3A_1225 = arith.constant 0 : i32
      %ne3A_1226 = arith.cmpi ne, %rem3A_1224, %ne3A_1225 : i32
      %lt3A_1227 = arith.constant 0 : i32
      %lt3A_1228 = arith.cmpi slt, %rem3A_1224, %lt3A_1227 : i32
      %lt3A_1229 = arith.constant 0 : i32
      %lt3A_1230 = arith.cmpi slt, %select_n3A_1223, %lt3A_1229 : i32
      %ne3A_1231 = arith.xori %lt3A_1228, %lt3A_1230 : i1
      %and3A_1232 = arith.andi %ne3A_1231, %ne3A_1226 : i1
      %add3A_1233 = arith.addi %rem3A_1224, %select_n3A_1223 : i32
      %select_n3A_1234 = arith.select %and3A_1232, %add3A_1233, %rem3A_1224 : i32
      %mul3A_1235 = arith.constant 32 : i32
      %mul3A_1236 = arith.muli %mul3A_1235, %select_n3A_1218 : i32
      %add3A_1237 = arith.addi %add3A, %mul3A_1236 : i32
      %jit3A_1238 = arith.constant 16 : i32
      %div3A_1239 = arith.divsi %add3A_1237, %jit3A_1238 : i32
      %sign3A_1240 = arith.constant 0 : i32
      %sign3A_1241 = arith.cmpi sgt, %add3A_1237, %sign3A_1240 : i32
      %sign3A_1242 = arith.extui %sign3A_1241 : i1 to i32
      %sign3A_1243 = arith.constant 0 : i32
      %sign3A_1244 = arith.cmpi slt, %add3A_1237, %sign3A_1243 : i32
      %sign3A_1245 = arith.extui %sign3A_1244 : i1 to i32
      %sign3A_1246 = arith.subi %sign3A_1242, %sign3A_1245 : i32
      %sign3A_1247 = arith.constant 0 : i32
      %sign3A_1248 = arith.cmpi sgt, %jit3A_1238, %sign3A_1247 : i32
      %sign3A_1249 = arith.extui %sign3A_1248 : i1 to i32
      %sign3A_1250 = arith.constant 0 : i32
      %sign3A_1251 = arith.cmpi slt, %jit3A_1238, %sign3A_1250 : i32
      %sign3A_1252 = arith.extui %sign3A_1251 : i1 to i32
      %sign3A_1253 = arith.subi %sign3A_1249, %sign3A_1252 : i32
      %ne3A_1254 = arith.cmpi ne, %sign3A_1246, %sign3A_1253 : i32
      %rem3A_1255 = arith.remsi %add3A_1237, %jit3A_1238 : i32
      %ne3A_1256 = arith.constant 0 : i32
      %ne3A_1257 = arith.cmpi ne, %rem3A_1255, %ne3A_1256 : i32
      %and3A_1258 = arith.andi %ne3A_1254, %ne3A_1257 : i1
      %sub3A_1259 = arith.constant 1 : i32
      %sub3A_1260 = arith.subi %div3A_1239, %sub3A_1259 : i32
      %select_n3A_1261 = arith.select %and3A_1258, %sub3A_1260, %div3A_1239 : i32
      %jit3A_1262 = arith.constant 16 : i32
      %eq3A_1263 = arith.constant 0 : i32
      %eq3A_1264 = arith.cmpi eq, %jit3A_1262, %eq3A_1263 : i32
      %jit3A_1265 = arith.constant 1 : i32
      %select_n3A_1266 = arith.select %eq3A_1264, %jit3A_1265, %jit3A_1262 : i32
      %rem3A_1267 = arith.remsi %add3A_1237, %select_n3A_1266 : i32
      %ne3A_1268 = arith.constant 0 : i32
      %ne3A_1269 = arith.cmpi ne, %rem3A_1267, %ne3A_1268 : i32
      %lt3A_1270 = arith.constant 0 : i32
      %lt3A_1271 = arith.cmpi slt, %rem3A_1267, %lt3A_1270 : i32
      %lt3A_1272 = arith.constant 0 : i32
      %lt3A_1273 = arith.cmpi slt, %select_n3A_1266, %lt3A_1272 : i32
      %ne3A_1274 = arith.xori %lt3A_1271, %lt3A_1273 : i1
      %and3A_1275 = arith.andi %ne3A_1274, %ne3A_1269 : i1
      %add3A_1276 = arith.addi %rem3A_1267, %select_n3A_1266 : i32
      %select_n3A_1277 = arith.select %and3A_1275, %add3A_1276, %rem3A_1267 : i32
      %mul3A_1278 = arith.constant 128 : i32
      %mul3A_1279 = arith.muli %select_n3A_1277, %mul3A_1278 : i32
      %mul3A_1280 = arith.constant 64 : i32
      %mul3A_1281 = arith.muli %select_n3A_1234, %mul3A_1280 : i32
      %dma_start3A_1282 = tpu.memref_slice %arg4[%select_n3A_1261, %mul3A_1281, %mul3A_1279] : memref<4x4096x2048xf32, #tpu.memory_space<hbm>> -> memref<1x64x128xf32, #tpu.memory_space<hbm>>
      %dma_start3A_1283 = tpu.memref_squeeze %dma_start3A_1282 : memref<1x64x128xf32, #tpu.memory_space<hbm>> -> memref<64x128xf32, #tpu.memory_space<hbm>>
      %dma_start3A_1284 = tpu.memref_slice %arg4[%select_n3A_1261, %mul3A_1281, %mul3A_1279] : memref<4x4096x2048xf32, #tpu.memory_space<hbm>> -> memref<1x64x128xf32, #tpu.memory_space<hbm>>
      %dma_start3A_1285 = tpu.memref_squeeze %dma_start3A_1284 : memref<1x64x128xf32, #tpu.memory_space<hbm>> -> memref<64x128xf32, #tpu.memory_space<hbm>>
      tpu.enqueue_dma source(%arg15 : memref<64x128xf32, #tpu.memory_space<vmem>>) target(%dma_start3A_1285 : memref<64x128xf32, #tpu.memory_space<hbm>>) target_semaphore(%arg27 : memref<!tpu.dma_semaphore, #tpu.memory_space<semaphore_mem>>)
      %mul3A_1286 = arith.constant 4 : i32
      %mul3A_1287 = arith.muli %mul3A_1286, %scan3A_509 : i32
      %add3A_1288 = arith.constant 3 : i32
      %add3A_1289 = arith.addi %mul3A_1287, %add3A_1288 : i32
      %add3A_1290 = arith.constant 4 : i32
      %add3A_1291 = arith.addi %add3A_1289, %add3A_1290 : i32
      %sub3A_1292 = arith.constant 1 : i32
      %sub3A_1293 = arith.subi %add3A_1291, %sub3A_1292 : i32
      %lt3A_1294 = arith.constant 128 : i32
      %lt3A_1295 = arith.cmpi slt, %sub3A_1293, %lt3A_1294 : i32
      %convert_element_type3A_1296 = arith.extui %lt3A_1295 : i1 to i32
      %cond3A_1297 = arith.constant 0 : i32
      %cond3A_1298 = arith.cmpi ne, %convert_element_type3A_1296, %cond3A_1297 : i32
      scf.if %cond3A_1298 {
        %jit3A_1543 = arith.constant 64 : i32
        %div3A_1544 = arith.divsi %sub3A_1293, %jit3A_1543 : i32
        %sign3A_1545 = arith.constant 0 : i32
        %sign3A_1546 = arith.cmpi sgt, %sub3A_1293, %sign3A_1545 : i32
        %sign3A_1547 = arith.extui %sign3A_1546 : i1 to i32
        %sign3A_1548 = arith.constant 0 : i32
        %sign3A_1549 = arith.cmpi slt, %sub3A_1293, %sign3A_1548 : i32
        %sign3A_1550 = arith.extui %sign3A_1549 : i1 to i32
        %sign3A_1551 = arith.subi %sign3A_1547, %sign3A_1550 : i32
        %sign3A_1552 = arith.constant 0 : i32
        %sign3A_1553 = arith.cmpi sgt, %jit3A_1543, %sign3A_1552 : i32
        %sign3A_1554 = arith.extui %sign3A_1553 : i1 to i32
        %sign3A_1555 = arith.constant 0 : i32
        %sign3A_1556 = arith.cmpi slt, %jit3A_1543, %sign3A_1555 : i32
        %sign3A_1557 = arith.extui %sign3A_1556 : i1 to i32
        %sign3A_1558 = arith.subi %sign3A_1554, %sign3A_1557 : i32
        %ne3A_1559 = arith.cmpi ne, %sign3A_1551, %sign3A_1558 : i32
        %rem3A_1560 = arith.remsi %sub3A_1293, %jit3A_1543 : i32
        %ne3A_1561 = arith.constant 0 : i32
        %ne3A_1562 = arith.cmpi ne, %rem3A_1560, %ne3A_1561 : i32
        %and3A_1563 = arith.andi %ne3A_1559, %ne3A_1562 : i1
        %sub3A_1564 = arith.constant 1 : i32
        %sub3A_1565 = arith.subi %div3A_1544, %sub3A_1564 : i32
        %select_n3A_1566 = arith.select %and3A_1563, %sub3A_1565, %div3A_1544 : i32
        %jit3A_1567 = arith.constant 64 : i32
        %eq3A_1568 = arith.constant 0 : i32
        %eq3A_1569 = arith.cmpi eq, %jit3A_1567, %eq3A_1568 : i32
        %jit3A_1570 = arith.constant 1 : i32
        %select_n3A_1571 = arith.select %eq3A_1569, %jit3A_1570, %jit3A_1567 : i32
        %rem3A_1572 = arith.remsi %sub3A_1293, %select_n3A_1571 : i32
        %ne3A_1573 = arith.constant 0 : i32
        %ne3A_1574 = arith.cmpi ne, %rem3A_1572, %ne3A_1573 : i32
        %lt3A_1575 = arith.constant 0 : i32
        %lt3A_1576 = arith.cmpi slt, %rem3A_1572, %lt3A_1575 : i32
        %lt3A_1577 = arith.constant 0 : i32
        %lt3A_1578 = arith.cmpi slt, %select_n3A_1571, %lt3A_1577 : i32
        %ne3A_1579 = arith.xori %lt3A_1576, %lt3A_1578 : i1
        %and3A_1580 = arith.andi %ne3A_1579, %ne3A_1574 : i1
        %add3A_1581 = arith.addi %rem3A_1572, %select_n3A_1571 : i32
        %select_n3A_1582 = arith.select %and3A_1580, %add3A_1581, %rem3A_1572 : i32
        %mul3A_1583 = arith.constant 32 : i32
        %mul3A_1584 = arith.muli %mul3A_1583, %select_n3A_1566 : i32
        %add3A_1585 = arith.addi %add3A, %mul3A_1584 : i32
        %jit3A_1586 = arith.constant 16 : i32
        %div3A_1587 = arith.divsi %add3A_1585, %jit3A_1586 : i32
        %sign3A_1588 = arith.constant 0 : i32
        %sign3A_1589 = arith.cmpi sgt, %add3A_1585, %sign3A_1588 : i32
        %sign3A_1590 = arith.extui %sign3A_1589 : i1 to i32
        %sign3A_1591 = arith.constant 0 : i32
        %sign3A_1592 = arith.cmpi slt, %add3A_1585, %sign3A_1591 : i32
        %sign3A_1593 = arith.extui %sign3A_1592 : i1 to i32
        %sign3A_1594 = arith.subi %sign3A_1590, %sign3A_1593 : i32
        %sign3A_1595 = arith.constant 0 : i32
        %sign3A_1596 = arith.cmpi sgt, %jit3A_1586, %sign3A_1595 : i32
        %sign3A_1597 = arith.extui %sign3A_1596 : i1 to i32
        %sign3A_1598 = arith.constant 0 : i32
        %sign3A_1599 = arith.cmpi slt, %jit3A_1586, %sign3A_1598 : i32
        %sign3A_1600 = arith.extui %sign3A_1599 : i1 to i32
        %sign3A_1601 = arith.subi %sign3A_1597, %sign3A_1600 : i32
        %ne3A_1602 = arith.cmpi ne, %sign3A_1594, %sign3A_1601 : i32
        %rem3A_1603 = arith.remsi %add3A_1585, %jit3A_1586 : i32
        %ne3A_1604 = arith.constant 0 : i32
        %ne3A_1605 = arith.cmpi ne, %rem3A_1603, %ne3A_1604 : i32
        %and3A_1606 = arith.andi %ne3A_1602, %ne3A_1605 : i1
        %sub3A_1607 = arith.constant 1 : i32
        %sub3A_1608 = arith.subi %div3A_1587, %sub3A_1607 : i32
        %select_n3A_1609 = arith.select %and3A_1606, %sub3A_1608, %div3A_1587 : i32
        %jit3A_1610 = arith.constant 16 : i32
        %eq3A_1611 = arith.constant 0 : i32
        %eq3A_1612 = arith.cmpi eq, %jit3A_1610, %eq3A_1611 : i32
        %jit3A_1613 = arith.constant 1 : i32
        %select_n3A_1614 = arith.select %eq3A_1612, %jit3A_1613, %jit3A_1610 : i32
        %rem3A_1615 = arith.remsi %add3A_1585, %select_n3A_1614 : i32
        %ne3A_1616 = arith.constant 0 : i32
        %ne3A_1617 = arith.cmpi ne, %rem3A_1615, %ne3A_1616 : i32
        %lt3A_1618 = arith.constant 0 : i32
        %lt3A_1619 = arith.cmpi slt, %rem3A_1615, %lt3A_1618 : i32
        %lt3A_1620 = arith.constant 0 : i32
        %lt3A_1621 = arith.cmpi slt, %select_n3A_1614, %lt3A_1620 : i32
        %ne3A_1622 = arith.xori %lt3A_1619, %lt3A_1621 : i1
        %and3A_1623 = arith.andi %ne3A_1622, %ne3A_1617 : i1
        %add3A_1624 = arith.addi %rem3A_1615, %select_n3A_1614 : i32
        %select_n3A_1625 = arith.select %and3A_1623, %add3A_1624, %rem3A_1615 : i32
        %mul3A_1626 = arith.constant 128 : i32
        %mul3A_1627 = arith.muli %select_n3A_1625, %mul3A_1626 : i32
        %mul3A_1628 = arith.constant 64 : i32
        %mul3A_1629 = arith.muli %select_n3A_1582, %mul3A_1628 : i32
        %dma_start3A_1630 = tpu.memref_slice %arg2[%select_n3A_1609, %mul3A_1629, %mul3A_1627] : memref<4x4096x2048xf32, #tpu.memory_space<hbm>> -> memref<1x64x128xf32, #tpu.memory_space<hbm>>
        %dma_start3A_1631 = tpu.memref_squeeze %dma_start3A_1630 : memref<1x64x128xf32, #tpu.memory_space<hbm>> -> memref<64x128xf32, #tpu.memory_space<hbm>>
        %dma_start3A_1632 = tpu.memref_slice %arg2[%select_n3A_1609, %mul3A_1629, %mul3A_1627] : memref<4x4096x2048xf32, #tpu.memory_space<hbm>> -> memref<1x64x128xf32, #tpu.memory_space<hbm>>
        %dma_start3A_1633 = tpu.memref_squeeze %dma_start3A_1632 : memref<1x64x128xf32, #tpu.memory_space<hbm>> -> memref<64x128xf32, #tpu.memory_space<hbm>>
        tpu.enqueue_dma source(%dma_start3A_1633 : memref<64x128xf32, #tpu.memory_space<hbm>>) target(%arg7 : memref<64x128xf32, #tpu.memory_space<vmem>>) target_semaphore(%arg19 : memref<!tpu.dma_semaphore, #tpu.memory_space<semaphore_mem>>)
        %jit3A_1634 = arith.constant 64 : i32
        %div3A_1635 = arith.divsi %sub3A_1293, %jit3A_1634 : i32
        %sign3A_1636 = arith.constant 0 : i32
        %sign3A_1637 = arith.cmpi sgt, %sub3A_1293, %sign3A_1636 : i32
        %sign3A_1638 = arith.extui %sign3A_1637 : i1 to i32
        %sign3A_1639 = arith.constant 0 : i32
        %sign3A_1640 = arith.cmpi slt, %sub3A_1293, %sign3A_1639 : i32
        %sign3A_1641 = arith.extui %sign3A_1640 : i1 to i32
        %sign3A_1642 = arith.subi %sign3A_1638, %sign3A_1641 : i32
        %sign3A_1643 = arith.constant 0 : i32
        %sign3A_1644 = arith.cmpi sgt, %jit3A_1634, %sign3A_1643 : i32
        %sign3A_1645 = arith.extui %sign3A_1644 : i1 to i32
        %sign3A_1646 = arith.constant 0 : i32
        %sign3A_1647 = arith.cmpi slt, %jit3A_1634, %sign3A_1646 : i32
        %sign3A_1648 = arith.extui %sign3A_1647 : i1 to i32
        %sign3A_1649 = arith.subi %sign3A_1645, %sign3A_1648 : i32
        %ne3A_1650 = arith.cmpi ne, %sign3A_1642, %sign3A_1649 : i32
        %rem3A_1651 = arith.remsi %sub3A_1293, %jit3A_1634 : i32
        %ne3A_1652 = arith.constant 0 : i32
        %ne3A_1653 = arith.cmpi ne, %rem3A_1651, %ne3A_1652 : i32
        %and3A_1654 = arith.andi %ne3A_1650, %ne3A_1653 : i1
        %sub3A_1655 = arith.constant 1 : i32
        %sub3A_1656 = arith.subi %div3A_1635, %sub3A_1655 : i32
        %select_n3A_1657 = arith.select %and3A_1654, %sub3A_1656, %div3A_1635 : i32
        %jit3A_1658 = arith.constant 64 : i32
        %eq3A_1659 = arith.constant 0 : i32
        %eq3A_1660 = arith.cmpi eq, %jit3A_1658, %eq3A_1659 : i32
        %jit3A_1661 = arith.constant 1 : i32
        %select_n3A_1662 = arith.select %eq3A_1660, %jit3A_1661, %jit3A_1658 : i32
        %rem3A_1663 = arith.remsi %sub3A_1293, %select_n3A_1662 : i32
        %ne3A_1664 = arith.constant 0 : i32
        %ne3A_1665 = arith.cmpi ne, %rem3A_1663, %ne3A_1664 : i32
        %lt3A_1666 = arith.constant 0 : i32
        %lt3A_1667 = arith.cmpi slt, %rem3A_1663, %lt3A_1666 : i32
        %lt3A_1668 = arith.constant 0 : i32
        %lt3A_1669 = arith.cmpi slt, %select_n3A_1662, %lt3A_1668 : i32
        %ne3A_1670 = arith.xori %lt3A_1667, %lt3A_1669 : i1
        %and3A_1671 = arith.andi %ne3A_1670, %ne3A_1665 : i1
        %add3A_1672 = arith.addi %rem3A_1663, %select_n3A_1662 : i32
        %select_n3A_1673 = arith.select %and3A_1671, %add3A_1672, %rem3A_1663 : i32
        %mul3A_1674 = arith.constant 32 : i32
        %mul3A_1675 = arith.muli %mul3A_1674, %select_n3A_1657 : i32
        %add3A_1676 = arith.addi %add3A, %mul3A_1675 : i32
        %jit3A_1677 = arith.constant 16 : i32
        %div3A_1678 = arith.divsi %add3A_1676, %jit3A_1677 : i32
        %sign3A_1679 = arith.constant 0 : i32
        %sign3A_1680 = arith.cmpi sgt, %add3A_1676, %sign3A_1679 : i32
        %sign3A_1681 = arith.extui %sign3A_1680 : i1 to i32
        %sign3A_1682 = arith.constant 0 : i32
        %sign3A_1683 = arith.cmpi slt, %add3A_1676, %sign3A_1682 : i32
        %sign3A_1684 = arith.extui %sign3A_1683 : i1 to i32
        %sign3A_1685 = arith.subi %sign3A_1681, %sign3A_1684 : i32
        %sign3A_1686 = arith.constant 0 : i32
        %sign3A_1687 = arith.cmpi sgt, %jit3A_1677, %sign3A_1686 : i32
        %sign3A_1688 = arith.extui %sign3A_1687 : i1 to i32
        %sign3A_1689 = arith.constant 0 : i32
        %sign3A_1690 = arith.cmpi slt, %jit3A_1677, %sign3A_1689 : i32
        %sign3A_1691 = arith.extui %sign3A_1690 : i1 to i32
        %sign3A_1692 = arith.subi %sign3A_1688, %sign3A_1691 : i32
        %ne3A_1693 = arith.cmpi ne, %sign3A_1685, %sign3A_1692 : i32
        %rem3A_1694 = arith.remsi %add3A_1676, %jit3A_1677 : i32
        %ne3A_1695 = arith.constant 0 : i32
        %ne3A_1696 = arith.cmpi ne, %rem3A_1694, %ne3A_1695 : i32
        %and3A_1697 = arith.andi %ne3A_1693, %ne3A_1696 : i1
        %sub3A_1698 = arith.constant 1 : i32
        %sub3A_1699 = arith.subi %div3A_1678, %sub3A_1698 : i32
        %select_n3A_1700 = arith.select %and3A_1697, %sub3A_1699, %div3A_1678 : i32
        %jit3A_1701 = arith.constant 16 : i32
        %eq3A_1702 = arith.constant 0 : i32
        %eq3A_1703 = arith.cmpi eq, %jit3A_1701, %eq3A_1702 : i32
        %jit3A_1704 = arith.constant 1 : i32
        %select_n3A_1705 = arith.select %eq3A_1703, %jit3A_1704, %jit3A_1701 : i32
        %rem3A_1706 = arith.remsi %add3A_1676, %select_n3A_1705 : i32
        %ne3A_1707 = arith.constant 0 : i32
        %ne3A_1708 = arith.cmpi ne, %rem3A_1706, %ne3A_1707 : i32
        %lt3A_1709 = arith.constant 0 : i32
        %lt3A_1710 = arith.cmpi slt, %rem3A_1706, %lt3A_1709 : i32
        %lt3A_1711 = arith.constant 0 : i32
        %lt3A_1712 = arith.cmpi slt, %select_n3A_1705, %lt3A_1711 : i32
        %ne3A_1713 = arith.xori %lt3A_1710, %lt3A_1712 : i1
        %and3A_1714 = arith.andi %ne3A_1713, %ne3A_1708 : i1
        %add3A_1715 = arith.addi %rem3A_1706, %select_n3A_1705 : i32
        %select_n3A_1716 = arith.select %and3A_1714, %add3A_1715, %rem3A_1706 : i32
        %mul3A_1717 = arith.constant 128 : i32
        %mul3A_1718 = arith.muli %select_n3A_1716, %mul3A_1717 : i32
        %mul3A_1719 = arith.constant 64 : i32
        %mul3A_1720 = arith.muli %select_n3A_1673, %mul3A_1719 : i32
        %dma_start3A_1721 = tpu.memref_slice %arg3[%select_n3A_1700, %mul3A_1720, %mul3A_1718] : memref<4x4096x2048xf32, #tpu.memory_space<hbm>> -> memref<1x64x128xf32, #tpu.memory_space<hbm>>
        %dma_start3A_1722 = tpu.memref_squeeze %dma_start3A_1721 : memref<1x64x128xf32, #tpu.memory_space<hbm>> -> memref<64x128xf32, #tpu.memory_space<hbm>>
        %dma_start3A_1723 = tpu.memref_slice %arg3[%select_n3A_1700, %mul3A_1720, %mul3A_1718] : memref<4x4096x2048xf32, #tpu.memory_space<hbm>> -> memref<1x64x128xf32, #tpu.memory_space<hbm>>
        %dma_start3A_1724 = tpu.memref_squeeze %dma_start3A_1723 : memref<1x64x128xf32, #tpu.memory_space<hbm>> -> memref<64x128xf32, #tpu.memory_space<hbm>>
        tpu.enqueue_dma source(%dma_start3A_1724 : memref<64x128xf32, #tpu.memory_space<hbm>>) target(%arg11 : memref<64x128xf32, #tpu.memory_space<vmem>>) target_semaphore(%arg23 : memref<!tpu.dma_semaphore, #tpu.memory_space<semaphore_mem>>)
      } else {
      }
      %add3A_1299 = arith.constant 0 : i32
      %add3A_1300 = arith.addi %add3A, %add3A_1299 : i32
      %jit3A_1301 = arith.constant 16 : i32
      %div3A_1302 = arith.divsi %add3A_1300, %jit3A_1301 : i32
      %sign3A_1303 = arith.constant 0 : i32
      %sign3A_1304 = arith.cmpi sgt, %add3A_1300, %sign3A_1303 : i32
      %sign3A_1305 = arith.extui %sign3A_1304 : i1 to i32
      %sign3A_1306 = arith.constant 0 : i32
      %sign3A_1307 = arith.cmpi slt, %add3A_1300, %sign3A_1306 : i32
      %sign3A_1308 = arith.extui %sign3A_1307 : i1 to i32
      %sign3A_1309 = arith.subi %sign3A_1305, %sign3A_1308 : i32
      %sign3A_1310 = arith.constant 0 : i32
      %sign3A_1311 = arith.cmpi sgt, %jit3A_1301, %sign3A_1310 : i32
      %sign3A_1312 = arith.extui %sign3A_1311 : i1 to i32
      %sign3A_1313 = arith.constant 0 : i32
      %sign3A_1314 = arith.cmpi slt, %jit3A_1301, %sign3A_1313 : i32
      %sign3A_1315 = arith.extui %sign3A_1314 : i1 to i32
      %sign3A_1316 = arith.subi %sign3A_1312, %sign3A_1315 : i32
      %ne3A_1317 = arith.cmpi ne, %sign3A_1309, %sign3A_1316 : i32
      %rem3A_1318 = arith.remsi %add3A_1300, %jit3A_1301 : i32
      %ne3A_1319 = arith.constant 0 : i32
      %ne3A_1320 = arith.cmpi ne, %rem3A_1318, %ne3A_1319 : i32
      %and3A_1321 = arith.andi %ne3A_1317, %ne3A_1320 : i1
      %sub3A_1322 = arith.constant 1 : i32
      %sub3A_1323 = arith.subi %div3A_1302, %sub3A_1322 : i32
      %select_n3A_1324 = arith.select %and3A_1321, %sub3A_1323, %div3A_1302 : i32
      %jit3A_1325 = arith.constant 16 : i32
      %eq3A_1326 = arith.constant 0 : i32
      %eq3A_1327 = arith.cmpi eq, %jit3A_1325, %eq3A_1326 : i32
      %jit3A_1328 = arith.constant 1 : i32
      %select_n3A_1329 = arith.select %eq3A_1327, %jit3A_1328, %jit3A_1325 : i32
      %rem3A_1330 = arith.remsi %add3A_1300, %select_n3A_1329 : i32
      %ne3A_1331 = arith.constant 0 : i32
      %ne3A_1332 = arith.cmpi ne, %rem3A_1330, %ne3A_1331 : i32
      %lt3A_1333 = arith.constant 0 : i32
      %lt3A_1334 = arith.cmpi slt, %rem3A_1330, %lt3A_1333 : i32
      %lt3A_1335 = arith.constant 0 : i32
      %lt3A_1336 = arith.cmpi slt, %select_n3A_1329, %lt3A_1335 : i32
      %ne3A_1337 = arith.xori %lt3A_1334, %lt3A_1336 : i1
      %and3A_1338 = arith.andi %ne3A_1337, %ne3A_1332 : i1
      %add3A_1339 = arith.addi %rem3A_1330, %select_n3A_1329 : i32
      %select_n3A_1340 = arith.select %and3A_1338, %add3A_1339, %rem3A_1330 : i32
      %mul3A_1341 = arith.constant 128 : i32
      %mul3A_1342 = arith.muli %select_n3A_1340, %mul3A_1341 : i32
      %dma_wait3A_1343 = arith.constant 0 : i32
      %dma_wait3A_1344 = tpu.memref_slice %arg2[%select_n3A_1324, %dma_wait3A_1343, %mul3A_1342] : memref<4x4096x2048xf32, #tpu.memory_space<hbm>> -> memref<1x64x128xf32, #tpu.memory_space<hbm>>
      %dma_wait3A_1345 = tpu.memref_squeeze %dma_wait3A_1344 : memref<1x64x128xf32, #tpu.memory_space<hbm>> -> memref<64x128xf32, #tpu.memory_space<hbm>>
      %dma_wait3A_1346 = arith.constant 0 : i32
      %dma_wait3A_1347 = tpu.memref_slice %arg2[%select_n3A_1324, %dma_wait3A_1346, %mul3A_1342] : memref<4x4096x2048xf32, #tpu.memory_space<hbm>> -> memref<1x64x128xf32, #tpu.memory_space<hbm>>
      %dma_wait3A_1348 = tpu.memref_squeeze %dma_wait3A_1347 : memref<1x64x128xf32, #tpu.memory_space<hbm>> -> memref<64x128xf32, #tpu.memory_space<hbm>>
      tpu.wait_dma2 semaphore(%arg20 : memref<!tpu.dma_semaphore, #tpu.memory_space<semaphore_mem>>) src(%dma_wait3A_1348 : memref<64x128xf32, #tpu.memory_space<hbm>>) dst(%arg8 : memref<64x128xf32, #tpu.memory_space<vmem>>)
      %add3A_1349 = arith.constant 0 : i32
      %add3A_1350 = arith.addi %add3A, %add3A_1349 : i32
      %jit3A_1351 = arith.constant 16 : i32
      %div3A_1352 = arith.divsi %add3A_1350, %jit3A_1351 : i32
      %sign3A_1353 = arith.constant 0 : i32
      %sign3A_1354 = arith.cmpi sgt, %add3A_1350, %sign3A_1353 : i32
      %sign3A_1355 = arith.extui %sign3A_1354 : i1 to i32
      %sign3A_1356 = arith.constant 0 : i32
      %sign3A_1357 = arith.cmpi slt, %add3A_1350, %sign3A_1356 : i32
      %sign3A_1358 = arith.extui %sign3A_1357 : i1 to i32
      %sign3A_1359 = arith.subi %sign3A_1355, %sign3A_1358 : i32
      %sign3A_1360 = arith.constant 0 : i32
      %sign3A_1361 = arith.cmpi sgt, %jit3A_1351, %sign3A_1360 : i32
      %sign3A_1362 = arith.extui %sign3A_1361 : i1 to i32
      %sign3A_1363 = arith.constant 0 : i32
      %sign3A_1364 = arith.cmpi slt, %jit3A_1351, %sign3A_1363 : i32
      %sign3A_1365 = arith.extui %sign3A_1364 : i1 to i32
      %sign3A_1366 = arith.subi %sign3A_1362, %sign3A_1365 : i32
      %ne3A_1367 = arith.cmpi ne, %sign3A_1359, %sign3A_1366 : i32
      %rem3A_1368 = arith.remsi %add3A_1350, %jit3A_1351 : i32
      %ne3A_1369 = arith.constant 0 : i32
      %ne3A_1370 = arith.cmpi ne, %rem3A_1368, %ne3A_1369 : i32
      %and3A_1371 = arith.andi %ne3A_1367, %ne3A_1370 : i1
      %sub3A_1372 = arith.constant 1 : i32
      %sub3A_1373 = arith.subi %div3A_1352, %sub3A_1372 : i32
      %select_n3A_1374 = arith.select %and3A_1371, %sub3A_1373, %div3A_1352 : i32
      %jit3A_1375 = arith.constant 16 : i32
      %eq3A_1376 = arith.constant 0 : i32
      %eq3A_1377 = arith.cmpi eq, %jit3A_1375, %eq3A_1376 : i32
      %jit3A_1378 = arith.constant 1 : i32
      %select_n3A_1379 = arith.select %eq3A_1377, %jit3A_1378, %jit3A_1375 : i32
      %rem3A_1380 = arith.remsi %add3A_1350, %select_n3A_1379 : i32
      %ne3A_1381 = arith.constant 0 : i32
      %ne3A_1382 = arith.cmpi ne, %rem3A_1380, %ne3A_1381 : i32
      %lt3A_1383 = arith.constant 0 : i32
      %lt3A_1384 = arith.cmpi slt, %rem3A_1380, %lt3A_1383 : i32
      %lt3A_1385 = arith.constant 0 : i32
      %lt3A_1386 = arith.cmpi slt, %select_n3A_1379, %lt3A_1385 : i32
      %ne3A_1387 = arith.xori %lt3A_1384, %lt3A_1386 : i1
      %and3A_1388 = arith.andi %ne3A_1387, %ne3A_1382 : i1
      %add3A_1389 = arith.addi %rem3A_1380, %select_n3A_1379 : i32
      %select_n3A_1390 = arith.select %and3A_1388, %add3A_1389, %rem3A_1380 : i32
      %mul3A_1391 = arith.constant 128 : i32
      %mul3A_1392 = arith.muli %select_n3A_1390, %mul3A_1391 : i32
      %dma_wait3A_1393 = arith.constant 0 : i32
      %dma_wait3A_1394 = tpu.memref_slice %arg3[%select_n3A_1374, %dma_wait3A_1393, %mul3A_1392] : memref<4x4096x2048xf32, #tpu.memory_space<hbm>> -> memref<1x64x128xf32, #tpu.memory_space<hbm>>
      %dma_wait3A_1395 = tpu.memref_squeeze %dma_wait3A_1394 : memref<1x64x128xf32, #tpu.memory_space<hbm>> -> memref<64x128xf32, #tpu.memory_space<hbm>>
      %dma_wait3A_1396 = arith.constant 0 : i32
      %dma_wait3A_1397 = tpu.memref_slice %arg3[%select_n3A_1374, %dma_wait3A_1396, %mul3A_1392] : memref<4x4096x2048xf32, #tpu.memory_space<hbm>> -> memref<1x64x128xf32, #tpu.memory_space<hbm>>
      %dma_wait3A_1398 = tpu.memref_squeeze %dma_wait3A_1397 : memref<1x64x128xf32, #tpu.memory_space<hbm>> -> memref<64x128xf32, #tpu.memory_space<hbm>>
      tpu.wait_dma2 semaphore(%arg24 : memref<!tpu.dma_semaphore, #tpu.memory_space<semaphore_mem>>) src(%dma_wait3A_1398 : memref<64x128xf32, #tpu.memory_space<hbm>>) dst(%arg12 : memref<64x128xf32, #tpu.memory_space<vmem>>)
      %ge3A_1399 = arith.constant 4 : i32
      %ge3A_1400 = arith.cmpi sge, %add3A_1289, %ge3A_1399 : i32
      %convert_element_type3A_1401 = arith.extui %ge3A_1400 : i1 to i32
      %cond3A_1402 = arith.constant 0 : i32
      %cond3A_1403 = arith.cmpi ne, %convert_element_type3A_1401, %cond3A_1402 : i32
      scf.if %cond3A_1403 {
        %add3A_1543 = arith.constant 0 : i32
        %add3A_1544 = arith.addi %add3A, %add3A_1543 : i32
        %jit3A_1545 = arith.constant 16 : i32
        %div3A_1546 = arith.divsi %add3A_1544, %jit3A_1545 : i32
        %sign3A_1547 = arith.constant 0 : i32
        %sign3A_1548 = arith.cmpi sgt, %add3A_1544, %sign3A_1547 : i32
        %sign3A_1549 = arith.extui %sign3A_1548 : i1 to i32
        %sign3A_1550 = arith.constant 0 : i32
        %sign3A_1551 = arith.cmpi slt, %add3A_1544, %sign3A_1550 : i32
        %sign3A_1552 = arith.extui %sign3A_1551 : i1 to i32
        %sign3A_1553 = arith.subi %sign3A_1549, %sign3A_1552 : i32
        %sign3A_1554 = arith.constant 0 : i32
        %sign3A_1555 = arith.cmpi sgt, %jit3A_1545, %sign3A_1554 : i32
        %sign3A_1556 = arith.extui %sign3A_1555 : i1 to i32
        %sign3A_1557 = arith.constant 0 : i32
        %sign3A_1558 = arith.cmpi slt, %jit3A_1545, %sign3A_1557 : i32
        %sign3A_1559 = arith.extui %sign3A_1558 : i1 to i32
        %sign3A_1560 = arith.subi %sign3A_1556, %sign3A_1559 : i32
        %ne3A_1561 = arith.cmpi ne, %sign3A_1553, %sign3A_1560 : i32
        %rem3A_1562 = arith.remsi %add3A_1544, %jit3A_1545 : i32
        %ne3A_1563 = arith.constant 0 : i32
        %ne3A_1564 = arith.cmpi ne, %rem3A_1562, %ne3A_1563 : i32
        %and3A_1565 = arith.andi %ne3A_1561, %ne3A_1564 : i1
        %sub3A_1566 = arith.constant 1 : i32
        %sub3A_1567 = arith.subi %div3A_1546, %sub3A_1566 : i32
        %select_n3A_1568 = arith.select %and3A_1565, %sub3A_1567, %div3A_1546 : i32
        %jit3A_1569 = arith.constant 16 : i32
        %eq3A_1570 = arith.constant 0 : i32
        %eq3A_1571 = arith.cmpi eq, %jit3A_1569, %eq3A_1570 : i32
        %jit3A_1572 = arith.constant 1 : i32
        %select_n3A_1573 = arith.select %eq3A_1571, %jit3A_1572, %jit3A_1569 : i32
        %rem3A_1574 = arith.remsi %add3A_1544, %select_n3A_1573 : i32
        %ne3A_1575 = arith.constant 0 : i32
        %ne3A_1576 = arith.cmpi ne, %rem3A_1574, %ne3A_1575 : i32
        %lt3A_1577 = arith.constant 0 : i32
        %lt3A_1578 = arith.cmpi slt, %rem3A_1574, %lt3A_1577 : i32
        %lt3A_1579 = arith.constant 0 : i32
        %lt3A_1580 = arith.cmpi slt, %select_n3A_1573, %lt3A_1579 : i32
        %ne3A_1581 = arith.xori %lt3A_1578, %lt3A_1580 : i1
        %and3A_1582 = arith.andi %ne3A_1581, %ne3A_1576 : i1
        %add3A_1583 = arith.addi %rem3A_1574, %select_n3A_1573 : i32
        %select_n3A_1584 = arith.select %and3A_1582, %add3A_1583, %rem3A_1574 : i32
        %mul3A_1585 = arith.constant 128 : i32
        %mul3A_1586 = arith.muli %select_n3A_1584, %mul3A_1585 : i32
        %dma_wait3A_1587 = arith.constant 0 : i32
        %dma_wait3A_1588 = tpu.memref_slice %arg4[%select_n3A_1568, %dma_wait3A_1587, %mul3A_1586] : memref<4x4096x2048xf32, #tpu.memory_space<hbm>> -> memref<1x64x128xf32, #tpu.memory_space<hbm>>
        %dma_wait3A_1589 = tpu.memref_squeeze %dma_wait3A_1588 : memref<1x64x128xf32, #tpu.memory_space<hbm>> -> memref<64x128xf32, #tpu.memory_space<hbm>>
        %dma_wait3A_1590 = arith.constant 0 : i32
        %dma_wait3A_1591 = tpu.memref_slice %arg4[%select_n3A_1568, %dma_wait3A_1590, %mul3A_1586] : memref<4x4096x2048xf32, #tpu.memory_space<hbm>> -> memref<1x64x128xf32, #tpu.memory_space<hbm>>
        %dma_wait3A_1592 = tpu.memref_squeeze %dma_wait3A_1591 : memref<1x64x128xf32, #tpu.memory_space<hbm>> -> memref<64x128xf32, #tpu.memory_space<hbm>>
        tpu.wait_dma2 semaphore(%arg28 : memref<!tpu.dma_semaphore, #tpu.memory_space<semaphore_mem>>) src(%arg16 : memref<64x128xf32, #tpu.memory_space<vmem>>) dst(%dma_wait3A_1592 : memref<64x128xf32, #tpu.memory_space<hbm>>)
      } else {
      }
      %jit3A_1404 = arith.constant 64 : i32
      %eq3A_1405 = arith.constant 0 : i32
      %eq3A_1406 = arith.cmpi eq, %jit3A_1404, %eq3A_1405 : i32
      %jit3A_1407 = arith.constant 1 : i32
      %select_n3A_1408 = arith.select %eq3A_1406, %jit3A_1407, %jit3A_1404 : i32
      %rem3A_1409 = arith.remsi %add3A_1289, %select_n3A_1408 : i32
      %ne3A_1410 = arith.constant 0 : i32
      %ne3A_1411 = arith.cmpi ne, %rem3A_1409, %ne3A_1410 : i32
      %lt3A_1412 = arith.constant 0 : i32
      %lt3A_1413 = arith.cmpi slt, %rem3A_1409, %lt3A_1412 : i32
      %lt3A_1414 = arith.constant 0 : i32
      %lt3A_1415 = arith.cmpi slt, %select_n3A_1408, %lt3A_1414 : i32
      %ne3A_1416 = arith.xori %lt3A_1413, %lt3A_1415 : i1
      %and3A_1417 = arith.andi %ne3A_1416, %ne3A_1411 : i1
      %add3A_1418 = arith.addi %rem3A_1409, %select_n3A_1408 : i32
      %select_n3A_1419 = arith.select %and3A_1417, %add3A_1418, %rem3A_1409 : i32
      %eq3A_1420 = arith.constant 0 : i32
      %eq3A_1421 = arith.cmpi eq, %select_n3A_1419, %eq3A_1420 : i32
      %broadcast_in_dim3A_1422 = arith.constant 0.000000e+00 : f32
      %broadcast_in_dim3A_1423 = vector.broadcast %broadcast_in_dim3A_1422 : f32 to vector<16xf32>
      %select_n3A_1424 = arith.select %eq3A_1421, %broadcast_in_dim3A_1423, %scan3A_1193#0 : vector<16xf32>
      %broadcast_in_dim3A_1425 = arith.constant 0.000000e+00 : f32
      %broadcast_in_dim3A_1426 = vector.broadcast %broadcast_in_dim3A_1425 : f32 to vector<16xf32>
      %select_n3A_1427 = arith.select %eq3A_1421, %broadcast_in_dim3A_1426, %scan3A_1193#1 : vector<16xf32>
      %broadcast_in_dim3A_1428 = arith.constant 0.000000e+00 : f32
      %broadcast_in_dim3A_1429 = vector.broadcast %broadcast_in_dim3A_1428 : f32 to vector<16xf32>
      %select_n3A_1430 = arith.select %eq3A_1421, %broadcast_in_dim3A_1429, %scan3A_1193#2 : vector<16xf32>
      %broadcast_in_dim3A_1431 = arith.constant 0.000000e+00 : f32
      %broadcast_in_dim3A_1432 = vector.broadcast %broadcast_in_dim3A_1431 : f32 to vector<16xf32>
      %select_n3A_1433 = arith.select %eq3A_1421, %broadcast_in_dim3A_1432, %scan3A_1193#3 : vector<16xf32>
      %broadcast_in_dim3A_1434 = arith.constant 0.000000e+00 : f32
      %broadcast_in_dim3A_1435 = vector.broadcast %broadcast_in_dim3A_1434 : f32 to vector<16xf32>
      %select_n3A_1436 = arith.select %eq3A_1421, %broadcast_in_dim3A_1435, %scan3A_1193#4 : vector<16xf32>
      %broadcast_in_dim3A_1437 = arith.constant 0.000000e+00 : f32
      %broadcast_in_dim3A_1438 = vector.broadcast %broadcast_in_dim3A_1437 : f32 to vector<16xf32>
      %select_n3A_1439 = arith.select %eq3A_1421, %broadcast_in_dim3A_1438, %scan3A_1193#5 : vector<16xf32>
      %broadcast_in_dim3A_1440 = arith.constant 0.000000e+00 : f32
      %broadcast_in_dim3A_1441 = vector.broadcast %broadcast_in_dim3A_1440 : f32 to vector<16xf32>
      %select_n3A_1442 = arith.select %eq3A_1421, %broadcast_in_dim3A_1441, %scan3A_1193#6 : vector<16xf32>
      %broadcast_in_dim3A_1443 = arith.constant 0.000000e+00 : f32
      %broadcast_in_dim3A_1444 = vector.broadcast %broadcast_in_dim3A_1443 : f32 to vector<16xf32>
      %select_n3A_1445 = arith.select %eq3A_1421, %broadcast_in_dim3A_1444, %scan3A_1193#7 : vector<16xf32>
      %scan3A_1446 = arith.constant 0 : i32
      %scan3A_1447 = arith.constant 32 : i32
      %scan3A_1448 = arith.addi %scan3A_1446, %scan3A_1447 : i32
      %scan3A_1449 = arith.constant 1 : i32
      %scan3A_1450:8 = scf.for %scan3A_1543 = %scan3A_1446 to %scan3A_1448 step %scan3A_1449 iter_args(%scan3A_1544 = %select_n3A_1424, %scan3A_1545 = %select_n3A_1427, %scan3A_1546 = %select_n3A_1430, %scan3A_1547 = %select_n3A_1433, %scan3A_1548 = %select_n3A_1436, %scan3A_1549 = %select_n3A_1439, %scan3A_1550 = %select_n3A_1442, %scan3A_1551 = %select_n3A_1445) -> (vector<16xf32>, vector<16xf32>, vector<16xf32>, vector<16xf32>, vector<16xf32>, vector<16xf32>, vector<16xf32>, vector<16xf32>)  : i32 {
        %mul3A_1552 = arith.constant 2 : i32
        %mul3A_1553 = arith.muli %scan3A_1543, %mul3A_1552 : i32
        %add3A_1554 = arith.constant 0 : i32
        %add3A_1555 = arith.addi %mul3A_1553, %add3A_1554 : i32
        %get3A = arith.index_cast %add3A_1555 : i32 to index
        %get3A_1556 = arith.constant 0 : index
        %get3A_1557 = tpu.vector_load %arg8[%get3A, %get3A_1556] {strides = array<i32>} : memref<64x128xf32, #tpu.memory_space<vmem>>, vector<1x16xf32>,
        %get3A_1558 = vector.shape_cast %get3A_1557 : vector<1x16xf32> to vector<16xf32>
        %get3A_1559 = arith.index_cast %add3A_1555 : i32 to index
        %get3A_1560 = arith.constant 0 : index
        %get3A_1561 = tpu.vector_load %arg12[%get3A_1559, %get3A_1560] {strides = array<i32>} : memref<64x128xf32, #tpu.memory_space<vmem>>, vector<1x16xf32>,
        %get3A_1562 = vector.shape_cast %get3A_1561 : vector<1x16xf32> to vector<16xf32>
        %mul3A_1563 = arith.mulf %get3A_1558, %get3A_1562 : vector<16xf32>
        %add3A_1564 = arith.addf %scan3A_1544, %mul3A_1563 : vector<16xf32>
        %swap3A = arith.index_cast %add3A_1555 : i32 to index
        %swap3A_1565 = arith.constant 0 : index
        %swap3A_1566 = tpu.vector_load %arg16[%swap3A, %swap3A_1565] {strides = array<i32>} : memref<64x128xf32, #tpu.memory_space<vmem>>, vector<1x16xf32>,
        %swap3A_1567 = vector.shape_cast %swap3A_1566 : vector<1x16xf32> to vector<16xf32>
        %swap3A_1568 = vector.shape_cast %add3A_1564 : vector<16xf32> to vector<1x16xf32>
        tpu.vector_store %arg16[%swap3A, %swap3A_1565], %swap3A_1568 {strides = array<i32>} : memref<64x128xf32, #tpu.memory_space<vmem>>, vector<1x16xf32>,
        %get3A_1569 = arith.index_cast %add3A_1555 : i32 to index
        %get3A_1570 = arith.constant 16 : index
        %get3A_1571 = tpu.vector_load %arg8[%get3A_1569, %get3A_1570] {strides = array<i32>} : memref<64x128xf32, #tpu.memory_space<vmem>>, vector<1x16xf32>,
        %get3A_1572 = vector.shape_cast %get3A_1571 : vector<1x16xf32> to vector<16xf32>
        %get3A_1573 = arith.index_cast %add3A_1555 : i32 to index
        %get3A_1574 = arith.constant 16 : index
        %get3A_1575 = tpu.vector_load %arg12[%get3A_1573, %get3A_1574] {strides = array<i32>} : memref<64x128xf32, #tpu.memory_space<vmem>>, vector<1x16xf32>,
        %get3A_1576 = vector.shape_cast %get3A_1575 : vector<1x16xf32> to vector<16xf32>
        %mul3A_1577 = arith.mulf %get3A_1572, %get3A_1576 : vector<16xf32>
        %add3A_1578 = arith.addf %scan3A_1545, %mul3A_1577 : vector<16xf32>
        %swap3A_1579 = arith.index_cast %add3A_1555 : i32 to index
        %swap3A_1580 = arith.constant 16 : index
        %swap3A_1581 = tpu.vector_load %arg16[%swap3A_1579, %swap3A_1580] {strides = array<i32>} : memref<64x128xf32, #tpu.memory_space<vmem>>, vector<1x16xf32>,
        %swap3A_1582 = vector.shape_cast %swap3A_1581 : vector<1x16xf32> to vector<16xf32>
        %swap3A_1583 = vector.shape_cast %add3A_1578 : vector<16xf32> to vector<1x16xf32>
        tpu.vector_store %arg16[%swap3A_1579, %swap3A_1580], %swap3A_1583 {strides = array<i32>} : memref<64x128xf32, #tpu.memory_space<vmem>>, vector<1x16xf32>,
        %get3A_1584 = arith.index_cast %add3A_1555 : i32 to index
        %get3A_1585 = arith.constant 32 : index
        %get3A_1586 = tpu.vector_load %arg8[%get3A_1584, %get3A_1585] {strides = array<i32>} : memref<64x128xf32, #tpu.memory_space<vmem>>, vector<1x16xf32>,
        %get3A_1587 = vector.shape_cast %get3A_1586 : vector<1x16xf32> to vector<16xf32>
        %get3A_1588 = arith.index_cast %add3A_1555 : i32 to index
        %get3A_1589 = arith.constant 32 : index
        %get3A_1590 = tpu.vector_load %arg12[%get3A_1588, %get3A_1589] {strides = array<i32>} : memref<64x128xf32, #tpu.memory_space<vmem>>, vector<1x16xf32>,
        %get3A_1591 = vector.shape_cast %get3A_1590 : vector<1x16xf32> to vector<16xf32>
        %mul3A_1592 = arith.mulf %get3A_1587, %get3A_1591 : vector<16xf32>
        %add3A_1593 = arith.addf %scan3A_1546, %mul3A_1592 : vector<16xf32>
        %swap3A_1594 = arith.index_cast %add3A_1555 : i32 to index
        %swap3A_1595 = arith.constant 32 : index
        %swap3A_1596 = tpu.vector_load %arg16[%swap3A_1594, %swap3A_1595] {strides = array<i32>} : memref<64x128xf32, #tpu.memory_space<vmem>>, vector<1x16xf32>,
        %swap3A_1597 = vector.shape_cast %swap3A_1596 : vector<1x16xf32> to vector<16xf32>
        %swap3A_1598 = vector.shape_cast %add3A_1593 : vector<16xf32> to vector<1x16xf32>
        tpu.vector_store %arg16[%swap3A_1594, %swap3A_1595], %swap3A_1598 {strides = array<i32>} : memref<64x128xf32, #tpu.memory_space<vmem>>, vector<1x16xf32>,
        %get3A_1599 = arith.index_cast %add3A_1555 : i32 to index
        %get3A_1600 = arith.constant 48 : index
        %get3A_1601 = tpu.vector_load %arg8[%get3A_1599, %get3A_1600] {strides = array<i32>} : memref<64x128xf32, #tpu.memory_space<vmem>>, vector<1x16xf32>,
        %get3A_1602 = vector.shape_cast %get3A_1601 : vector<1x16xf32> to vector<16xf32>
        %get3A_1603 = arith.index_cast %add3A_1555 : i32 to index
        %get3A_1604 = arith.constant 48 : index
        %get3A_1605 = tpu.vector_load %arg12[%get3A_1603, %get3A_1604] {strides = array<i32>} : memref<64x128xf32, #tpu.memory_space<vmem>>, vector<1x16xf32>,
        %get3A_1606 = vector.shape_cast %get3A_1605 : vector<1x16xf32> to vector<16xf32>
        %mul3A_1607 = arith.mulf %get3A_1602, %get3A_1606 : vector<16xf32>
        %add3A_1608 = arith.addf %scan3A_1547, %mul3A_1607 : vector<16xf32>
        %swap3A_1609 = arith.index_cast %add3A_1555 : i32 to index
        %swap3A_1610 = arith.constant 48 : index
        %swap3A_1611 = tpu.vector_load %arg16[%swap3A_1609, %swap3A_1610] {strides = array<i32>} : memref<64x128xf32, #tpu.memory_space<vmem>>, vector<1x16xf32>,
        %swap3A_1612 = vector.shape_cast %swap3A_1611 : vector<1x16xf32> to vector<16xf32>
        %swap3A_1613 = vector.shape_cast %add3A_1608 : vector<16xf32> to vector<1x16xf32>
        tpu.vector_store %arg16[%swap3A_1609, %swap3A_1610], %swap3A_1613 {strides = array<i32>} : memref<64x128xf32, #tpu.memory_space<vmem>>, vector<1x16xf32>,
        %get3A_1614 = arith.index_cast %add3A_1555 : i32 to index
        %get3A_1615 = arith.constant 64 : index
        %get3A_1616 = tpu.vector_load %arg8[%get3A_1614, %get3A_1615] {strides = array<i32>} : memref<64x128xf32, #tpu.memory_space<vmem>>, vector<1x16xf32>,
        %get3A_1617 = vector.shape_cast %get3A_1616 : vector<1x16xf32> to vector<16xf32>
        %get3A_1618 = arith.index_cast %add3A_1555 : i32 to index
        %get3A_1619 = arith.constant 64 : index
        %get3A_1620 = tpu.vector_load %arg12[%get3A_1618, %get3A_1619] {strides = array<i32>} : memref<64x128xf32, #tpu.memory_space<vmem>>, vector<1x16xf32>,
        %get3A_1621 = vector.shape_cast %get3A_1620 : vector<1x16xf32> to vector<16xf32>
        %mul3A_1622 = arith.mulf %get3A_1617, %get3A_1621 : vector<16xf32>
        %add3A_1623 = arith.addf %scan3A_1548, %mul3A_1622 : vector<16xf32>
        %swap3A_1624 = arith.index_cast %add3A_1555 : i32 to index
        %swap3A_1625 = arith.constant 64 : index
        %swap3A_1626 = tpu.vector_load %arg16[%swap3A_1624, %swap3A_1625] {strides = array<i32>} : memref<64x128xf32, #tpu.memory_space<vmem>>, vector<1x16xf32>,
        %swap3A_1627 = vector.shape_cast %swap3A_1626 : vector<1x16xf32> to vector<16xf32>
        %swap3A_1628 = vector.shape_cast %add3A_1623 : vector<16xf32> to vector<1x16xf32>
        tpu.vector_store %arg16[%swap3A_1624, %swap3A_1625], %swap3A_1628 {strides = array<i32>} : memref<64x128xf32, #tpu.memory_space<vmem>>, vector<1x16xf32>,
        %get3A_1629 = arith.index_cast %add3A_1555 : i32 to index
        %get3A_1630 = arith.constant 80 : index
        %get3A_1631 = tpu.vector_load %arg8[%get3A_1629, %get3A_1630] {strides = array<i32>} : memref<64x128xf32, #tpu.memory_space<vmem>>, vector<1x16xf32>,
        %get3A_1632 = vector.shape_cast %get3A_1631 : vector<1x16xf32> to vector<16xf32>
        %get3A_1633 = arith.index_cast %add3A_1555 : i32 to index
        %get3A_1634 = arith.constant 80 : index
        %get3A_1635 = tpu.vector_load %arg12[%get3A_1633, %get3A_1634] {strides = array<i32>} : memref<64x128xf32, #tpu.memory_space<vmem>>, vector<1x16xf32>,
        %get3A_1636 = vector.shape_cast %get3A_1635 : vector<1x16xf32> to vector<16xf32>
        %mul3A_1637 = arith.mulf %get3A_1632, %get3A_1636 : vector<16xf32>
        %add3A_1638 = arith.addf %scan3A_1549, %mul3A_1637 : vector<16xf32>
        %swap3A_1639 = arith.index_cast %add3A_1555 : i32 to index
        %swap3A_1640 = arith.constant 80 : index
        %swap3A_1641 = tpu.vector_load %arg16[%swap3A_1639, %swap3A_1640] {strides = array<i32>} : memref<64x128xf32, #tpu.memory_space<vmem>>, vector<1x16xf32>,
        %swap3A_1642 = vector.shape_cast %swap3A_1641 : vector<1x16xf32> to vector<16xf32>
        %swap3A_1643 = vector.shape_cast %add3A_1638 : vector<16xf32> to vector<1x16xf32>
        tpu.vector_store %arg16[%swap3A_1639, %swap3A_1640], %swap3A_1643 {strides = array<i32>} : memref<64x128xf32, #tpu.memory_space<vmem>>, vector<1x16xf32>,
        %get3A_1644 = arith.index_cast %add3A_1555 : i32 to index
        %get3A_1645 = arith.constant 96 : index
        %get3A_1646 = tpu.vector_load %arg8[%get3A_1644, %get3A_1645] {strides = array<i32>} : memref<64x128xf32, #tpu.memory_space<vmem>>, vector<1x16xf32>,
        %get3A_1647 = vector.shape_cast %get3A_1646 : vector<1x16xf32> to vector<16xf32>
        %get3A_1648 = arith.index_cast %add3A_1555 : i32 to index
        %get3A_1649 = arith.constant 96 : index
        %get3A_1650 = tpu.vector_load %arg12[%get3A_1648, %get3A_1649] {strides = array<i32>} : memref<64x128xf32, #tpu.memory_space<vmem>>, vector<1x16xf32>,
        %get3A_1651 = vector.shape_cast %get3A_1650 : vector<1x16xf32> to vector<16xf32>
        %mul3A_1652 = arith.mulf %get3A_1647, %get3A_1651 : vector<16xf32>
        %add3A_1653 = arith.addf %scan3A_1550, %mul3A_1652 : vector<16xf32>
        %swap3A_1654 = arith.index_cast %add3A_1555 : i32 to index
        %swap3A_1655 = arith.constant 96 : index
        %swap3A_1656 = tpu.vector_load %arg16[%swap3A_1654, %swap3A_1655] {strides = array<i32>} : memref<64x128xf32, #tpu.memory_space<vmem>>, vector<1x16xf32>,
        %swap3A_1657 = vector.shape_cast %swap3A_1656 : vector<1x16xf32> to vector<16xf32>
        %swap3A_1658 = vector.shape_cast %add3A_1653 : vector<16xf32> to vector<1x16xf32>
        tpu.vector_store %arg16[%swap3A_1654, %swap3A_1655], %swap3A_1658 {strides = array<i32>} : memref<64x128xf32, #tpu.memory_space<vmem>>, vector<1x16xf32>,
        %get3A_1659 = arith.index_cast %add3A_1555 : i32 to index
        %get3A_1660 = arith.constant 112 : index
        %get3A_1661 = tpu.vector_load %arg8[%get3A_1659, %get3A_1660] {strides = array<i32>} : memref<64x128xf32, #tpu.memory_space<vmem>>, vector<1x16xf32>,
        %get3A_1662 = vector.shape_cast %get3A_1661 : vector<1x16xf32> to vector<16xf32>
        %get3A_1663 = arith.index_cast %add3A_1555 : i32 to index
        %get3A_1664 = arith.constant 112 : index
        %get3A_1665 = tpu.vector_load %arg12[%get3A_1663, %get3A_1664] {strides = array<i32>} : memref<64x128xf32, #tpu.memory_space<vmem>>, vector<1x16xf32>,
        %get3A_1666 = vector.shape_cast %get3A_1665 : vector<1x16xf32> to vector<16xf32>
        %mul3A_1667 = arith.mulf %get3A_1662, %get3A_1666 : vector<16xf32>
        %add3A_1668 = arith.addf %scan3A_1551, %mul3A_1667 : vector<16xf32>
        %swap3A_1669 = arith.index_cast %add3A_1555 : i32 to index
        %swap3A_1670 = arith.constant 112 : index
        %swap3A_1671 = tpu.vector_load %arg16[%swap3A_1669, %swap3A_1670] {strides = array<i32>} : memref<64x128xf32, #tpu.memory_space<vmem>>, vector<1x16xf32>,
        %swap3A_1672 = vector.shape_cast %swap3A_1671 : vector<1x16xf32> to vector<16xf32>
        %swap3A_1673 = vector.shape_cast %add3A_1668 : vector<16xf32> to vector<1x16xf32>
        tpu.vector_store %arg16[%swap3A_1669, %swap3A_1670], %swap3A_1673 {strides = array<i32>} : memref<64x128xf32, #tpu.memory_space<vmem>>, vector<1x16xf32>,
        %mul3A_1674 = arith.constant 2 : i32
        %mul3A_1675 = arith.muli %scan3A_1543, %mul3A_1674 : i32
        %add3A_1676 = arith.constant 1 : i32
        %add3A_1677 = arith.addi %mul3A_1675, %add3A_1676 : i32
        %get3A_1678 = arith.index_cast %add3A_1677 : i32 to index
        %get3A_1679 = arith.constant 0 : index
        %get3A_1680 = tpu.vector_load %arg8[%get3A_1678, %get3A_1679] {strides = array<i32>} : memref<64x128xf32, #tpu.memory_space<vmem>>, vector<1x16xf32>,
        %get3A_1681 = vector.shape_cast %get3A_1680 : vector<1x16xf32> to vector<16xf32>
        %get3A_1682 = arith.index_cast %add3A_1677 : i32 to index
        %get3A_1683 = arith.constant 0 : index
        %get3A_1684 = tpu.vector_load %arg12[%get3A_1682, %get3A_1683] {strides = array<i32>} : memref<64x128xf32, #tpu.memory_space<vmem>>, vector<1x16xf32>,
        %get3A_1685 = vector.shape_cast %get3A_1684 : vector<1x16xf32> to vector<16xf32>
        %mul3A_1686 = arith.mulf %get3A_1681, %get3A_1685 : vector<16xf32>
        %add3A_1687 = arith.addf %add3A_1564, %mul3A_1686 : vector<16xf32>
        %swap3A_1688 = arith.index_cast %add3A_1677 : i32 to index
        %swap3A_1689 = arith.constant 0 : index
        %swap3A_1690 = tpu.vector_load %arg16[%swap3A_1688, %swap3A_1689] {strides = array<i32>} : memref<64x128xf32, #tpu.memory_space<vmem>>, vector<1x16xf32>,
        %swap3A_1691 = vector.shape_cast %swap3A_1690 : vector<1x16xf32> to vector<16xf32>
        %swap3A_1692 = vector.shape_cast %add3A_1687 : vector<16xf32> to vector<1x16xf32>
        tpu.vector_store %arg16[%swap3A_1688, %swap3A_1689], %swap3A_1692 {strides = array<i32>} : memref<64x128xf32, #tpu.memory_space<vmem>>, vector<1x16xf32>,
        %get3A_1693 = arith.index_cast %add3A_1677 : i32 to index
        %get3A_1694 = arith.constant 16 : index
        %get3A_1695 = tpu.vector_load %arg8[%get3A_1693, %get3A_1694] {strides = array<i32>} : memref<64x128xf32, #tpu.memory_space<vmem>>, vector<1x16xf32>,
        %get3A_1696 = vector.shape_cast %get3A_1695 : vector<1x16xf32> to vector<16xf32>
        %get3A_1697 = arith.index_cast %add3A_1677 : i32 to index
        %get3A_1698 = arith.constant 16 : index
        %get3A_1699 = tpu.vector_load %arg12[%get3A_1697, %get3A_1698] {strides = array<i32>} : memref<64x128xf32, #tpu.memory_space<vmem>>, vector<1x16xf32>,
        %get3A_1700 = vector.shape_cast %get3A_1699 : vector<1x16xf32> to vector<16xf32>
        %mul3A_1701 = arith.mulf %get3A_1696, %get3A_1700 : vector<16xf32>
        %add3A_1702 = arith.addf %add3A_1578, %mul3A_1701 : vector<16xf32>
        %swap3A_1703 = arith.index_cast %add3A_1677 : i32 to index
        %swap3A_1704 = arith.constant 16 : index
        %swap3A_1705 = tpu.vector_load %arg16[%swap3A_1703, %swap3A_1704] {strides = array<i32>} : memref<64x128xf32, #tpu.memory_space<vmem>>, vector<1x16xf32>,
        %swap3A_1706 = vector.shape_cast %swap3A_1705 : vector<1x16xf32> to vector<16xf32>
        %swap3A_1707 = vector.shape_cast %add3A_1702 : vector<16xf32> to vector<1x16xf32>
        tpu.vector_store %arg16[%swap3A_1703, %swap3A_1704], %swap3A_1707 {strides = array<i32>} : memref<64x128xf32, #tpu.memory_space<vmem>>, vector<1x16xf32>,
        %get3A_1708 = arith.index_cast %add3A_1677 : i32 to index
        %get3A_1709 = arith.constant 32 : index
        %get3A_1710 = tpu.vector_load %arg8[%get3A_1708, %get3A_1709] {strides = array<i32>} : memref<64x128xf32, #tpu.memory_space<vmem>>, vector<1x16xf32>,
        %get3A_1711 = vector.shape_cast %get3A_1710 : vector<1x16xf32> to vector<16xf32>
        %get3A_1712 = arith.index_cast %add3A_1677 : i32 to index
        %get3A_1713 = arith.constant 32 : index
        %get3A_1714 = tpu.vector_load %arg12[%get3A_1712, %get3A_1713] {strides = array<i32>} : memref<64x128xf32, #tpu.memory_space<vmem>>, vector<1x16xf32>,
        %get3A_1715 = vector.shape_cast %get3A_1714 : vector<1x16xf32> to vector<16xf32>
        %mul3A_1716 = arith.mulf %get3A_1711, %get3A_1715 : vector<16xf32>
        %add3A_1717 = arith.addf %add3A_1593, %mul3A_1716 : vector<16xf32>
        %swap3A_1718 = arith.index_cast %add3A_1677 : i32 to index
        %swap3A_1719 = arith.constant 32 : index
        %swap3A_1720 = tpu.vector_load %arg16[%swap3A_1718, %swap3A_1719] {strides = array<i32>} : memref<64x128xf32, #tpu.memory_space<vmem>>, vector<1x16xf32>,
        %swap3A_1721 = vector.shape_cast %swap3A_1720 : vector<1x16xf32> to vector<16xf32>
        %swap3A_1722 = vector.shape_cast %add3A_1717 : vector<16xf32> to vector<1x16xf32>
        tpu.vector_store %arg16[%swap3A_1718, %swap3A_1719], %swap3A_1722 {strides = array<i32>} : memref<64x128xf32, #tpu.memory_space<vmem>>, vector<1x16xf32>,
        %get3A_1723 = arith.index_cast %add3A_1677 : i32 to index
        %get3A_1724 = arith.constant 48 : index
        %get3A_1725 = tpu.vector_load %arg8[%get3A_1723, %get3A_1724] {strides = array<i32>} : memref<64x128xf32, #tpu.memory_space<vmem>>, vector<1x16xf32>,
        %get3A_1726 = vector.shape_cast %get3A_1725 : vector<1x16xf32> to vector<16xf32>
        %get3A_1727 = arith.index_cast %add3A_1677 : i32 to index
        %get3A_1728 = arith.constant 48 : index
        %get3A_1729 = tpu.vector_load %arg12[%get3A_1727, %get3A_1728] {strides = array<i32>} : memref<64x128xf32, #tpu.memory_space<vmem>>, vector<1x16xf32>,
        %get3A_1730 = vector.shape_cast %get3A_1729 : vector<1x16xf32> to vector<16xf32>
        %mul3A_1731 = arith.mulf %get3A_1726, %get3A_1730 : vector<16xf32>
        %add3A_1732 = arith.addf %add3A_1608, %mul3A_1731 : vector<16xf32>
        %swap3A_1733 = arith.index_cast %add3A_1677 : i32 to index
        %swap3A_1734 = arith.constant 48 : index
        %swap3A_1735 = tpu.vector_load %arg16[%swap3A_1733, %swap3A_1734] {strides = array<i32>} : memref<64x128xf32, #tpu.memory_space<vmem>>, vector<1x16xf32>,
        %swap3A_1736 = vector.shape_cast %swap3A_1735 : vector<1x16xf32> to vector<16xf32>
        %swap3A_1737 = vector.shape_cast %add3A_1732 : vector<16xf32> to vector<1x16xf32>
        tpu.vector_store %arg16[%swap3A_1733, %swap3A_1734], %swap3A_1737 {strides = array<i32>} : memref<64x128xf32, #tpu.memory_space<vmem>>, vector<1x16xf32>,
        %get3A_1738 = arith.index_cast %add3A_1677 : i32 to index
        %get3A_1739 = arith.constant 64 : index
        %get3A_1740 = tpu.vector_load %arg8[%get3A_1738, %get3A_1739] {strides = array<i32>} : memref<64x128xf32, #tpu.memory_space<vmem>>, vector<1x16xf32>,
        %get3A_1741 = vector.shape_cast %get3A_1740 : vector<1x16xf32> to vector<16xf32>
        %get3A_1742 = arith.index_cast %add3A_1677 : i32 to index
        %get3A_1743 = arith.constant 64 : index
        %get3A_1744 = tpu.vector_load %arg12[%get3A_1742, %get3A_1743] {strides = array<i32>} : memref<64x128xf32, #tpu.memory_space<vmem>>, vector<1x16xf32>,
        %get3A_1745 = vector.shape_cast %get3A_1744 : vector<1x16xf32> to vector<16xf32>
        %mul3A_1746 = arith.mulf %get3A_1741, %get3A_1745 : vector<16xf32>
        %add3A_1747 = arith.addf %add3A_1623, %mul3A_1746 : vector<16xf32>
        %swap3A_1748 = arith.index_cast %add3A_1677 : i32 to index
        %swap3A_1749 = arith.constant 64 : index
        %swap3A_1750 = tpu.vector_load %arg16[%swap3A_1748, %swap3A_1749] {strides = array<i32>} : memref<64x128xf32, #tpu.memory_space<vmem>>, vector<1x16xf32>,
        %swap3A_1751 = vector.shape_cast %swap3A_1750 : vector<1x16xf32> to vector<16xf32>
        %swap3A_1752 = vector.shape_cast %add3A_1747 : vector<16xf32> to vector<1x16xf32>
        tpu.vector_store %arg16[%swap3A_1748, %swap3A_1749], %swap3A_1752 {strides = array<i32>} : memref<64x128xf32, #tpu.memory_space<vmem>>, vector<1x16xf32>,
        %get3A_1753 = arith.index_cast %add3A_1677 : i32 to index
        %get3A_1754 = arith.constant 80 : index
        %get3A_1755 = tpu.vector_load %arg8[%get3A_1753, %get3A_1754] {strides = array<i32>} : memref<64x128xf32, #tpu.memory_space<vmem>>, vector<1x16xf32>,
        %get3A_1756 = vector.shape_cast %get3A_1755 : vector<1x16xf32> to vector<16xf32>
        %get3A_1757 = arith.index_cast %add3A_1677 : i32 to index
        %get3A_1758 = arith.constant 80 : index
        %get3A_1759 = tpu.vector_load %arg12[%get3A_1757, %get3A_1758] {strides = array<i32>} : memref<64x128xf32, #tpu.memory_space<vmem>>, vector<1x16xf32>,
        %get3A_1760 = vector.shape_cast %get3A_1759 : vector<1x16xf32> to vector<16xf32>
        %mul3A_1761 = arith.mulf %get3A_1756, %get3A_1760 : vector<16xf32>
        %add3A_1762 = arith.addf %add3A_1638, %mul3A_1761 : vector<16xf32>
        %swap3A_1763 = arith.index_cast %add3A_1677 : i32 to index
        %swap3A_1764 = arith.constant 80 : index
        %swap3A_1765 = tpu.vector_load %arg16[%swap3A_1763, %swap3A_1764] {strides = array<i32>} : memref<64x128xf32, #tpu.memory_space<vmem>>, vector<1x16xf32>,
        %swap3A_1766 = vector.shape_cast %swap3A_1765 : vector<1x16xf32> to vector<16xf32>
        %swap3A_1767 = vector.shape_cast %add3A_1762 : vector<16xf32> to vector<1x16xf32>
        tpu.vector_store %arg16[%swap3A_1763, %swap3A_1764], %swap3A_1767 {strides = array<i32>} : memref<64x128xf32, #tpu.memory_space<vmem>>, vector<1x16xf32>,
        %get3A_1768 = arith.index_cast %add3A_1677 : i32 to index
        %get3A_1769 = arith.constant 96 : index
        %get3A_1770 = tpu.vector_load %arg8[%get3A_1768, %get3A_1769] {strides = array<i32>} : memref<64x128xf32, #tpu.memory_space<vmem>>, vector<1x16xf32>,
        %get3A_1771 = vector.shape_cast %get3A_1770 : vector<1x16xf32> to vector<16xf32>
        %get3A_1772 = arith.index_cast %add3A_1677 : i32 to index
        %get3A_1773 = arith.constant 96 : index
        %get3A_1774 = tpu.vector_load %arg12[%get3A_1772, %get3A_1773] {strides = array<i32>} : memref<64x128xf32, #tpu.memory_space<vmem>>, vector<1x16xf32>,
        %get3A_1775 = vector.shape_cast %get3A_1774 : vector<1x16xf32> to vector<16xf32>
        %mul3A_1776 = arith.mulf %get3A_1771, %get3A_1775 : vector<16xf32>
        %add3A_1777 = arith.addf %add3A_1653, %mul3A_1776 : vector<16xf32>
        %swap3A_1778 = arith.index_cast %add3A_1677 : i32 to index
        %swap3A_1779 = arith.constant 96 : index
        %swap3A_1780 = tpu.vector_load %arg16[%swap3A_1778, %swap3A_1779] {strides = array<i32>} : memref<64x128xf32, #tpu.memory_space<vmem>>, vector<1x16xf32>,
        %swap3A_1781 = vector.shape_cast %swap3A_1780 : vector<1x16xf32> to vector<16xf32>
        %swap3A_1782 = vector.shape_cast %add3A_1777 : vector<16xf32> to vector<1x16xf32>
        tpu.vector_store %arg16[%swap3A_1778, %swap3A_1779], %swap3A_1782 {strides = array<i32>} : memref<64x128xf32, #tpu.memory_space<vmem>>, vector<1x16xf32>,
        %get3A_1783 = arith.index_cast %add3A_1677 : i32 to index
        %get3A_1784 = arith.constant 112 : index
        %get3A_1785 = tpu.vector_load %arg8[%get3A_1783, %get3A_1784] {strides = array<i32>} : memref<64x128xf32, #tpu.memory_space<vmem>>, vector<1x16xf32>,
        %get3A_1786 = vector.shape_cast %get3A_1785 : vector<1x16xf32> to vector<16xf32>
        %get3A_1787 = arith.index_cast %add3A_1677 : i32 to index
        %get3A_1788 = arith.constant 112 : index
        %get3A_1789 = tpu.vector_load %arg12[%get3A_1787, %get3A_1788] {strides = array<i32>} : memref<64x128xf32, #tpu.memory_space<vmem>>, vector<1x16xf32>,
        %get3A_1790 = vector.shape_cast %get3A_1789 : vector<1x16xf32> to vector<16xf32>
        %mul3A_1791 = arith.mulf %get3A_1786, %get3A_1790 : vector<16xf32>
        %add3A_1792 = arith.addf %add3A_1668, %mul3A_1791 : vector<16xf32>
        %swap3A_1793 = arith.index_cast %add3A_1677 : i32 to index
        %swap3A_1794 = arith.constant 112 : index
        %swap3A_1795 = tpu.vector_load %arg16[%swap3A_1793, %swap3A_1794] {strides = array<i32>} : memref<64x128xf32, #tpu.memory_space<vmem>>, vector<1x16xf32>,
        %swap3A_1796 = vector.shape_cast %swap3A_1795 : vector<1x16xf32> to vector<16xf32>
        %swap3A_1797 = vector.shape_cast %add3A_1792 : vector<16xf32> to vector<1x16xf32>
        tpu.vector_store %arg16[%swap3A_1793, %swap3A_1794], %swap3A_1797 {strides = array<i32>} : memref<64x128xf32, #tpu.memory_space<vmem>>, vector<1x16xf32>,
        scf.yield %add3A_1687, %add3A_1702, %add3A_1717, %add3A_1732, %add3A_1747, %add3A_1762, %add3A_1777, %add3A_1792 : vector<16xf32>, vector<16xf32>, vector<16xf32>, vector<16xf32>, vector<16xf32>, vector<16xf32>, vector<16xf32>, vector<16xf32>
      }
      %scan3A_1451 = arith.constant 32 : i32
      %jit3A_1452 = arith.constant 64 : i32
      %div3A_1453 = arith.divsi %add3A_1289, %jit3A_1452 : i32
      %sign3A_1454 = arith.constant 0 : i32
      %sign3A_1455 = arith.cmpi sgt, %add3A_1289, %sign3A_1454 : i32
      %sign3A_1456 = arith.extui %sign3A_1455 : i1 to i32
      %sign3A_1457 = arith.constant 0 : i32
      %sign3A_1458 = arith.cmpi slt, %add3A_1289, %sign3A_1457 : i32
      %sign3A_1459 = arith.extui %sign3A_1458 : i1 to i32
      %sign3A_1460 = arith.subi %sign3A_1456, %sign3A_1459 : i32
      %sign3A_1461 = arith.constant 0 : i32
      %sign3A_1462 = arith.cmpi sgt, %jit3A_1452, %sign3A_1461 : i32
      %sign3A_1463 = arith.extui %sign3A_1462 : i1 to i32
      %sign3A_1464 = arith.constant 0 : i32
      %sign3A_1465 = arith.cmpi slt, %jit3A_1452, %sign3A_1464 : i32
      %sign3A_1466 = arith.extui %sign3A_1465 : i1 to i32
      %sign3A_1467 = arith.subi %sign3A_1463, %sign3A_1466 : i32
      %ne3A_1468 = arith.cmpi ne, %sign3A_1460, %sign3A_1467 : i32
      %rem3A_1469 = arith.remsi %add3A_1289, %jit3A_1452 : i32
      %ne3A_1470 = arith.constant 0 : i32
      %ne3A_1471 = arith.cmpi ne, %rem3A_1469, %ne3A_1470 : i32
      %and3A_1472 = arith.andi %ne3A_1468, %ne3A_1471 : i1
      %sub3A_1473 = arith.constant 1 : i32
      %sub3A_1474 = arith.subi %div3A_1453, %sub3A_1473 : i32
      %select_n3A_1475 = arith.select %and3A_1472, %sub3A_1474, %div3A_1453 : i32
      %jit3A_1476 = arith.constant 64 : i32
      %eq3A_1477 = arith.constant 0 : i32
      %eq3A_1478 = arith.cmpi eq, %jit3A_1476, %eq3A_1477 : i32
      %jit3A_1479 = arith.constant 1 : i32
      %select_n3A_1480 = arith.select %eq3A_1478, %jit3A_1479, %jit3A_1476 : i32
      %rem3A_1481 = arith.remsi %add3A_1289, %select_n3A_1480 : i32
      %ne3A_1482 = arith.constant 0 : i32
      %ne3A_1483 = arith.cmpi ne, %rem3A_1481, %ne3A_1482 : i32
      %lt3A_1484 = arith.constant 0 : i32
      %lt3A_1485 = arith.cmpi slt, %rem3A_1481, %lt3A_1484 : i32
      %lt3A_1486 = arith.constant 0 : i32
      %lt3A_1487 = arith.cmpi slt, %select_n3A_1480, %lt3A_1486 : i32
      %ne3A_1488 = arith.xori %lt3A_1485, %lt3A_1487 : i1
      %and3A_1489 = arith.andi %ne3A_1488, %ne3A_1483 : i1
      %add3A_1490 = arith.addi %rem3A_1481, %select_n3A_1480 : i32
      %select_n3A_1491 = arith.select %and3A_1489, %add3A_1490, %rem3A_1481 : i32
      %mul3A_1492 = arith.constant 32 : i32
      %mul3A_1493 = arith.muli %mul3A_1492, %select_n3A_1475 : i32
      %add3A_1494 = arith.addi %add3A, %mul3A_1493 : i32
      %jit3A_1495 = arith.constant 16 : i32
      %div3A_1496 = arith.divsi %add3A_1494, %jit3A_1495 : i32
      %sign3A_1497 = arith.constant 0 : i32
      %sign3A_1498 = arith.cmpi sgt, %add3A_1494, %sign3A_1497 : i32
      %sign3A_1499 = arith.extui %sign3A_1498 : i1 to i32
      %sign3A_1500 = arith.constant 0 : i32
      %sign3A_1501 = arith.cmpi slt, %add3A_1494, %sign3A_1500 : i32
      %sign3A_1502 = arith.extui %sign3A_1501 : i1 to i32
      %sign3A_1503 = arith.subi %sign3A_1499, %sign3A_1502 : i32
      %sign3A_1504 = arith.constant 0 : i32
      %sign3A_1505 = arith.cmpi sgt, %jit3A_1495, %sign3A_1504 : i32
      %sign3A_1506 = arith.extui %sign3A_1505 : i1 to i32
      %sign3A_1507 = arith.constant 0 : i32
      %sign3A_1508 = arith.cmpi slt, %jit3A_1495, %sign3A_1507 : i32
      %sign3A_1509 = arith.extui %sign3A_1508 : i1 to i32
      %sign3A_1510 = arith.subi %sign3A_1506, %sign3A_1509 : i32
      %ne3A_1511 = arith.cmpi ne, %sign3A_1503, %sign3A_1510 : i32
      %rem3A_1512 = arith.remsi %add3A_1494, %jit3A_1495 : i32
      %ne3A_1513 = arith.constant 0 : i32
      %ne3A_1514 = arith.cmpi ne, %rem3A_1512, %ne3A_1513 : i32
      %and3A_1515 = arith.andi %ne3A_1511, %ne3A_1514 : i1
      %sub3A_1516 = arith.constant 1 : i32
      %sub3A_1517 = arith.subi %div3A_1496, %sub3A_1516 : i32
      %select_n3A_1518 = arith.select %and3A_1515, %sub3A_1517, %div3A_1496 : i32
      %jit3A_1519 = arith.constant 16 : i32
      %eq3A_1520 = arith.constant 0 : i32
      %eq3A_1521 = arith.cmpi eq, %jit3A_1519, %eq3A_1520 : i32
      %jit3A_1522 = arith.constant 1 : i32
      %select_n3A_1523 = arith.select %eq3A_1521, %jit3A_1522, %jit3A_1519 : i32
      %rem3A_1524 = arith.remsi %add3A_1494, %select_n3A_1523 : i32
      %ne3A_1525 = arith.constant 0 : i32
      %ne3A_1526 = arith.cmpi ne, %rem3A_1524, %ne3A_1525 : i32
      %lt3A_1527 = arith.constant 0 : i32
      %lt3A_1528 = arith.cmpi slt, %rem3A_1524, %lt3A_1527 : i32
      %lt3A_1529 = arith.constant 0 : i32
      %lt3A_1530 = arith.cmpi slt, %select_n3A_1523, %lt3A_1529 : i32
      %ne3A_1531 = arith.xori %lt3A_1528, %lt3A_1530 : i1
      %and3A_1532 = arith.andi %ne3A_1531, %ne3A_1526 : i1
      %add3A_1533 = arith.addi %rem3A_1524, %select_n3A_1523 : i32
      %select_n3A_1534 = arith.select %and3A_1532, %add3A_1533, %rem3A_1524 : i32
      %mul3A_1535 = arith.constant 128 : i32
      %mul3A_1536 = arith.muli %select_n3A_1534, %mul3A_1535 : i32
      %mul3A_1537 = arith.constant 64 : i32
      %mul3A_1538 = arith.muli %select_n3A_1491, %mul3A_1537 : i32
      %dma_start3A_1539 = tpu.memref_slice %arg4[%select_n3A_1518, %mul3A_1538, %mul3A_1536] : memref<4x4096x2048xf32, #tpu.memory_space<hbm>> -> memref<1x64x128xf32, #tpu.memory_space<hbm>>
      %dma_start3A_1540 = tpu.memref_squeeze %dma_start3A_1539 : memref<1x64x128xf32, #tpu.memory_space<hbm>> -> memref<64x128xf32, #tpu.memory_space<hbm>>
      %dma_start3A_1541 = tpu.memref_slice %arg4[%select_n3A_1518, %mul3A_1538, %mul3A_1536] : memref<4x4096x2048xf32, #tpu.memory_space<hbm>> -> memref<1x64x128xf32, #tpu.memory_space<hbm>>
      %dma_start3A_1542 = tpu.memref_squeeze %dma_start3A_1541 : memref<1x64x128xf32, #tpu.memory_space<hbm>> -> memref<64x128xf32, #tpu.memory_space<hbm>>
      tpu.enqueue_dma source(%arg16 : memref<64x128xf32, #tpu.memory_space<vmem>>) target(%dma_start3A_1542 : memref<64x128xf32, #tpu.memory_space<hbm>>) target_semaphore(%arg28 : memref<!tpu.dma_semaphore, #tpu.memory_space<semaphore_mem>>)
      scf.yield %scan3A_1450#0, %scan3A_1450#1, %scan3A_1450#2, %scan3A_1450#3, %scan3A_1450#4, %scan3A_1450#5, %scan3A_1450#6, %scan3A_1450#7 : vector<16xf32>, vector<16xf32>, vector<16xf32>, vector<16xf32>, vector<16xf32>, vector<16xf32>, vector<16xf32>, vector<16xf32>
    }
    %scan3A_309 = arith.constant 32 : i32
    %add3A_310 = arith.constant 0 : i32
    %add3A_311 = arith.addi %add3A, %add3A_310 : i32
    %jit3A_312 = arith.constant 16 : i32
    %div3A_313 = arith.divsi %add3A_311, %jit3A_312 : i32
    %sign3A_314 = arith.constant 0 : i32
    %sign3A_315 = arith.cmpi sgt, %add3A_311, %sign3A_314 : i32
    %sign3A_316 = arith.extui %sign3A_315 : i1 to i32
    %sign3A_317 = arith.constant 0 : i32
    %sign3A_318 = arith.cmpi slt, %add3A_311, %sign3A_317 : i32
    %sign3A_319 = arith.extui %sign3A_318 : i1 to i32
    %sign3A_320 = arith.subi %sign3A_316, %sign3A_319 : i32
    %sign3A_321 = arith.constant 0 : i32
    %sign3A_322 = arith.cmpi sgt, %jit3A_312, %sign3A_321 : i32
    %sign3A_323 = arith.extui %sign3A_322 : i1 to i32
    %sign3A_324 = arith.constant 0 : i32
    %sign3A_325 = arith.cmpi slt, %jit3A_312, %sign3A_324 : i32
    %sign3A_326 = arith.extui %sign3A_325 : i1 to i32
    %sign3A_327 = arith.subi %sign3A_323, %sign3A_326 : i32
    %ne3A_328 = arith.cmpi ne, %sign3A_320, %sign3A_327 : i32
    %rem3A_329 = arith.remsi %add3A_311, %jit3A_312 : i32
    %ne3A_330 = arith.constant 0 : i32
    %ne3A_331 = arith.cmpi ne, %rem3A_329, %ne3A_330 : i32
    %and3A_332 = arith.andi %ne3A_328, %ne3A_331 : i1
    %sub3A_333 = arith.constant 1 : i32
    %sub3A_334 = arith.subi %div3A_313, %sub3A_333 : i32
    %select_n3A_335 = arith.select %and3A_332, %sub3A_334, %div3A_313 : i32
    %jit3A_336 = arith.constant 16 : i32
    %eq3A_337 = arith.constant 0 : i32
    %eq3A_338 = arith.cmpi eq, %jit3A_336, %eq3A_337 : i32
    %jit3A_339 = arith.constant 1 : i32
    %select_n3A_340 = arith.select %eq3A_338, %jit3A_339, %jit3A_336 : i32
    %rem3A_341 = arith.remsi %add3A_311, %select_n3A_340 : i32
    %ne3A_342 = arith.constant 0 : i32
    %ne3A_343 = arith.cmpi ne, %rem3A_341, %ne3A_342 : i32
    %lt3A_344 = arith.constant 0 : i32
    %lt3A_345 = arith.cmpi slt, %rem3A_341, %lt3A_344 : i32
    %lt3A_346 = arith.constant 0 : i32
    %lt3A_347 = arith.cmpi slt, %select_n3A_340, %lt3A_346 : i32
    %ne3A_348 = arith.xori %lt3A_345, %lt3A_347 : i1
    %and3A_349 = arith.andi %ne3A_348, %ne3A_343 : i1
    %add3A_350 = arith.addi %rem3A_341, %select_n3A_340 : i32
    %select_n3A_351 = arith.select %and3A_349, %add3A_350, %rem3A_341 : i32
    %mul3A_352 = arith.constant 128 : i32
    %mul3A_353 = arith.muli %select_n3A_351, %mul3A_352 : i32
    %dma_wait3A = arith.constant 0 : i32
    %dma_wait3A_354 = tpu.memref_slice %arg4[%select_n3A_335, %dma_wait3A, %mul3A_353] : memref<4x4096x2048xf32, #tpu.memory_space<hbm>> -> memref<1x64x128xf32, #tpu.memory_space<hbm>>
    %dma_wait3A_355 = tpu.memref_squeeze %dma_wait3A_354 : memref<1x64x128xf32, #tpu.memory_space<hbm>> -> memref<64x128xf32, #tpu.memory_space<hbm>>
    %dma_wait3A_356 = arith.constant 0 : i32
    %dma_wait3A_357 = tpu.memref_slice %arg4[%select_n3A_335, %dma_wait3A_356, %mul3A_353] : memref<4x4096x2048xf32, #tpu.memory_space<hbm>> -> memref<1x64x128xf32, #tpu.memory_space<hbm>>
    %dma_wait3A_358 = tpu.memref_squeeze %dma_wait3A_357 : memref<1x64x128xf32, #tpu.memory_space<hbm>> -> memref<64x128xf32, #tpu.memory_space<hbm>>
    tpu.wait_dma2 semaphore(%arg25 : memref<!tpu.dma_semaphore, #tpu.memory_space<semaphore_mem>>) src(%arg13 : memref<64x128xf32, #tpu.memory_space<vmem>>) dst(%dma_wait3A_358 : memref<64x128xf32, #tpu.memory_space<hbm>>)
    %add3A_359 = arith.constant 0 : i32
    %add3A_360 = arith.addi %add3A, %add3A_359 : i32
    %jit3A_361 = arith.constant 16 : i32
    %div3A_362 = arith.divsi %add3A_360, %jit3A_361 : i32
    %sign3A_363 = arith.constant 0 : i32
    %sign3A_364 = arith.cmpi sgt, %add3A_360, %sign3A_363 : i32
    %sign3A_365 = arith.extui %sign3A_364 : i1 to i32
    %sign3A_366 = arith.constant 0 : i32
    %sign3A_367 = arith.cmpi slt, %add3A_360, %sign3A_366 : i32
    %sign3A_368 = arith.extui %sign3A_367 : i1 to i32
    %sign3A_369 = arith.subi %sign3A_365, %sign3A_368 : i32
    %sign3A_370 = arith.constant 0 : i32
    %sign3A_371 = arith.cmpi sgt, %jit3A_361, %sign3A_370 : i32
    %sign3A_372 = arith.extui %sign3A_371 : i1 to i32
    %sign3A_373 = arith.constant 0 : i32
    %sign3A_374 = arith.cmpi slt, %jit3A_361, %sign3A_373 : i32
    %sign3A_375 = arith.extui %sign3A_374 : i1 to i32
    %sign3A_376 = arith.subi %sign3A_372, %sign3A_375 : i32
    %ne3A_377 = arith.cmpi ne, %sign3A_369, %sign3A_376 : i32
    %rem3A_378 = arith.remsi %add3A_360, %jit3A_361 : i32
    %ne3A_379 = arith.constant 0 : i32
    %ne3A_380 = arith.cmpi ne, %rem3A_378, %ne3A_379 : i32
    %and3A_381 = arith.andi %ne3A_377, %ne3A_380 : i1
    %sub3A_382 = arith.constant 1 : i32
    %sub3A_383 = arith.subi %div3A_362, %sub3A_382 : i32
    %select_n3A_384 = arith.select %and3A_381, %sub3A_383, %div3A_362 : i32
    %jit3A_385 = arith.constant 16 : i32
    %eq3A_386 = arith.constant 0 : i32
    %eq3A_387 = arith.cmpi eq, %jit3A_385, %eq3A_386 : i32
    %jit3A_388 = arith.constant 1 : i32
    %select_n3A_389 = arith.select %eq3A_387, %jit3A_388, %jit3A_385 : i32
    %rem3A_390 = arith.remsi %add3A_360, %select_n3A_389 : i32
    %ne3A_391 = arith.constant 0 : i32
    %ne3A_392 = arith.cmpi ne, %rem3A_390, %ne3A_391 : i32
    %lt3A_393 = arith.constant 0 : i32
    %lt3A_394 = arith.cmpi slt, %rem3A_390, %lt3A_393 : i32
    %lt3A_395 = arith.constant 0 : i32
    %lt3A_396 = arith.cmpi slt, %select_n3A_389, %lt3A_395 : i32
    %ne3A_397 = arith.xori %lt3A_394, %lt3A_396 : i1
    %and3A_398 = arith.andi %ne3A_397, %ne3A_392 : i1
    %add3A_399 = arith.addi %rem3A_390, %select_n3A_389 : i32
    %select_n3A_400 = arith.select %and3A_398, %add3A_399, %rem3A_390 : i32
    %mul3A_401 = arith.constant 128 : i32
    %mul3A_402 = arith.muli %select_n3A_400, %mul3A_401 : i32
    %dma_wait3A_403 = arith.constant 0 : i32
    %dma_wait3A_404 = tpu.memref_slice %arg4[%select_n3A_384, %dma_wait3A_403, %mul3A_402] : memref<4x4096x2048xf32, #tpu.memory_space<hbm>> -> memref<1x64x128xf32, #tpu.memory_space<hbm>>
    %dma_wait3A_405 = tpu.memref_squeeze %dma_wait3A_404 : memref<1x64x128xf32, #tpu.memory_space<hbm>> -> memref<64x128xf32, #tpu.memory_space<hbm>>
    %dma_wait3A_406 = arith.constant 0 : i32
    %dma_wait3A_407 = tpu.memref_slice %arg4[%select_n3A_384, %dma_wait3A_406, %mul3A_402] : memref<4x4096x2048xf32, #tpu.memory_space<hbm>> -> memref<1x64x128xf32, #tpu.memory_space<hbm>>
    %dma_wait3A_408 = tpu.memref_squeeze %dma_wait3A_407 : memref<1x64x128xf32, #tpu.memory_space<hbm>> -> memref<64x128xf32, #tpu.memory_space<hbm>>
    tpu.wait_dma2 semaphore(%arg26 : memref<!tpu.dma_semaphore, #tpu.memory_space<semaphore_mem>>) src(%arg14 : memref<64x128xf32, #tpu.memory_space<vmem>>) dst(%dma_wait3A_408 : memref<64x128xf32, #tpu.memory_space<hbm>>)
    %add3A_409 = arith.constant 0 : i32
    %add3A_410 = arith.addi %add3A, %add3A_409 : i32
    %jit3A_411 = arith.constant 16 : i32
    %div3A_412 = arith.divsi %add3A_410, %jit3A_411 : i32
    %sign3A_413 = arith.constant 0 : i32
    %sign3A_414 = arith.cmpi sgt, %add3A_410, %sign3A_413 : i32
    %sign3A_415 = arith.extui %sign3A_414 : i1 to i32
    %sign3A_416 = arith.constant 0 : i32
    %sign3A_417 = arith.cmpi slt, %add3A_410, %sign3A_416 : i32
    %sign3A_418 = arith.extui %sign3A_417 : i1 to i32
    %sign3A_419 = arith.subi %sign3A_415, %sign3A_418 : i32
    %sign3A_420 = arith.constant 0 : i32
    %sign3A_421 = arith.cmpi sgt, %jit3A_411, %sign3A_420 : i32
    %sign3A_422 = arith.extui %sign3A_421 : i1 to i32
    %sign3A_423 = arith.constant 0 : i32
    %sign3A_424 = arith.cmpi slt, %jit3A_411, %sign3A_423 : i32
    %sign3A_425 = arith.extui %sign3A_424 : i1 to i32
    %sign3A_426 = arith.subi %sign3A_422, %sign3A_425 : i32
    %ne3A_427 = arith.cmpi ne, %sign3A_419, %sign3A_426 : i32
    %rem3A_428 = arith.remsi %add3A_410, %jit3A_411 : i32
    %ne3A_429 = arith.constant 0 : i32
    %ne3A_430 = arith.cmpi ne, %rem3A_428, %ne3A_429 : i32
    %and3A_431 = arith.andi %ne3A_427, %ne3A_430 : i1
    %sub3A_432 = arith.constant 1 : i32
    %sub3A_433 = arith.subi %div3A_412, %sub3A_432 : i32
    %select_n3A_434 = arith.select %and3A_431, %sub3A_433, %div3A_412 : i32
    %jit3A_435 = arith.constant 16 : i32
    %eq3A_436 = arith.constant 0 : i32
    %eq3A_437 = arith.cmpi eq, %jit3A_435, %eq3A_436 : i32
    %jit3A_438 = arith.constant 1 : i32
    %select_n3A_439 = arith.select %eq3A_437, %jit3A_438, %jit3A_435 : i32
    %rem3A_440 = arith.remsi %add3A_410, %select_n3A_439 : i32
    %ne3A_441 = arith.constant 0 : i32
    %ne3A_442 = arith.cmpi ne, %rem3A_440, %ne3A_441 : i32
    %lt3A_443 = arith.constant 0 : i32
    %lt3A_444 = arith.cmpi slt, %rem3A_440, %lt3A_443 : i32
    %lt3A_445 = arith.constant 0 : i32
    %lt3A_446 = arith.cmpi slt, %select_n3A_439, %lt3A_445 : i32
    %ne3A_447 = arith.xori %lt3A_444, %lt3A_446 : i1
    %and3A_448 = arith.andi %ne3A_447, %ne3A_442 : i1
    %add3A_449 = arith.addi %rem3A_440, %select_n3A_439 : i32
    %select_n3A_450 = arith.select %and3A_448, %add3A_449, %rem3A_440 : i32
    %mul3A_451 = arith.constant 128 : i32
    %mul3A_452 = arith.muli %select_n3A_450, %mul3A_451 : i32
    %dma_wait3A_453 = arith.constant 0 : i32
    %dma_wait3A_454 = tpu.memref_slice %arg4[%select_n3A_434, %dma_wait3A_453, %mul3A_452] : memref<4x4096x2048xf32, #tpu.memory_space<hbm>> -> memref<1x64x128xf32, #tpu.memory_space<hbm>>
    %dma_wait3A_455 = tpu.memref_squeeze %dma_wait3A_454 : memref<1x64x128xf32, #tpu.memory_space<hbm>> -> memref<64x128xf32, #tpu.memory_space<hbm>>
    %dma_wait3A_456 = arith.constant 0 : i32
    %dma_wait3A_457 = tpu.memref_slice %arg4[%select_n3A_434, %dma_wait3A_456, %mul3A_452] : memref<4x4096x2048xf32, #tpu.memory_space<hbm>> -> memref<1x64x128xf32, #tpu.memory_space<hbm>>
    %dma_wait3A_458 = tpu.memref_squeeze %dma_wait3A_457 : memref<1x64x128xf32, #tpu.memory_space<hbm>> -> memref<64x128xf32, #tpu.memory_space<hbm>>
    tpu.wait_dma2 semaphore(%arg27 : memref<!tpu.dma_semaphore, #tpu.memory_space<semaphore_mem>>) src(%arg15 : memref<64x128xf32, #tpu.memory_space<vmem>>) dst(%dma_wait3A_458 : memref<64x128xf32, #tpu.memory_space<hbm>>)
    %add3A_459 = arith.constant 0 : i32
    %add3A_460 = arith.addi %add3A, %add3A_459 : i32
    %jit3A_461 = arith.constant 16 : i32
    %div3A_462 = arith.divsi %add3A_460, %jit3A_461 : i32
    %sign3A_463 = arith.constant 0 : i32
    %sign3A_464 = arith.cmpi sgt, %add3A_460, %sign3A_463 : i32
    %sign3A_465 = arith.extui %sign3A_464 : i1 to i32
    %sign3A_466 = arith.constant 0 : i32
    %sign3A_467 = arith.cmpi slt, %add3A_460, %sign3A_466 : i32
    %sign3A_468 = arith.extui %sign3A_467 : i1 to i32
    %sign3A_469 = arith.subi %sign3A_465, %sign3A_468 : i32
    %sign3A_470 = arith.constant 0 : i32
    %sign3A_471 = arith.cmpi sgt, %jit3A_461, %sign3A_470 : i32
    %sign3A_472 = arith.extui %sign3A_471 : i1 to i32
    %sign3A_473 = arith.constant 0 : i32
    %sign3A_474 = arith.cmpi slt, %jit3A_461, %sign3A_473 : i32
    %sign3A_475 = arith.extui %sign3A_474 : i1 to i32
    %sign3A_476 = arith.subi %sign3A_472, %sign3A_475 : i32
    %ne3A_477 = arith.cmpi ne, %sign3A_469, %sign3A_476 : i32
    %rem3A_478 = arith.remsi %add3A_460, %jit3A_461 : i32
    %ne3A_479 = arith.constant 0 : i32
    %ne3A_480 = arith.cmpi ne, %rem3A_478, %ne3A_479 : i32
    %and3A_481 = arith.andi %ne3A_477, %ne3A_480 : i1
    %sub3A_482 = arith.constant 1 : i32
    %sub3A_483 = arith.subi %div3A_462, %sub3A_482 : i32
    %select_n3A_484 = arith.select %and3A_481, %sub3A_483, %div3A_462 : i32
    %jit3A_485 = arith.constant 16 : i32
    %eq3A_486 = arith.constant 0 : i32
    %eq3A_487 = arith.cmpi eq, %jit3A_485, %eq3A_486 : i32
    %jit3A_488 = arith.constant 1 : i32
    %select_n3A_489 = arith.select %eq3A_487, %jit3A_488, %jit3A_485 : i32
    %rem3A_490 = arith.remsi %add3A_460, %select_n3A_489 : i32
    %ne3A_491 = arith.constant 0 : i32
    %ne3A_492 = arith.cmpi ne, %rem3A_490, %ne3A_491 : i32
    %lt3A_493 = arith.constant 0 : i32
    %lt3A_494 = arith.cmpi slt, %rem3A_490, %lt3A_493 : i32
    %lt3A_495 = arith.constant 0 : i32
    %lt3A_496 = arith.cmpi slt, %select_n3A_489, %lt3A_495 : i32
    %ne3A_497 = arith.xori %lt3A_494, %lt3A_496 : i1
    %and3A_498 = arith.andi %ne3A_497, %ne3A_492 : i1
    %add3A_499 = arith.addi %rem3A_490, %select_n3A_489 : i32
    %select_n3A_500 = arith.select %and3A_498, %add3A_499, %rem3A_490 : i32
    %mul3A_501 = arith.constant 128 : i32
    %mul3A_502 = arith.muli %select_n3A_500, %mul3A_501 : i32
    %dma_wait3A_503 = arith.constant 0 : i32
    %dma_wait3A_504 = tpu.memref_slice %arg4[%select_n3A_484, %dma_wait3A_503, %mul3A_502] : memref<4x4096x2048xf32, #tpu.memory_space<hbm>> -> memref<1x64x128xf32, #tpu.memory_space<hbm>>
    %dma_wait3A_505 = tpu.memref_squeeze %dma_wait3A_504 : memref<1x64x128xf32, #tpu.memory_space<hbm>> -> memref<64x128xf32, #tpu.memory_space<hbm>>
    %dma_wait3A_506 = arith.constant 0 : i32
    %dma_wait3A_507 = tpu.memref_slice %arg4[%select_n3A_484, %dma_wait3A_506, %mul3A_502] : memref<4x4096x2048xf32, #tpu.memory_space<hbm>> -> memref<1x64x128xf32, #tpu.memory_space<hbm>>
    %dma_wait3A_508 = tpu.memref_squeeze %dma_wait3A_507 : memref<1x64x128xf32, #tpu.memory_space<hbm>> -> memref<64x128xf32, #tpu.memory_space<hbm>>
    tpu.wait_dma2 semaphore(%arg28 : memref<!tpu.dma_semaphore, #tpu.memory_space<semaphore_mem>>) src(%arg16 : memref<64x128xf32, #tpu.memory_space<vmem>>) dst(%dma_wait3A_508 : memref<64x128xf32, #tpu.memory_space<hbm>>)
    return
  }
}

</mosaic_0001>

<sc_bundles>
// kernel: kernel.3.cloned.1.call-start
scs
__scs_entry_jumppad:
0x0: {  	(pc) =	sbr.rel $0x88, $3  }
0x1: {  	(tag) =	ssettag $0x0;
	lr =	simm.s32 $0x1  }
0x2: {  	[smem:$0x3F9F] =	sst lr;
	_ =	strace $0xD0000000  }
0x3: {  	_ = 	snop  }
0x4: {  	_ = 	snop  }
0x5: {  	_ = 	snop  }
0x6: {  	_ = 	snop  }
0x7: {  	_ = 	snop  }
__scs_overlays_trampoline_lowered:
0x8: {  	[smem:$0x3FAE] =	sst s0  }
0x9: {  	[smem:$0x3FAF] =	sst s1  }
0xa: {  	[smem:$0x3FB0] =	sst s2  }
0xb: {  	[smem:$0x3FB1] =	sst s3  }
0xc: {  	[smem:$0x3FB2] =	sst s4  }
0xd: {  	[smem:$0x3FB3] =	sst s5  }
0xe: {  	[smem:$0x3FB4] =	sst s6  }
0xf: {  	[smem:$0x3FB5] =	sst s7  }
0x10: {  	[smem:$0x3FB6] =	sst s8  }
0x11: {  	[smem:$0x3FB7] =	sst s9;
	s0 =	simm.s32 @!p0 $0x0  }
0x12: {  	s1 =	sld [smem:$0x3F9D];
	s0 =	simm.s32 @p0 $0x1  }
0x13: {  	[smem:$0x3FB8] =	sst s0;
	s0 =	simm.s32 @!p1 $0x0  }
0x14: {  	s2 =	sld [smem:$0x3F9C];
	s0 =	simm.s32 @p1 $0x1  }
0x15: {  	[smem:$0x3FB9] =	sst s0;
	s0 =	simm.s32 @!p2 $0x0  }
0x16: {  	s3 =	sld [smem:$0x3FDB];
	s0 =	simm.s32 @p2 $0x1  }
0x17: {  	s4 =	simm.s32 $0x1BF5;
	[smem:$0x3FBB] =	sst s0  }
0x18: {  	s0 =	sld [smem:$0x3F9E];
	_ =	swait.ge [sflag:s4], $0x0  }
0x19: {  	s7 =	sld [smem:$0x3F9F]  }
0x1a: {  	s8 =	sadd.s32 $0xFFFFE003, lr  }
0x1b: {  	s9 =	sadd.s32 $0xFFFFFEF7, lr;
	s5 =	simm.s32 $0xFFFFFFFF;
	p2 =	slt.u32 s8, $0xFFFFF086  }
0x1c: {  	p1 =	slt.u32 s9, $0xF7A;
	s5 =	simm.s32 @!p2 $0x0  }
0x1d: {  	s5 =	simm.s32 @p1 $0x1;
	p0 =	seq.s32 s7, s2  }
0x1e: {  	s7 =	smul.u32 @!p0 $0xF7A, s2;
	p2 =	seq.s32 @!p0 s5, $0x0  }
0x1f: {  	s9 =	smul.u32 $0xF7A, s1;
	s8 =	simm.s32 @!p0 $0x1BF5;
	p2 =	por !p2, p0  }
0x20: {  	[sflag:s8] =	ssyncset.s32 @!p0 $0xFFFFF086;
	s6 =	sadd.s32 @!p0 s3, s7;
	s7 =	simm.s32 @!p0 $0x108  }
0x21: {  	s3 =	sadd.s32 s3, s9;
	s6 =	sadd.s32 @!p0 $0x88, s6;
	s7 =	simm.s32 @p2 $0x1082  }
0x22: {  	[simem:s7], [sflag:s8] =	dma.local @!p0 [hbm:s6], $0xF7A  }
0x23: {  	s9 =	sor.u32 $0xD0000000, s2;
	s6 =	simm.s32 $0x108;
	_ =	swait.ge @!p0 [sflag:s8], $0x0  }
0x24: {  	s3 =	sadd.s32 $0x88, s3;
	s6 =	simm.s32 @!p1 $0x1082;
	[sflag:s4] =	ssyncset.s32 $0xFFFFF086  }
0x25: {  	[simem:s6], [sflag:s4] =	dma.local [hbm:s3], $0xF7A  }
0x26: {  	[smem:$0x3F9F] =	sst s1;
	(tag) =	ssettag s2;
	_ =	strace s9  }
0x27: {  	s1 =	sld [smem:$0x3FAF]  }
0x28: {  	s2 =	sld [smem:$0x3FB0]  }
0x29: {  	s4 =	sld [smem:$0x3FB2]  }
0x2a: {  	p0 =	seq.s32 s5, $0x0;
	s5 =	sld [smem:$0x3FB3]  }
0x2b: {  	s6 =	sld [smem:$0x3FB4]  }
0x2c: {  	s7 =	sld [smem:$0x3FB5]  }
0x2d: {  	s3 =	simm.s32 $0x108;
	s8 =	sld [smem:$0x3FB6]  }
0x2e: {  	s3 =	simm.s32 @!p0 $0x1082;
	s9 =	sld [smem:$0x3FB7]  }
0x2f: {  	lr =	sadd.s32 s0, s3;
	s0 =	sld [smem:$0x3FAE]  }
0x30: {  	s3 =	sld [smem:$0x3FB1]  }
0x31: {  	[smem:$0x3FBA] =	sst s10  }
0x32: {  	s10 =	sld [smem:$0x3FB8];
	_ =	sdelay $0x3  }
0x33: {  	p0 =	seq.s32 s10, $0x1;
	s10 =	sld [smem:$0x3FBA];
	_ =	sdelay $0x3  }
0x34: {  	[smem:$0x3FBA] =	sst s10  }
0x35: {  	s10 =	sld [smem:$0x3FB9];
	_ =	sdelay $0x3  }
0x36: {  	p1 =	seq.s32 s10, $0x1;
	s10 =	sld [smem:$0x3FBA];
	_ =	sdelay $0x3  }
0x37: {  	[smem:$0x3FBA] =	sst s10  }
0x38: {  	s10 =	sld [smem:$0x3FBB]  }
0x39: {  	_ = 	snop;
	(pc) =	sbr.ind lr, $3  }
0x3a: {  	_ = 	snop  }
0x3b: {  	_ = 	snop  }
0x3c: {  	p2 =	seq.s32 s10, $0x1;
	s10 =	sld [smem:$0x3FBA]  }
0x3d: {  	_ =	shalt  }
0x3e: {  	_ =	shalt  }
0x3f: {  	_ =	shalt  }
0x40: {  	_ =	shalt  }
0x41: {  	_ =	shalt  }
0x42: {  	_ =	shalt  }
0x43: {  	_ =	shalt  }
0x44: {  	_ =	shalt  }
0x45: {  	_ =	shalt  }
0x46: {  	_ =	shalt  }
0x47: {  	_ =	shalt  }
0x48: {  	_ =	shalt  }
0x49: {  	_ =	shalt  }
0x4a: {  	_ =	shalt  }
0x4b: {  	_ =	shalt  }
0x4c: {  	_ =	shalt  }
0x4d: {  	_ =	shalt  }
0x4e: {  	_ =	shalt  }
0x4f: {  	_ =	shalt  }
0x50: {  	_ =	shalt  }
0x51: {  	_ =	shalt  }
0x52: {  	_ =	shalt  }
0x53: {  	_ =	shalt  }
0x54: {  	_ =	shalt  }
0x55: {  	_ =	shalt  }
0x56: {  	_ =	shalt  }
0x57: {  	_ =	shalt  }
0x58: {  	_ =	shalt  }
0x59: {  	_ =	shalt  }
0x5a: {  	_ =	shalt  }
0x5b: {  	_ =	shalt  }
0x5c: {  	_ =	shalt  }
0x5d: {  	_ =	shalt  }
0x5e: {  	_ =	shalt  }
0x5f: {  	_ =	shalt  }
0x60: {  	_ =	shalt  }
0x61: {  	_ =	shalt  }
0x62: {  	_ =	shalt  }
0x63: {  	_ =	shalt  }
0x64: {  	_ =	shalt  }
0x65: {  	_ =	shalt  }
0x66: {  	_ =	shalt  }
0x67: {  	_ =	shalt  }
0x68: {  	_ =	shalt  }
0x69: {  	_ =	shalt  }
0x6a: {  	_ =	shalt  }
0x6b: {  	_ =	shalt  }
0x6c: {  	_ =	shalt  }
0x6d: {  	_ =	shalt  }
0x6e: {  	_ =	shalt  }
0x6f: {  	_ =	shalt  }
0x70: {  	_ =	shalt  }
0x71: {  	_ =	shalt  }
0x72: {  	_ =	shalt  }
0x73: {  	_ =	shalt  }
0x74: {  	_ =	shalt  }
0x75: {  	_ =	shalt  }
0x76: {  	_ =	shalt  }
0x77: {  	_ =	shalt  }
0x78: {  	_ =	shalt  }
0x79: {  	_ =	shalt  }
0x7a: {  	_ =	shalt  }
0x7b: {  	_ =	shalt  }
0x7c: {  	_ =	shalt  }
0x7d: {  	_ =	shalt  }
0x7e: {  	_ =	shalt  }
0x7f: {  	_ =	shalt  }
0x80: {  	_ =	shalt  }
0x81: {  	_ =	shalt  }
0x82: {  	_ =	shalt  }
0x83: {  	_ =	shalt  }
0x84: {  	_ =	shalt  }
0x85: {  	_ =	shalt  }
0x86: {  	_ =	shalt  }
0x87: {  	_ =	shalt  }
.Lfunc_end0:
.L_simem_size_0:
called_computation_lowered:
.L_overlay_start_0:
0x88: {  	s2 =	sld [smem:$0x3FD9]  }
0x89: {  	s3 =	sld [smem:$0x3FFE];
	_ =	sdelay $0x1  }
0x8a: {  	s1 =	srdreg.scid  }
0x8b: {  	s0 =	sand.u32 $0x1, s1  }
0x8c: {  	s18 =	sshll.u32 s0, $0xA;
	s2 =	sadd.s32 s3, s2  }
0x8d: {  	s2 =	sadd.s32 s2, s18  }
0x8e: {  	[smem:$0x3FC6] =	sst s2  }
0x8f: {  	_ = 	snop  }
0x90: {  	s2 =	sld [smem:$0x3FC9]  }
0x91: {  	s19 =	sld [smem:$0x3FC8]  }
0x92: {  	s4 =	sld [smem:$0x3FD0];
	(tm) =	ssettm $0x1  }
0x93: {  	s5 =	sld [smem:$0x3FFB];
	_ =	sdelay $0x3  }
0x94: {  	_ =	strace s5  }
0x95: {  	s5 =	sld [smem:$0x3FFC];
	_ =	sdelay $0x3  }
0x96: {  	_ =	strace s5  }
0x97: {  	s5 =	sld [smem:$0x3FFD];
	_ =	sdelay $0x3  }
0x98: {  	_ =	strace s5  }
0x99: {  	_ =	strace $0x8FFFFFFF  }
0x9a: {  	s20 =	sld [smem:$0x3FDB];
	_ =	sdelay $0x1  }
0x9b: {  	s6 =	simm.s32 $_scs_section_size  }
0x9c: {  	s7 =	simm.s32 $_size__tile_overlayer_lowered;
	s8 =	simm.s32 $_tile_overlayer_lowered  }
0x9d: {  	s23 =	simm.s32 $0x1BFF;
	s22 =	sshll.u32 s8, $0x1;
	s5 =	sadd.s32 s6, s20  }
0x9e: {  	s9 =	simm.s32 $0x0;
	s21 =	sshll.u32 s7, $0x1;
	s7 =	sadd.s32 s22, s5  }
0x9f: {  	[timem:s9], [sflag:s23] =	dma.local [hbm:s7], s21  }
0xa0: {  	_ =	swait.ge [sflag:s23], s21  }
0xa1: {  	s6 =	ssub.s32 $0x0, s21;
	[sflag:s23] =	ssyncset.done $0x0  }
0xa2: {  	[sflag:s23] =	ssyncadd.s32 s6;
	_ =	sdelay $0x1  }
0xa3: {  	s24 =	simm.s32 $0x1B8B  }
0xa4: {  	_ =	swait.ge [sflag:s24], $0x1  }
0xa5: {  	[sflag:s24] =	ssyncset.done $0x0  }
0xa6: {  	s25 =	simm.s32 $0x1B8E;
	[sflag:s24] =	ssyncadd.s32 $0xFFFFFFFF  }
0xa7: {  	s26 =	simm.s32 $execute0_lowered;
	[smem:$0x3FD2] =	sst s25  }
0xa8: {  	s6 =	sshll.u32 s26, $0x1;
	_ =	strace $0x80000046;
	[dreg:$0x1] =	wrdreg $0xFFFFFFFF  }
0xa9: {  	s28 =	simm.s32 $_size_execute0_lowered;
	s5 =	sadd.s32 s5, s6;
	[dreg:$0x0] =	wrdreg $0x0  }
0xaa: {  	s6 =	sshll.u32 s28, $0x1;
	[dreg:$0x2] =	wrdreg s5  }
0xab: {  	[dreg:$0x3] =	wrdreg s6  }
0xac: {  	[dreg:$0x4] =	wrdreg $0xC0  }
0xad: {  	_ =	task [dreg:s9], $0x5FFFF  }
0xae: {  	[dreg:$0x1] =	wrdreg $0xFFFFFFFF  }
0xaf: {  	[dreg:$0x0] =	wrdreg $0x60  }
0xb0: {  	[dreg:$0x2] =	wrdreg s2  }
0xb1: {  	[dreg:$0x3] =	wrdreg s19  }
0xb2: {  	[dreg:$0x4] =	wrdreg s4  }
0xb3: {  	[dreg:$0x5] =	wrdreg $0x9  }
0xb4: {  	_ =	task.clear_ibuf [dreg:s9], $0x6FFFF;
	_ =	strace $0x90000046  }
0xb5: {  	s29 =	simm.s32 $0x9;
	_ =	strace $0x80000048  }
0xb6: {  	_ =	swait.ge [sflag:s29], $0x1  }
0xb7: {  	[sflag:s29] =	ssyncadd.s32 $0xFFFFFFFF  }
0xb8: {  	_ =	strace $0x90000048  }
0xb9: {  	_ =	sfence  }
0xba: {  	s30 =	sld [smem:$0x0];
	_ =	sdelay $0x2  }
0xbb: {  	s31 =	sshll.u32 s1, $0xD;
	s1 =	sshrl.u32 s1, $0x2  }
0xbc: {  	s3 =	sand.u32 $0x4000, s31;
	s1 =	sadd.s32 s1, s30  }
0xbd: {  	s0 =	sor.u32 s3, s0;
	s1 =	sshll.u32 s1, $0x11  }
0xbe: {  	s0 =	sor.u32 s1, s0  }
0xbf: {  	s0 =	sadd.s32 $0x8F2B, s0  }
0xc0: {  	[sflag:s0] =	ssyncadd.remote.s32 $0x1  }
0xc1: {  	_ =	sfence.sel $0xFFFF  }
0xc2: {  	[dreg:$0x0] =	wrdreg $0xFFFFFFFF;
	(pc) =	sbr.abs _section_cstart, $3  }
0xc3: {  	[dreg:$0x1] =	wrdreg $0xFFFFFFFF  }
0xc4: {  	_ =	task.clear_ibuf [dreg:s9], $0x2FFFF;
	_ =	strace $0x9FFFFFFF  }
0xc5: {  	(tm) =	ssettm $0x7FFFFFFF  }
tec
execute0_lowered:
.L_overlay_start_1:
0x0: {  	(tag) =	ssettag $0x1  }
0x1: {  	s1 =	rddreg [dreg:$0x0]  }
0x2: {  	s3 =	rddreg [dreg:$0x1]  }
0x3: {  	s0 =	srdreg.scid;
	s6 =	stileid.u32  }
0x4: {  	s4 =	rddreg [dreg:$0x2];
	s7 =	simm.s32 $0x0;
	s16 =	simm.s32 $0x400  }
0x5: {  	s17 =	simm.s32 $0x4000;
	s28 =	simm.s32 $0x2;
	s29 =	simm.s32 $0x6  }
0x6: {  	s30 =	simm.s32 $0x12000;
	s31 =	simm.s32 $0x3;
	s18 =	simm.s32 $0x4  }
0x7: {  	s19 =	simm.s32 $0x8;
	s9 =	simm.s32 $0x0;
	s0 =	sand.u32 $0x1, s0  }
0x8: {  	s2 =	sshll.u32 s6, $0x1;
	s20 =	sshll.u32 s6, $0x14;
	[smem:$0x7FF] =	sst s7  }
0x9: {  	s5 =	sor.u32 s0, s2;
	s0 =	ssub.s32 $0x2, s0;
	_ =	strace $0x80000047  }
0xa: {  	s21 =	sshll.u32 s5, $0xA;
	s22 =	sshrl.u32 s0, $0x1;
	s14 =	sand.u32 $0xF, s5  }
0xb: {  	s2 =	sor.u32 s20, s21;
	s0 =	ssub.s32 s0, s22;
	s7 =	sand.u32 $0x3C00, s21  }
0xc: {  	p0 =	sne.s32 s14, $0x0;
	s22 =	simm.s32 $0x1;
	s2 =	sand.u32 $0x803C00, s2  }
0xd: {  	s20 =	simm.s32 $0x16000;
	s0 =	smax.u32 s0, $0x1;
	s2 =	sshrl.u32 s2, $0x3  }
0xe: {  	[dreg:$0xa] =	wrdreg s0;
	s0 =	simm.s32 $0x14000;
	s23 =	sadd.s32 s1, s2  }
0xf: {  	s24 =	sadd.s32 s3, s2;
	s25 =	sor.u32 $0x4000, s2;
	[dreg:$0x4] =	wrdreg s23  }
0x10: {  	s2 =	sor.u32 $0x8000, s2;
	[dreg:$0x5] =	wrdreg s24;
	s8 =	sadd.s32 s1, s25  }
0x11: {  	s6 =	sadd.s32 s3, s25;
	s26 =	sadd.s32 s1, s2;
	[dreg:$0x6] =	wrdreg s8  }
0x12: {  	s2 =	sadd.s32 s3, s2;
	s23 =	simm.s32 $0x6000;
	[dreg:$0x7] =	wrdreg s6  }
0x13: {  	s24 =	simm.s32 $0xE000;
	s25 =	simm.s32 $0x5;
	[dreg:$0x8] =	wrdreg s26  }
0x14: {  	[dreg:$0x9] =	wrdreg s2;
	s26 =	simm.s32 $0x10000;
	s2 =	simm.s32 $0x7  }
.LBB2_1:
0x15: {  	[dreg:$0xb] =	wrdreg s9  }
0x16: {  	s6 =	simm.s32 $0x0;
	s8 =	rddreg [dreg:$0x4]  }
0x17: {  	[tilespmem:s6], [sflag:$0x1] =	stream.strided.gather [hbm4b:s8+s16], $0x2000, s17, s16, $0x38;
	[tilespmem:$0x18000] =	vst v63  }
0x18: {  	s15 =	rddreg [dreg:$0x5];
	s21 =	simm.s32 $0x8000  }
0x19: {  	[tilespmem:s21], [sflag:$0x5] =	stream.strided.gather [hbm4b:s15+s16], $0x2000, s17, s16, $0x38;
	[tilespmem:$0x18000] =	vst v63  }
0x1a: {  	s9 =	rddreg [dreg:$0x6];
	s10 =	simm.s32 $0x2000  }
0x1b: {  	[tilespmem:s10], [sflag:$0x2] =	stream.strided.gather [hbm4b:s9+s16], $0x2000, s17, s16, $0x38;
	[tilespmem:$0x18000] =	vst v63  }
0x1c: {  	s11 =	rddreg [dreg:$0x7];
	s12 =	simm.s32 $0xA000  }
0x1d: {  	[tilespmem:s12], [sflag:$0x6] =	stream.strided.gather [hbm4b:s11+s16], $0x2000, s17, s16, $0x38;
	[tilespmem:$0x18000] =	vst v63  }
0x1e: {  	s13 =	rddreg [dreg:$0x8]  }
0x1f: {  	v5 =	vimm.f32 $0.0e+00;
	v9 =	vimm.f32 $0.0e+00;
	[tilespmem:s17], [sflag:$0x3] =	stream.strided.gather [hbm4b:s13+s16], $0x2000, s17, s16, $0x38;
	[tilespmem:$0x18000] =	vst v63  }
0x20: {  	v3 =	vimm.f32 $0.0e+00;
	v7 =	vimm.f32 $0.0e+00;
	v4 =	vimm.f32 $0.0e+00;
	s15 =	rddreg [dreg:$0x9];
	s21 =	simm.s32 $0xC000;
	s11 =	simm.s32 $0x0  }
0x21: {  	v11 =	vimm.f32 $0.0e+00;
	v1 =	vimm.f32 $0.0e+00;
	v2 =	vimm.f32 $0.0e+00;
	[tilespmem:s21], [sflag:$0x7] =	stream.strided.gather [hbm4b:s15+s16], $0x2000, s17, s16, $0x38;
	[tilespmem:$0x18000] =	vst v63  }
.LBB2_2:
0x22: {  	s6 =	sshll.u32 s11, $0x1  }
0x23: {  	s6 =	sand.u32 $0x20, s6  }
0x24: {  	s6 =	sor.u32 s5, s6  }
0x25: {  	p1 =	seq.s32 s6, $0x0  }
0x26: {  	p1 =	por !p0, !p1  }
0x27: {  	s8 =	simm.s32 $0x1;
	p1 =	por !p1, !p1  }
0x28: {  	s9 =	sshll.u32 s11, $0x13;
	s6 =	sshrl.u32 s6, $0x4;
	s8 =	simm.s32 @!p1 $0x0  }
0x29: {  	s15 =	sand.u32 $0x780000, s9;
	s6 =	ssub.s32 s6, s8  }
0x2a: {  	s9 =	sor.u32 s15, s7;
	s21 =	sshll.u32 s6, $0x17  }
0x2b: {  	s6 =	sor.u32 s21, s9  }
0x2c: {  	s15 =	sshrl.u32 s6, $0x3  }
0x2d: {  	s12 =	sor.u32 $0xC000, s15  }
0x2e: {  	s10 =	sadd.s32 s1, s12  }
0x2f: {  	[tilespmem:s23], [sflag:$0x4] =	stream.strided.gather [hbm4b:s10+s16], $0x2000, s17, s16, $0x38;
	[tilespmem:$0x18000] =	vst v63  }
0x30: {  	s13 =	sadd.s32 s3, s12  }
0x31: {  	[tilespmem:s24], [sflag:$0x8] =	stream.strided.gather [hbm4b:s13+s16], $0x2000, s17, s16, $0x38;
	[tilespmem:$0x18000] =	vst v63  }
0x32: {  	_ =	swait.ge [sflag:s22], $0x2000  }
0x33: {  	[sflag:s22] =	ssyncset.done $0x0  }
0x34: {  	[sflag:s22] =	ssyncadd.s32 $0xFFFFE000  }
0x35: {  	_ =	swait.ge [sflag:s25], $0x2000  }
0x36: {  	p1 =	seq.s32 s11, $0x0;
	[sflag:s25] =	ssyncset.done $0x0  }
0x37: {  	s6 =	simm.s32 @!p1 $0x9;
	[sflag:s25] =	ssyncadd.s32 $0xFFFFE000  }
0x38: {  	_ =	swait.ge @!p1 [sflag:s6], $0x2000  }
0x39: {  	[sflag:s6] =	ssyncset.done @!p1 $0x0  }
0x3a: {  	[sflag:s6] =	ssyncadd.s32 @!p1 $0xFFFFE000;
	s6 =	simm.s32 $0x0  }
0x3b: {  	v15 =	vld [tilespmem:s6+$0x80B0]  }
0x3c: {  	v18 =	vld [tilespmem:s6+$0xB0]  }
0x3d: {  	v0 =	vld [tilespmem:s6+$0x80C0]  }
0x3e: {  	v13 =	vld [tilespmem:s6+$0x8090]  }
0x3f: {  	v14 =	vld [tilespmem:s6+$0x90]  }
0x40: {  	v12 =	vld [tilespmem:s6+$0x8010]  }
0x41: {  	v16 =	vld [tilespmem:s6+$0x8080]  }
0x42: {  	v17 =	vld [tilespmem:s6+$0x80]  }
0x43: {  	v19 =	vld [tilespmem:s6+$0x10]  }
0x44: {  	v20 =	vld [tilespmem:s6+$0x80A0]  }
0x45: {  	v10 =	vld [tilespmem:s6+$0x8000]  }
0x46: {  	v21 =	vld [tilespmem:s6+$0x0]  }
0x47: {  	v22 =	vld [tilespmem:s6+$0xA0]  }
0x48: {  	v23 =	vld [tilespmem:s6+$0x8040]  }
0x49: {  	v6 =	vld [tilespmem:s6+$0xF0]  }
0x4a: {  	v24 =	vld [tilespmem:s6+$0x40]  }
0x4b: {  	v8 =	vld [tilespmem:s6+$0x70]  }
0x4c: {  	v25 =	vld [tilespmem:s6+$0x8030]  }
0x4d: {  	v26 =	vld [tilespmem:s6+$0x30]  }
0x4e: {  	s13 =	sshll.u32 s11, $0x2;
	v27 =	vld [tilespmem:s6+$0x8050]  }
0x4f: {  	s8 =	sand.u32 $0x3C, s13;
	v28 =	vld [tilespmem:s6+$0x50]  }
0x50: {  	p2 =	seq.s32 s8, $0x0;
	v29 =	vld [tilespmem:s6+$0x8020]  }
0x51: {  	v2 =	vpsel p2, $0x0, v2;
	v30 =	vld [tilespmem:s6+$0x80D0]  }
0x52: {  	v1 =	vpsel p2, $0x0, v1;
	v63 =	vpsel p2, $0x0, v4;
	v31 =	vld [tilespmem:s6+$0x20];
	v21 =	vmul.f32 v10, v21  }
0x53: {  	v7 =	vpsel p2, $0x0, v7;
	v3 =	vpsel p2, $0x0, v3;
	v4 =	vpsel p2, $0x0, v9;
	v32 =	vld [tilespmem:s6+$0xD0]  }
0x54: {  	v10 =	vld [tilespmem:s6+$0x80F0];
	v25 =	vmul.f32 v25, v26;
	v21 =	vadd.f32 v21, v2;
	v2 =	vmul.f32 v12, v19  }
0x55: {  	v5 =	vpsel p2, $0x0, v5;
	v12 =	vld [tilespmem:s6+$0xC0];
	v19 =	vmul.f32 v13, v14;
	v13 =	vmul.f32 v16, v17  }
0x56: {  	v9 =	vmul.f32 v20, v22;
	v17 =	vmul.f32 v27, v28;
	v14 =	vld [tilespmem:s6+$0x8070];
	v62 =	vadd.f32 v2, v1  }
0x57: {  	v16 =	vld [tilespmem:s6+$0x8060];
	v20 =	vadd.f32 v25, v63;
	[tilespmem:s6+$0x10000] =	vst v21;
	v2 =	vpsel p2, $0x0, v11;
	v1 =	vadd.f32 v13, v21  }
0x58: {  	v11 =	vld [tilespmem:s6+$0x60];
	v13 =	vmul.f32 v23, v24;
	v17 =	vadd.f32 v17, v3;
	v21 =	vmul.f32 v15, v18;
	[tilespmem:s6+$0x10010] =	vst v62  }
0x59: {  	s9 =	simm.s32 $0x400;
	v18 =	vmul.f32 v29, v31;
	v15 =	vld [tilespmem:s6+$0xE0];
	[tilespmem:s6+$0x10080] =	vst v1;
	v3 =	vadd.f32 v19, v62;
	v19 =	vmul.f32 v30, v32  }
.LBB2_3:
0x5a: {  	s10 =	sshra.s32 s9, $0x2;
	p2 =	sne.s32 s9, $0x7C00;
	s9 =	sadd.s32 $0x400, s9;
	[tilespmem:s6+$0x10030] =	vst v20;
	v13 =	vadd.f32 v13, v7;
	v20 =	vadd.f32 v21, v20;
	v0 =	vmul.f32 v0, v12;
	v12 =	vld [tilespmem:s6+$0x80E0]  }
0x5b: {  	v6 =	vmul.f32 v10, v6;
	v21 =	vld [tilespmem:s10+$0x80B0];
	[tilespmem:s6+$0x10050] =	vst v17;
	v8 =	vmul.f32 v14, v8;
	v17 =	vadd.f32 v19, v17  }
0x5c: {  	v2 =	vadd.f32 v18, v2;
	v19 =	vld [tilespmem:s10+$0xB0];
	[tilespmem:s6+$0x100B0] =	vst v20;
	v7 =	vadd.f32 v0, v13  }
0x5d: {  	v0 =	vld [tilespmem:s10+$0x80C0];
	[tilespmem:s6+$0x10040] =	vst v13;
	v10 =	vmul.f32 v16, v11;
	v5 =	vadd.f32 v8, v5  }
0x5e: {  	v8 =	vld [tilespmem:s10+$0x8090];
	[tilespmem:s6+$0x10020] =	vst v2;
	v2 =	vadd.f32 v9, v2  }
0x5f: {  	v9 =	vld [tilespmem:s10+$0x90];
	[tilespmem:s6+$0x10070] =	vst v5;
	v11 =	vmul.f32 v12, v15;
	v5 =	vadd.f32 v6, v5  }
0x60: {  	v4 =	vadd.f32 v10, v4;
	v12 =	vld [tilespmem:s10+$0x8010];
	[tilespmem:s6+$0x100D0] =	vst v17  }
0x61: {  	v6 =	vld [tilespmem:s10+$0x8080];
	[tilespmem:s6+$0x100A0] =	vst v2  }
0x62: {  	v10 =	vld [tilespmem:s10+$0x80];
	[tilespmem:s6+$0x10060] =	vst v4;
	v4 =	vadd.f32 v11, v4  }
0x63: {  	v11 =	vld [tilespmem:s10+$0x10];
	[tilespmem:s6+$0x100C0] =	vst v7  }
0x64: {  	v15 =	vmul.f32 v8, v9;
	v9 =	vld [tilespmem:s10+$0x80A0];
	[tilespmem:s6+$0x10090] =	vst v3  }
0x65: {  	v14 =	vld [tilespmem:s10+$0x8000];
	[tilespmem:s6+$0x100E0] =	vst v4  }
0x66: {  	v16 =	vld [tilespmem:s10+$0x0];
	[tilespmem:s6+$0x100F0] =	vst v5;
	s6 =	smov.u32 s10  }
0x67: {  	v18 =	vmul.f32 v6, v10;
	v10 =	vld [tilespmem:s6+$0xA0]  }
0x68: {  	v13 =	vld [tilespmem:s6+$0x8040]  }
0x69: {  	v6 =	vld [tilespmem:s6+$0xF0]  }
0x6a: {  	v22 =	vld [tilespmem:s6+$0x40]  }
0x6b: {  	v8 =	vld [tilespmem:s6+$0x70]  }
0x6c: {  	v23 =	vld [tilespmem:s6+$0x8030];
	v9 =	vmul.f32 v9, v10  }
0x6d: {  	v24 =	vld [tilespmem:s6+$0x30]  }
0x6e: {  	v25 =	vld [tilespmem:s6+$0x8050]  }
0x6f: {  	v13 =	vmul.f32 v13, v22;
	v22 =	vld [tilespmem:s6+$0x50]  }
0x70: {  	v26 =	vld [tilespmem:s6+$0x8020]  }
0x71: {  	v27 =	vld [tilespmem:s6+$0x80D0]  }
0x72: {  	v14 =	vmul.f32 v14, v16;
	v28 =	vld [tilespmem:s6+$0x20]  }
0x73: {  	v10 =	vld [tilespmem:s6+$0x80F0]  }
0x74: {  	v11 =	vmul.f32 v12, v11;
	v1 =	vadd.f32 v14, v1;
	v16 =	vmul.f32 v25, v22;
	v22 =	vld [tilespmem:s6+$0xD0]  }
.Ltmp0:
0x75: {  	v23 =	vmul.f32 v23, v24;
	v12 =	vld [tilespmem:s6+$0xC0];
	(pc) =	sbr.rel @p2 .LBB2_3-.Ltmp0, $4  }
0x76: {  	v3 =	vadd.f32 v11, v3;
	[tilespmem:s6+$0x10000] =	vst v1;
	v14 =	vld [tilespmem:s6+$0x8070];
	v1 =	vadd.f32 v18, v1  }
0x77: {  	v17 =	vadd.f32 v16, v17;
	v11 =	vld [tilespmem:s6+$0x60]  }
0x78: {  	v21 =	vmul.f32 v21, v19;
	v20 =	vadd.f32 v23, v20;
	[tilespmem:s6+$0x10010] =	vst v3;
	v16 =	vld [tilespmem:s6+$0x8060];
	v3 =	vadd.f32 v15, v3  }
0x79: {  	v18 =	vmul.f32 v26, v28;
	[tilespmem:s6+$0x10080] =	vst v1;
	v19 =	vmul.f32 v27, v22;
	v15 =	vld [tilespmem:s6+$0xE0]  }
0x7a: {  	[tilespmem:s6+$0x10030] =	vst v20  }
0x7b: {  	v20 =	vadd.f32 v21, v20;
	[tilespmem:s6+$0x10050] =	vst v17  }
0x7c: {  	v21 =	vld [tilespmem:s6+$0x80E0];
	v7 =	vadd.f32 v13, v7;
	[tilespmem:s6+$0x10090] =	vst v3  }
0x7d: {  	v8 =	vmul.f32 v14, v8;
	v2 =	vadd.f32 v18, v2;
	[tilespmem:s6+$0x100B0] =	vst v20  }
0x7e: {  	v14 =	vadd.f32 v19, v17;
	[tilespmem:s6+$0x10040] =	vst v7  }
0x7f: {  	v0 =	vmul.f32 v0, v12;
	v8 =	vadd.f32 v8, v5;
	v5 =	vmul.f32 v16, v11;
	[tilespmem:s6+$0x10020] =	vst v2  }
0x80: {  	v2 =	vadd.f32 v9, v2;
	[tilespmem:s6+$0x100D0] =	vst v14  }
0x81: {  	[tilespmem:s6+$0x10070] =	vst v8;
	v4 =	vadd.f32 v5, v4;
	v5 =	vadd.f32 v0, v7;
	v0 =	vmul.f32 v21, v15  }
0x82: {  	v6 =	vmul.f32 v10, v6;
	s8 =	sshll.u32 s8, $0x11;
	[tilespmem:s6+$0x100A0] =	vst v2  }
0x83: {  	s8 =	sor.u32 s8, s21;
	[tilespmem:s6+$0x10060] =	vst v4;
	v0 =	vadd.f32 v0, v4  }
0x84: {  	s8 =	sor.u32 s7, s8;
	[tilespmem:s6+$0x100C0] =	vst v5;
	v4 =	vadd.f32 v6, v8  }
0x85: {  	p2 =	seq.s32 s11, $0x1F;
	s8 =	sshrl.u32 s8, $0x3;
	[tilespmem:s6+$0x100E0] =	vst v0  }
0x86: {  	s21 =	sadd.s32 s4, s8;
	[tilespmem:s6+$0x100F0] =	vst v4;
	s6 =	sadd.s32 @!p2 $0x4, s13  }
0x87: {  	[hbm4b:s21+s16] =	stream.strided.scatter [tilespmem:s26], [sflag:$0x9], $0x2000, s17, s16, $0x38;
	[tilespmem:$0x18000] =	vst v63  }
0x88: {  	s8 =	sshrl.u32 @!p2 s6, $0x1  }
0x89: {  	s8 =	sand.u32 @!p2 $0x60, s8  }
0x8a: {  	s8 =	sor.u32 @!p2 s5, s8  }
0x8b: {  	p3 =	sne.s32 @!p2 s14, $0x0;
	p4 =	seq.s32 @!p2 s8, $0x0  }
0x8c: {  	p4 =	por @!p2 !p3, !p4  }
0x8d: {  	p4 =	por @!p2 !p4, !p4  }
0x8e: {  	s9 =	simm.s32 @!p2 $0x1;
	p4 =	por !p4, p2  }
0x8f: {  	s8 =	sshrl.u32 @!p2 s8, $0x4;
	s9 =	simm.s32 @p4 $0x0  }
0x90: {  	s6 =	sshll.u32 @!p2 s6, $0x11;
	s8 =	ssub.s32 @!p2 s8, s9  }
0x91: {  	s6 =	sand.u32 @!p2 $0x780000, s6;
	s8 =	sshll.u32 @!p2 s8, $0x17  }
0x92: {  	s6 =	sor.u32 @!p2 s6, s8  }
0x93: {  	s6 =	sor.u32 @!p2 s7, s6  }
0x94: {  	s10 =	simm.s32 @!p2 $0x4000;
	s6 =	sshrl.u32 @!p2 s6, $0x3  }
0x95: {  	s21 =	simm.s32 @!p2 $0x0;
	s9 =	simm.s32 @!p2 $0x400;
	s8 =	sadd.s32 @!p2 s1, s6  }
0x96: {  	[tilespmem:s21], [sflag:$0x1] =	stream.strided.gather @!p2 [hbm4b:s8+s9], $0x2000, s10, s9, $0x38;
	[tilespmem:$0x18000] =	vst v63  }
0x97: {  	s6 =	sadd.s32 @!p2 s3, s6;
	s8 =	simm.s32 @!p2 $0x8000  }
0x98: {  	[tilespmem:s8], [sflag:$0x5] =	stream.strided.gather @!p2 [hbm4b:s6+s9], $0x2000, s10, s9, $0x38;
	[tilespmem:$0x18000] =	vst v63  }
0x99: {  	_ =	swait.ge [sflag:s28], $0x2000  }
0x9a: {  	[sflag:s28] =	ssyncset.done $0x0  }
0x9b: {  	[sflag:s28] =	ssyncadd.s32 $0xFFFFE000  }
0x9c: {  	_ =	swait.ge [sflag:s29], $0x2000  }
0x9d: {  	[sflag:s29] =	ssyncset.done $0x0  }
0x9e: {  	s6 =	simm.s32 @!p1 $0xA;
	[sflag:s29] =	ssyncadd.s32 $0xFFFFE000  }
0x9f: {  	_ =	swait.ge @!p1 [sflag:s6], $0x2000  }
0xa0: {  	[sflag:s6] =	ssyncset.done @!p1 $0x0  }
0xa1: {  	[sflag:s6] =	ssyncadd.s32 @!p1 $0xFFFFE000;
	s6 =	simm.s32 $0x0  }
0xa2: {  	v6 =	vld [tilespmem:s6+$0xA0B0]  }
0xa3: {  	v18 =	vld [tilespmem:s6+$0x20B0]  }
0xa4: {  	v7 =	vld [tilespmem:s6+$0xA0C0]  }
0xa5: {  	v12 =	vld [tilespmem:s6+$0xA090]  }
0xa6: {  	v13 =	vld [tilespmem:s6+$0x2090]  }
0xa7: {  	v11 =	vld [tilespmem:s6+$0xA010]  }
0xa8: {  	v15 =	vld [tilespmem:s6+$0xA080]  }
0xa9: {  	v16 =	vld [tilespmem:s6+$0x2080]  }
0xaa: {  	v17 =	vld [tilespmem:s6+$0x2010]  }
0xab: {  	v19 =	vld [tilespmem:s6+$0xA0A0]  }
0xac: {  	v10 =	vld [tilespmem:s6+$0xA000]  }
0xad: {  	v21 =	vld [tilespmem:s6+$0x2000]  }
0xae: {  	v22 =	vld [tilespmem:s6+$0x20A0]  }
0xaf: {  	v23 =	vld [tilespmem:s6+$0xA040]  }
0xb0: {  	v8 =	vld [tilespmem:s6+$0x20F0]  }
0xb1: {  	v24 =	vld [tilespmem:s6+$0x2040]  }
0xb2: {  	v9 =	vld [tilespmem:s6+$0x2070]  }
0xb3: {  	v25 =	vld [tilespmem:s6+$0xA030]  }
0xb4: {  	v26 =	vld [tilespmem:s6+$0x2030]  }
0xb5: {  	v27 =	vld [tilespmem:s6+$0xA050]  }
0xb6: {  	v28 =	vld [tilespmem:s6+$0x2050]  }
0xb7: {  	v29 =	vld [tilespmem:s6+$0xA020]  }
0xb8: {  	v30 =	vld [tilespmem:s6+$0xA0D0]  }
0xb9: {  	v31 =	vld [tilespmem:s6+$0x2020]  }
0xba: {  	v32 =	vld [tilespmem:s6+$0x20D0];
	v21 =	vmul.f32 v10, v21  }
0xbb: {  	v10 =	vld [tilespmem:s6+$0xA0F0];
	v17 =	vmul.f32 v11, v17  }
0xbc: {  	v11 =	vld [tilespmem:s6+$0x20C0];
	v16 =	vmul.f32 v15, v16;
	v34 =	vmul.f32 v12, v13;
	v1 =	vadd.f32 v21, v1  }
0xbd: {  	v15 =	vld [tilespmem:s6+$0xA070];
	v33 =	vadd.f32 v17, v3;
	v17 =	vmul.f32 v27, v28;
	v21 =	vmul.f32 v25, v26  }
0xbe: {  	v12 =	vld [tilespmem:s6+$0x2060];
	v13 =	vmul.f32 v23, v24;
	[tilespmem:s6+$0x12000] =	vst v1;
	v3 =	vadd.f32 v16, v1;
	v1 =	vmul.f32 v19, v22  }
0xbf: {  	[tilespmem:s6+$0x12010] =	vst v33;
	v16 =	vld [tilespmem:s6+$0xA060];
	v17 =	vadd.f32 v17, v14;
	v20 =	vadd.f32 v21, v20;
	v21 =	vmul.f32 v6, v18  }
0xc0: {  	s8 =	simm.s32 $0x400;
	v6 =	vadd.f32 v34, v33;
	v18 =	vmul.f32 v29, v31;
	v19 =	vmul.f32 v30, v32;
	v14 =	vld [tilespmem:s6+$0x20E0];
	[tilespmem:s6+$0x12080] =	vst v3  }
.LBB2_5:
0xc1: {  	s9 =	sshra.s32 s8, $0x2;
	p4 =	sne.s32 s8, $0x7C00;
	s8 =	sadd.s32 $0x400, s8;
	[tilespmem:s6+$0x12030] =	vst v20;
	v13 =	vadd.f32 v13, v5;
	v20 =	vadd.f32 v21, v20;
	v5 =	vmul.f32 v7, v11;
	v11 =	vld [tilespmem:s6+$0xA0E0]  }
0xc2: {  	v8 =	vmul.f32 v10, v8;
	v21 =	vld [tilespmem:s9+$0xA0B0];
	[tilespmem:s6+$0x12050] =	vst v17;
	v9 =	vmul.f32 v15, v9;
	v17 =	vadd.f32 v19, v17  }
0xc3: {  	v2 =	vadd.f32 v18, v2;
	v19 =	vld [tilespmem:s9+$0x20B0];
	[tilespmem:s6+$0x120B0] =	vst v20;
	v5 =	vadd.f32 v5, v13  }
0xc4: {  	v7 =	vld [tilespmem:s9+$0xA0C0];
	[tilespmem:s6+$0x12040] =	vst v13;
	v10 =	vmul.f32 v16, v12;
	v4 =	vadd.f32 v9, v4  }
0xc5: {  	v9 =	vld [tilespmem:s9+$0xA090];
	[tilespmem:s6+$0x12020] =	vst v2;
	v2 =	vadd.f32 v1, v2  }
0xc6: {  	v1 =	vld [tilespmem:s9+$0x2090];
	[tilespmem:s6+$0x12070] =	vst v4;
	v11 =	vmul.f32 v11, v14;
	v4 =	vadd.f32 v8, v4  }
0xc7: {  	v0 =	vadd.f32 v10, v0;
	v12 =	vld [tilespmem:s9+$0xA010];
	[tilespmem:s6+$0x120D0] =	vst v17  }
0xc8: {  	v8 =	vld [tilespmem:s9+$0xA080];
	[tilespmem:s6+$0x120A0] =	vst v2  }
0xc9: {  	v10 =	vld [tilespmem:s9+$0x2080];
	[tilespmem:s6+$0x12060] =	vst v0;
	v0 =	vadd.f32 v11, v0  }
0xca: {  	v11 =	vld [tilespmem:s9+$0x2010];
	[tilespmem:s6+$0x120C0] =	vst v5  }
0xcb: {  	v14 =	vmul.f32 v9, v1;
	v1 =	vld [tilespmem:s9+$0xA0A0];
	[tilespmem:s6+$0x12090] =	vst v6  }
0xcc: {  	v15 =	vld [tilespmem:s9+$0xA000];
	[tilespmem:s6+$0x120E0] =	vst v0  }
0xcd: {  	v16 =	vld [tilespmem:s9+$0x2000];
	[tilespmem:s6+$0x120F0] =	vst v4;
	s6 =	smov.u32 s9  }
0xce: {  	v18 =	vmul.f32 v8, v10;
	v10 =	vld [tilespmem:s6+$0x20A0]  }
0xcf: {  	v13 =	vld [tilespmem:s6+$0xA040]  }
0xd0: {  	v8 =	vld [tilespmem:s6+$0x20F0]  }
0xd1: {  	v22 =	vld [tilespmem:s6+$0x2040]  }
0xd2: {  	v9 =	vld [tilespmem:s6+$0x2070]  }
0xd3: {  	v23 =	vld [tilespmem:s6+$0xA030];
	v1 =	vmul.f32 v1, v10  }
0xd4: {  	v24 =	vld [tilespmem:s6+$0x2030]  }
0xd5: {  	v25 =	vld [tilespmem:s6+$0xA050]  }
0xd6: {  	v13 =	vmul.f32 v13, v22;
	v22 =	vld [tilespmem:s6+$0x2050]  }
0xd7: {  	v26 =	vld [tilespmem:s6+$0xA020]  }
0xd8: {  	v27 =	vld [tilespmem:s6+$0xA0D0]  }
0xd9: {  	v15 =	vmul.f32 v15, v16;
	v28 =	vld [tilespmem:s6+$0x2020]  }
0xda: {  	v10 =	vld [tilespmem:s6+$0xA0F0]  }
0xdb: {  	v12 =	vmul.f32 v12, v11;
	v3 =	vadd.f32 v15, v3;
	v16 =	vmul.f32 v25, v22;
	v22 =	vld [tilespmem:s6+$0x20D0]  }
.Ltmp1:
0xdc: {  	v23 =	vmul.f32 v23, v24;
	v11 =	vld [tilespmem:s6+$0x20C0];
	(pc) =	sbr.rel @p4 .LBB2_5-.Ltmp1, $4  }
0xdd: {  	v6 =	vadd.f32 v12, v6;
	[tilespmem:s6+$0x12000] =	vst v3;
	v15 =	vld [tilespmem:s6+$0xA070];
	v3 =	vadd.f32 v18, v3  }
0xde: {  	v17 =	vadd.f32 v16, v17;
	v12 =	vld [tilespmem:s6+$0x2060]  }
0xdf: {  	v21 =	vmul.f32 v21, v19;
	v20 =	vadd.f32 v23, v20;
	[tilespmem:s6+$0x12010] =	vst v6;
	v16 =	vld [tilespmem:s6+$0xA060];
	v6 =	vadd.f32 v14, v6  }
0xe0: {  	v18 =	vmul.f32 v26, v28;
	[tilespmem:s6+$0x12080] =	vst v3;
	v19 =	vmul.f32 v27, v22;
	v14 =	vld [tilespmem:s6+$0x20E0]  }
0xe1: {  	[tilespmem:s6+$0x12030] =	vst v20  }
0xe2: {  	v20 =	vadd.f32 v21, v20;
	[tilespmem:s6+$0x12050] =	vst v17  }
0xe3: {  	v21 =	vld [tilespmem:s6+$0xA0E0];
	v5 =	vadd.f32 v13, v5;
	[tilespmem:s6+$0x12090] =	vst v6  }
0xe4: {  	v7 =	vmul.f32 v7, v11;
	v9 =	vmul.f32 v15, v9;
	v2 =	vadd.f32 v18, v2;
	[tilespmem:s6+$0x120B0] =	vst v20  }
0xe5: {  	v17 =	vadd.f32 v19, v17;
	[tilespmem:s6+$0x12040] =	vst v5  }
0xe6: {  	v5 =	vadd.f32 v7, v5;
	v4 =	vadd.f32 v9, v4;
	v9 =	vmul.f32 v16, v12;
	[tilespmem:s6+$0x12020] =	vst v2  }
0xe7: {  	[tilespmem:s6+$0x120D0] =	vst v17  }
0xe8: {  	v1 =	vadd.f32 v1, v2;
	[tilespmem:s6+$0x120C0] =	vst v5;
	v0 =	vadd.f32 v9, v0;
	v2 =	vmul.f32 v21, v14  }
0xe9: {  	v7 =	vmul.f32 v10, v8;
	[tilespmem:s6+$0x12070] =	vst v4  }
0xea: {  	[tilespmem:s6+$0x12060] =	vst v0;
	v0 =	vadd.f32 v2, v0  }
0xeb: {  	[tilespmem:s6+$0x120A0] =	vst v1;
	v2 =	vadd.f32 v7, v4  }
0xec: {  	s15 =	sadd.s32 s15, s4;
	[tilespmem:s6+$0x120E0] =	vst v0  }
0xed: {  	s21 =	sadd.s32 $0x4000, s15;
	[tilespmem:s6+$0x120F0] =	vst v2;
	s6 =	sadd.s32 @!p2 $0x5, s13  }
0xee: {  	[hbm4b:s21+s16] =	stream.strided.scatter [tilespmem:s30], [sflag:$0xA], $0x2000, s17, s16, $0x38;
	[tilespmem:$0x18000] =	vst v63  }
0xef: {  	s8 =	sshrl.u32 @!p2 s6, $0x1  }
0xf0: {  	s8 =	sand.u32 @!p2 $0x60, s8  }
0xf1: {  	s8 =	sor.u32 @!p2 s5, s8  }
0xf2: {  	p4 =	seq.s32 @!p2 s8, $0x0  }
0xf3: {  	p4 =	por @!p2 !p3, !p4  }
0xf4: {  	p4 =	por @!p2 !p4, !p4  }
0xf5: {  	s9 =	simm.s32 @!p2 $0x1;
	p4 =	por !p4, p2  }
0xf6: {  	s8 =	sshrl.u32 @!p2 s8, $0x4;
	s9 =	simm.s32 @p4 $0x0  }
0xf7: {  	s6 =	sshll.u32 @!p2 s6, $0x11;
	s8 =	ssub.s32 @!p2 s8, s9  }
0xf8: {  	s6 =	sand.u32 @!p2 $0x7A0000, s6;
	s8 =	sshll.u32 @!p2 s8, $0x17  }
0xf9: {  	s6 =	sor.u32 @!p2 s6, s8  }
0xfa: {  	s6 =	sor.u32 @!p2 s7, s6  }
0xfb: {  	s10 =	simm.s32 @!p2 $0x4000;
	s6 =	sshrl.u32 @!p2 s6, $0x3  }
0xfc: {  	s21 =	simm.s32 @!p2 $0x2000;
	s9 =	simm.s32 @!p2 $0x400;
	s8 =	sadd.s32 @!p2 s1, s6  }
0xfd: {  	[tilespmem:s21], [sflag:$0x2] =	stream.strided.gather @!p2 [hbm4b:s8+s9], $0x2000, s10, s9, $0x38;
	[tilespmem:$0x18000] =	vst v63  }
0xfe: {  	s6 =	sadd.s32 @!p2 s3, s6;
	s8 =	simm.s32 @!p2 $0xA000  }
0xff: {  	[tilespmem:s8], [sflag:$0x6] =	stream.strided.gather @!p2 [hbm4b:s6+s9], $0x2000, s10, s9, $0x38;
	[tilespmem:$0x18000] =	vst v63  }
0x100: {  	_ =	swait.ge [sflag:s31], $0x2000  }
0x101: {  	[sflag:s31] =	ssyncset.done $0x0  }
0x102: {  	[sflag:s31] =	ssyncadd.s32 $0xFFFFE000  }
0x103: {  	_ =	swait.ge [sflag:s2], $0x2000  }
0x104: {  	[sflag:s2] =	ssyncset.done $0x0  }
0x105: {  	s6 =	simm.s32 @!p1 $0xB;
	[sflag:s2] =	ssyncadd.s32 $0xFFFFE000  }
0x106: {  	_ =	swait.ge @!p1 [sflag:s6], $0x2000  }
0x107: {  	[sflag:s6] =	ssyncset.done @!p1 $0x0  }
0x108: {  	[sflag:s6] =	ssyncadd.s32 @!p1 $0xFFFFE000;
	s6 =	simm.s32 $0x0  }
0x109: {  	v14 =	vld [tilespmem:s6+$0xC0B0]  }
0x10a: {  	v18 =	vld [tilespmem:s6+$0x40B0]  }
0x10b: {  	v7 =	vld [tilespmem:s6+$0xC0C0]  }
0x10c: {  	v4 =	vld [tilespmem:s6+$0xC090]  }
0x10d: {  	v12 =	vld [tilespmem:s6+$0x4090]  }
0x10e: {  	v11 =	vld [tilespmem:s6+$0xC010]  }
0x10f: {  	v13 =	vld [tilespmem:s6+$0xC080]  }
0x110: {  	v15 =	vld [tilespmem:s6+$0x4080]  }
0x111: {  	v16 =	vld [tilespmem:s6+$0x4010]  }
0x112: {  	v19 =	vld [tilespmem:s6+$0xC0A0]  }
0x113: {  	v10 =	vld [tilespmem:s6+$0xC000]  }
0x114: {  	v21 =	vld [tilespmem:s6+$0x4000]  }
0x115: {  	v22 =	vld [tilespmem:s6+$0x40A0]  }
0x116: {  	v23 =	vld [tilespmem:s6+$0xC040]  }
0x117: {  	v8 =	vld [tilespmem:s6+$0x40F0]  }
0x118: {  	v24 =	vld [tilespmem:s6+$0x4040]  }
0x119: {  	v9 =	vld [tilespmem:s6+$0x4070]  }
0x11a: {  	v25 =	vld [tilespmem:s6+$0xC030]  }
0x11b: {  	v26 =	vld [tilespmem:s6+$0x4030]  }
0x11c: {  	v27 =	vld [tilespmem:s6+$0xC050]  }
0x11d: {  	v28 =	vld [tilespmem:s6+$0x4050]  }
0x11e: {  	v29 =	vld [tilespmem:s6+$0xC020]  }
0x11f: {  	v30 =	vld [tilespmem:s6+$0xC0D0]  }
0x120: {  	v31 =	vld [tilespmem:s6+$0x4020]  }
0x121: {  	v32 =	vld [tilespmem:s6+$0x40D0];
	v21 =	vmul.f32 v10, v21  }
0x122: {  	v10 =	vld [tilespmem:s6+$0xC0F0];
	v16 =	vmul.f32 v11, v16  }
0x123: {  	v11 =	vld [tilespmem:s6+$0x40C0];
	v13 =	vmul.f32 v13, v15;
	v25 =	vmul.f32 v25, v26;
	v3 =	vadd.f32 v21, v3  }
0x124: {  	v15 =	vld [tilespmem:s6+$0xC070];
	v33 =	vmul.f32 v4, v12;
	v6 =	vadd.f32 v16, v6;
	v21 =	vmul.f32 v27, v28  }
0x125: {  	v12 =	vld [tilespmem:s6+$0x4060];
	v20 =	vadd.f32 v25, v20;
	[tilespmem:s6+$0x14000] =	vst v3;
	v4 =	vadd.f32 v13, v3;
	v3 =	vmul.f32 v19, v22  }
0x126: {  	v16 =	vld [tilespmem:s6+$0xC060];
	[tilespmem:s6+$0x14010] =	vst v6;
	v13 =	vmul.f32 v23, v24;
	v17 =	vadd.f32 v21, v17;
	v21 =	vmul.f32 v14, v18  }
0x127: {  	s8 =	simm.s32 $0x400;
	v6 =	vadd.f32 v33, v6;
	v18 =	vmul.f32 v29, v31;
	v19 =	vmul.f32 v30, v32;
	v14 =	vld [tilespmem:s6+$0x40E0];
	[tilespmem:s6+$0x14080] =	vst v4  }
.LBB2_7:
0x128: {  	s9 =	sshra.s32 s8, $0x2;
	p4 =	sne.s32 s8, $0x7C00;
	s8 =	sadd.s32 $0x400, s8;
	[tilespmem:s6+$0x14030] =	vst v20;
	v13 =	vadd.f32 v13, v5;
	v20 =	vadd.f32 v21, v20;
	v5 =	vmul.f32 v7, v11;
	v11 =	vld [tilespmem:s6+$0xC0E0]  }
0x129: {  	v8 =	vmul.f32 v10, v8;
	v21 =	vld [tilespmem:s9+$0xC0B0];
	[tilespmem:s6+$0x14050] =	vst v17;
	v9 =	vmul.f32 v15, v9;
	v17 =	vadd.f32 v19, v17  }
0x12a: {  	v1 =	vadd.f32 v18, v1;
	v19 =	vld [tilespmem:s9+$0x40B0];
	[tilespmem:s6+$0x140B0] =	vst v20;
	v5 =	vadd.f32 v5, v13  }
0x12b: {  	v7 =	vld [tilespmem:s9+$0xC0C0];
	[tilespmem:s6+$0x14040] =	vst v13;
	v10 =	vmul.f32 v16, v12;
	v2 =	vadd.f32 v9, v2  }
0x12c: {  	v9 =	vld [tilespmem:s9+$0xC090];
	[tilespmem:s6+$0x14020] =	vst v1;
	v1 =	vadd.f32 v3, v1  }
0x12d: {  	v3 =	vld [tilespmem:s9+$0x4090];
	[tilespmem:s6+$0x14070] =	vst v2;
	v11 =	vmul.f32 v11, v14;
	v2 =	vadd.f32 v8, v2  }
0x12e: {  	v0 =	vadd.f32 v10, v0;
	v12 =	vld [tilespmem:s9+$0xC010];
	[tilespmem:s6+$0x140D0] =	vst v17  }
0x12f: {  	v8 =	vld [tilespmem:s9+$0xC080];
	[tilespmem:s6+$0x140A0] =	vst v1  }
0x130: {  	v10 =	vld [tilespmem:s9+$0x4080];
	[tilespmem:s6+$0x14060] =	vst v0;
	v0 =	vadd.f32 v11, v0  }
0x131: {  	v11 =	vld [tilespmem:s9+$0x4010];
	[tilespmem:s6+$0x140C0] =	vst v5  }
0x132: {  	v14 =	vmul.f32 v9, v3;
	v3 =	vld [tilespmem:s9+$0xC0A0];
	[tilespmem:s6+$0x14090] =	vst v6  }
0x133: {  	v15 =	vld [tilespmem:s9+$0xC000];
	[tilespmem:s6+$0x140E0] =	vst v0  }
0x134: {  	v16 =	vld [tilespmem:s9+$0x4000];
	[tilespmem:s6+$0x140F0] =	vst v2;
	s6 =	smov.u32 s9  }
0x135: {  	v18 =	vmul.f32 v8, v10;
	v10 =	vld [tilespmem:s6+$0x40A0]  }
0x136: {  	v13 =	vld [tilespmem:s6+$0xC040]  }
0x137: {  	v8 =	vld [tilespmem:s6+$0x40F0]  }
0x138: {  	v22 =	vld [tilespmem:s6+$0x4040]  }
0x139: {  	v9 =	vld [tilespmem:s6+$0x4070]  }
0x13a: {  	v23 =	vld [tilespmem:s6+$0xC030];
	v3 =	vmul.f32 v3, v10  }
0x13b: {  	v24 =	vld [tilespmem:s6+$0x4030]  }
0x13c: {  	v25 =	vld [tilespmem:s6+$0xC050]  }
0x13d: {  	v13 =	vmul.f32 v13, v22;
	v22 =	vld [tilespmem:s6+$0x4050]  }
0x13e: {  	v26 =	vld [tilespmem:s6+$0xC020]  }
0x13f: {  	v27 =	vld [tilespmem:s6+$0xC0D0]  }
0x140: {  	v15 =	vmul.f32 v15, v16;
	v28 =	vld [tilespmem:s6+$0x4020]  }
0x141: {  	v10 =	vld [tilespmem:s6+$0xC0F0]  }
0x142: {  	v12 =	vmul.f32 v12, v11;
	v4 =	vadd.f32 v15, v4;
	v16 =	vmul.f32 v25, v22;
	v22 =	vld [tilespmem:s6+$0x40D0]  }
.Ltmp2:
0x143: {  	v23 =	vmul.f32 v23, v24;
	v11 =	vld [tilespmem:s6+$0x40C0];
	(pc) =	sbr.rel @p4 .LBB2_7-.Ltmp2, $4  }
0x144: {  	v6 =	vadd.f32 v12, v6;
	[tilespmem:s6+$0x14000] =	vst v4;
	v15 =	vld [tilespmem:s6+$0xC070];
	v4 =	vadd.f32 v18, v4  }
0x145: {  	v17 =	vadd.f32 v16, v17;
	v12 =	vld [tilespmem:s6+$0x4060]  }
0x146: {  	v21 =	vmul.f32 v21, v19;
	v20 =	vadd.f32 v23, v20;
	[tilespmem:s6+$0x14010] =	vst v6;
	v16 =	vld [tilespmem:s6+$0xC060];
	v6 =	vadd.f32 v14, v6  }
0x147: {  	v18 =	vmul.f32 v26, v28;
	[tilespmem:s6+$0x14080] =	vst v4;
	v19 =	vmul.f32 v27, v22;
	v14 =	vld [tilespmem:s6+$0x40E0]  }
0x148: {  	[tilespmem:s6+$0x14030] =	vst v20  }
0x149: {  	v20 =	vadd.f32 v21, v20;
	[tilespmem:s6+$0x14050] =	vst v17  }
0x14a: {  	v5 =	vadd.f32 v13, v5;
	[tilespmem:s6+$0x14090] =	vst v6  }
0x14b: {  	v21 =	vld [tilespmem:s6+$0xC0E0];
	v7 =	vmul.f32 v7, v11;
	v1 =	vadd.f32 v18, v1;
	[tilespmem:s6+$0x140B0] =	vst v20  }
0x14c: {  	v9 =	vmul.f32 v15, v9;
	v15 =	vadd.f32 v19, v17;
	[tilespmem:s6+$0x14040] =	vst v5  }
0x14d: {  	v7 =	vadd.f32 v7, v5;
	[tilespmem:s6+$0x14020] =	vst v1  }
0x14e: {  	v2 =	vadd.f32 v9, v2;
	v9 =	vmul.f32 v16, v12;
	[tilespmem:s6+$0x140D0] =	vst v15  }
0x14f: {  	v5 =	vmul.f32 v10, v8;
	v3 =	vadd.f32 v3, v1;
	[tilespmem:s6+$0x140C0] =	vst v7  }
0x150: {  	[tilespmem:s6+$0x14070] =	vst v2;
	v0 =	vadd.f32 v9, v0;
	v1 =	vmul.f32 v21, v14  }
0x151: {  	[tilespmem:s6+$0x140A0] =	vst v3;
	v5 =	vadd.f32 v5, v2  }
0x152: {  	[tilespmem:s6+$0x14060] =	vst v0;
	v0 =	vadd.f32 v1, v0  }
0x153: {  	[tilespmem:s6+$0x140F0] =	vst v5  }
0x154: {  	s21 =	sadd.s32 $0x8000, s15;
	[tilespmem:s6+$0x140E0] =	vst v0;
	s6 =	sadd.s32 @!p2 $0x6, s13  }
0x155: {  	[hbm4b:s21+s16] =	stream.strided.scatter [tilespmem:s0], [sflag:$0xB], $0x2000, s17, s16, $0x38;
	[tilespmem:$0x18000] =	vst v63  }
0x156: {  	s8 =	sshrl.u32 @!p2 s6, $0x1  }
0x157: {  	s8 =	sand.u32 @!p2 $0x60, s8  }
0x158: {  	s8 =	sor.u32 @!p2 s5, s8  }
0x159: {  	p4 =	seq.s32 @!p2 s8, $0x0  }
0x15a: {  	p3 =	por @!p2 !p3, !p4  }
0x15b: {  	p3 =	por @!p2 !p3, !p3  }
0x15c: {  	s9 =	simm.s32 @!p2 $0x1;
	p3 =	por !p3, p2  }
0x15d: {  	s8 =	sshrl.u32 @!p2 s8, $0x4;
	s9 =	simm.s32 @p3 $0x0  }
0x15e: {  	s6 =	sshll.u32 @!p2 s6, $0x11;
	s8 =	ssub.s32 @!p2 s8, s9  }
0x15f: {  	s6 =	sand.u32 @!p2 $0x7C0000, s6;
	s8 =	sshll.u32 @!p2 s8, $0x17  }
0x160: {  	s6 =	sor.u32 @!p2 s6, s8  }
0x161: {  	s6 =	sor.u32 @!p2 s7, s6  }
0x162: {  	s6 =	sshrl.u32 @!p2 s6, $0x3  }
0x163: {  	s10 =	simm.s32 @!p2 $0x4000;
	s9 =	simm.s32 @!p2 $0x400;
	s8 =	sadd.s32 @!p2 s1, s6  }
0x164: {  	[tilespmem:s10], [sflag:$0x3] =	stream.strided.gather @!p2 [hbm4b:s8+s9], $0x2000, s10, s9, $0x38;
	[tilespmem:$0x18000] =	vst v63  }
0x165: {  	s6 =	sadd.s32 @!p2 s3, s6;
	s8 =	simm.s32 @!p2 $0xC000  }
0x166: {  	[tilespmem:s8], [sflag:$0x7] =	stream.strided.gather @!p2 [hbm4b:s6+s9], $0x2000, s10, s9, $0x38;
	[tilespmem:$0x18000] =	vst v63  }
0x167: {  	_ =	swait.ge [sflag:s18], $0x2000  }
0x168: {  	[sflag:s18] =	ssyncset.done $0x0  }
0x169: {  	[sflag:s18] =	ssyncadd.s32 $0xFFFFE000  }
0x16a: {  	_ =	swait.ge [sflag:s19], $0x2000  }
0x16b: {  	[sflag:s19] =	ssyncset.done $0x0  }
0x16c: {  	s6 =	simm.s32 @!p1 $0xC;
	[sflag:s19] =	ssyncadd.s32 $0xFFFFE000  }
0x16d: {  	_ =	swait.ge @!p1 [sflag:s6], $0x2000  }
0x16e: {  	[sflag:s6] =	ssyncset.done @!p1 $0x0  }
0x16f: {  	[sflag:s6] =	ssyncadd.s32 @!p1 $0xFFFFE000;
	s6 =	simm.s32 $0x0  }
0x170: {  	v1 =	vld [tilespmem:s6+$0xE0B0]  }
0x171: {  	v19 =	vld [tilespmem:s6+$0x60B0]  }
0x172: {  	v8 =	vld [tilespmem:s6+$0xE0C0]  }
0x173: {  	v2 =	vld [tilespmem:s6+$0xE090]  }
0x174: {  	v13 =	vld [tilespmem:s6+$0x6090]  }
0x175: {  	v11 =	vld [tilespmem:s6+$0xE010]  }
0x176: {  	v14 =	vld [tilespmem:s6+$0xE080]  }
0x177: {  	v16 =	vld [tilespmem:s6+$0x6080]  }
0x178: {  	v17 =	vld [tilespmem:s6+$0x6010]  }
0x179: {  	v18 =	vld [tilespmem:s6+$0xE0A0]  }
0x17a: {  	v12 =	vld [tilespmem:s6+$0xE000]  }
0x17b: {  	v21 =	vld [tilespmem:s6+$0x6000]  }
0x17c: {  	v22 =	vld [tilespmem:s6+$0x60A0]  }
0x17d: {  	v23 =	vld [tilespmem:s6+$0xE040]  }
0x17e: {  	v9 =	vld [tilespmem:s6+$0x60F0]  }
0x17f: {  	v24 =	vld [tilespmem:s6+$0x6040]  }
0x180: {  	v10 =	vld [tilespmem:s6+$0x6070]  }
0x181: {  	v25 =	vld [tilespmem:s6+$0xE030]  }
0x182: {  	v26 =	vld [tilespmem:s6+$0x6030]  }
0x183: {  	v27 =	vld [tilespmem:s6+$0xE050]  }
0x184: {  	v28 =	vld [tilespmem:s6+$0x6050]  }
0x185: {  	v29 =	vld [tilespmem:s6+$0xE020]  }
0x186: {  	v30 =	vld [tilespmem:s6+$0xE0D0]  }
0x187: {  	v31 =	vld [tilespmem:s6+$0x6020]  }
0x188: {  	v32 =	vld [tilespmem:s6+$0x60D0];
	v21 =	vmul.f32 v12, v21  }
0x189: {  	v12 =	vld [tilespmem:s6+$0xE0F0];
	v17 =	vmul.f32 v11, v17  }
0x18a: {  	v11 =	vld [tilespmem:s6+$0x60C0];
	v14 =	vmul.f32 v14, v16;
	v34 =	vmul.f32 v2, v13;
	v4 =	vadd.f32 v21, v4  }
0x18b: {  	v16 =	vld [tilespmem:s6+$0xE070];
	v25 =	vmul.f32 v25, v26;
	v33 =	vadd.f32 v17, v6;
	v21 =	vmul.f32 v27, v28  }
0x18c: {  	v13 =	vld [tilespmem:s6+$0x6060];
	v6 =	vmul.f32 v18, v22;
	[tilespmem:s6+$0x16000] =	vst v4;
	v2 =	vadd.f32 v14, v4;
	v14 =	vmul.f32 v23, v24  }
0x18d: {  	v17 =	vld [tilespmem:s6+$0xE060];
	[tilespmem:s6+$0x16010] =	vst v33;
	v18 =	vadd.f32 v21, v15;
	v4 =	vadd.f32 v25, v20;
	v21 =	vmul.f32 v1, v19  }
0x18e: {  	s8 =	simm.s32 $0x400;
	v1 =	vadd.f32 v34, v33;
	v19 =	vmul.f32 v29, v31;
	v20 =	vmul.f32 v30, v32;
	v15 =	vld [tilespmem:s6+$0x60E0];
	[tilespmem:s6+$0x16080] =	vst v2  }
.LBB2_9:
0x18f: {  	s9 =	sshra.s32 s8, $0x2;
	p1 =	sne.s32 s8, $0x7C00;
	s8 =	sadd.s32 $0x400, s8;
	[tilespmem:s6+$0x16030] =	vst v4;
	v14 =	vadd.f32 v14, v7;
	v4 =	vadd.f32 v21, v4;
	v7 =	vmul.f32 v8, v11;
	v11 =	vld [tilespmem:s6+$0xE0E0]  }
0x190: {  	v9 =	vmul.f32 v12, v9;
	v21 =	vld [tilespmem:s9+$0xE0B0];
	[tilespmem:s6+$0x16050] =	vst v18;
	v10 =	vmul.f32 v16, v10;
	v18 =	vadd.f32 v20, v18  }
0x191: {  	v3 =	vadd.f32 v19, v3;
	v20 =	vld [tilespmem:s9+$0x60B0];
	[tilespmem:s6+$0x160B0] =	vst v4;
	v7 =	vadd.f32 v7, v14  }
0x192: {  	v8 =	vld [tilespmem:s9+$0xE0C0];
	[tilespmem:s6+$0x16040] =	vst v14;
	v12 =	vmul.f32 v17, v13;
	v5 =	vadd.f32 v10, v5  }
0x193: {  	v10 =	vld [tilespmem:s9+$0xE090];
	[tilespmem:s6+$0x16020] =	vst v3;
	v3 =	vadd.f32 v6, v3  }
0x194: {  	v6 =	vld [tilespmem:s9+$0x6090];
	[tilespmem:s6+$0x16070] =	vst v5;
	v11 =	vmul.f32 v11, v15;
	v5 =	vadd.f32 v9, v5  }
0x195: {  	v0 =	vadd.f32 v12, v0;
	v13 =	vld [tilespmem:s9+$0xE010];
	[tilespmem:s6+$0x160D0] =	vst v18  }
0x196: {  	v9 =	vld [tilespmem:s9+$0xE080];
	[tilespmem:s6+$0x160A0] =	vst v3  }
0x197: {  	v12 =	vld [tilespmem:s9+$0x6080];
	[tilespmem:s6+$0x16060] =	vst v0;
	v0 =	vadd.f32 v11, v0  }
0x198: {  	v11 =	vld [tilespmem:s9+$0x6010];
	[tilespmem:s6+$0x160C0] =	vst v7  }
0x199: {  	v15 =	vmul.f32 v10, v6;
	v6 =	vld [tilespmem:s9+$0xE0A0];
	[tilespmem:s6+$0x16090] =	vst v1  }
0x19a: {  	v16 =	vld [tilespmem:s9+$0xE000];
	[tilespmem:s6+$0x160E0] =	vst v0  }
0x19b: {  	v17 =	vld [tilespmem:s9+$0x6000];
	[tilespmem:s6+$0x160F0] =	vst v5;
	s6 =	smov.u32 s9  }
0x19c: {  	v19 =	vmul.f32 v9, v12;
	v12 =	vld [tilespmem:s6+$0x60A0]  }
0x19d: {  	v14 =	vld [tilespmem:s6+$0xE040]  }
0x19e: {  	v9 =	vld [tilespmem:s6+$0x60F0]  }
0x19f: {  	v22 =	vld [tilespmem:s6+$0x6040]  }
0x1a0: {  	v10 =	vld [tilespmem:s6+$0x6070]  }
0x1a1: {  	v23 =	vld [tilespmem:s6+$0xE030];
	v6 =	vmul.f32 v6, v12  }
0x1a2: {  	v24 =	vld [tilespmem:s6+$0x6030]  }
0x1a3: {  	v25 =	vld [tilespmem:s6+$0xE050]  }
0x1a4: {  	v14 =	vmul.f32 v14, v22;
	v22 =	vld [tilespmem:s6+$0x6050]  }
0x1a5: {  	v26 =	vld [tilespmem:s6+$0xE020]  }
0x1a6: {  	v27 =	vld [tilespmem:s6+$0xE0D0]  }
0x1a7: {  	v16 =	vmul.f32 v16, v17;
	v28 =	vld [tilespmem:s6+$0x6020]  }
0x1a8: {  	v12 =	vld [tilespmem:s6+$0xE0F0]  }
0x1a9: {  	v13 =	vmul.f32 v13, v11;
	v2 =	vadd.f32 v16, v2;
	v17 =	vmul.f32 v25, v22;
	v22 =	vld [tilespmem:s6+$0x60D0]  }
.Ltmp3:
0x1aa: {  	v23 =	vmul.f32 v23, v24;
	v11 =	vld [tilespmem:s6+$0x60C0];
	(pc) =	sbr.rel @p1 .LBB2_9-.Ltmp3, $4  }
0x1ab: {  	v1 =	vadd.f32 v13, v1;
	[tilespmem:s6+$0x16000] =	vst v2;
	v16 =	vld [tilespmem:s6+$0xE070];
	v2 =	vadd.f32 v19, v2  }
0x1ac: {  	v18 =	vadd.f32 v17, v18;
	v13 =	vld [tilespmem:s6+$0x6060]  }
0x1ad: {  	v21 =	vmul.f32 v21, v20;
	v4 =	vadd.f32 v23, v4;
	[tilespmem:s6+$0x16010] =	vst v1;
	v17 =	vld [tilespmem:s6+$0xE060];
	v1 =	vadd.f32 v15, v1  }
0x1ae: {  	v19 =	vmul.f32 v26, v28;
	[tilespmem:s6+$0x16080] =	vst v2;
	v20 =	vmul.f32 v27, v22;
	v15 =	vld [tilespmem:s6+$0x60E0]  }
0x1af: {  	[tilespmem:s6+$0x16030] =	vst v4  }
0x1b0: {  	v4 =	vadd.f32 v21, v4;
	[tilespmem:s6+$0x16050] =	vst v18  }
0x1b1: {  	v7 =	vadd.f32 v14, v7;
	[tilespmem:s6+$0x16090] =	vst v1  }
0x1b2: {  	v62 =	vld [tilespmem:s6+$0xE0E0];
	v8 =	vmul.f32 v8, v11;
	v63 =	vadd.f32 v19, v3;
	[tilespmem:s6+$0x160B0] =	vst v4  }
0x1b3: {  	v10 =	vmul.f32 v16, v10;
	v3 =	vadd.f32 v20, v18;
	[tilespmem:s6+$0x16040] =	vst v7  }
0x1b4: {  	v7 =	vadd.f32 v8, v7;
	[tilespmem:s6+$0x16020] =	vst v63  }
0x1b5: {  	v5 =	vadd.f32 v10, v5;
	v10 =	vmul.f32 v17, v13;
	[tilespmem:s6+$0x160D0] =	vst v3  }
0x1b6: {  	s11 =	sadd.s32 $0x1, s11;
	v8 =	vmul.f32 v12, v9;
	v11 =	vadd.f32 v6, v63;
	[tilespmem:s6+$0x160C0] =	vst v7  }
0x1b7: {  	p1 =	sne.s32 s11, $0x20;
	[tilespmem:s6+$0x16070] =	vst v5;
	v0 =	vadd.f32 v10, v0;
	v6 =	vmul.f32 v62, v15  }
.Ltmp4:
0x1b8: {  	[tilespmem:s6+$0x160A0] =	vst v11;
	v5 =	vadd.f32 v8, v5;
	(pc) =	sbr.rel @p1 .LBB2_2-.Ltmp4, $4  }
0x1b9: {  	[tilespmem:s6+$0x16060] =	vst v0;
	v9 =	vadd.f32 v6, v0  }
0x1ba: {  	[tilespmem:s6+$0x160F0] =	vst v5  }
0x1bb: {  	s21 =	sadd.s32 s4, s12;
	[tilespmem:s6+$0x160E0] =	vst v9  }
0x1bc: {  	[hbm4b:s21+s16] =	stream.strided.scatter [tilespmem:s20], [sflag:$0xC], $0x2000, s17, s16, $0x38;
	[tilespmem:$0x18000] =	vst v63  }
0x1bd: {  	s6 =	simm.s32 $0x9  }
0x1be: {  	_ =	swait.ge [sflag:s6], $0x2000  }
0x1bf: {  	[sflag:s6] =	ssyncset.done $0x0  }
0x1c0: {  	s13 =	simm.s32 $0xA;
	[sflag:s6] =	ssyncadd.s32 $0xFFFFE000  }
0x1c1: {  	_ =	swait.ge [sflag:s13], $0x2000  }
0x1c2: {  	[sflag:s13] =	ssyncset.done $0x0  }
0x1c3: {  	s15 =	simm.s32 $0xB;
	[sflag:s13] =	ssyncadd.s32 $0xFFFFE000  }
0x1c4: {  	_ =	swait.ge [sflag:s15], $0x2000  }
0x1c5: {  	[sflag:s15] =	ssyncset.done $0x0  }
0x1c6: {  	s8 =	simm.s32 $0xC;
	[sflag:s15] =	ssyncadd.s32 $0xFFFFE000  }
0x1c7: {  	_ =	swait.ge [sflag:s8], $0x2000  }
0x1c8: {  	s9 =	rddreg [dreg:$0xb]  }
0x1c9: {  	s21 =	rddreg [dreg:$0xa];
	s9 =	sadd.s32 $0x1, s9  }
0x1ca: {  	p1 =	sne.s32 s9, s21  }
.Ltmp5:
0x1cb: {  	_ = 	snop;
	(pc) =	sbr.rel @p1 .LBB2_1-.Ltmp5, $3  }
0x1cc: {  	_ =	sdelay $0x1  }
0x1cd: {  	[sflag:s8] =	ssyncset.done $0x0  }
0x1ce: {  	[sflag:s8] =	ssyncadd.s32 $0xFFFFE000  }
0x1cf: {  	_ =	sfence.sel $0x180000  }
0x1d0: {  	[bflag:$0x0] =	sbarrier.arrive $0xFFFF  }
0x1d1: {  	_ =	strace $0x90000047  }
0x1d2: {  	s0 =	stileid.u32;
	[bflag:$0x2] =	sbarrier.arrive $0xFFFF  }
0x1d3: {  	p0 =	sne.s32 s0, $0x0;
	s0 =	rddreg [dreg:$0x3]  }
0x1d4: {  	s0 =	sadd.s32 @!p0 $0x100000, s0  }
0x1d5: {  	[sflag:s0] =	ssyncadd.tile.s32 @!p0 $0x1;
	_ =	shalt  }
.Lfunc_end2:
_tile_overlayer_lowered:
.L_overlay_start_2:
0x1d6: {  	(tag) =	ssettag $0x2  }
0x1d7: {  	s0 =	rddreg [dreg:$0x0];
	s2 =	stileid.u32  }
0x1d8: {  	s1 =	rddreg [dreg:$0x1];
	p0 =	sne.s32 s2, $0x0  }
0x1d9: {  	s3 =	rddreg [dreg:$0x2];
	[bflag:$0x3] =	sbarrier.arrive $0xFFFF;
	s2 =	simm.s32 @!p0 $0x1C0D  }
0x1da: {  	[timem:s3], [sflag:s2] =	dma.local @!p0 [hbm:s0], s1  }
0x1db: {  	s0 =	simm.s32 @!p0 $0xD  }
0x1dc: {  	_ =	swait.ge @!p0 [sflag:s0], s1  }
0x1dd: {  	s1 =	ssub.s32 @!p0 $0x0, s1;
	[sflag:s0] =	ssyncset.done @!p0 $0x0  }
0x1de: {  	[sflag:s0] =	ssyncadd.s32 @!p0 s1  }
0x1df: {  	[bflag:$0x3] =	sbarrier.arrive $0xFFFF  }
0x1e0: {  	_ =	shalt  }

</sc_bundles>
